<compile_context>
chip_gen: v7x
topology: tpu7x:2x2x1
jax: 0.10.2.dev20260603
libtpu: 0.0.44.dev20260713+nightly
codegen_flags: <defaults>
</compile_context>

<pallas_src>
import functools

import jax
import jax.numpy as jnp
from jax import lax
from jax.experimental import pallas as pl
from jax.experimental.pallas import tpu as pltpu
from jax.experimental.pallas import tpu_sc as plsc

NC = 2
NS = 16
CH = 80
NBUF = 10


def _fill_rows(rows, n, w, val):
  def body(i, c):
    for j in range(w // 16):
      rows[i, pl.ds(j * 16, 16)] = jnp.full((16,), val, jnp.float32)
    return c
  lax.fori_loop(0, n, body, 0)


def _npad(n):
  return -(-n // (NS * CH)) * (NS * CH)


@functools.lru_cache(maxsize=None)
def _make_segsum(n, e, w):
  nw = NC * NS
  per_tile = e // nw
  assert per_tile * nw == e and per_tile % CH == 0 and w % 128 == 0
  n_chunks = per_tile // CH
  npad = _npad(n)
  rows_per_tile = npad // NS
  n_full = rows_per_tile // CH
  mesh = plsc.VectorSubcoreMesh(core_axis_name="c", subcore_axis_name="s")

  SB = 4
  LI = 1
  LG = 3
  n_outer = -(-(n_chunks + SB) // SB)

  @functools.partial(
      pl.kernel,
      out_type=jax.ShapeDtypeStruct((NC, npad, w), jnp.float32),
      mesh=mesh,
      scratch_types=(
          [pltpu.VMEM((CH,), jnp.int32) for _ in range(2 * SB)]
          + [pltpu.VMEM((CH, w), jnp.float32) for _ in range(SB)]
          + [pltpu.VMEM_SHARED((npad, w), jnp.float32)]
          + [pltpu.SemaphoreType.DMA for _ in range(3 * SB)]
      ),
  )
  def k(x_hbm, src_hbm, dst_hbm, out_hbm, *rest):
    idx_s = rest[:SB]
    idx_d = rest[SB:2 * SB]
    rows = rest[2 * SB:3 * SB]
    acc = rest[3 * SB]
    sem_i = rest[3 * SB + 1:3 * SB + 1 + SB]
    sem_g = rest[3 * SB + 1 + SB:3 * SB + 1 + 2 * SB]
    sem_s = rest[3 * SB + 1 + 2 * SB:3 * SB + 1 + 3 * SB]
    cid = lax.axis_index("c")
    sid = lax.axis_index("s")
    _fill_rows(rows[0], CH, w, 0.0)
    base = sid * rows_per_tile
    def zacc(i, c):
      pltpu.sync_copy(rows[0], acc.at[pl.ds(base + i * CH, CH)])
      return c
    lax.fori_loop(0, n_full, zacc, 0)
    plsc.subcore_barrier()
    ebase = (cid * NS + sid) * per_tile

    def outer(g, c):
      for b in range(SB):
        i = g * SB + b
        @pl.when(jnp.logical_and(i >= SB, i - SB < n_chunks))
        def _():
          pltpu.make_async_copy(rows[b], acc.at[idx_d[b]], sem_s[b]).wait()
        @pl.when(i < n_chunks)
        def _():
          e0 = ebase + i * CH
          pltpu.async_copy(src_hbm.at[pl.ds(e0, CH)], idx_s[b], sem_i[b])
          pltpu.async_copy(dst_hbm.at[pl.ds(e0, CH)], idx_d[b], sem_i[b])
        j = i - LI
        b2 = (b + SB - LI) % SB
        @pl.when(jnp.logical_and(j >= 0, j < n_chunks))
        def _():
          pltpu.make_async_copy(src_hbm.at[pl.ds(0, CH)], idx_s[b2],
                                sem_i[b2]).wait()
          pltpu.make_async_copy(dst_hbm.at[pl.ds(0, CH)], idx_d[b2],
                                sem_i[b2]).wait()
          pltpu.async_copy(x_hbm.at[idx_s[b2]], rows[b2], sem_g[b2])
        q = i - LG
        b3 = (b + SB - LG) % SB
        @pl.when(jnp.logical_and(q >= 0, q < n_chunks))
        def _():
          pltpu.make_async_copy(x_hbm.at[idx_s[b3]], rows[b3],
                                sem_g[b3]).wait()
          pltpu.async_copy(rows[b3], acc.at[idx_d[b3]], sem_s[b3], add=True)
      return c
    lax.fori_loop(0, n_outer, outer, 0)
    plsc.subcore_barrier()
    def wout(i, c):
      r0 = base + i * CH
      pltpu.sync_copy(acc.at[pl.ds(r0, CH)], out_hbm.at[cid, pl.ds(r0, CH)])
      return c
    lax.fori_loop(0, n_full, wout, 0)

  return k


@functools.lru_cache(maxsize=None)
def _make_counts(n, e, w):
  nw = NC * NS
  per_tile = e // nw
  assert per_tile * nw == e and per_tile % CH == 0 and w % 128 == 0
  n_chunks = per_tile // CH
  npad = _npad(n)
  rows_per_tile = npad // NS
  n_full = rows_per_tile // CH
  mesh = plsc.VectorSubcoreMesh(core_axis_name="c", subcore_axis_name="s")

  n_outer = -(-(n_chunks + NBUF) // NBUF)
  LAG = 5

  @functools.partial(
      pl.kernel,
      out_type=jax.ShapeDtypeStruct((NC, npad, w), jnp.float32),
      mesh=mesh,
      scratch_types=(
          [pltpu.VMEM((CH, w), jnp.float32)]
          + [pltpu.VMEM((CH,), jnp.int32) for _ in range(NBUF)]
          + [pltpu.VMEM_SHARED((npad, w), jnp.float32)]
          + [pltpu.SemaphoreType.DMA for _ in range(2 * NBUF)]
      ),
  )
  def k(dst_hbm, out_hbm, ones, *rest):
    idx_d = rest[:NBUF]
    acc = rest[NBUF]
    sem_i = rest[NBUF + 1:NBUF + 1 + NBUF]
    sem_s = rest[NBUF + 1 + NBUF:NBUF + 1 + 2 * NBUF]
    cid = lax.axis_index("c")
    sid = lax.axis_index("s")
    _fill_rows(ones, CH, w, 0.0)
    base = sid * rows_per_tile
    def zacc(i, c):
      pltpu.sync_copy(ones, acc.at[pl.ds(base + i * CH, CH)])
      return c
    lax.fori_loop(0, n_full, zacc, 0)
    plsc.subcore_barrier()
    _fill_rows(ones, CH, w, 1.0)
    ebase = (cid * NS + sid) * per_tile

    def outer(g, c):
      for b in range(NBUF):
        i = g * NBUF + b
        @pl.when(jnp.logical_and(i >= NBUF, i - NBUF < n_chunks))
        def _():
          pltpu.make_async_copy(ones, acc.at[idx_d[b]], sem_s[b]).wait()
        @pl.when(i < n_chunks)
        def _():
          pltpu.async_copy(dst_hbm.at[pl.ds(ebase + i * CH, CH)], idx_d[b],
                           sem_i[b])
        j = i - LAG
        b2 = (b + NBUF - LAG) % NBUF
        @pl.when(jnp.logical_and(j >= 0, j < n_chunks))
        def _():
          pltpu.make_async_copy(dst_hbm.at[pl.ds(0, CH)], idx_d[b2],
                                sem_i[b2]).wait()
          pltpu.async_copy(ones, acc.at[idx_d[b2]], sem_s[b2], add=True)
      return c
    lax.fori_loop(0, n_outer, outer, 0)
    plsc.subcore_barrier()
    def wout(i, c):
      r0 = base + i * CH
      pltpu.sync_copy(acc.at[pl.ds(r0, CH)], out_hbm.at[cid, pl.ds(r0, CH)])
      return c
    lax.fori_loop(0, n_full, wout, 0)

  return k


@functools.lru_cache(maxsize=None)
def _make_edge_combine(n, e, d):
  nw = NC * NS
  per_tile = e // nw
  assert per_tile * nw == e and per_tile % CH == 0
  n_chunks = per_tile // CH
  mesh = plsc.VectorSubcoreMesh(core_axis_name="c", subcore_axis_name="s")

  n_outer = -(-(n_chunks + NBUF) // NBUF)
  LAG1 = 4
  LAG2 = 8

  @functools.partial(
      pl.kernel,
      out_type=jax.ShapeDtypeStruct((e, d), jnp.float32),
      mesh=mesh,
      scratch_types=(
          [pltpu.VMEM((per_tile,), jnp.int32),
           pltpu.VMEM((per_tile,), jnp.int32)]
          + [pltpu.VMEM((CH, d), jnp.float32) for _ in range(NBUF)]
          + [pltpu.SemaphoreType.DMA for _ in range(2 * NBUF)]
      ),
  )
  def k(a_hbm, b_hbm, src_hbm, dst_hbm, out_hbm, idx_s, idx_d, *rest):
    rows = rest[:NBUF]
    sem_g = rest[NBUF:2 * NBUF]
    sem_w = rest[2 * NBUF:3 * NBUF]
    cid = lax.axis_index("c")
    sid = lax.axis_index("s")
    ebase = (cid * NS + sid) * per_tile
    pltpu.sync_copy(src_hbm.at[pl.ds(ebase, per_tile)], idx_s)
    pltpu.sync_copy(dst_hbm.at[pl.ds(ebase, per_tile)], idx_d)

    def outer(g, c):
      for b in range(NBUF):
        i = g * NBUF + b
        @pl.when(jnp.logical_and(i >= NBUF, i - NBUF < n_chunks))
        def _():
          pltpu.make_async_copy(rows[b], out_hbm.at[pl.ds(0, CH)],
                                sem_w[b]).wait()
        @pl.when(i < n_chunks)
        def _():
          pltpu.async_copy(a_hbm.at[idx_s.at[pl.ds(i * CH, CH)]], rows[b],
                           sem_g[b])
        j = i - LAG1
        b2 = (b + NBUF - LAG1) % NBUF
        @pl.when(jnp.logical_and(j >= 0, j < n_chunks))
        def _():
          pltpu.make_async_copy(a_hbm.at[idx_s.at[pl.ds(0, CH)]], rows[b2],
                                sem_g[b2]).wait()
          pltpu.async_copy(b_hbm.at[idx_d.at[pl.ds(j * CH, CH)]], rows[b2],
                           sem_g[b2], add=True)
        q = i - LAG2
        b3 = (b + NBUF - LAG2) % NBUF
        @pl.when(jnp.logical_and(q >= 0, q < n_chunks))
        def _():
          pltpu.make_async_copy(b_hbm.at[idx_d.at[pl.ds(0, CH)]], rows[b3],
                                sem_g[b3]).wait()
          pltpu.async_copy(rows[b3], out_hbm.at[pl.ds(ebase + q * CH, CH)],
                           sem_w[b3])
      return c
    lax.fori_loop(0, n_outer, outer, 0)

  return k


def _dot_t(x, w):
  return lax.dot_general(x, w, (((1,), (1,)), ((), ())),
                         preferred_element_type=jnp.float32)


@functools.lru_cache(maxsize=None)
def _make_layer1(n, din, dh):
  bn = 1000
  assert n % bn == 0

  def body(p_ref, c_ref, x_ref, wl_ref, bl_ref, wr_ref, h_ref, inv_ref):
    cnt = c_ref[0][:, 0:1] + c_ref[1][:, 0:1]
    inv = 1.0 / jnp.maximum(cnt, 1.0)
    mean = (p_ref[0] + p_ref[1]) * inv
    h = _dot_t(mean, wl_ref[...]) + bl_ref[...] + _dot_t(x_ref[...], wr_ref[...])
    h_ref[...] = jnp.maximum(h, 0.0)
    inv_ref[...] = inv

  grid = n // bn
  return pl.pallas_call(
      body,
      grid=(grid,),
      in_specs=[
          pl.BlockSpec((NC, bn, din), lambda i: (0, i, 0)),
          pl.BlockSpec((NC, bn, din), lambda i: (0, i, 0)),
          pl.BlockSpec((bn, din), lambda i: (i, 0)),
          pl.BlockSpec((dh, din), lambda i: (0, 0)),
          pl.BlockSpec((1, dh), lambda i: (0, 0)),
          pl.BlockSpec((dh, din), lambda i: (0, 0)),
      ],
      out_specs=[
          pl.BlockSpec((bn, dh), lambda i: (i, 0)),
          pl.BlockSpec((bn, 1), lambda i: (i, 0)),
      ],
      out_shape=[
          jax.ShapeDtypeStruct((n, dh), jnp.float32),
          jax.ShapeDtypeStruct((n, 1), jnp.float32),
      ],
  )


@functools.lru_cache(maxsize=None)
def _make_layer2(n, dh):
  bn = 1000
  assert n % bn == 0

  def body(p_ref, h_ref, inv_ref, wl_ref, bl_ref, wr_ref, wa_ref, wb_ref,
           a_ref, b_ref):
    mean = (p_ref[0] + p_ref[1]) * inv_ref[...]
    ne = _dot_t(mean, wl_ref[...]) + bl_ref[...] + _dot_t(h_ref[...], wr_ref[...])
    a_ref[...] = _dot_t(ne, wa_ref[...])
    b_ref[...] = _dot_t(ne, wb_ref[...])

  grid = n // bn
  full = lambda i: (0, 0)
  return pl.pallas_call(
      body,
      grid=(grid,),
      in_specs=[
          pl.BlockSpec((NC, bn, dh), lambda i: (0, i, 0)),
          pl.BlockSpec((bn, dh), lambda i: (i, 0)),
          pl.BlockSpec((bn, 1), lambda i: (i, 0)),
          pl.BlockSpec((dh, dh), full),
          pl.BlockSpec((1, dh), full),
          pl.BlockSpec((dh, dh), full),
          pl.BlockSpec((dh, dh), full),
          pl.BlockSpec((dh, dh), full),
      ],
      out_specs=[
          pl.BlockSpec((bn, dh), lambda i: (i, 0)),
          pl.BlockSpec((bn, dh), lambda i: (i, 0)),
      ],
      out_shape=[
          jax.ShapeDtypeStruct((n, dh), jnp.float32),
          jax.ShapeDtypeStruct((n, dh), jnp.float32),
      ],
  )


@functools.lru_cache(maxsize=None)
def _make_final(e, dh, ed):
  be = next(b for b in (6400, 3200, 1280, 640, 320, 160, 80) if e % b == 0)
  grid = e // be

  def body(g_ref, ea_ref, wc_ref, bm1_ref, wm2_ref, bm2_ref, out_ref):
    d = lax.dot_general(ea_ref[...], wc_ref[...], (((0,), (1,)), ((), ())),
                        preferred_element_type=jnp.float32)
    z = jnp.maximum(g_ref[...] + d + bm1_ref[...], 0.0)
    i = pl.program_id(0)
    out_ref[pl.ds(i * be, be)] = jnp.sum(z * wm2_ref[...], axis=1) + bm2_ref[0, 0]

  return pl.pallas_call(
      body,
      grid=(grid,),
      in_specs=[
          pl.BlockSpec((be, dh), lambda i: (i, 0)),
          pl.BlockSpec((ed, be), lambda i: (0, i)),
          pl.BlockSpec((dh, ed), lambda i: (0, 0)),
          pl.BlockSpec((1, dh), lambda i: (0, 0)),
          pl.BlockSpec((1, dh), lambda i: (0, 0)),
          pl.BlockSpec((1, 1), lambda i: (0, 0)),
      ],
      out_specs=pl.BlockSpec((e,), lambda i: (0,)),
      out_shape=jax.ShapeDtypeStruct((e,), jnp.float32),
  )


def kernel(x, edge_index, edge_attr, Wl1, bl1, Wr1, Wl2, bl2, Wr2, Wm1, bm1,
           Wm2, bm2):
  n, din = x.shape
  e = edge_index.shape[1]
  dh = Wl1.shape[0]
  ed = edge_attr.shape[1]
  src = edge_index[0]
  dst = edge_index[1]

  cnts = _make_counts(n, e, din)(dst)
  p1 = _make_segsum(n, e, din)(x, src, dst)
  h, inv = _make_layer1(n, din, dh)(p1, cnts, x, Wl1, bl1[None, :], Wr1)
  p2 = _make_segsum(n, e, dh)(h, src, dst)
  a, b = _make_layer2(n, dh)(p2, h, inv, Wl2, bl2[None, :], Wr2,
                             Wm1[:, :dh], Wm1[:, dh:2 * dh])
  g = _make_edge_combine(n, e, dh)(a, b, src, dst)
  out = _make_final(e, dh, ed)(g, edge_attr.T, Wm1[:, 2 * dh:], bm1[None, :],
                               Wm2[0][None, :], bm2[None, :])
  return out

# --- scband reference (transcript-rebuilt; emitter-appended) ---
"""Pipeline reference for scband-edge-gnn-3573412790510 (READ-ONLY COPY).

The authoritative reference and input builder live on the scoring server;
editing this copy changes nothing except your own understanding.
"""

import jax, jax.numpy as jnp
import numpy as np

N = 10000
E = 320000
IN_DIM = 128
HID = 128
ED = 16


def setup_inputs(seed: int = 0) -> dict:
    key = jax.random.key(seed)
    ks = jax.random.split(key, 16)
    x = jax.random.normal(ks[0], (N, IN_DIM), dtype=jnp.float32)
    edge_index = jax.random.randint(ks[1], (2, E), 0, N, dtype=jnp.int32)
    edge_attr = jax.random.normal(ks[2], (E, ED), dtype=jnp.float32)
    # SAGEConv1: lin_l (applied to aggregated neighbors, with bias), lin_r (root, no bias)
    Wl1 = jax.random.normal(ks[3], (HID, IN_DIM), dtype=jnp.float32) / np.sqrt(IN_DIM)
    bl1 = jnp.zeros((HID,), dtype=jnp.float32)
    Wr1 = jax.random.normal(ks[4], (HID, IN_DIM), dtype=jnp.float32) / np.sqrt(IN_DIM)
    # SAGEConv2
    Wl2 = jax.random.normal(ks[5], (HID, HID), dtype=jnp.float32) / np.sqrt(HID)
    bl2 = jnp.zeros((HID,), dtype=jnp.float32)
    Wr2 = jax.random.normal(ks[6], (HID, HID), dtype=jnp.float32) / np.sqrt(HID)
    # edge MLP: Linear(2*HID+ED -> HID), ReLU, Linear(HID -> 1)
    Wm1 = jax.random.normal(ks[7], (HID, 2 * HID + ED), dtype=jnp.float32) / np.sqrt(2 * HID + ED)
    bm1 = jnp.zeros((HID,), dtype=jnp.float32)
    Wm2 = jax.random.normal(ks[8], (1, HID), dtype=jnp.float32) / np.sqrt(HID)
    bm2 = jnp.zeros((1,), dtype=jnp.float32)
    return {"x": x, "edge_index": edge_index, "edge_attr": edge_attr,
            "Wl1": Wl1, "bl1": bl1, "Wr1": Wr1,
            "Wl2": Wl2, "bl2": bl2, "Wr2": Wr2,
            "Wm1": Wm1, "bm1": bm1, "Wm2": Wm2, "bm2": bm2}


def _sage_conv(x, edge_index, Wl, bl, Wr):
    # PyG SAGEConv (aggr='mean'): out_i = lin_l(mean_{j->i} x_j) + lin_r(x_i)
    src = edge_index[0]
    dst = edge_index[1]
    n = x.shape[0]
    msg = jnp.take(x, src, axis=0)
    agg = jax.ops.segment_sum(msg, dst, num_segments=n)
    cnt = jax.ops.segment_sum(jnp.ones((msg.shape[0],), dtype=x.dtype), dst, num_segments=n)
    mean = agg / jnp.clip(cnt, 1.0)[:, None]
    return mean @ Wl.T + bl + x @ Wr.T


def reference(x, edge_index, edge_attr, Wl1, bl1, Wr1, Wl2, bl2, Wr2, Wm1, bm1, Wm2, bm2):
    # encode_nodes (dropout is identity in eval mode)
    h = jax.nn.relu(_sage_conv(x, edge_index, Wl1, bl1, Wr1))
    node_emb = _sage_conv(h, edge_index, Wl2, bl2, Wr2)
    # edge_logits
    s = edge_index[0]
    d = edge_index[1]
    feat = jnp.concatenate([jnp.take(node_emb, s, axis=0), jnp.take(node_emb, d, axis=0), edge_attr], axis=1)
    z = jax.nn.relu(feat @ Wm1.T + bm1)
    logits = z @ Wm2.T + bm2
    return logits.squeeze(-1)

if __name__ == "__main__":
    import jax
    _d = setup_inputs()
    print(jax.jit(kernel)(*tuple(_d.values())))

</pallas_src>

<mosaic_0001>
#map = affine_map<(d0, d1) -> (0, 0)>
#map1 = affine_map<(d0, d1) -> (0)>
#map2 = affine_map<(d0, d1) -> (0, 0, 0)>
module attributes {stable_mosaic.version = 14 : i64} {
  func.func @k(%arg0: i32, %arg1: i32, %arg2: memref<10000x128xf32, #tpu.memory_space<hbm>>, %arg3: memref<320000xi32, #tpu.memory_space<hbm>>, %arg4: memref<320000xi32, #tpu.memory_space<hbm>>, %arg5: memref<2x10240x128xf32, #tpu.memory_space<hbm>>, %arg6: memref<80xi32, #tpu.memory_space<vmem>>, %arg7: memref<80xi32, #tpu.memory_space<vmem>>, %arg8: memref<80xi32, #tpu.memory_space<vmem>>, %arg9: memref<80xi32, #tpu.memory_space<vmem>>, %arg10: memref<80xi32, #tpu.memory_space<vmem>>, %arg11: memref<80xi32, #tpu.memory_space<vmem>>, %arg12: memref<80xi32, #tpu.memory_space<vmem>>, %arg13: memref<80xi32, #tpu.memory_space<vmem>>, %arg14: memref<80x128xf32, #tpu.memory_space<vmem>>, %arg15: memref<80x128xf32, #tpu.memory_space<vmem>>, %arg16: memref<80x128xf32, #tpu.memory_space<vmem>>, %arg17: memref<80x128xf32, #tpu.memory_space<vmem>>, %arg18: memref<10240x128xf32, #tpu.memory_space<vmem_shared>>, %arg19: memref<!tpu.dma_semaphore, #tpu.memory_space<semaphore_mem>>, %arg20: memref<!tpu.dma_semaphore, #tpu.memory_space<semaphore_mem>>, %arg21: memref<!tpu.dma_semaphore, #tpu.memory_space<semaphore_mem>>, %arg22: memref<!tpu.dma_semaphore, #tpu.memory_space<semaphore_mem>>, %arg23: memref<!tpu.dma_semaphore, #tpu.memory_space<semaphore_mem>>, %arg24: memref<!tpu.dma_semaphore, #tpu.memory_space<semaphore_mem>>, %arg25: memref<!tpu.dma_semaphore, #tpu.memory_space<semaphore_mem>>, %arg26: memref<!tpu.dma_semaphore, #tpu.memory_space<semaphore_mem>>, %arg27: memref<!tpu.dma_semaphore, #tpu.memory_space<semaphore_mem>>, %arg28: memref<!tpu.dma_semaphore, #tpu.memory_space<semaphore_mem>>, %arg29: memref<!tpu.dma_semaphore, #tpu.memory_space<semaphore_mem>>, %arg30: memref<!tpu.dma_semaphore, #tpu.memory_space<semaphore_mem>>) attributes {dimension_semantics = [#tpu.dimension_semantics<core_parallel>, #tpu.dimension_semantics<subcore_parallel>], iteration_bounds = array<i64: 2, 16>, scalar_prefetch = 0 : i64, scratch_operands = 25 : i64, tpu.core_type = #tpu.core_type<sc_vector_subcore>, window_params = [{transform_indices = #map}, {transform_indices = #map1}, {transform_indices = #map1}, {transform_indices = #map2}]} {
    %scan3A = arith.constant 0 : i32
    %scan3A_0 = arith.constant 0 : i32
    %scan3A_1 = arith.constant 80 : i32
    %scan3A_2 = arith.addi %scan3A_0, %scan3A_1 : i32
    %scan3A_3 = arith.constant 1 : i32
    scf.for %scan3A_29 = %scan3A_0 to %scan3A_2 step %scan3A_3  : i32 {
      %broadcast_in_dim3A = arith.constant 0.000000e+00 : f32
      %broadcast_in_dim3A_30 = vector.broadcast %broadcast_in_dim3A : f32 to vector<16xf32>
      %swap3A = arith.index_cast %scan3A_29 : i32 to index
      %swap3A_31 = arith.constant 0 : index
      %swap3A_32 = tpu.vector_load %arg14[%swap3A, %swap3A_31] {strides = array<i32>} : memref<80x128xf32, #tpu.memory_space<vmem>>, vector<1x16xf32>,
      %swap3A_33 = vector.shape_cast %swap3A_32 : vector<1x16xf32> to vector<16xf32>
      %swap3A_34 = vector.shape_cast %broadcast_in_dim3A_30 : vector<16xf32> to vector<1x16xf32>
      tpu.vector_store %arg14[%swap3A, %swap3A_31], %swap3A_34 {strides = array<i32>} : memref<80x128xf32, #tpu.memory_space<vmem>>, vector<1x16xf32>,
      %broadcast_in_dim3A_35 = arith.constant 0.000000e+00 : f32
      %broadcast_in_dim3A_36 = vector.broadcast %broadcast_in_dim3A_35 : f32 to vector<16xf32>
      %swap3A_37 = arith.index_cast %scan3A_29 : i32 to index
      %swap3A_38 = arith.constant 16 : index
      %swap3A_39 = tpu.vector_load %arg14[%swap3A_37, %swap3A_38] {strides = array<i32>} : memref<80x128xf32, #tpu.memory_space<vmem>>, vector<1x16xf32>,
      %swap3A_40 = vector.shape_cast %swap3A_39 : vector<1x16xf32> to vector<16xf32>
      %swap3A_41 = vector.shape_cast %broadcast_in_dim3A_36 : vector<16xf32> to vector<1x16xf32>
      tpu.vector_store %arg14[%swap3A_37, %swap3A_38], %swap3A_41 {strides = array<i32>} : memref<80x128xf32, #tpu.memory_space<vmem>>, vector<1x16xf32>,
      %broadcast_in_dim3A_42 = arith.constant 0.000000e+00 : f32
      %broadcast_in_dim3A_43 = vector.broadcast %broadcast_in_dim3A_42 : f32 to vector<16xf32>
      %swap3A_44 = arith.index_cast %scan3A_29 : i32 to index
      %swap3A_45 = arith.constant 32 : index
      %swap3A_46 = tpu.vector_load %arg14[%swap3A_44, %swap3A_45] {strides = array<i32>} : memref<80x128xf32, #tpu.memory_space<vmem>>, vector<1x16xf32>,
      %swap3A_47 = vector.shape_cast %swap3A_46 : vector<1x16xf32> to vector<16xf32>
      %swap3A_48 = vector.shape_cast %broadcast_in_dim3A_43 : vector<16xf32> to vector<1x16xf32>
      tpu.vector_store %arg14[%swap3A_44, %swap3A_45], %swap3A_48 {strides = array<i32>} : memref<80x128xf32, #tpu.memory_space<vmem>>, vector<1x16xf32>,
      %broadcast_in_dim3A_49 = arith.constant 0.000000e+00 : f32
      %broadcast_in_dim3A_50 = vector.broadcast %broadcast_in_dim3A_49 : f32 to vector<16xf32>
      %swap3A_51 = arith.index_cast %scan3A_29 : i32 to index
      %swap3A_52 = arith.constant 48 : index
      %swap3A_53 = tpu.vector_load %arg14[%swap3A_51, %swap3A_52] {strides = array<i32>} : memref<80x128xf32, #tpu.memory_space<vmem>>, vector<1x16xf32>,
      %swap3A_54 = vector.shape_cast %swap3A_53 : vector<1x16xf32> to vector<16xf32>
      %swap3A_55 = vector.shape_cast %broadcast_in_dim3A_50 : vector<16xf32> to vector<1x16xf32>
      tpu.vector_store %arg14[%swap3A_51, %swap3A_52], %swap3A_55 {strides = array<i32>} : memref<80x128xf32, #tpu.memory_space<vmem>>, vector<1x16xf32>,
      %broadcast_in_dim3A_56 = arith.constant 0.000000e+00 : f32
      %broadcast_in_dim3A_57 = vector.broadcast %broadcast_in_dim3A_56 : f32 to vector<16xf32>
      %swap3A_58 = arith.index_cast %scan3A_29 : i32 to index
      %swap3A_59 = arith.constant 64 : index
      %swap3A_60 = tpu.vector_load %arg14[%swap3A_58, %swap3A_59] {strides = array<i32>} : memref<80x128xf32, #tpu.memory_space<vmem>>, vector<1x16xf32>,
      %swap3A_61 = vector.shape_cast %swap3A_60 : vector<1x16xf32> to vector<16xf32>
      %swap3A_62 = vector.shape_cast %broadcast_in_dim3A_57 : vector<16xf32> to vector<1x16xf32>
      tpu.vector_store %arg14[%swap3A_58, %swap3A_59], %swap3A_62 {strides = array<i32>} : memref<80x128xf32, #tpu.memory_space<vmem>>, vector<1x16xf32>,
      %broadcast_in_dim3A_63 = arith.constant 0.000000e+00 : f32
      %broadcast_in_dim3A_64 = vector.broadcast %broadcast_in_dim3A_63 : f32 to vector<16xf32>
      %swap3A_65 = arith.index_cast %scan3A_29 : i32 to index
      %swap3A_66 = arith.constant 80 : index
      %swap3A_67 = tpu.vector_load %arg14[%swap3A_65, %swap3A_66] {strides = array<i32>} : memref<80x128xf32, #tpu.memory_space<vmem>>, vector<1x16xf32>,
      %swap3A_68 = vector.shape_cast %swap3A_67 : vector<1x16xf32> to vector<16xf32>
      %swap3A_69 = vector.shape_cast %broadcast_in_dim3A_64 : vector<16xf32> to vector<1x16xf32>
      tpu.vector_store %arg14[%swap3A_65, %swap3A_66], %swap3A_69 {strides = array<i32>} : memref<80x128xf32, #tpu.memory_space<vmem>>, vector<1x16xf32>,
      %broadcast_in_dim3A_70 = arith.constant 0.000000e+00 : f32
      %broadcast_in_dim3A_71 = vector.broadcast %broadcast_in_dim3A_70 : f32 to vector<16xf32>
      %swap3A_72 = arith.index_cast %scan3A_29 : i32 to index
      %swap3A_73 = arith.constant 96 : index
      %swap3A_74 = tpu.vector_load %arg14[%swap3A_72, %swap3A_73] {strides = array<i32>} : memref<80x128xf32, #tpu.memory_space<vmem>>, vector<1x16xf32>,
      %swap3A_75 = vector.shape_cast %swap3A_74 : vector<1x16xf32> to vector<16xf32>
      %swap3A_76 = vector.shape_cast %broadcast_in_dim3A_71 : vector<16xf32> to vector<1x16xf32>
      tpu.vector_store %arg14[%swap3A_72, %swap3A_73], %swap3A_76 {strides = array<i32>} : memref<80x128xf32, #tpu.memory_space<vmem>>, vector<1x16xf32>,
      %broadcast_in_dim3A_77 = arith.constant 0.000000e+00 : f32
      %broadcast_in_dim3A_78 = vector.broadcast %broadcast_in_dim3A_77 : f32 to vector<16xf32>
      %swap3A_79 = arith.index_cast %scan3A_29 : i32 to index
      %swap3A_80 = arith.constant 112 : index
      %swap3A_81 = tpu.vector_load %arg14[%swap3A_79, %swap3A_80] {strides = array<i32>} : memref<80x128xf32, #tpu.memory_space<vmem>>, vector<1x16xf32>,
      %swap3A_82 = vector.shape_cast %swap3A_81 : vector<1x16xf32> to vector<16xf32>
      %swap3A_83 = vector.shape_cast %broadcast_in_dim3A_78 : vector<16xf32> to vector<1x16xf32>
      tpu.vector_store %arg14[%swap3A_79, %swap3A_80], %swap3A_83 {strides = array<i32>} : memref<80x128xf32, #tpu.memory_space<vmem>>, vector<1x16xf32>,
    }
    %scan3A_4 = arith.constant 80 : i32
    %mul3A = arith.constant 640 : i32
    %mul3A_5 = arith.muli %arg1, %mul3A : i32
    %scan3A_6 = arith.constant 0 : i32
    %scan3A_7 = arith.constant 0 : i32
    %scan3A_8 = arith.constant 8 : i32
    %scan3A_9 = arith.addi %scan3A_7, %scan3A_8 : i32
    %scan3A_10 = arith.constant 1 : i32
    scf.for %scan3A_29 = %scan3A_7 to %scan3A_9 step %scan3A_10  : i32 {
      %mul3A_30 = arith.constant 80 : i32
      %mul3A_31 = arith.muli %scan3A_29, %mul3A_30 : i32
      %add3A_32 = arith.addi %mul3A_5, %mul3A_31 : i32
      "tpu.region"() ({
        %run_scoped3A = tpu.sem_alloc : memref<!tpu.dma_semaphore, #tpu.memory_space<semaphore_mem>>
        %dma_start3A = arith.constant 0 : i32
        %dma_start3A_33 = tpu.memref_slice %arg18[%add3A_32, %dma_start3A] : memref<10240x128xf32, #tpu.memory_space<vmem_shared>> -> memref<80x128xf32, #tpu.memory_space<vmem_shared>>
        %dma_start3A_34 = arith.constant 0 : i32
        %dma_start3A_35 = tpu.memref_slice %arg18[%add3A_32, %dma_start3A_34] : memref<10240x128xf32, #tpu.memory_space<vmem_shared>> -> memref<80x128xf32, #tpu.memory_space<vmem_shared>>
        tpu.enqueue_dma source(%arg14 : memref<80x128xf32, #tpu.memory_space<vmem>>) target(%dma_start3A_35 : memref<80x128xf32, #tpu.memory_space<vmem_shared>>) target_semaphore(%run_scoped3A : memref<!tpu.dma_semaphore, #tpu.memory_space<semaphore_mem>>)
        %dma_wait3A = arith.constant 0 : i32
        %dma_wait3A_36 = tpu.memref_slice %arg18[%add3A_32, %dma_wait3A] : memref<10240x128xf32, #tpu.memory_space<vmem_shared>> -> memref<80x128xf32, #tpu.memory_space<vmem_shared>>
        %dma_wait3A_37 = arith.constant 0 : i32
        %dma_wait3A_38 = tpu.memref_slice %arg18[%add3A_32, %dma_wait3A_37] : memref<10240x128xf32, #tpu.memory_space<vmem_shared>> -> memref<80x128xf32, #tpu.memory_space<vmem_shared>>
        tpu.wait_dma2 semaphore(%run_scoped3A : memref<!tpu.dma_semaphore, #tpu.memory_space<semaphore_mem>>) src(%arg14 : memref<80x128xf32, #tpu.memory_space<vmem>>) dst(%dma_wait3A_38 : memref<80x128xf32, #tpu.memory_space<vmem_shared>>)
        tpu.yield
      }) : () -> ()
    }
    %scan3A_11 = arith.constant 8 : i32
    %barrier3A = arith.constant 0 : index
    tpu.barrier barrier_id(%barrier3A)
    %mul3A_12 = arith.constant 16 : i32
    %mul3A_13 = arith.muli %arg0, %mul3A_12 : i32
    %add3A = arith.addi %mul3A_13, %arg1 : i32
    %mul3A_14 = arith.constant 10000 : i32
    %mul3A_15 = arith.muli %add3A, %mul3A_14 : i32
    %scan3A_16 = arith.constant 0 : i32
    %scan3A_17 = arith.constant 0 : i32
    %scan3A_18 = arith.constant 33 : i32
    %scan3A_19 = arith.addi %scan3A_17, %scan3A_18 : i32
    %scan3A_20 = arith.constant 1 : i32
    scf.for %scan3A_29 = %scan3A_17 to %scan3A_19 step %scan3A_20  : i32 {
      %mul3A_30 = arith.constant 4 : i32
      %mul3A_31 = arith.muli %scan3A_29, %mul3A_30 : i32
      %add3A_32 = arith.constant 0 : i32
      %add3A_33 = arith.addi %mul3A_31, %add3A_32 : i32
      %ge3A = arith.constant 4 : i32
      %ge3A_34 = arith.cmpi sge, %add3A_33, %ge3A : i32
      %sub3A = arith.constant 4 : i32
      %sub3A_35 = arith.subi %add3A_33, %sub3A : i32
      %lt3A = arith.constant 125 : i32
      %lt3A_36 = arith.cmpi slt, %sub3A_35, %lt3A : i32
      %and3A = arith.andi %ge3A_34, %lt3A_36 : i1
      %convert_element_type3A = arith.extui %and3A : i1 to i32
      %cond3A = arith.constant 0 : i32
      %cond3A_37 = arith.cmpi ne, %convert_element_type3A, %cond3A : i32
      scf.if %cond3A_37 {
        %dma_wait3A = arith.constant 0 : i32
        %dma_wait3A_180 = arith.constant 0 : i32
        %dma_wait3A_181 = tpu.memref_slice %arg18[%dma_wait3A, %dma_wait3A_180] : memref<10240x128xf32, #tpu.memory_space<vmem_shared>> -> memref<10240x128xf32, #tpu.memory_space<vmem_shared>>
        tpu.wait_indirect_dma semaphore(%arg27 : memref<!tpu.dma_semaphore, #tpu.memory_space<semaphore_mem>>) src(%arg14 : memref<80x128xf32, #tpu.memory_space<vmem>>) dst(%dma_wait3A_181 : memref<10240x128xf32, #tpu.memory_space<vmem_shared>>)
      } else {
      }
      %lt3A_38 = arith.constant 125 : i32
      %lt3A_39 = arith.cmpi slt, %add3A_33, %lt3A_38 : i32
      %convert_element_type3A_40 = arith.extui %lt3A_39 : i1 to i32
      %cond3A_41 = arith.constant 0 : i32
      %cond3A_42 = arith.cmpi ne, %convert_element_type3A_40, %cond3A_41 : i32
      scf.if %cond3A_42 {
        %mul3A_180 = arith.constant 80 : i32
        %mul3A_181 = arith.muli %add3A_33, %mul3A_180 : i32
        %add3A_182 = arith.addi %mul3A_15, %mul3A_181 : i32
        %dma_start3A = tpu.memref_slice %arg3[%add3A_182] : memref<320000xi32, #tpu.memory_space<hbm>> -> memref<80xi32, #tpu.memory_space<hbm>>
        %dma_start3A_183 = tpu.memref_slice %arg3[%add3A_182] : memref<320000xi32, #tpu.memory_space<hbm>> -> memref<80xi32, #tpu.memory_space<hbm>>
        tpu.enqueue_dma source(%dma_start3A_183 : memref<80xi32, #tpu.memory_space<hbm>>) target(%arg6 : memref<80xi32, #tpu.memory_space<vmem>>) target_semaphore(%arg19 : memref<!tpu.dma_semaphore, #tpu.memory_space<semaphore_mem>>)
        %dma_start3A_184 = tpu.memref_slice %arg4[%add3A_182] : memref<320000xi32, #tpu.memory_space<hbm>> -> memref<80xi32, #tpu.memory_space<hbm>>
        %dma_start3A_185 = tpu.memref_slice %arg4[%add3A_182] : memref<320000xi32, #tpu.memory_space<hbm>> -> memref<80xi32, #tpu.memory_space<hbm>>
        tpu.enqueue_dma source(%dma_start3A_185 : memref<80xi32, #tpu.memory_space<hbm>>) target(%arg10 : memref<80xi32, #tpu.memory_space<vmem>>) target_semaphore(%arg19 : memref<!tpu.dma_semaphore, #tpu.memory_space<semaphore_mem>>)
      } else {
      }
      %sub3A_43 = arith.constant 1 : i32
      %sub3A_44 = arith.subi %add3A_33, %sub3A_43 : i32
      %ge3A_45 = arith.constant 0 : i32
      %ge3A_46 = arith.cmpi sge, %sub3A_44, %ge3A_45 : i32
      %lt3A_47 = arith.constant 125 : i32
      %lt3A_48 = arith.cmpi slt, %sub3A_44, %lt3A_47 : i32
      %and3A_49 = arith.andi %ge3A_46, %lt3A_48 : i1
      %convert_element_type3A_50 = arith.extui %and3A_49 : i1 to i32
      %cond3A_51 = arith.constant 0 : i32
      %cond3A_52 = arith.cmpi ne, %convert_element_type3A_50, %cond3A_51 : i32
      scf.if %cond3A_52 {
        %dma_wait3A = arith.constant 0 : i32
        %dma_wait3A_180 = tpu.memref_slice %arg3[%dma_wait3A] : memref<320000xi32, #tpu.memory_space<hbm>> -> memref<80xi32, #tpu.memory_space<hbm>>
        %dma_wait3A_181 = arith.constant 0 : i32
        %dma_wait3A_182 = tpu.memref_slice %arg3[%dma_wait3A_181] : memref<320000xi32, #tpu.memory_space<hbm>> -> memref<80xi32, #tpu.memory_space<hbm>>
        tpu.wait_dma2 semaphore(%arg22 : memref<!tpu.dma_semaphore, #tpu.memory_space<semaphore_mem>>) src(%dma_wait3A_182 : memref<80xi32, #tpu.memory_space<hbm>>) dst(%arg9 : memref<80xi32, #tpu.memory_space<vmem>>)
        %dma_wait3A_183 = arith.constant 0 : i32
        %dma_wait3A_184 = tpu.memref_slice %arg4[%dma_wait3A_183] : memref<320000xi32, #tpu.memory_space<hbm>> -> memref<80xi32, #tpu.memory_space<hbm>>
        %dma_wait3A_185 = arith.constant 0 : i32
        %dma_wait3A_186 = tpu.memref_slice %arg4[%dma_wait3A_185] : memref<320000xi32, #tpu.memory_space<hbm>> -> memref<80xi32, #tpu.memory_space<hbm>>
        tpu.wait_dma2 semaphore(%arg22 : memref<!tpu.dma_semaphore, #tpu.memory_space<semaphore_mem>>) src(%dma_wait3A_186 : memref<80xi32, #tpu.memory_space<hbm>>) dst(%arg13 : memref<80xi32, #tpu.memory_space<vmem>>)
        %dma_start3A = arith.constant 0 : i32
        %dma_start3A_187 = arith.constant 0 : i32
        %dma_start3A_188 = tpu.memref_slice %arg2[%dma_start3A, %dma_start3A_187] : memref<10000x128xf32, #tpu.memory_space<hbm>> -> memref<10000x128xf32, #tpu.memory_space<hbm>>
        tpu.enqueue_indirect_dma source(%dma_start3A_188 : memref<10000x128xf32, #tpu.memory_space<hbm>>) target(%arg17 : memref<80x128xf32, #tpu.memory_space<vmem>>) offsets(%arg9 : memref<80xi32, #tpu.memory_space<vmem>>) semaphore(%arg26 : memref<!tpu.dma_semaphore, #tpu.memory_space<semaphore_mem>>)
      } else {
      }
      %sub3A_53 = arith.constant 3 : i32
      %sub3A_54 = arith.subi %add3A_33, %sub3A_53 : i32
      %ge3A_55 = arith.constant 0 : i32
      %ge3A_56 = arith.cmpi sge, %sub3A_54, %ge3A_55 : i32
      %lt3A_57 = arith.constant 125 : i32
      %lt3A_58 = arith.cmpi slt, %sub3A_54, %lt3A_57 : i32
      %and3A_59 = arith.andi %ge3A_56, %lt3A_58 : i1
      %convert_element_type3A_60 = arith.extui %and3A_59 : i1 to i32
      %cond3A_61 = arith.constant 0 : i32
      %cond3A_62 = arith.cmpi ne, %convert_element_type3A_60, %cond3A_61 : i32
      scf.if %cond3A_62 {
        %dma_wait3A = arith.constant 0 : i32
        %dma_wait3A_180 = arith.constant 0 : i32
        %dma_wait3A_181 = tpu.memref_slice %arg2[%dma_wait3A, %dma_wait3A_180] : memref<10000x128xf32, #tpu.memory_space<hbm>> -> memref<10000x128xf32, #tpu.memory_space<hbm>>
        tpu.wait_indirect_dma semaphore(%arg24 : memref<!tpu.dma_semaphore, #tpu.memory_space<semaphore_mem>>) src(%dma_wait3A_181 : memref<10000x128xf32, #tpu.memory_space<hbm>>) dst(%arg15 : memref<80x128xf32, #tpu.memory_space<vmem>>)
        %dma_start3A = arith.constant 0 : i32
        %dma_start3A_182 = arith.constant 0 : i32
        %dma_start3A_183 = tpu.memref_slice %arg18[%dma_start3A, %dma_start3A_182] : memref<10240x128xf32, #tpu.memory_space<vmem_shared>> -> memref<10240x128xf32, #tpu.memory_space<vmem_shared>>
        tpu.enqueue_indirect_dma source(%arg15 : memref<80x128xf32, #tpu.memory_space<vmem>>) target(%dma_start3A_183 : memref<10240x128xf32, #tpu.memory_space<vmem_shared>>) offsets(%arg11 : memref<80xi32, #tpu.memory_space<vmem>>) semaphore(%arg28 : memref<!tpu.dma_semaphore, #tpu.memory_space<semaphore_mem>>) {add = true}
      } else {
      }
      %mul3A_63 = arith.constant 4 : i32
      %mul3A_64 = arith.muli %scan3A_29, %mul3A_63 : i32
      %add3A_65 = arith.constant 1 : i32
      %add3A_66 = arith.addi %mul3A_64, %add3A_65 : i32
      %ge3A_67 = arith.constant 4 : i32
      %ge3A_68 = arith.cmpi sge, %add3A_66, %ge3A_67 : i32
      %sub3A_69 = arith.constant 4 : i32
      %sub3A_70 = arith.subi %add3A_66, %sub3A_69 : i32
      %lt3A_71 = arith.constant 125 : i32
      %lt3A_72 = arith.cmpi slt, %sub3A_70, %lt3A_71 : i32
      %and3A_73 = arith.andi %ge3A_68, %lt3A_72 : i1
      %convert_element_type3A_74 = arith.extui %and3A_73 : i1 to i32
      %cond3A_75 = arith.constant 0 : i32
      %cond3A_76 = arith.cmpi ne, %convert_element_type3A_74, %cond3A_75 : i32
      scf.if %cond3A_76 {
        %dma_wait3A = arith.constant 0 : i32
        %dma_wait3A_180 = arith.constant 0 : i32
        %dma_wait3A_181 = tpu.memref_slice %arg18[%dma_wait3A, %dma_wait3A_180] : memref<10240x128xf32, #tpu.memory_space<vmem_shared>> -> memref<10240x128xf32, #tpu.memory_space<vmem_shared>>
        tpu.wait_indirect_dma semaphore(%arg28 : memref<!tpu.dma_semaphore, #tpu.memory_space<semaphore_mem>>) src(%arg15 : memref<80x128xf32, #tpu.memory_space<vmem>>) dst(%dma_wait3A_181 : memref<10240x128xf32, #tpu.memory_space<vmem_shared>>)
      } else {
      }
      %lt3A_77 = arith.constant 125 : i32
      %lt3A_78 = arith.cmpi slt, %add3A_66, %lt3A_77 : i32
      %convert_element_type3A_79 = arith.extui %lt3A_78 : i1 to i32
      %cond3A_80 = arith.constant 0 : i32
      %cond3A_81 = arith.cmpi ne, %convert_element_type3A_79, %cond3A_80 : i32
      scf.if %cond3A_81 {
        %mul3A_180 = arith.constant 80 : i32
        %mul3A_181 = arith.muli %add3A_66, %mul3A_180 : i32
        %add3A_182 = arith.addi %mul3A_15, %mul3A_181 : i32
        %dma_start3A = tpu.memref_slice %arg3[%add3A_182] : memref<320000xi32, #tpu.memory_space<hbm>> -> memref<80xi32, #tpu.memory_space<hbm>>
        %dma_start3A_183 = tpu.memref_slice %arg3[%add3A_182] : memref<320000xi32, #tpu.memory_space<hbm>> -> memref<80xi32, #tpu.memory_space<hbm>>
        tpu.enqueue_dma source(%dma_start3A_183 : memref<80xi32, #tpu.memory_space<hbm>>) target(%arg7 : memref<80xi32, #tpu.memory_space<vmem>>) target_semaphore(%arg20 : memref<!tpu.dma_semaphore, #tpu.memory_space<semaphore_mem>>)
        %dma_start3A_184 = tpu.memref_slice %arg4[%add3A_182] : memref<320000xi32, #tpu.memory_space<hbm>> -> memref<80xi32, #tpu.memory_space<hbm>>
        %dma_start3A_185 = tpu.memref_slice %arg4[%add3A_182] : memref<320000xi32, #tpu.memory_space<hbm>> -> memref<80xi32, #tpu.memory_space<hbm>>
        tpu.enqueue_dma source(%dma_start3A_185 : memref<80xi32, #tpu.memory_space<hbm>>) target(%arg11 : memref<80xi32, #tpu.memory_space<vmem>>) target_semaphore(%arg20 : memref<!tpu.dma_semaphore, #tpu.memory_space<semaphore_mem>>)
      } else {
      }
      %sub3A_82 = arith.constant 1 : i32
      %sub3A_83 = arith.subi %add3A_66, %sub3A_82 : i32
      %ge3A_84 = arith.constant 0 : i32
      %ge3A_85 = arith.cmpi sge, %sub3A_83, %ge3A_84 : i32
      %lt3A_86 = arith.constant 125 : i32
      %lt3A_87 = arith.cmpi slt, %sub3A_83, %lt3A_86 : i32
      %and3A_88 = arith.andi %ge3A_85, %lt3A_87 : i1
      %convert_element_type3A_89 = arith.extui %and3A_88 : i1 to i32
      %cond3A_90 = arith.constant 0 : i32
      %cond3A_91 = arith.cmpi ne, %convert_element_type3A_89, %cond3A_90 : i32
      scf.if %cond3A_91 {
        %dma_wait3A = arith.constant 0 : i32
        %dma_wait3A_180 = tpu.memref_slice %arg3[%dma_wait3A] : memref<320000xi32, #tpu.memory_space<hbm>> -> memref<80xi32, #tpu.memory_space<hbm>>
        %dma_wait3A_181 = arith.constant 0 : i32
        %dma_wait3A_182 = tpu.memref_slice %arg3[%dma_wait3A_181] : memref<320000xi32, #tpu.memory_space<hbm>> -> memref<80xi32, #tpu.memory_space<hbm>>
        tpu.wait_dma2 semaphore(%arg19 : memref<!tpu.dma_semaphore, #tpu.memory_space<semaphore_mem>>) src(%dma_wait3A_182 : memref<80xi32, #tpu.memory_space<hbm>>) dst(%arg6 : memref<80xi32, #tpu.memory_space<vmem>>)
        %dma_wait3A_183 = arith.constant 0 : i32
        %dma_wait3A_184 = tpu.memref_slice %arg4[%dma_wait3A_183] : memref<320000xi32, #tpu.memory_space<hbm>> -> memref<80xi32, #tpu.memory_space<hbm>>
        %dma_wait3A_185 = arith.constant 0 : i32
        %dma_wait3A_186 = tpu.memref_slice %arg4[%dma_wait3A_185] : memref<320000xi32, #tpu.memory_space<hbm>> -> memref<80xi32, #tpu.memory_space<hbm>>
        tpu.wait_dma2 semaphore(%arg19 : memref<!tpu.dma_semaphore, #tpu.memory_space<semaphore_mem>>) src(%dma_wait3A_186 : memref<80xi32, #tpu.memory_space<hbm>>) dst(%arg10 : memref<80xi32, #tpu.memory_space<vmem>>)
        %dma_start3A = arith.constant 0 : i32
        %dma_start3A_187 = arith.constant 0 : i32
        %dma_start3A_188 = tpu.memref_slice %arg2[%dma_start3A, %dma_start3A_187] : memref<10000x128xf32, #tpu.memory_space<hbm>> -> memref<10000x128xf32, #tpu.memory_space<hbm>>
        tpu.enqueue_indirect_dma source(%dma_start3A_188 : memref<10000x128xf32, #tpu.memory_space<hbm>>) target(%arg14 : memref<80x128xf32, #tpu.memory_space<vmem>>) offsets(%arg6 : memref<80xi32, #tpu.memory_space<vmem>>) semaphore(%arg23 : memref<!tpu.dma_semaphore, #tpu.memory_space<semaphore_mem>>)
      } else {
      }
      %sub3A_92 = arith.constant 3 : i32
      %sub3A_93 = arith.subi %add3A_66, %sub3A_92 : i32
      %ge3A_94 = arith.constant 0 : i32
      %ge3A_95 = arith.cmpi sge, %sub3A_93, %ge3A_94 : i32
      %lt3A_96 = arith.constant 125 : i32
      %lt3A_97 = arith.cmpi slt, %sub3A_93, %lt3A_96 : i32
      %and3A_98 = arith.andi %ge3A_95, %lt3A_97 : i1
      %convert_element_type3A_99 = arith.extui %and3A_98 : i1 to i32
      %cond3A_100 = arith.constant 0 : i32
      %cond3A_101 = arith.cmpi ne, %convert_element_type3A_99, %cond3A_100 : i32
      scf.if %cond3A_101 {
        %dma_wait3A = arith.constant 0 : i32
        %dma_wait3A_180 = arith.constant 0 : i32
        %dma_wait3A_181 = tpu.memref_slice %arg2[%dma_wait3A, %dma_wait3A_180] : memref<10000x128xf32, #tpu.memory_space<hbm>> -> memref<10000x128xf32, #tpu.memory_space<hbm>>
        tpu.wait_indirect_dma semaphore(%arg25 : memref<!tpu.dma_semaphore, #tpu.memory_space<semaphore_mem>>) src(%dma_wait3A_181 : memref<10000x128xf32, #tpu.memory_space<hbm>>) dst(%arg16 : memref<80x128xf32, #tpu.memory_space<vmem>>)
        %dma_start3A = arith.constant 0 : i32
        %dma_start3A_182 = arith.constant 0 : i32
        %dma_start3A_183 = tpu.memref_slice %arg18[%dma_start3A, %dma_start3A_182] : memref<10240x128xf32, #tpu.memory_space<vmem_shared>> -> memref<10240x128xf32, #tpu.memory_space<vmem_shared>>
        tpu.enqueue_indirect_dma source(%arg16 : memref<80x128xf32, #tpu.memory_space<vmem>>) target(%dma_start3A_183 : memref<10240x128xf32, #tpu.memory_space<vmem_shared>>) offsets(%arg12 : memref<80xi32, #tpu.memory_space<vmem>>) semaphore(%arg29 : memref<!tpu.dma_semaphore, #tpu.memory_space<semaphore_mem>>) {add = true}
      } else {
      }
      %mul3A_102 = arith.constant 4 : i32
      %mul3A_103 = arith.muli %scan3A_29, %mul3A_102 : i32
      %add3A_104 = arith.constant 2 : i32
      %add3A_105 = arith.addi %mul3A_103, %add3A_104 : i32
      %ge3A_106 = arith.constant 4 : i32
      %ge3A_107 = arith.cmpi sge, %add3A_105, %ge3A_106 : i32
      %sub3A_108 = arith.constant 4 : i32
      %sub3A_109 = arith.subi %add3A_105, %sub3A_108 : i32
      %lt3A_110 = arith.constant 125 : i32
      %lt3A_111 = arith.cmpi slt, %sub3A_109, %lt3A_110 : i32
      %and3A_112 = arith.andi %ge3A_107, %lt3A_111 : i1
      %convert_element_type3A_113 = arith.extui %and3A_112 : i1 to i32
      %cond3A_114 = arith.constant 0 : i32
      %cond3A_115 = arith.cmpi ne, %convert_element_type3A_113, %cond3A_114 : i32
      scf.if %cond3A_115 {
        %dma_wait3A = arith.constant 0 : i32
        %dma_wait3A_180 = arith.constant 0 : i32
        %dma_wait3A_181 = tpu.memref_slice %arg18[%dma_wait3A, %dma_wait3A_180] : memref<10240x128xf32, #tpu.memory_space<vmem_shared>> -> memref<10240x128xf32, #tpu.memory_space<vmem_shared>>
        tpu.wait_indirect_dma semaphore(%arg29 : memref<!tpu.dma_semaphore, #tpu.memory_space<semaphore_mem>>) src(%arg16 : memref<80x128xf32, #tpu.memory_space<vmem>>) dst(%dma_wait3A_181 : memref<10240x128xf32, #tpu.memory_space<vmem_shared>>)
      } else {
      }
      %lt3A_116 = arith.constant 125 : i32
      %lt3A_117 = arith.cmpi slt, %add3A_105, %lt3A_116 : i32
      %convert_element_type3A_118 = arith.extui %lt3A_117 : i1 to i32
      %cond3A_119 = arith.constant 0 : i32
      %cond3A_120 = arith.cmpi ne, %convert_element_type3A_118, %cond3A_119 : i32
      scf.if %cond3A_120 {
        %mul3A_180 = arith.constant 80 : i32
        %mul3A_181 = arith.muli %add3A_105, %mul3A_180 : i32
        %add3A_182 = arith.addi %mul3A_15, %mul3A_181 : i32
        %dma_start3A = tpu.memref_slice %arg3[%add3A_182] : memref<320000xi32, #tpu.memory_space<hbm>> -> memref<80xi32, #tpu.memory_space<hbm>>
        %dma_start3A_183 = tpu.memref_slice %arg3[%add3A_182] : memref<320000xi32, #tpu.memory_space<hbm>> -> memref<80xi32, #tpu.memory_space<hbm>>
        tpu.enqueue_dma source(%dma_start3A_183 : memref<80xi32, #tpu.memory_space<hbm>>) target(%arg8 : memref<80xi32, #tpu.memory_space<vmem>>) target_semaphore(%arg21 : memref<!tpu.dma_semaphore, #tpu.memory_space<semaphore_mem>>)
        %dma_start3A_184 = tpu.memref_slice %arg4[%add3A_182] : memref<320000xi32, #tpu.memory_space<hbm>> -> memref<80xi32, #tpu.memory_space<hbm>>
        %dma_start3A_185 = tpu.memref_slice %arg4[%add3A_182] : memref<320000xi32, #tpu.memory_space<hbm>> -> memref<80xi32, #tpu.memory_space<hbm>>
        tpu.enqueue_dma source(%dma_start3A_185 : memref<80xi32, #tpu.memory_space<hbm>>) target(%arg12 : memref<80xi32, #tpu.memory_space<vmem>>) target_semaphore(%arg21 : memref<!tpu.dma_semaphore, #tpu.memory_space<semaphore_mem>>)
      } else {
      }
      %sub3A_121 = arith.constant 1 : i32
      %sub3A_122 = arith.subi %add3A_105, %sub3A_121 : i32
      %ge3A_123 = arith.constant 0 : i32
      %ge3A_124 = arith.cmpi sge, %sub3A_122, %ge3A_123 : i32
      %lt3A_125 = arith.constant 125 : i32
      %lt3A_126 = arith.cmpi slt, %sub3A_122, %lt3A_125 : i32
      %and3A_127 = arith.andi %ge3A_124, %lt3A_126 : i1
      %convert_element_type3A_128 = arith.extui %and3A_127 : i1 to i32
      %cond3A_129 = arith.constant 0 : i32
      %cond3A_130 = arith.cmpi ne, %convert_element_type3A_128, %cond3A_129 : i32
      scf.if %cond3A_130 {
        %dma_wait3A = arith.constant 0 : i32
        %dma_wait3A_180 = tpu.memref_slice %arg3[%dma_wait3A] : memref<320000xi32, #tpu.memory_space<hbm>> -> memref<80xi32, #tpu.memory_space<hbm>>
        %dma_wait3A_181 = arith.constant 0 : i32
        %dma_wait3A_182 = tpu.memref_slice %arg3[%dma_wait3A_181] : memref<320000xi32, #tpu.memory_space<hbm>> -> memref<80xi32, #tpu.memory_space<hbm>>
        tpu.wait_dma2 semaphore(%arg20 : memref<!tpu.dma_semaphore, #tpu.memory_space<semaphore_mem>>) src(%dma_wait3A_182 : memref<80xi32, #tpu.memory_space<hbm>>) dst(%arg7 : memref<80xi32, #tpu.memory_space<vmem>>)
        %dma_wait3A_183 = arith.constant 0 : i32
        %dma_wait3A_184 = tpu.memref_slice %arg4[%dma_wait3A_183] : memref<320000xi32, #tpu.memory_space<hbm>> -> memref<80xi32, #tpu.memory_space<hbm>>
        %dma_wait3A_185 = arith.constant 0 : i32
        %dma_wait3A_186 = tpu.memref_slice %arg4[%dma_wait3A_185] : memref<320000xi32, #tpu.memory_space<hbm>> -> memref<80xi32, #tpu.memory_space<hbm>>
        tpu.wait_dma2 semaphore(%arg20 : memref<!tpu.dma_semaphore, #tpu.memory_space<semaphore_mem>>) src(%dma_wait3A_186 : memref<80xi32, #tpu.memory_space<hbm>>) dst(%arg11 : memref<80xi32, #tpu.memory_space<vmem>>)
        %dma_start3A = arith.constant 0 : i32
        %dma_start3A_187 = arith.constant 0 : i32
        %dma_start3A_188 = tpu.memref_slice %arg2[%dma_start3A, %dma_start3A_187] : memref<10000x128xf32, #tpu.memory_space<hbm>> -> memref<10000x128xf32, #tpu.memory_space<hbm>>
        tpu.enqueue_indirect_dma source(%dma_start3A_188 : memref<10000x128xf32, #tpu.memory_space<hbm>>) target(%arg15 : memref<80x128xf32, #tpu.memory_space<vmem>>) offsets(%arg7 : memref<80xi32, #tpu.memory_space<vmem>>) semaphore(%arg24 : memref<!tpu.dma_semaphore, #tpu.memory_space<semaphore_mem>>)
      } else {
      }
      %sub3A_131 = arith.constant 3 : i32
      %sub3A_132 = arith.subi %add3A_105, %sub3A_131 : i32
      %ge3A_133 = arith.constant 0 : i32
      %ge3A_134 = arith.cmpi sge, %sub3A_132, %ge3A_133 : i32
      %lt3A_135 = arith.constant 125 : i32
      %lt3A_136 = arith.cmpi slt, %sub3A_132, %lt3A_135 : i32
      %and3A_137 = arith.andi %ge3A_134, %lt3A_136 : i1
      %convert_element_type3A_138 = arith.extui %and3A_137 : i1 to i32
      %cond3A_139 = arith.constant 0 : i32
      %cond3A_140 = arith.cmpi ne, %convert_element_type3A_138, %cond3A_139 : i32
      scf.if %cond3A_140 {
        %dma_wait3A = arith.constant 0 : i32
        %dma_wait3A_180 = arith.constant 0 : i32
        %dma_wait3A_181 = tpu.memref_slice %arg2[%dma_wait3A, %dma_wait3A_180] : memref<10000x128xf32, #tpu.memory_space<hbm>> -> memref<10000x128xf32, #tpu.memory_space<hbm>>
        tpu.wait_indirect_dma semaphore(%arg26 : memref<!tpu.dma_semaphore, #tpu.memory_space<semaphore_mem>>) src(%dma_wait3A_181 : memref<10000x128xf32, #tpu.memory_space<hbm>>) dst(%arg17 : memref<80x128xf32, #tpu.memory_space<vmem>>)
        %dma_start3A = arith.constant 0 : i32
        %dma_start3A_182 = arith.constant 0 : i32
        %dma_start3A_183 = tpu.memref_slice %arg18[%dma_start3A, %dma_start3A_182] : memref<10240x128xf32, #tpu.memory_space<vmem_shared>> -> memref<10240x128xf32, #tpu.memory_space<vmem_shared>>
        tpu.enqueue_indirect_dma source(%arg17 : memref<80x128xf32, #tpu.memory_space<vmem>>) target(%dma_start3A_183 : memref<10240x128xf32, #tpu.memory_space<vmem_shared>>) offsets(%arg13 : memref<80xi32, #tpu.memory_space<vmem>>) semaphore(%arg30 : memref<!tpu.dma_semaphore, #tpu.memory_space<semaphore_mem>>) {add = true}
      } else {
      }
      %mul3A_141 = arith.constant 4 : i32
      %mul3A_142 = arith.muli %scan3A_29, %mul3A_141 : i32
      %add3A_143 = arith.constant 3 : i32
      %add3A_144 = arith.addi %mul3A_142, %add3A_143 : i32
      %ge3A_145 = arith.constant 4 : i32
      %ge3A_146 = arith.cmpi sge, %add3A_144, %ge3A_145 : i32
      %sub3A_147 = arith.constant 4 : i32
      %sub3A_148 = arith.subi %add3A_144, %sub3A_147 : i32
      %lt3A_149 = arith.constant 125 : i32
      %lt3A_150 = arith.cmpi slt, %sub3A_148, %lt3A_149 : i32
      %and3A_151 = arith.andi %ge3A_146, %lt3A_150 : i1
      %convert_element_type3A_152 = arith.extui %and3A_151 : i1 to i32
      %cond3A_153 = arith.constant 0 : i32
      %cond3A_154 = arith.cmpi ne, %convert_element_type3A_152, %cond3A_153 : i32
      scf.if %cond3A_154 {
        %dma_wait3A = arith.constant 0 : i32
        %dma_wait3A_180 = arith.constant 0 : i32
        %dma_wait3A_181 = tpu.memref_slice %arg18[%dma_wait3A, %dma_wait3A_180] : memref<10240x128xf32, #tpu.memory_space<vmem_shared>> -> memref<10240x128xf32, #tpu.memory_space<vmem_shared>>
        tpu.wait_indirect_dma semaphore(%arg30 : memref<!tpu.dma_semaphore, #tpu.memory_space<semaphore_mem>>) src(%arg17 : memref<80x128xf32, #tpu.memory_space<vmem>>) dst(%dma_wait3A_181 : memref<10240x128xf32, #tpu.memory_space<vmem_shared>>)
      } else {
      }
      %lt3A_155 = arith.constant 125 : i32
      %lt3A_156 = arith.cmpi slt, %add3A_144, %lt3A_155 : i32
      %convert_element_type3A_157 = arith.extui %lt3A_156 : i1 to i32
      %cond3A_158 = arith.constant 0 : i32
      %cond3A_159 = arith.cmpi ne, %convert_element_type3A_157, %cond3A_158 : i32
      scf.if %cond3A_159 {
        %mul3A_180 = arith.constant 80 : i32
        %mul3A_181 = arith.muli %add3A_144, %mul3A_180 : i32
        %add3A_182 = arith.addi %mul3A_15, %mul3A_181 : i32
        %dma_start3A = tpu.memref_slice %arg3[%add3A_182] : memref<320000xi32, #tpu.memory_space<hbm>> -> memref<80xi32, #tpu.memory_space<hbm>>
        %dma_start3A_183 = tpu.memref_slice %arg3[%add3A_182] : memref<320000xi32, #tpu.memory_space<hbm>> -> memref<80xi32, #tpu.memory_space<hbm>>
        tpu.enqueue_dma source(%dma_start3A_183 : memref<80xi32, #tpu.memory_space<hbm>>) target(%arg9 : memref<80xi32, #tpu.memory_space<vmem>>) target_semaphore(%arg22 : memref<!tpu.dma_semaphore, #tpu.memory_space<semaphore_mem>>)
        %dma_start3A_184 = tpu.memref_slice %arg4[%add3A_182] : memref<320000xi32, #tpu.memory_space<hbm>> -> memref<80xi32, #tpu.memory_space<hbm>>
        %dma_start3A_185 = tpu.memref_slice %arg4[%add3A_182] : memref<320000xi32, #tpu.memory_space<hbm>> -> memref<80xi32, #tpu.memory_space<hbm>>
        tpu.enqueue_dma source(%dma_start3A_185 : memref<80xi32, #tpu.memory_space<hbm>>) target(%arg13 : memref<80xi32, #tpu.memory_space<vmem>>) target_semaphore(%arg22 : memref<!tpu.dma_semaphore, #tpu.memory_space<semaphore_mem>>)
      } else {
      }
      %sub3A_160 = arith.constant 1 : i32
      %sub3A_161 = arith.subi %add3A_144, %sub3A_160 : i32
      %ge3A_162 = arith.constant 0 : i32
      %ge3A_163 = arith.cmpi sge, %sub3A_161, %ge3A_162 : i32
      %lt3A_164 = arith.constant 125 : i32
      %lt3A_165 = arith.cmpi slt, %sub3A_161, %lt3A_164 : i32
      %and3A_166 = arith.andi %ge3A_163, %lt3A_165 : i1
      %convert_element_type3A_167 = arith.extui %and3A_166 : i1 to i32
      %cond3A_168 = arith.constant 0 : i32
      %cond3A_169 = arith.cmpi ne, %convert_element_type3A_167, %cond3A_168 : i32
      scf.if %cond3A_169 {
        %dma_wait3A = arith.constant 0 : i32
        %dma_wait3A_180 = tpu.memref_slice %arg3[%dma_wait3A] : memref<320000xi32, #tpu.memory_space<hbm>> -> memref<80xi32, #tpu.memory_space<hbm>>
        %dma_wait3A_181 = arith.constant 0 : i32
        %dma_wait3A_182 = tpu.memref_slice %arg3[%dma_wait3A_181] : memref<320000xi32, #tpu.memory_space<hbm>> -> memref<80xi32, #tpu.memory_space<hbm>>
        tpu.wait_dma2 semaphore(%arg21 : memref<!tpu.dma_semaphore, #tpu.memory_space<semaphore_mem>>) src(%dma_wait3A_182 : memref<80xi32, #tpu.memory_space<hbm>>) dst(%arg8 : memref<80xi32, #tpu.memory_space<vmem>>)
        %dma_wait3A_183 = arith.constant 0 : i32
        %dma_wait3A_184 = tpu.memref_slice %arg4[%dma_wait3A_183] : memref<320000xi32, #tpu.memory_space<hbm>> -> memref<80xi32, #tpu.memory_space<hbm>>
        %dma_wait3A_185 = arith.constant 0 : i32
        %dma_wait3A_186 = tpu.memref_slice %arg4[%dma_wait3A_185] : memref<320000xi32, #tpu.memory_space<hbm>> -> memref<80xi32, #tpu.memory_space<hbm>>
        tpu.wait_dma2 semaphore(%arg21 : memref<!tpu.dma_semaphore, #tpu.memory_space<semaphore_mem>>) src(%dma_wait3A_186 : memref<80xi32, #tpu.memory_space<hbm>>) dst(%arg12 : memref<80xi32, #tpu.memory_space<vmem>>)
        %dma_start3A = arith.constant 0 : i32
        %dma_start3A_187 = arith.constant 0 : i32
        %dma_start3A_188 = tpu.memref_slice %arg2[%dma_start3A, %dma_start3A_187] : memref<10000x128xf32, #tpu.memory_space<hbm>> -> memref<10000x128xf32, #tpu.memory_space<hbm>>
        tpu.enqueue_indirect_dma source(%dma_start3A_188 : memref<10000x128xf32, #tpu.memory_space<hbm>>) target(%arg16 : memref<80x128xf32, #tpu.memory_space<vmem>>) offsets(%arg8 : memref<80xi32, #tpu.memory_space<vmem>>) semaphore(%arg25 : memref<!tpu.dma_semaphore, #tpu.memory_space<semaphore_mem>>)
      } else {
      }
      %sub3A_170 = arith.constant 3 : i32
      %sub3A_171 = arith.subi %add3A_144, %sub3A_170 : i32
      %ge3A_172 = arith.constant 0 : i32
      %ge3A_173 = arith.cmpi sge, %sub3A_171, %ge3A_172 : i32
      %lt3A_174 = arith.constant 125 : i32
      %lt3A_175 = arith.cmpi slt, %sub3A_171, %lt3A_174 : i32
      %and3A_176 = arith.andi %ge3A_173, %lt3A_175 : i1
      %convert_element_type3A_177 = arith.extui %and3A_176 : i1 to i32
      %cond3A_178 = arith.constant 0 : i32
      %cond3A_179 = arith.cmpi ne, %convert_element_type3A_177, %cond3A_178 : i32
      scf.if %cond3A_179 {
        %dma_wait3A = arith.constant 0 : i32
        %dma_wait3A_180 = arith.constant 0 : i32
        %dma_wait3A_181 = tpu.memref_slice %arg2[%dma_wait3A, %dma_wait3A_180] : memref<10000x128xf32, #tpu.memory_space<hbm>> -> memref<10000x128xf32, #tpu.memory_space<hbm>>
        tpu.wait_indirect_dma semaphore(%arg23 : memref<!tpu.dma_semaphore, #tpu.memory_space<semaphore_mem>>) src(%dma_wait3A_181 : memref<10000x128xf32, #tpu.memory_space<hbm>>) dst(%arg14 : memref<80x128xf32, #tpu.memory_space<vmem>>)
        %dma_start3A = arith.constant 0 : i32
        %dma_start3A_182 = arith.constant 0 : i32
        %dma_start3A_183 = tpu.memref_slice %arg18[%dma_start3A, %dma_start3A_182] : memref<10240x128xf32, #tpu.memory_space<vmem_shared>> -> memref<10240x128xf32, #tpu.memory_space<vmem_shared>>
        tpu.enqueue_indirect_dma source(%arg14 : memref<80x128xf32, #tpu.memory_space<vmem>>) target(%dma_start3A_183 : memref<10240x128xf32, #tpu.memory_space<vmem_shared>>) offsets(%arg10 : memref<80xi32, #tpu.memory_space<vmem>>) semaphore(%arg27 : memref<!tpu.dma_semaphore, #tpu.memory_space<semaphore_mem>>) {add = true}
      } else {
      }
    }
    %scan3A_21 = arith.constant 33 : i32
    %barrier3A_22 = arith.constant 0 : index
    tpu.barrier barrier_id(%barrier3A_22)
    %scan3A_23 = arith.constant 0 : i32
    %scan3A_24 = arith.constant 0 : i32
    %scan3A_25 = arith.constant 8 : i32
    %scan3A_26 = arith.addi %scan3A_24, %scan3A_25 : i32
    %scan3A_27 = arith.constant 1 : i32
    scf.for %scan3A_29 = %scan3A_24 to %scan3A_26 step %scan3A_27  : i32 {
      %mul3A_30 = arith.constant 80 : i32
      %mul3A_31 = arith.muli %scan3A_29, %mul3A_30 : i32
      %add3A_32 = arith.addi %mul3A_5, %mul3A_31 : i32
      "tpu.region"() ({
        %run_scoped3A = tpu.sem_alloc : memref<!tpu.dma_semaphore, #tpu.memory_space<semaphore_mem>>
        %dma_start3A = arith.constant 0 : i32
        %dma_start3A_33 = tpu.memref_slice %arg5[%arg0, %add3A_32, %dma_start3A] : memref<2x10240x128xf32, #tpu.memory_space<hbm>> -> memref<1x80x128xf32, #tpu.memory_space<hbm>>
        %dma_start3A_34 = tpu.memref_squeeze %dma_start3A_33 : memref<1x80x128xf32, #tpu.memory_space<hbm>> -> memref<80x128xf32, #tpu.memory_space<hbm>>
        %dma_start3A_35 = arith.constant 0 : i32
        %dma_start3A_36 = tpu.memref_slice %arg18[%add3A_32, %dma_start3A_35] : memref<10240x128xf32, #tpu.memory_space<vmem_shared>> -> memref<80x128xf32, #tpu.memory_space<vmem_shared>>
        tpu.enqueue_dma source(%dma_start3A_36 : memref<80x128xf32, #tpu.memory_space<vmem_shared>>) target(%dma_start3A_34 : memref<80x128xf32, #tpu.memory_space<hbm>>) target_semaphore(%run_scoped3A : memref<!tpu.dma_semaphore, #tpu.memory_space<semaphore_mem>>)
        %dma_wait3A = arith.constant 0 : i32
        %dma_wait3A_37 = tpu.memref_slice %arg5[%arg0, %add3A_32, %dma_wait3A] : memref<2x10240x128xf32, #tpu.memory_space<hbm>> -> memref<1x80x128xf32, #tpu.memory_space<hbm>>
        %dma_wait3A_38 = tpu.memref_squeeze %dma_wait3A_37 : memref<1x80x128xf32, #tpu.memory_space<hbm>> -> memref<80x128xf32, #tpu.memory_space<hbm>>
        %dma_wait3A_39 = arith.constant 0 : i32
        %dma_wait3A_40 = tpu.memref_slice %arg18[%add3A_32, %dma_wait3A_39] : memref<10240x128xf32, #tpu.memory_space<vmem_shared>> -> memref<80x128xf32, #tpu.memory_space<vmem_shared>>
        tpu.wait_dma2 semaphore(%run_scoped3A : memref<!tpu.dma_semaphore, #tpu.memory_space<semaphore_mem>>) src(%dma_wait3A_40 : memref<80x128xf32, #tpu.memory_space<vmem_shared>>) dst(%dma_wait3A_38 : memref<80x128xf32, #tpu.memory_space<hbm>>)
        tpu.yield
      }) : () -> ()
    }
    %scan3A_28 = arith.constant 8 : i32
    return
  }
}

#map = affine_map<(d0, d1) -> (0)>
#map1 = affine_map<(d0, d1) -> (0, 0, 0)>
module attributes {stable_mosaic.version = 14 : i64} {
  func.func @k(%arg0: i32, %arg1: i32, %arg2: memref<320000xi32, #tpu.memory_space<hbm>>, %arg3: memref<2x10240x128xf32, #tpu.memory_space<hbm>>, %arg4: memref<80x128xf32, #tpu.memory_space<vmem>>, %arg5: memref<80xi32, #tpu.memory_space<vmem>>, %arg6: memref<80xi32, #tpu.memory_space<vmem>>, %arg7: memref<80xi32, #tpu.memory_space<vmem>>, %arg8: memref<80xi32, #tpu.memory_space<vmem>>, %arg9: memref<80xi32, #tpu.memory_space<vmem>>, %arg10: memref<80xi32, #tpu.memory_space<vmem>>, %arg11: memref<80xi32, #tpu.memory_space<vmem>>, %arg12: memref<80xi32, #tpu.memory_space<vmem>>, %arg13: memref<80xi32, #tpu.memory_space<vmem>>, %arg14: memref<80xi32, #tpu.memory_space<vmem>>, %arg15: memref<10240x128xf32, #tpu.memory_space<vmem_shared>>, %arg16: memref<!tpu.dma_semaphore, #tpu.memory_space<semaphore_mem>>, %arg17: memref<!tpu.dma_semaphore, #tpu.memory_space<semaphore_mem>>, %arg18: memref<!tpu.dma_semaphore, #tpu.memory_space<semaphore_mem>>, %arg19: memref<!tpu.dma_semaphore, #tpu.memory_space<semaphore_mem>>, %arg20: memref<!tpu.dma_semaphore, #tpu.memory_space<semaphore_mem>>, %arg21: memref<!tpu.dma_semaphore, #tpu.memory_space<semaphore_mem>>, %arg22: memref<!tpu.dma_semaphore, #tpu.memory_space<semaphore_mem>>, %arg23: memref<!tpu.dma_semaphore, #tpu.memory_space<semaphore_mem>>, %arg24: memref<!tpu.dma_semaphore, #tpu.memory_space<semaphore_mem>>, %arg25: memref<!tpu.dma_semaphore, #tpu.memory_space<semaphore_mem>>, %arg26: memref<!tpu.dma_semaphore, #tpu.memory_space<semaphore_mem>>, %arg27: memref<!tpu.dma_semaphore, #tpu.memory_space<semaphore_mem>>, %arg28: memref<!tpu.dma_semaphore, #tpu.memory_space<semaphore_mem>>, %arg29: memref<!tpu.dma_semaphore, #tpu.memory_space<semaphore_mem>>, %arg30: memref<!tpu.dma_semaphore, #tpu.memory_space<semaphore_mem>>, %arg31: memref<!tpu.dma_semaphore, #tpu.memory_space<semaphore_mem>>, %arg32: memref<!tpu.dma_semaphore, #tpu.memory_space<semaphore_mem>>, %arg33: memref<!tpu.dma_semaphore, #tpu.memory_space<semaphore_mem>>, %arg34: memref<!tpu.dma_semaphore, #tpu.memory_space<semaphore_mem>>, %arg35: memref<!tpu.dma_semaphore, #tpu.memory_space<semaphore_mem>>) attributes {dimension_semantics = [#tpu.dimension_semantics<core_parallel>, #tpu.dimension_semantics<subcore_parallel>], iteration_bounds = array<i64: 2, 16>, scalar_prefetch = 0 : i64, scratch_operands = 32 : i64, tpu.core_type = #tpu.core_type<sc_vector_subcore>, window_params = [{transform_indices = #map}, {transform_indices = #map1}]} {
    %scan3A = arith.constant 0 : i32
    %scan3A_0 = arith.constant 0 : i32
    %scan3A_1 = arith.constant 80 : i32
    %scan3A_2 = arith.addi %scan3A_0, %scan3A_1 : i32
    %scan3A_3 = arith.constant 1 : i32
    scf.for %scan3A_35 = %scan3A_0 to %scan3A_2 step %scan3A_3  : i32 {
      %broadcast_in_dim3A = arith.constant 0.000000e+00 : f32
      %broadcast_in_dim3A_36 = vector.broadcast %broadcast_in_dim3A : f32 to vector<16xf32>
      %swap3A = arith.index_cast %scan3A_35 : i32 to index
      %swap3A_37 = arith.constant 0 : index
      %swap3A_38 = tpu.vector_load %arg4[%swap3A, %swap3A_37] {strides = array<i32>} : memref<80x128xf32, #tpu.memory_space<vmem>>, vector<1x16xf32>,
      %swap3A_39 = vector.shape_cast %swap3A_38 : vector<1x16xf32> to vector<16xf32>
      %swap3A_40 = vector.shape_cast %broadcast_in_dim3A_36 : vector<16xf32> to vector<1x16xf32>
      tpu.vector_store %arg4[%swap3A, %swap3A_37], %swap3A_40 {strides = array<i32>} : memref<80x128xf32, #tpu.memory_space<vmem>>, vector<1x16xf32>,
      %broadcast_in_dim3A_41 = arith.constant 0.000000e+00 : f32
      %broadcast_in_dim3A_42 = vector.broadcast %broadcast_in_dim3A_41 : f32 to vector<16xf32>
      %swap3A_43 = arith.index_cast %scan3A_35 : i32 to index
      %swap3A_44 = arith.constant 16 : index
      %swap3A_45 = tpu.vector_load %arg4[%swap3A_43, %swap3A_44] {strides = array<i32>} : memref<80x128xf32, #tpu.memory_space<vmem>>, vector<1x16xf32>,
      %swap3A_46 = vector.shape_cast %swap3A_45 : vector<1x16xf32> to vector<16xf32>
      %swap3A_47 = vector.shape_cast %broadcast_in_dim3A_42 : vector<16xf32> to vector<1x16xf32>
      tpu.vector_store %arg4[%swap3A_43, %swap3A_44], %swap3A_47 {strides = array<i32>} : memref<80x128xf32, #tpu.memory_space<vmem>>, vector<1x16xf32>,
      %broadcast_in_dim3A_48 = arith.constant 0.000000e+00 : f32
      %broadcast_in_dim3A_49 = vector.broadcast %broadcast_in_dim3A_48 : f32 to vector<16xf32>
      %swap3A_50 = arith.index_cast %scan3A_35 : i32 to index
      %swap3A_51 = arith.constant 32 : index
      %swap3A_52 = tpu.vector_load %arg4[%swap3A_50, %swap3A_51] {strides = array<i32>} : memref<80x128xf32, #tpu.memory_space<vmem>>, vector<1x16xf32>,
      %swap3A_53 = vector.shape_cast %swap3A_52 : vector<1x16xf32> to vector<16xf32>
      %swap3A_54 = vector.shape_cast %broadcast_in_dim3A_49 : vector<16xf32> to vector<1x16xf32>
      tpu.vector_store %arg4[%swap3A_50, %swap3A_51], %swap3A_54 {strides = array<i32>} : memref<80x128xf32, #tpu.memory_space<vmem>>, vector<1x16xf32>,
      %broadcast_in_dim3A_55 = arith.constant 0.000000e+00 : f32
      %broadcast_in_dim3A_56 = vector.broadcast %broadcast_in_dim3A_55 : f32 to vector<16xf32>
      %swap3A_57 = arith.index_cast %scan3A_35 : i32 to index
      %swap3A_58 = arith.constant 48 : index
      %swap3A_59 = tpu.vector_load %arg4[%swap3A_57, %swap3A_58] {strides = array<i32>} : memref<80x128xf32, #tpu.memory_space<vmem>>, vector<1x16xf32>,
      %swap3A_60 = vector.shape_cast %swap3A_59 : vector<1x16xf32> to vector<16xf32>
      %swap3A_61 = vector.shape_cast %broadcast_in_dim3A_56 : vector<16xf32> to vector<1x16xf32>
      tpu.vector_store %arg4[%swap3A_57, %swap3A_58], %swap3A_61 {strides = array<i32>} : memref<80x128xf32, #tpu.memory_space<vmem>>, vector<1x16xf32>,
      %broadcast_in_dim3A_62 = arith.constant 0.000000e+00 : f32
      %broadcast_in_dim3A_63 = vector.broadcast %broadcast_in_dim3A_62 : f32 to vector<16xf32>
      %swap3A_64 = arith.index_cast %scan3A_35 : i32 to index
      %swap3A_65 = arith.constant 64 : index
      %swap3A_66 = tpu.vector_load %arg4[%swap3A_64, %swap3A_65] {strides = array<i32>} : memref<80x128xf32, #tpu.memory_space<vmem>>, vector<1x16xf32>,
      %swap3A_67 = vector.shape_cast %swap3A_66 : vector<1x16xf32> to vector<16xf32>
      %swap3A_68 = vector.shape_cast %broadcast_in_dim3A_63 : vector<16xf32> to vector<1x16xf32>
      tpu.vector_store %arg4[%swap3A_64, %swap3A_65], %swap3A_68 {strides = array<i32>} : memref<80x128xf32, #tpu.memory_space<vmem>>, vector<1x16xf32>,
      %broadcast_in_dim3A_69 = arith.constant 0.000000e+00 : f32
      %broadcast_in_dim3A_70 = vector.broadcast %broadcast_in_dim3A_69 : f32 to vector<16xf32>
      %swap3A_71 = arith.index_cast %scan3A_35 : i32 to index
      %swap3A_72 = arith.constant 80 : index
      %swap3A_73 = tpu.vector_load %arg4[%swap3A_71, %swap3A_72] {strides = array<i32>} : memref<80x128xf32, #tpu.memory_space<vmem>>, vector<1x16xf32>,
      %swap3A_74 = vector.shape_cast %swap3A_73 : vector<1x16xf32> to vector<16xf32>
      %swap3A_75 = vector.shape_cast %broadcast_in_dim3A_70 : vector<16xf32> to vector<1x16xf32>
      tpu.vector_store %arg4[%swap3A_71, %swap3A_72], %swap3A_75 {strides = array<i32>} : memref<80x128xf32, #tpu.memory_space<vmem>>, vector<1x16xf32>,
      %broadcast_in_dim3A_76 = arith.constant 0.000000e+00 : f32
      %broadcast_in_dim3A_77 = vector.broadcast %broadcast_in_dim3A_76 : f32 to vector<16xf32>
      %swap3A_78 = arith.index_cast %scan3A_35 : i32 to index
      %swap3A_79 = arith.constant 96 : index
      %swap3A_80 = tpu.vector_load %arg4[%swap3A_78, %swap3A_79] {strides = array<i32>} : memref<80x128xf32, #tpu.memory_space<vmem>>, vector<1x16xf32>,
      %swap3A_81 = vector.shape_cast %swap3A_80 : vector<1x16xf32> to vector<16xf32>
      %swap3A_82 = vector.shape_cast %broadcast_in_dim3A_77 : vector<16xf32> to vector<1x16xf32>
      tpu.vector_store %arg4[%swap3A_78, %swap3A_79], %swap3A_82 {strides = array<i32>} : memref<80x128xf32, #tpu.memory_space<vmem>>, vector<1x16xf32>,
      %broadcast_in_dim3A_83 = arith.constant 0.000000e+00 : f32
      %broadcast_in_dim3A_84 = vector.broadcast %broadcast_in_dim3A_83 : f32 to vector<16xf32>
      %swap3A_85 = arith.index_cast %scan3A_35 : i32 to index
      %swap3A_86 = arith.constant 112 : index
      %swap3A_87 = tpu.vector_load %arg4[%swap3A_85, %swap3A_86] {strides = array<i32>} : memref<80x128xf32, #tpu.memory_space<vmem>>, vector<1x16xf32>,
      %swap3A_88 = vector.shape_cast %swap3A_87 : vector<1x16xf32> to vector<16xf32>
      %swap3A_89 = vector.shape_cast %broadcast_in_dim3A_84 : vector<16xf32> to vector<1x16xf32>
      tpu.vector_store %arg4[%swap3A_85, %swap3A_86], %swap3A_89 {strides = array<i32>} : memref<80x128xf32, #tpu.memory_space<vmem>>, vector<1x16xf32>,
    }
    %scan3A_4 = arith.constant 80 : i32
    %mul3A = arith.constant 640 : i32
    %mul3A_5 = arith.muli %arg1, %mul3A : i32
    %scan3A_6 = arith.constant 0 : i32
    %scan3A_7 = arith.constant 0 : i32
    %scan3A_8 = arith.constant 8 : i32
    %scan3A_9 = arith.addi %scan3A_7, %scan3A_8 : i32
    %scan3A_10 = arith.constant 1 : i32
    scf.for %scan3A_35 = %scan3A_7 to %scan3A_9 step %scan3A_10  : i32 {
      %mul3A_36 = arith.constant 80 : i32
      %mul3A_37 = arith.muli %scan3A_35, %mul3A_36 : i32
      %add3A_38 = arith.addi %mul3A_5, %mul3A_37 : i32
      "tpu.region"() ({
        %run_scoped3A = tpu.sem_alloc : memref<!tpu.dma_semaphore, #tpu.memory_space<semaphore_mem>>
        %dma_start3A = arith.constant 0 : i32
        %dma_start3A_39 = tpu.memref_slice %arg15[%add3A_38, %dma_start3A] : memref<10240x128xf32, #tpu.memory_space<vmem_shared>> -> memref<80x128xf32, #tpu.memory_space<vmem_shared>>
        %dma_start3A_40 = arith.constant 0 : i32
        %dma_start3A_41 = tpu.memref_slice %arg15[%add3A_38, %dma_start3A_40] : memref<10240x128xf32, #tpu.memory_space<vmem_shared>> -> memref<80x128xf32, #tpu.memory_space<vmem_shared>>
        tpu.enqueue_dma source(%arg4 : memref<80x128xf32, #tpu.memory_space<vmem>>) target(%dma_start3A_41 : memref<80x128xf32, #tpu.memory_space<vmem_shared>>) target_semaphore(%run_scoped3A : memref<!tpu.dma_semaphore, #tpu.memory_space<semaphore_mem>>)
        %dma_wait3A = arith.constant 0 : i32
        %dma_wait3A_42 = tpu.memref_slice %arg15[%add3A_38, %dma_wait3A] : memref<10240x128xf32, #tpu.memory_space<vmem_shared>> -> memref<80x128xf32, #tpu.memory_space<vmem_shared>>
        %dma_wait3A_43 = arith.constant 0 : i32
        %dma_wait3A_44 = tpu.memref_slice %arg15[%add3A_38, %dma_wait3A_43] : memref<10240x128xf32, #tpu.memory_space<vmem_shared>> -> memref<80x128xf32, #tpu.memory_space<vmem_shared>>
        tpu.wait_dma2 semaphore(%run_scoped3A : memref<!tpu.dma_semaphore, #tpu.memory_space<semaphore_mem>>) src(%arg4 : memref<80x128xf32, #tpu.memory_space<vmem>>) dst(%dma_wait3A_44 : memref<80x128xf32, #tpu.memory_space<vmem_shared>>)
        tpu.yield
      }) : () -> ()
    }
    %scan3A_11 = arith.constant 8 : i32
    %barrier3A = arith.constant 0 : index
    tpu.barrier barrier_id(%barrier3A)
    %scan3A_12 = arith.constant 0 : i32
    %scan3A_13 = arith.constant 0 : i32
    %scan3A_14 = arith.constant 80 : i32
    %scan3A_15 = arith.addi %scan3A_13, %scan3A_14 : i32
    %scan3A_16 = arith.constant 1 : i32
    scf.for %scan3A_35 = %scan3A_13 to %scan3A_15 step %scan3A_16  : i32 {
      %broadcast_in_dim3A = arith.constant 1.000000e+00 : f32
      %broadcast_in_dim3A_36 = vector.broadcast %broadcast_in_dim3A : f32 to vector<16xf32>
      %swap3A = arith.index_cast %scan3A_35 : i32 to index
      %swap3A_37 = arith.constant 0 : index
      %swap3A_38 = tpu.vector_load %arg4[%swap3A, %swap3A_37] {strides = array<i32>} : memref<80x128xf32, #tpu.memory_space<vmem>>, vector<1x16xf32>,
      %swap3A_39 = vector.shape_cast %swap3A_38 : vector<1x16xf32> to vector<16xf32>
      %swap3A_40 = vector.shape_cast %broadcast_in_dim3A_36 : vector<16xf32> to vector<1x16xf32>
      tpu.vector_store %arg4[%swap3A, %swap3A_37], %swap3A_40 {strides = array<i32>} : memref<80x128xf32, #tpu.memory_space<vmem>>, vector<1x16xf32>,
      %broadcast_in_dim3A_41 = arith.constant 1.000000e+00 : f32
      %broadcast_in_dim3A_42 = vector.broadcast %broadcast_in_dim3A_41 : f32 to vector<16xf32>
      %swap3A_43 = arith.index_cast %scan3A_35 : i32 to index
      %swap3A_44 = arith.constant 16 : index
      %swap3A_45 = tpu.vector_load %arg4[%swap3A_43, %swap3A_44] {strides = array<i32>} : memref<80x128xf32, #tpu.memory_space<vmem>>, vector<1x16xf32>,
      %swap3A_46 = vector.shape_cast %swap3A_45 : vector<1x16xf32> to vector<16xf32>
      %swap3A_47 = vector.shape_cast %broadcast_in_dim3A_42 : vector<16xf32> to vector<1x16xf32>
      tpu.vector_store %arg4[%swap3A_43, %swap3A_44], %swap3A_47 {strides = array<i32>} : memref<80x128xf32, #tpu.memory_space<vmem>>, vector<1x16xf32>,
      %broadcast_in_dim3A_48 = arith.constant 1.000000e+00 : f32
      %broadcast_in_dim3A_49 = vector.broadcast %broadcast_in_dim3A_48 : f32 to vector<16xf32>
      %swap3A_50 = arith.index_cast %scan3A_35 : i32 to index
      %swap3A_51 = arith.constant 32 : index
      %swap3A_52 = tpu.vector_load %arg4[%swap3A_50, %swap3A_51] {strides = array<i32>} : memref<80x128xf32, #tpu.memory_space<vmem>>, vector<1x16xf32>,
      %swap3A_53 = vector.shape_cast %swap3A_52 : vector<1x16xf32> to vector<16xf32>
      %swap3A_54 = vector.shape_cast %broadcast_in_dim3A_49 : vector<16xf32> to vector<1x16xf32>
      tpu.vector_store %arg4[%swap3A_50, %swap3A_51], %swap3A_54 {strides = array<i32>} : memref<80x128xf32, #tpu.memory_space<vmem>>, vector<1x16xf32>,
      %broadcast_in_dim3A_55 = arith.constant 1.000000e+00 : f32
      %broadcast_in_dim3A_56 = vector.broadcast %broadcast_in_dim3A_55 : f32 to vector<16xf32>
      %swap3A_57 = arith.index_cast %scan3A_35 : i32 to index
      %swap3A_58 = arith.constant 48 : index
      %swap3A_59 = tpu.vector_load %arg4[%swap3A_57, %swap3A_58] {strides = array<i32>} : memref<80x128xf32, #tpu.memory_space<vmem>>, vector<1x16xf32>,
      %swap3A_60 = vector.shape_cast %swap3A_59 : vector<1x16xf32> to vector<16xf32>
      %swap3A_61 = vector.shape_cast %broadcast_in_dim3A_56 : vector<16xf32> to vector<1x16xf32>
      tpu.vector_store %arg4[%swap3A_57, %swap3A_58], %swap3A_61 {strides = array<i32>} : memref<80x128xf32, #tpu.memory_space<vmem>>, vector<1x16xf32>,
      %broadcast_in_dim3A_62 = arith.constant 1.000000e+00 : f32
      %broadcast_in_dim3A_63 = vector.broadcast %broadcast_in_dim3A_62 : f32 to vector<16xf32>
      %swap3A_64 = arith.index_cast %scan3A_35 : i32 to index
      %swap3A_65 = arith.constant 64 : index
      %swap3A_66 = tpu.vector_load %arg4[%swap3A_64, %swap3A_65] {strides = array<i32>} : memref<80x128xf32, #tpu.memory_space<vmem>>, vector<1x16xf32>,
      %swap3A_67 = vector.shape_cast %swap3A_66 : vector<1x16xf32> to vector<16xf32>
      %swap3A_68 = vector.shape_cast %broadcast_in_dim3A_63 : vector<16xf32> to vector<1x16xf32>
      tpu.vector_store %arg4[%swap3A_64, %swap3A_65], %swap3A_68 {strides = array<i32>} : memref<80x128xf32, #tpu.memory_space<vmem>>, vector<1x16xf32>,
      %broadcast_in_dim3A_69 = arith.constant 1.000000e+00 : f32
      %broadcast_in_dim3A_70 = vector.broadcast %broadcast_in_dim3A_69 : f32 to vector<16xf32>
      %swap3A_71 = arith.index_cast %scan3A_35 : i32 to index
      %swap3A_72 = arith.constant 80 : index
      %swap3A_73 = tpu.vector_load %arg4[%swap3A_71, %swap3A_72] {strides = array<i32>} : memref<80x128xf32, #tpu.memory_space<vmem>>, vector<1x16xf32>,
      %swap3A_74 = vector.shape_cast %swap3A_73 : vector<1x16xf32> to vector<16xf32>
      %swap3A_75 = vector.shape_cast %broadcast_in_dim3A_70 : vector<16xf32> to vector<1x16xf32>
      tpu.vector_store %arg4[%swap3A_71, %swap3A_72], %swap3A_75 {strides = array<i32>} : memref<80x128xf32, #tpu.memory_space<vmem>>, vector<1x16xf32>,
      %broadcast_in_dim3A_76 = arith.constant 1.000000e+00 : f32
      %broadcast_in_dim3A_77 = vector.broadcast %broadcast_in_dim3A_76 : f32 to vector<16xf32>
      %swap3A_78 = arith.index_cast %scan3A_35 : i32 to index
      %swap3A_79 = arith.constant 96 : index
      %swap3A_80 = tpu.vector_load %arg4[%swap3A_78, %swap3A_79] {strides = array<i32>} : memref<80x128xf32, #tpu.memory_space<vmem>>, vector<1x16xf32>,
      %swap3A_81 = vector.shape_cast %swap3A_80 : vector<1x16xf32> to vector<16xf32>
      %swap3A_82 = vector.shape_cast %broadcast_in_dim3A_77 : vector<16xf32> to vector<1x16xf32>
      tpu.vector_store %arg4[%swap3A_78, %swap3A_79], %swap3A_82 {strides = array<i32>} : memref<80x128xf32, #tpu.memory_space<vmem>>, vector<1x16xf32>,
      %broadcast_in_dim3A_83 = arith.constant 1.000000e+00 : f32
      %broadcast_in_dim3A_84 = vector.broadcast %broadcast_in_dim3A_83 : f32 to vector<16xf32>
      %swap3A_85 = arith.index_cast %scan3A_35 : i32 to index
      %swap3A_86 = arith.constant 112 : index
      %swap3A_87 = tpu.vector_load %arg4[%swap3A_85, %swap3A_86] {strides = array<i32>} : memref<80x128xf32, #tpu.memory_space<vmem>>, vector<1x16xf32>,
      %swap3A_88 = vector.shape_cast %swap3A_87 : vector<1x16xf32> to vector<16xf32>
      %swap3A_89 = vector.shape_cast %broadcast_in_dim3A_84 : vector<16xf32> to vector<1x16xf32>
      tpu.vector_store %arg4[%swap3A_85, %swap3A_86], %swap3A_89 {strides = array<i32>} : memref<80x128xf32, #tpu.memory_space<vmem>>, vector<1x16xf32>,
    }
    %scan3A_17 = arith.constant 80 : i32
    %mul3A_18 = arith.constant 16 : i32
    %mul3A_19 = arith.muli %arg0, %mul3A_18 : i32
    %add3A = arith.addi %mul3A_19, %arg1 : i32
    %mul3A_20 = arith.constant 10000 : i32
    %mul3A_21 = arith.muli %add3A, %mul3A_20 : i32
    %scan3A_22 = arith.constant 0 : i32
    %scan3A_23 = arith.constant 0 : i32
    %scan3A_24 = arith.constant 14 : i32
    %scan3A_25 = arith.addi %scan3A_23, %scan3A_24 : i32
    %scan3A_26 = arith.constant 1 : i32
    scf.for %scan3A_35 = %scan3A_23 to %scan3A_25 step %scan3A_26  : i32 {
      %mul3A_36 = arith.constant 10 : i32
      %mul3A_37 = arith.muli %scan3A_35, %mul3A_36 : i32
      %add3A_38 = arith.constant 0 : i32
      %add3A_39 = arith.addi %mul3A_37, %add3A_38 : i32
      %ge3A = arith.constant 10 : i32
      %ge3A_40 = arith.cmpi sge, %add3A_39, %ge3A : i32
      %sub3A = arith.constant 10 : i32
      %sub3A_41 = arith.subi %add3A_39, %sub3A : i32
      %lt3A = arith.constant 125 : i32
      %lt3A_42 = arith.cmpi slt, %sub3A_41, %lt3A : i32
      %and3A = arith.andi %ge3A_40, %lt3A_42 : i1
      %convert_element_type3A = arith.extui %and3A : i1 to i32
      %cond3A = arith.constant 0 : i32
      %cond3A_43 = arith.cmpi ne, %convert_element_type3A, %cond3A : i32
      scf.if %cond3A_43 {
        %dma_wait3A = arith.constant 0 : i32
        %dma_wait3A_320 = arith.constant 0 : i32
        %dma_wait3A_321 = tpu.memref_slice %arg15[%dma_wait3A, %dma_wait3A_320] : memref<10240x128xf32, #tpu.memory_space<vmem_shared>> -> memref<10240x128xf32, #tpu.memory_space<vmem_shared>>
        tpu.wait_indirect_dma semaphore(%arg26 : memref<!tpu.dma_semaphore, #tpu.memory_space<semaphore_mem>>) src(%arg4 : memref<80x128xf32, #tpu.memory_space<vmem>>) dst(%dma_wait3A_321 : memref<10240x128xf32, #tpu.memory_space<vmem_shared>>)
      } else {
      }
      %lt3A_44 = arith.constant 125 : i32
      %lt3A_45 = arith.cmpi slt, %add3A_39, %lt3A_44 : i32
      %convert_element_type3A_46 = arith.extui %lt3A_45 : i1 to i32
      %cond3A_47 = arith.constant 0 : i32
      %cond3A_48 = arith.cmpi ne, %convert_element_type3A_46, %cond3A_47 : i32
      scf.if %cond3A_48 {
        %mul3A_320 = arith.constant 80 : i32
        %mul3A_321 = arith.muli %add3A_39, %mul3A_320 : i32
        %add3A_322 = arith.addi %mul3A_21, %mul3A_321 : i32
        %dma_start3A = tpu.memref_slice %arg2[%add3A_322] : memref<320000xi32, #tpu.memory_space<hbm>> -> memref<80xi32, #tpu.memory_space<hbm>>
        %dma_start3A_323 = tpu.memref_slice %arg2[%add3A_322] : memref<320000xi32, #tpu.memory_space<hbm>> -> memref<80xi32, #tpu.memory_space<hbm>>
        tpu.enqueue_dma source(%dma_start3A_323 : memref<80xi32, #tpu.memory_space<hbm>>) target(%arg5 : memref<80xi32, #tpu.memory_space<vmem>>) target_semaphore(%arg16 : memref<!tpu.dma_semaphore, #tpu.memory_space<semaphore_mem>>)
      } else {
      }
      %sub3A_49 = arith.constant 5 : i32
      %sub3A_50 = arith.subi %add3A_39, %sub3A_49 : i32
      %ge3A_51 = arith.constant 0 : i32
      %ge3A_52 = arith.cmpi sge, %sub3A_50, %ge3A_51 : i32
      %lt3A_53 = arith.constant 125 : i32
      %lt3A_54 = arith.cmpi slt, %sub3A_50, %lt3A_53 : i32
      %and3A_55 = arith.andi %ge3A_52, %lt3A_54 : i1
      %convert_element_type3A_56 = arith.extui %and3A_55 : i1 to i32
      %cond3A_57 = arith.constant 0 : i32
      %cond3A_58 = arith.cmpi ne, %convert_element_type3A_56, %cond3A_57 : i32
      scf.if %cond3A_58 {
        %dma_wait3A = arith.constant 0 : i32
        %dma_wait3A_320 = tpu.memref_slice %arg2[%dma_wait3A] : memref<320000xi32, #tpu.memory_space<hbm>> -> memref<80xi32, #tpu.memory_space<hbm>>
        %dma_wait3A_321 = arith.constant 0 : i32
        %dma_wait3A_322 = tpu.memref_slice %arg2[%dma_wait3A_321] : memref<320000xi32, #tpu.memory_space<hbm>> -> memref<80xi32, #tpu.memory_space<hbm>>
        tpu.wait_dma2 semaphore(%arg21 : memref<!tpu.dma_semaphore, #tpu.memory_space<semaphore_mem>>) src(%dma_wait3A_322 : memref<80xi32, #tpu.memory_space<hbm>>) dst(%arg10 : memref<80xi32, #tpu.memory_space<vmem>>)
        %dma_start3A = arith.constant 0 : i32
        %dma_start3A_323 = arith.constant 0 : i32
        %dma_start3A_324 = tpu.memref_slice %arg15[%dma_start3A, %dma_start3A_323] : memref<10240x128xf32, #tpu.memory_space<vmem_shared>> -> memref<10240x128xf32, #tpu.memory_space<vmem_shared>>
        tpu.enqueue_indirect_dma source(%arg4 : memref<80x128xf32, #tpu.memory_space<vmem>>) target(%dma_start3A_324 : memref<10240x128xf32, #tpu.memory_space<vmem_shared>>) offsets(%arg10 : memref<80xi32, #tpu.memory_space<vmem>>) semaphore(%arg31 : memref<!tpu.dma_semaphore, #tpu.memory_space<semaphore_mem>>) {add = true}
      } else {
      }
      %mul3A_59 = arith.constant 10 : i32
      %mul3A_60 = arith.muli %scan3A_35, %mul3A_59 : i32
      %add3A_61 = arith.constant 1 : i32
      %add3A_62 = arith.addi %mul3A_60, %add3A_61 : i32
      %ge3A_63 = arith.constant 10 : i32
      %ge3A_64 = arith.cmpi sge, %add3A_62, %ge3A_63 : i32
      %sub3A_65 = arith.constant 10 : i32
      %sub3A_66 = arith.subi %add3A_62, %sub3A_65 : i32
      %lt3A_67 = arith.constant 125 : i32
      %lt3A_68 = arith.cmpi slt, %sub3A_66, %lt3A_67 : i32
      %and3A_69 = arith.andi %ge3A_64, %lt3A_68 : i1
      %convert_element_type3A_70 = arith.extui %and3A_69 : i1 to i32
      %cond3A_71 = arith.constant 0 : i32
      %cond3A_72 = arith.cmpi ne, %convert_element_type3A_70, %cond3A_71 : i32
      scf.if %cond3A_72 {
        %dma_wait3A = arith.constant 0 : i32
        %dma_wait3A_320 = arith.constant 0 : i32
        %dma_wait3A_321 = tpu.memref_slice %arg15[%dma_wait3A, %dma_wait3A_320] : memref<10240x128xf32, #tpu.memory_space<vmem_shared>> -> memref<10240x128xf32, #tpu.memory_space<vmem_shared>>
        tpu.wait_indirect_dma semaphore(%arg27 : memref<!tpu.dma_semaphore, #tpu.memory_space<semaphore_mem>>) src(%arg4 : memref<80x128xf32, #tpu.memory_space<vmem>>) dst(%dma_wait3A_321 : memref<10240x128xf32, #tpu.memory_space<vmem_shared>>)
      } else {
      }
      %lt3A_73 = arith.constant 125 : i32
      %lt3A_74 = arith.cmpi slt, %add3A_62, %lt3A_73 : i32
      %convert_element_type3A_75 = arith.extui %lt3A_74 : i1 to i32
      %cond3A_76 = arith.constant 0 : i32
      %cond3A_77 = arith.cmpi ne, %convert_element_type3A_75, %cond3A_76 : i32
      scf.if %cond3A_77 {
        %mul3A_320 = arith.constant 80 : i32
        %mul3A_321 = arith.muli %add3A_62, %mul3A_320 : i32
        %add3A_322 = arith.addi %mul3A_21, %mul3A_321 : i32
        %dma_start3A = tpu.memref_slice %arg2[%add3A_322] : memref<320000xi32, #tpu.memory_space<hbm>> -> memref<80xi32, #tpu.memory_space<hbm>>
        %dma_start3A_323 = tpu.memref_slice %arg2[%add3A_322] : memref<320000xi32, #tpu.memory_space<hbm>> -> memref<80xi32, #tpu.memory_space<hbm>>
        tpu.enqueue_dma source(%dma_start3A_323 : memref<80xi32, #tpu.memory_space<hbm>>) target(%arg6 : memref<80xi32, #tpu.memory_space<vmem>>) target_semaphore(%arg17 : memref<!tpu.dma_semaphore, #tpu.memory_space<semaphore_mem>>)
      } else {
      }
      %sub3A_78 = arith.constant 5 : i32
      %sub3A_79 = arith.subi %add3A_62, %sub3A_78 : i32
      %ge3A_80 = arith.constant 0 : i32
      %ge3A_81 = arith.cmpi sge, %sub3A_79, %ge3A_80 : i32
      %lt3A_82 = arith.constant 125 : i32
      %lt3A_83 = arith.cmpi slt, %sub3A_79, %lt3A_82 : i32
      %and3A_84 = arith.andi %ge3A_81, %lt3A_83 : i1
      %convert_element_type3A_85 = arith.extui %and3A_84 : i1 to i32
      %cond3A_86 = arith.constant 0 : i32
      %cond3A_87 = arith.cmpi ne, %convert_element_type3A_85, %cond3A_86 : i32
      scf.if %cond3A_87 {
        %dma_wait3A = arith.constant 0 : i32
        %dma_wait3A_320 = tpu.memref_slice %arg2[%dma_wait3A] : memref<320000xi32, #tpu.memory_space<hbm>> -> memref<80xi32, #tpu.memory_space<hbm>>
        %dma_wait3A_321 = arith.constant 0 : i32
        %dma_wait3A_322 = tpu.memref_slice %arg2[%dma_wait3A_321] : memref<320000xi32, #tpu.memory_space<hbm>> -> memref<80xi32, #tpu.memory_space<hbm>>
        tpu.wait_dma2 semaphore(%arg22 : memref<!tpu.dma_semaphore, #tpu.memory_space<semaphore_mem>>) src(%dma_wait3A_322 : memref<80xi32, #tpu.memory_space<hbm>>) dst(%arg11 : memref<80xi32, #tpu.memory_space<vmem>>)
        %dma_start3A = arith.constant 0 : i32
        %dma_start3A_323 = arith.constant 0 : i32
        %dma_start3A_324 = tpu.memref_slice %arg15[%dma_start3A, %dma_start3A_323] : memref<10240x128xf32, #tpu.memory_space<vmem_shared>> -> memref<10240x128xf32, #tpu.memory_space<vmem_shared>>
        tpu.enqueue_indirect_dma source(%arg4 : memref<80x128xf32, #tpu.memory_space<vmem>>) target(%dma_start3A_324 : memref<10240x128xf32, #tpu.memory_space<vmem_shared>>) offsets(%arg11 : memref<80xi32, #tpu.memory_space<vmem>>) semaphore(%arg32 : memref<!tpu.dma_semaphore, #tpu.memory_space<semaphore_mem>>) {add = true}
      } else {
      }
      %mul3A_88 = arith.constant 10 : i32
      %mul3A_89 = arith.muli %scan3A_35, %mul3A_88 : i32
      %add3A_90 = arith.constant 2 : i32
      %add3A_91 = arith.addi %mul3A_89, %add3A_90 : i32
      %ge3A_92 = arith.constant 10 : i32
      %ge3A_93 = arith.cmpi sge, %add3A_91, %ge3A_92 : i32
      %sub3A_94 = arith.constant 10 : i32
      %sub3A_95 = arith.subi %add3A_91, %sub3A_94 : i32
      %lt3A_96 = arith.constant 125 : i32
      %lt3A_97 = arith.cmpi slt, %sub3A_95, %lt3A_96 : i32
      %and3A_98 = arith.andi %ge3A_93, %lt3A_97 : i1
      %convert_element_type3A_99 = arith.extui %and3A_98 : i1 to i32
      %cond3A_100 = arith.constant 0 : i32
      %cond3A_101 = arith.cmpi ne, %convert_element_type3A_99, %cond3A_100 : i32
      scf.if %cond3A_101 {
        %dma_wait3A = arith.constant 0 : i32
        %dma_wait3A_320 = arith.constant 0 : i32
        %dma_wait3A_321 = tpu.memref_slice %arg15[%dma_wait3A, %dma_wait3A_320] : memref<10240x128xf32, #tpu.memory_space<vmem_shared>> -> memref<10240x128xf32, #tpu.memory_space<vmem_shared>>
        tpu.wait_indirect_dma semaphore(%arg28 : memref<!tpu.dma_semaphore, #tpu.memory_space<semaphore_mem>>) src(%arg4 : memref<80x128xf32, #tpu.memory_space<vmem>>) dst(%dma_wait3A_321 : memref<10240x128xf32, #tpu.memory_space<vmem_shared>>)
      } else {
      }
      %lt3A_102 = arith.constant 125 : i32
      %lt3A_103 = arith.cmpi slt, %add3A_91, %lt3A_102 : i32
      %convert_element_type3A_104 = arith.extui %lt3A_103 : i1 to i32
      %cond3A_105 = arith.constant 0 : i32
      %cond3A_106 = arith.cmpi ne, %convert_element_type3A_104, %cond3A_105 : i32
      scf.if %cond3A_106 {
        %mul3A_320 = arith.constant 80 : i32
        %mul3A_321 = arith.muli %add3A_91, %mul3A_320 : i32
        %add3A_322 = arith.addi %mul3A_21, %mul3A_321 : i32
        %dma_start3A = tpu.memref_slice %arg2[%add3A_322] : memref<320000xi32, #tpu.memory_space<hbm>> -> memref<80xi32, #tpu.memory_space<hbm>>
        %dma_start3A_323 = tpu.memref_slice %arg2[%add3A_322] : memref<320000xi32, #tpu.memory_space<hbm>> -> memref<80xi32, #tpu.memory_space<hbm>>
        tpu.enqueue_dma source(%dma_start3A_323 : memref<80xi32, #tpu.memory_space<hbm>>) target(%arg7 : memref<80xi32, #tpu.memory_space<vmem>>) target_semaphore(%arg18 : memref<!tpu.dma_semaphore, #tpu.memory_space<semaphore_mem>>)
      } else {
      }
      %sub3A_107 = arith.constant 5 : i32
      %sub3A_108 = arith.subi %add3A_91, %sub3A_107 : i32
      %ge3A_109 = arith.constant 0 : i32
      %ge3A_110 = arith.cmpi sge, %sub3A_108, %ge3A_109 : i32
      %lt3A_111 = arith.constant 125 : i32
      %lt3A_112 = arith.cmpi slt, %sub3A_108, %lt3A_111 : i32
      %and3A_113 = arith.andi %ge3A_110, %lt3A_112 : i1
      %convert_element_type3A_114 = arith.extui %and3A_113 : i1 to i32
      %cond3A_115 = arith.constant 0 : i32
      %cond3A_116 = arith.cmpi ne, %convert_element_type3A_114, %cond3A_115 : i32
      scf.if %cond3A_116 {
        %dma_wait3A = arith.constant 0 : i32
        %dma_wait3A_320 = tpu.memref_slice %arg2[%dma_wait3A] : memref<320000xi32, #tpu.memory_space<hbm>> -> memref<80xi32, #tpu.memory_space<hbm>>
        %dma_wait3A_321 = arith.constant 0 : i32
        %dma_wait3A_322 = tpu.memref_slice %arg2[%dma_wait3A_321] : memref<320000xi32, #tpu.memory_space<hbm>> -> memref<80xi32, #tpu.memory_space<hbm>>
        tpu.wait_dma2 semaphore(%arg23 : memref<!tpu.dma_semaphore, #tpu.memory_space<semaphore_mem>>) src(%dma_wait3A_322 : memref<80xi32, #tpu.memory_space<hbm>>) dst(%arg12 : memref<80xi32, #tpu.memory_space<vmem>>)
        %dma_start3A = arith.constant 0 : i32
        %dma_start3A_323 = arith.constant 0 : i32
        %dma_start3A_324 = tpu.memref_slice %arg15[%dma_start3A, %dma_start3A_323] : memref<10240x128xf32, #tpu.memory_space<vmem_shared>> -> memref<10240x128xf32, #tpu.memory_space<vmem_shared>>
        tpu.enqueue_indirect_dma source(%arg4 : memref<80x128xf32, #tpu.memory_space<vmem>>) target(%dma_start3A_324 : memref<10240x128xf32, #tpu.memory_space<vmem_shared>>) offsets(%arg12 : memref<80xi32, #tpu.memory_space<vmem>>) semaphore(%arg33 : memref<!tpu.dma_semaphore, #tpu.memory_space<semaphore_mem>>) {add = true}
      } else {
      }
      %mul3A_117 = arith.constant 10 : i32
      %mul3A_118 = arith.muli %scan3A_35, %mul3A_117 : i32
      %add3A_119 = arith.constant 3 : i32
      %add3A_120 = arith.addi %mul3A_118, %add3A_119 : i32
      %ge3A_121 = arith.constant 10 : i32
      %ge3A_122 = arith.cmpi sge, %add3A_120, %ge3A_121 : i32
      %sub3A_123 = arith.constant 10 : i32
      %sub3A_124 = arith.subi %add3A_120, %sub3A_123 : i32
      %lt3A_125 = arith.constant 125 : i32
      %lt3A_126 = arith.cmpi slt, %sub3A_124, %lt3A_125 : i32
      %and3A_127 = arith.andi %ge3A_122, %lt3A_126 : i1
      %convert_element_type3A_128 = arith.extui %and3A_127 : i1 to i32
      %cond3A_129 = arith.constant 0 : i32
      %cond3A_130 = arith.cmpi ne, %convert_element_type3A_128, %cond3A_129 : i32
      scf.if %cond3A_130 {
        %dma_wait3A = arith.constant 0 : i32
        %dma_wait3A_320 = arith.constant 0 : i32
        %dma_wait3A_321 = tpu.memref_slice %arg15[%dma_wait3A, %dma_wait3A_320] : memref<10240x128xf32, #tpu.memory_space<vmem_shared>> -> memref<10240x128xf32, #tpu.memory_space<vmem_shared>>
        tpu.wait_indirect_dma semaphore(%arg29 : memref<!tpu.dma_semaphore, #tpu.memory_space<semaphore_mem>>) src(%arg4 : memref<80x128xf32, #tpu.memory_space<vmem>>) dst(%dma_wait3A_321 : memref<10240x128xf32, #tpu.memory_space<vmem_shared>>)
      } else {
      }
      %lt3A_131 = arith.constant 125 : i32
      %lt3A_132 = arith.cmpi slt, %add3A_120, %lt3A_131 : i32
      %convert_element_type3A_133 = arith.extui %lt3A_132 : i1 to i32
      %cond3A_134 = arith.constant 0 : i32
      %cond3A_135 = arith.cmpi ne, %convert_element_type3A_133, %cond3A_134 : i32
      scf.if %cond3A_135 {
        %mul3A_320 = arith.constant 80 : i32
        %mul3A_321 = arith.muli %add3A_120, %mul3A_320 : i32
        %add3A_322 = arith.addi %mul3A_21, %mul3A_321 : i32
        %dma_start3A = tpu.memref_slice %arg2[%add3A_322] : memref<320000xi32, #tpu.memory_space<hbm>> -> memref<80xi32, #tpu.memory_space<hbm>>
        %dma_start3A_323 = tpu.memref_slice %arg2[%add3A_322] : memref<320000xi32, #tpu.memory_space<hbm>> -> memref<80xi32, #tpu.memory_space<hbm>>
        tpu.enqueue_dma source(%dma_start3A_323 : memref<80xi32, #tpu.memory_space<hbm>>) target(%arg8 : memref<80xi32, #tpu.memory_space<vmem>>) target_semaphore(%arg19 : memref<!tpu.dma_semaphore, #tpu.memory_space<semaphore_mem>>)
      } else {
      }
      %sub3A_136 = arith.constant 5 : i32
      %sub3A_137 = arith.subi %add3A_120, %sub3A_136 : i32
      %ge3A_138 = arith.constant 0 : i32
      %ge3A_139 = arith.cmpi sge, %sub3A_137, %ge3A_138 : i32
      %lt3A_140 = arith.constant 125 : i32
      %lt3A_141 = arith.cmpi slt, %sub3A_137, %lt3A_140 : i32
      %and3A_142 = arith.andi %ge3A_139, %lt3A_141 : i1
      %convert_element_type3A_143 = arith.extui %and3A_142 : i1 to i32
      %cond3A_144 = arith.constant 0 : i32
      %cond3A_145 = arith.cmpi ne, %convert_element_type3A_143, %cond3A_144 : i32
      scf.if %cond3A_145 {
        %dma_wait3A = arith.constant 0 : i32
        %dma_wait3A_320 = tpu.memref_slice %arg2[%dma_wait3A] : memref<320000xi32, #tpu.memory_space<hbm>> -> memref<80xi32, #tpu.memory_space<hbm>>
        %dma_wait3A_321 = arith.constant 0 : i32
        %dma_wait3A_322 = tpu.memref_slice %arg2[%dma_wait3A_321] : memref<320000xi32, #tpu.memory_space<hbm>> -> memref<80xi32, #tpu.memory_space<hbm>>
        tpu.wait_dma2 semaphore(%arg24 : memref<!tpu.dma_semaphore, #tpu.memory_space<semaphore_mem>>) src(%dma_wait3A_322 : memref<80xi32, #tpu.memory_space<hbm>>) dst(%arg13 : memref<80xi32, #tpu.memory_space<vmem>>)
        %dma_start3A = arith.constant 0 : i32
        %dma_start3A_323 = arith.constant 0 : i32
        %dma_start3A_324 = tpu.memref_slice %arg15[%dma_start3A, %dma_start3A_323] : memref<10240x128xf32, #tpu.memory_space<vmem_shared>> -> memref<10240x128xf32, #tpu.memory_space<vmem_shared>>
        tpu.enqueue_indirect_dma source(%arg4 : memref<80x128xf32, #tpu.memory_space<vmem>>) target(%dma_start3A_324 : memref<10240x128xf32, #tpu.memory_space<vmem_shared>>) offsets(%arg13 : memref<80xi32, #tpu.memory_space<vmem>>) semaphore(%arg34 : memref<!tpu.dma_semaphore, #tpu.memory_space<semaphore_mem>>) {add = true}
      } else {
      }
      %mul3A_146 = arith.constant 10 : i32
      %mul3A_147 = arith.muli %scan3A_35, %mul3A_146 : i32
      %add3A_148 = arith.constant 4 : i32
      %add3A_149 = arith.addi %mul3A_147, %add3A_148 : i32
      %ge3A_150 = arith.constant 10 : i32
      %ge3A_151 = arith.cmpi sge, %add3A_149, %ge3A_150 : i32
      %sub3A_152 = arith.constant 10 : i32
      %sub3A_153 = arith.subi %add3A_149, %sub3A_152 : i32
      %lt3A_154 = arith.constant 125 : i32
      %lt3A_155 = arith.cmpi slt, %sub3A_153, %lt3A_154 : i32
      %and3A_156 = arith.andi %ge3A_151, %lt3A_155 : i1
      %convert_element_type3A_157 = arith.extui %and3A_156 : i1 to i32
      %cond3A_158 = arith.constant 0 : i32
      %cond3A_159 = arith.cmpi ne, %convert_element_type3A_157, %cond3A_158 : i32
      scf.if %cond3A_159 {
        %dma_wait3A = arith.constant 0 : i32
        %dma_wait3A_320 = arith.constant 0 : i32
        %dma_wait3A_321 = tpu.memref_slice %arg15[%dma_wait3A, %dma_wait3A_320] : memref<10240x128xf32, #tpu.memory_space<vmem_shared>> -> memref<10240x128xf32, #tpu.memory_space<vmem_shared>>
        tpu.wait_indirect_dma semaphore(%arg30 : memref<!tpu.dma_semaphore, #tpu.memory_space<semaphore_mem>>) src(%arg4 : memref<80x128xf32, #tpu.memory_space<vmem>>) dst(%dma_wait3A_321 : memref<10240x128xf32, #tpu.memory_space<vmem_shared>>)
      } else {
      }
      %lt3A_160 = arith.constant 125 : i32
      %lt3A_161 = arith.cmpi slt, %add3A_149, %lt3A_160 : i32
      %convert_element_type3A_162 = arith.extui %lt3A_161 : i1 to i32
      %cond3A_163 = arith.constant 0 : i32
      %cond3A_164 = arith.cmpi ne, %convert_element_type3A_162, %cond3A_163 : i32
      scf.if %cond3A_164 {
        %mul3A_320 = arith.constant 80 : i32
        %mul3A_321 = arith.muli %add3A_149, %mul3A_320 : i32
        %add3A_322 = arith.addi %mul3A_21, %mul3A_321 : i32
        %dma_start3A = tpu.memref_slice %arg2[%add3A_322] : memref<320000xi32, #tpu.memory_space<hbm>> -> memref<80xi32, #tpu.memory_space<hbm>>
        %dma_start3A_323 = tpu.memref_slice %arg2[%add3A_322] : memref<320000xi32, #tpu.memory_space<hbm>> -> memref<80xi32, #tpu.memory_space<hbm>>
        tpu.enqueue_dma source(%dma_start3A_323 : memref<80xi32, #tpu.memory_space<hbm>>) target(%arg9 : memref<80xi32, #tpu.memory_space<vmem>>) target_semaphore(%arg20 : memref<!tpu.dma_semaphore, #tpu.memory_space<semaphore_mem>>)
      } else {
      }
      %sub3A_165 = arith.constant 5 : i32
      %sub3A_166 = arith.subi %add3A_149, %sub3A_165 : i32
      %ge3A_167 = arith.constant 0 : i32
      %ge3A_168 = arith.cmpi sge, %sub3A_166, %ge3A_167 : i32
      %lt3A_169 = arith.constant 125 : i32
      %lt3A_170 = arith.cmpi slt, %sub3A_166, %lt3A_169 : i32
      %and3A_171 = arith.andi %ge3A_168, %lt3A_170 : i1
      %convert_element_type3A_172 = arith.extui %and3A_171 : i1 to i32
      %cond3A_173 = arith.constant 0 : i32
      %cond3A_174 = arith.cmpi ne, %convert_element_type3A_172, %cond3A_173 : i32
      scf.if %cond3A_174 {
        %dma_wait3A = arith.constant 0 : i32
        %dma_wait3A_320 = tpu.memref_slice %arg2[%dma_wait3A] : memref<320000xi32, #tpu.memory_space<hbm>> -> memref<80xi32, #tpu.memory_space<hbm>>
        %dma_wait3A_321 = arith.constant 0 : i32
        %dma_wait3A_322 = tpu.memref_slice %arg2[%dma_wait3A_321] : memref<320000xi32, #tpu.memory_space<hbm>> -> memref<80xi32, #tpu.memory_space<hbm>>
        tpu.wait_dma2 semaphore(%arg25 : memref<!tpu.dma_semaphore, #tpu.memory_space<semaphore_mem>>) src(%dma_wait3A_322 : memref<80xi32, #tpu.memory_space<hbm>>) dst(%arg14 : memref<80xi32, #tpu.memory_space<vmem>>)
        %dma_start3A = arith.constant 0 : i32
        %dma_start3A_323 = arith.constant 0 : i32
        %dma_start3A_324 = tpu.memref_slice %arg15[%dma_start3A, %dma_start3A_323] : memref<10240x128xf32, #tpu.memory_space<vmem_shared>> -> memref<10240x128xf32, #tpu.memory_space<vmem_shared>>
        tpu.enqueue_indirect_dma source(%arg4 : memref<80x128xf32, #tpu.memory_space<vmem>>) target(%dma_start3A_324 : memref<10240x128xf32, #tpu.memory_space<vmem_shared>>) offsets(%arg14 : memref<80xi32, #tpu.memory_space<vmem>>) semaphore(%arg35 : memref<!tpu.dma_semaphore, #tpu.memory_space<semaphore_mem>>) {add = true}
      } else {
      }
      %mul3A_175 = arith.constant 10 : i32
      %mul3A_176 = arith.muli %scan3A_35, %mul3A_175 : i32
      %add3A_177 = arith.constant 5 : i32
      %add3A_178 = arith.addi %mul3A_176, %add3A_177 : i32
      %ge3A_179 = arith.constant 10 : i32
      %ge3A_180 = arith.cmpi sge, %add3A_178, %ge3A_179 : i32
      %sub3A_181 = arith.constant 10 : i32
      %sub3A_182 = arith.subi %add3A_178, %sub3A_181 : i32
      %lt3A_183 = arith.constant 125 : i32
      %lt3A_184 = arith.cmpi slt, %sub3A_182, %lt3A_183 : i32
      %and3A_185 = arith.andi %ge3A_180, %lt3A_184 : i1
      %convert_element_type3A_186 = arith.extui %and3A_185 : i1 to i32
      %cond3A_187 = arith.constant 0 : i32
      %cond3A_188 = arith.cmpi ne, %convert_element_type3A_186, %cond3A_187 : i32
      scf.if %cond3A_188 {
        %dma_wait3A = arith.constant 0 : i32
        %dma_wait3A_320 = arith.constant 0 : i32
        %dma_wait3A_321 = tpu.memref_slice %arg15[%dma_wait3A, %dma_wait3A_320] : memref<10240x128xf32, #tpu.memory_space<vmem_shared>> -> memref<10240x128xf32, #tpu.memory_space<vmem_shared>>
        tpu.wait_indirect_dma semaphore(%arg31 : memref<!tpu.dma_semaphore, #tpu.memory_space<semaphore_mem>>) src(%arg4 : memref<80x128xf32, #tpu.memory_space<vmem>>) dst(%dma_wait3A_321 : memref<10240x128xf32, #tpu.memory_space<vmem_shared>>)
      } else {
      }
      %lt3A_189 = arith.constant 125 : i32
      %lt3A_190 = arith.cmpi slt, %add3A_178, %lt3A_189 : i32
      %convert_element_type3A_191 = arith.extui %lt3A_190 : i1 to i32
      %cond3A_192 = arith.constant 0 : i32
      %cond3A_193 = arith.cmpi ne, %convert_element_type3A_191, %cond3A_192 : i32
      scf.if %cond3A_193 {
        %mul3A_320 = arith.constant 80 : i32
        %mul3A_321 = arith.muli %add3A_178, %mul3A_320 : i32
        %add3A_322 = arith.addi %mul3A_21, %mul3A_321 : i32
        %dma_start3A = tpu.memref_slice %arg2[%add3A_322] : memref<320000xi32, #tpu.memory_space<hbm>> -> memref<80xi32, #tpu.memory_space<hbm>>
        %dma_start3A_323 = tpu.memref_slice %arg2[%add3A_322] : memref<320000xi32, #tpu.memory_space<hbm>> -> memref<80xi32, #tpu.memory_space<hbm>>
        tpu.enqueue_dma source(%dma_start3A_323 : memref<80xi32, #tpu.memory_space<hbm>>) target(%arg10 : memref<80xi32, #tpu.memory_space<vmem>>) target_semaphore(%arg21 : memref<!tpu.dma_semaphore, #tpu.memory_space<semaphore_mem>>)
      } else {
      }
      %sub3A_194 = arith.constant 5 : i32
      %sub3A_195 = arith.subi %add3A_178, %sub3A_194 : i32
      %ge3A_196 = arith.constant 0 : i32
      %ge3A_197 = arith.cmpi sge, %sub3A_195, %ge3A_196 : i32
      %lt3A_198 = arith.constant 125 : i32
      %lt3A_199 = arith.cmpi slt, %sub3A_195, %lt3A_198 : i32
      %and3A_200 = arith.andi %ge3A_197, %lt3A_199 : i1
      %convert_element_type3A_201 = arith.extui %and3A_200 : i1 to i32
      %cond3A_202 = arith.constant 0 : i32
      %cond3A_203 = arith.cmpi ne, %convert_element_type3A_201, %cond3A_202 : i32
      scf.if %cond3A_203 {
        %dma_wait3A = arith.constant 0 : i32
        %dma_wait3A_320 = tpu.memref_slice %arg2[%dma_wait3A] : memref<320000xi32, #tpu.memory_space<hbm>> -> memref<80xi32, #tpu.memory_space<hbm>>
        %dma_wait3A_321 = arith.constant 0 : i32
        %dma_wait3A_322 = tpu.memref_slice %arg2[%dma_wait3A_321] : memref<320000xi32, #tpu.memory_space<hbm>> -> memref<80xi32, #tpu.memory_space<hbm>>
        tpu.wait_dma2 semaphore(%arg16 : memref<!tpu.dma_semaphore, #tpu.memory_space<semaphore_mem>>) src(%dma_wait3A_322 : memref<80xi32, #tpu.memory_space<hbm>>) dst(%arg5 : memref<80xi32, #tpu.memory_space<vmem>>)
        %dma_start3A = arith.constant 0 : i32
        %dma_start3A_323 = arith.constant 0 : i32
        %dma_start3A_324 = tpu.memref_slice %arg15[%dma_start3A, %dma_start3A_323] : memref<10240x128xf32, #tpu.memory_space<vmem_shared>> -> memref<10240x128xf32, #tpu.memory_space<vmem_shared>>
        tpu.enqueue_indirect_dma source(%arg4 : memref<80x128xf32, #tpu.memory_space<vmem>>) target(%dma_start3A_324 : memref<10240x128xf32, #tpu.memory_space<vmem_shared>>) offsets(%arg5 : memref<80xi32, #tpu.memory_space<vmem>>) semaphore(%arg26 : memref<!tpu.dma_semaphore, #tpu.memory_space<semaphore_mem>>) {add = true}
      } else {
      }
      %mul3A_204 = arith.constant 10 : i32
      %mul3A_205 = arith.muli %scan3A_35, %mul3A_204 : i32
      %add3A_206 = arith.constant 6 : i32
      %add3A_207 = arith.addi %mul3A_205, %add3A_206 : i32
      %ge3A_208 = arith.constant 10 : i32
      %ge3A_209 = arith.cmpi sge, %add3A_207, %ge3A_208 : i32
      %sub3A_210 = arith.constant 10 : i32
      %sub3A_211 = arith.subi %add3A_207, %sub3A_210 : i32
      %lt3A_212 = arith.constant 125 : i32
      %lt3A_213 = arith.cmpi slt, %sub3A_211, %lt3A_212 : i32
      %and3A_214 = arith.andi %ge3A_209, %lt3A_213 : i1
      %convert_element_type3A_215 = arith.extui %and3A_214 : i1 to i32
      %cond3A_216 = arith.constant 0 : i32
      %cond3A_217 = arith.cmpi ne, %convert_element_type3A_215, %cond3A_216 : i32
      scf.if %cond3A_217 {
        %dma_wait3A = arith.constant 0 : i32
        %dma_wait3A_320 = arith.constant 0 : i32
        %dma_wait3A_321 = tpu.memref_slice %arg15[%dma_wait3A, %dma_wait3A_320] : memref<10240x128xf32, #tpu.memory_space<vmem_shared>> -> memref<10240x128xf32, #tpu.memory_space<vmem_shared>>
        tpu.wait_indirect_dma semaphore(%arg32 : memref<!tpu.dma_semaphore, #tpu.memory_space<semaphore_mem>>) src(%arg4 : memref<80x128xf32, #tpu.memory_space<vmem>>) dst(%dma_wait3A_321 : memref<10240x128xf32, #tpu.memory_space<vmem_shared>>)
      } else {
      }
      %lt3A_218 = arith.constant 125 : i32
      %lt3A_219 = arith.cmpi slt, %add3A_207, %lt3A_218 : i32
      %convert_element_type3A_220 = arith.extui %lt3A_219 : i1 to i32
      %cond3A_221 = arith.constant 0 : i32
      %cond3A_222 = arith.cmpi ne, %convert_element_type3A_220, %cond3A_221 : i32
      scf.if %cond3A_222 {
        %mul3A_320 = arith.constant 80 : i32
        %mul3A_321 = arith.muli %add3A_207, %mul3A_320 : i32
        %add3A_322 = arith.addi %mul3A_21, %mul3A_321 : i32
        %dma_start3A = tpu.memref_slice %arg2[%add3A_322] : memref<320000xi32, #tpu.memory_space<hbm>> -> memref<80xi32, #tpu.memory_space<hbm>>
        %dma_start3A_323 = tpu.memref_slice %arg2[%add3A_322] : memref<320000xi32, #tpu.memory_space<hbm>> -> memref<80xi32, #tpu.memory_space<hbm>>
        tpu.enqueue_dma source(%dma_start3A_323 : memref<80xi32, #tpu.memory_space<hbm>>) target(%arg11 : memref<80xi32, #tpu.memory_space<vmem>>) target_semaphore(%arg22 : memref<!tpu.dma_semaphore, #tpu.memory_space<semaphore_mem>>)
      } else {
      }
      %sub3A_223 = arith.constant 5 : i32
      %sub3A_224 = arith.subi %add3A_207, %sub3A_223 : i32
      %ge3A_225 = arith.constant 0 : i32
      %ge3A_226 = arith.cmpi sge, %sub3A_224, %ge3A_225 : i32
      %lt3A_227 = arith.constant 125 : i32
      %lt3A_228 = arith.cmpi slt, %sub3A_224, %lt3A_227 : i32
      %and3A_229 = arith.andi %ge3A_226, %lt3A_228 : i1
      %convert_element_type3A_230 = arith.extui %and3A_229 : i1 to i32
      %cond3A_231 = arith.constant 0 : i32
      %cond3A_232 = arith.cmpi ne, %convert_element_type3A_230, %cond3A_231 : i32
      scf.if %cond3A_232 {
        %dma_wait3A = arith.constant 0 : i32
        %dma_wait3A_320 = tpu.memref_slice %arg2[%dma_wait3A] : memref<320000xi32, #tpu.memory_space<hbm>> -> memref<80xi32, #tpu.memory_space<hbm>>
        %dma_wait3A_321 = arith.constant 0 : i32
        %dma_wait3A_322 = tpu.memref_slice %arg2[%dma_wait3A_321] : memref<320000xi32, #tpu.memory_space<hbm>> -> memref<80xi32, #tpu.memory_space<hbm>>
        tpu.wait_dma2 semaphore(%arg17 : memref<!tpu.dma_semaphore, #tpu.memory_space<semaphore_mem>>) src(%dma_wait3A_322 : memref<80xi32, #tpu.memory_space<hbm>>) dst(%arg6 : memref<80xi32, #tpu.memory_space<vmem>>)
        %dma_start3A = arith.constant 0 : i32
        %dma_start3A_323 = arith.constant 0 : i32
        %dma_start3A_324 = tpu.memref_slice %arg15[%dma_start3A, %dma_start3A_323] : memref<10240x128xf32, #tpu.memory_space<vmem_shared>> -> memref<10240x128xf32, #tpu.memory_space<vmem_shared>>
        tpu.enqueue_indirect_dma source(%arg4 : memref<80x128xf32, #tpu.memory_space<vmem>>) target(%dma_start3A_324 : memref<10240x128xf32, #tpu.memory_space<vmem_shared>>) offsets(%arg6 : memref<80xi32, #tpu.memory_space<vmem>>) semaphore(%arg27 : memref<!tpu.dma_semaphore, #tpu.memory_space<semaphore_mem>>) {add = true}
      } else {
      }
      %mul3A_233 = arith.constant 10 : i32
      %mul3A_234 = arith.muli %scan3A_35, %mul3A_233 : i32
      %add3A_235 = arith.constant 7 : i32
      %add3A_236 = arith.addi %mul3A_234, %add3A_235 : i32
      %ge3A_237 = arith.constant 10 : i32
      %ge3A_238 = arith.cmpi sge, %add3A_236, %ge3A_237 : i32
      %sub3A_239 = arith.constant 10 : i32
      %sub3A_240 = arith.subi %add3A_236, %sub3A_239 : i32
      %lt3A_241 = arith.constant 125 : i32
      %lt3A_242 = arith.cmpi slt, %sub3A_240, %lt3A_241 : i32
      %and3A_243 = arith.andi %ge3A_238, %lt3A_242 : i1
      %convert_element_type3A_244 = arith.extui %and3A_243 : i1 to i32
      %cond3A_245 = arith.constant 0 : i32
      %cond3A_246 = arith.cmpi ne, %convert_element_type3A_244, %cond3A_245 : i32
      scf.if %cond3A_246 {
        %dma_wait3A = arith.constant 0 : i32
        %dma_wait3A_320 = arith.constant 0 : i32
        %dma_wait3A_321 = tpu.memref_slice %arg15[%dma_wait3A, %dma_wait3A_320] : memref<10240x128xf32, #tpu.memory_space<vmem_shared>> -> memref<10240x128xf32, #tpu.memory_space<vmem_shared>>
        tpu.wait_indirect_dma semaphore(%arg33 : memref<!tpu.dma_semaphore, #tpu.memory_space<semaphore_mem>>) src(%arg4 : memref<80x128xf32, #tpu.memory_space<vmem>>) dst(%dma_wait3A_321 : memref<10240x128xf32, #tpu.memory_space<vmem_shared>>)
      } else {
      }
      %lt3A_247 = arith.constant 125 : i32
      %lt3A_248 = arith.cmpi slt, %add3A_236, %lt3A_247 : i32
      %convert_element_type3A_249 = arith.extui %lt3A_248 : i1 to i32
      %cond3A_250 = arith.constant 0 : i32
      %cond3A_251 = arith.cmpi ne, %convert_element_type3A_249, %cond3A_250 : i32
      scf.if %cond3A_251 {
        %mul3A_320 = arith.constant 80 : i32
        %mul3A_321 = arith.muli %add3A_236, %mul3A_320 : i32
        %add3A_322 = arith.addi %mul3A_21, %mul3A_321 : i32
        %dma_start3A = tpu.memref_slice %arg2[%add3A_322] : memref<320000xi32, #tpu.memory_space<hbm>> -> memref<80xi32, #tpu.memory_space<hbm>>
        %dma_start3A_323 = tpu.memref_slice %arg2[%add3A_322] : memref<320000xi32, #tpu.memory_space<hbm>> -> memref<80xi32, #tpu.memory_space<hbm>>
        tpu.enqueue_dma source(%dma_start3A_323 : memref<80xi32, #tpu.memory_space<hbm>>) target(%arg12 : memref<80xi32, #tpu.memory_space<vmem>>) target_semaphore(%arg23 : memref<!tpu.dma_semaphore, #tpu.memory_space<semaphore_mem>>)
      } else {
      }
      %sub3A_252 = arith.constant 5 : i32
      %sub3A_253 = arith.subi %add3A_236, %sub3A_252 : i32
      %ge3A_254 = arith.constant 0 : i32
      %ge3A_255 = arith.cmpi sge, %sub3A_253, %ge3A_254 : i32
      %lt3A_256 = arith.constant 125 : i32
      %lt3A_257 = arith.cmpi slt, %sub3A_253, %lt3A_256 : i32
      %and3A_258 = arith.andi %ge3A_255, %lt3A_257 : i1
      %convert_element_type3A_259 = arith.extui %and3A_258 : i1 to i32
      %cond3A_260 = arith.constant 0 : i32
      %cond3A_261 = arith.cmpi ne, %convert_element_type3A_259, %cond3A_260 : i32
      scf.if %cond3A_261 {
        %dma_wait3A = arith.constant 0 : i32
        %dma_wait3A_320 = tpu.memref_slice %arg2[%dma_wait3A] : memref<320000xi32, #tpu.memory_space<hbm>> -> memref<80xi32, #tpu.memory_space<hbm>>
        %dma_wait3A_321 = arith.constant 0 : i32
        %dma_wait3A_322 = tpu.memref_slice %arg2[%dma_wait3A_321] : memref<320000xi32, #tpu.memory_space<hbm>> -> memref<80xi32, #tpu.memory_space<hbm>>
        tpu.wait_dma2 semaphore(%arg18 : memref<!tpu.dma_semaphore, #tpu.memory_space<semaphore_mem>>) src(%dma_wait3A_322 : memref<80xi32, #tpu.memory_space<hbm>>) dst(%arg7 : memref<80xi32, #tpu.memory_space<vmem>>)
        %dma_start3A = arith.constant 0 : i32
        %dma_start3A_323 = arith.constant 0 : i32
        %dma_start3A_324 = tpu.memref_slice %arg15[%dma_start3A, %dma_start3A_323] : memref<10240x128xf32, #tpu.memory_space<vmem_shared>> -> memref<10240x128xf32, #tpu.memory_space<vmem_shared>>
        tpu.enqueue_indirect_dma source(%arg4 : memref<80x128xf32, #tpu.memory_space<vmem>>) target(%dma_start3A_324 : memref<10240x128xf32, #tpu.memory_space<vmem_shared>>) offsets(%arg7 : memref<80xi32, #tpu.memory_space<vmem>>) semaphore(%arg28 : memref<!tpu.dma_semaphore, #tpu.memory_space<semaphore_mem>>) {add = true}
      } else {
      }
      %mul3A_262 = arith.constant 10 : i32
      %mul3A_263 = arith.muli %scan3A_35, %mul3A_262 : i32
      %add3A_264 = arith.constant 8 : i32
      %add3A_265 = arith.addi %mul3A_263, %add3A_264 : i32
      %ge3A_266 = arith.constant 10 : i32
      %ge3A_267 = arith.cmpi sge, %add3A_265, %ge3A_266 : i32
      %sub3A_268 = arith.constant 10 : i32
      %sub3A_269 = arith.subi %add3A_265, %sub3A_268 : i32
      %lt3A_270 = arith.constant 125 : i32
      %lt3A_271 = arith.cmpi slt, %sub3A_269, %lt3A_270 : i32
      %and3A_272 = arith.andi %ge3A_267, %lt3A_271 : i1
      %convert_element_type3A_273 = arith.extui %and3A_272 : i1 to i32
      %cond3A_274 = arith.constant 0 : i32
      %cond3A_275 = arith.cmpi ne, %convert_element_type3A_273, %cond3A_274 : i32
      scf.if %cond3A_275 {
        %dma_wait3A = arith.constant 0 : i32
        %dma_wait3A_320 = arith.constant 0 : i32
        %dma_wait3A_321 = tpu.memref_slice %arg15[%dma_wait3A, %dma_wait3A_320] : memref<10240x128xf32, #tpu.memory_space<vmem_shared>> -> memref<10240x128xf32, #tpu.memory_space<vmem_shared>>
        tpu.wait_indirect_dma semaphore(%arg34 : memref<!tpu.dma_semaphore, #tpu.memory_space<semaphore_mem>>) src(%arg4 : memref<80x128xf32, #tpu.memory_space<vmem>>) dst(%dma_wait3A_321 : memref<10240x128xf32, #tpu.memory_space<vmem_shared>>)
      } else {
      }
      %lt3A_276 = arith.constant 125 : i32
      %lt3A_277 = arith.cmpi slt, %add3A_265, %lt3A_276 : i32
      %convert_element_type3A_278 = arith.extui %lt3A_277 : i1 to i32
      %cond3A_279 = arith.constant 0 : i32
      %cond3A_280 = arith.cmpi ne, %convert_element_type3A_278, %cond3A_279 : i32
      scf.if %cond3A_280 {
        %mul3A_320 = arith.constant 80 : i32
        %mul3A_321 = arith.muli %add3A_265, %mul3A_320 : i32
        %add3A_322 = arith.addi %mul3A_21, %mul3A_321 : i32
        %dma_start3A = tpu.memref_slice %arg2[%add3A_322] : memref<320000xi32, #tpu.memory_space<hbm>> -> memref<80xi32, #tpu.memory_space<hbm>>
        %dma_start3A_323 = tpu.memref_slice %arg2[%add3A_322] : memref<320000xi32, #tpu.memory_space<hbm>> -> memref<80xi32, #tpu.memory_space<hbm>>
        tpu.enqueue_dma source(%dma_start3A_323 : memref<80xi32, #tpu.memory_space<hbm>>) target(%arg13 : memref<80xi32, #tpu.memory_space<vmem>>) target_semaphore(%arg24 : memref<!tpu.dma_semaphore, #tpu.memory_space<semaphore_mem>>)
      } else {
      }
      %sub3A_281 = arith.constant 5 : i32
      %sub3A_282 = arith.subi %add3A_265, %sub3A_281 : i32
      %ge3A_283 = arith.constant 0 : i32
      %ge3A_284 = arith.cmpi sge, %sub3A_282, %ge3A_283 : i32
      %lt3A_285 = arith.constant 125 : i32
      %lt3A_286 = arith.cmpi slt, %sub3A_282, %lt3A_285 : i32
      %and3A_287 = arith.andi %ge3A_284, %lt3A_286 : i1
      %convert_element_type3A_288 = arith.extui %and3A_287 : i1 to i32
      %cond3A_289 = arith.constant 0 : i32
      %cond3A_290 = arith.cmpi ne, %convert_element_type3A_288, %cond3A_289 : i32
      scf.if %cond3A_290 {
        %dma_wait3A = arith.constant 0 : i32
        %dma_wait3A_320 = tpu.memref_slice %arg2[%dma_wait3A] : memref<320000xi32, #tpu.memory_space<hbm>> -> memref<80xi32, #tpu.memory_space<hbm>>
        %dma_wait3A_321 = arith.constant 0 : i32
        %dma_wait3A_322 = tpu.memref_slice %arg2[%dma_wait3A_321] : memref<320000xi32, #tpu.memory_space<hbm>> -> memref<80xi32, #tpu.memory_space<hbm>>
        tpu.wait_dma2 semaphore(%arg19 : memref<!tpu.dma_semaphore, #tpu.memory_space<semaphore_mem>>) src(%dma_wait3A_322 : memref<80xi32, #tpu.memory_space<hbm>>) dst(%arg8 : memref<80xi32, #tpu.memory_space<vmem>>)
        %dma_start3A = arith.constant 0 : i32
        %dma_start3A_323 = arith.constant 0 : i32
        %dma_start3A_324 = tpu.memref_slice %arg15[%dma_start3A, %dma_start3A_323] : memref<10240x128xf32, #tpu.memory_space<vmem_shared>> -> memref<10240x128xf32, #tpu.memory_space<vmem_shared>>
        tpu.enqueue_indirect_dma source(%arg4 : memref<80x128xf32, #tpu.memory_space<vmem>>) target(%dma_start3A_324 : memref<10240x128xf32, #tpu.memory_space<vmem_shared>>) offsets(%arg8 : memref<80xi32, #tpu.memory_space<vmem>>) semaphore(%arg29 : memref<!tpu.dma_semaphore, #tpu.memory_space<semaphore_mem>>) {add = true}
      } else {
      }
      %mul3A_291 = arith.constant 10 : i32
      %mul3A_292 = arith.muli %scan3A_35, %mul3A_291 : i32
      %add3A_293 = arith.constant 9 : i32
      %add3A_294 = arith.addi %mul3A_292, %add3A_293 : i32
      %ge3A_295 = arith.constant 10 : i32
      %ge3A_296 = arith.cmpi sge, %add3A_294, %ge3A_295 : i32
      %sub3A_297 = arith.constant 10 : i32
      %sub3A_298 = arith.subi %add3A_294, %sub3A_297 : i32
      %lt3A_299 = arith.constant 125 : i32
      %lt3A_300 = arith.cmpi slt, %sub3A_298, %lt3A_299 : i32
      %and3A_301 = arith.andi %ge3A_296, %lt3A_300 : i1
      %convert_element_type3A_302 = arith.extui %and3A_301 : i1 to i32
      %cond3A_303 = arith.constant 0 : i32
      %cond3A_304 = arith.cmpi ne, %convert_element_type3A_302, %cond3A_303 : i32
      scf.if %cond3A_304 {
        %dma_wait3A = arith.constant 0 : i32
        %dma_wait3A_320 = arith.constant 0 : i32
        %dma_wait3A_321 = tpu.memref_slice %arg15[%dma_wait3A, %dma_wait3A_320] : memref<10240x128xf32, #tpu.memory_space<vmem_shared>> -> memref<10240x128xf32, #tpu.memory_space<vmem_shared>>
        tpu.wait_indirect_dma semaphore(%arg35 : memref<!tpu.dma_semaphore, #tpu.memory_space<semaphore_mem>>) src(%arg4 : memref<80x128xf32, #tpu.memory_space<vmem>>) dst(%dma_wait3A_321 : memref<10240x128xf32, #tpu.memory_space<vmem_shared>>)
      } else {
      }
      %lt3A_305 = arith.constant 125 : i32
      %lt3A_306 = arith.cmpi slt, %add3A_294, %lt3A_305 : i32
      %convert_element_type3A_307 = arith.extui %lt3A_306 : i1 to i32
      %cond3A_308 = arith.constant 0 : i32
      %cond3A_309 = arith.cmpi ne, %convert_element_type3A_307, %cond3A_308 : i32
      scf.if %cond3A_309 {
        %mul3A_320 = arith.constant 80 : i32
        %mul3A_321 = arith.muli %add3A_294, %mul3A_320 : i32
        %add3A_322 = arith.addi %mul3A_21, %mul3A_321 : i32
        %dma_start3A = tpu.memref_slice %arg2[%add3A_322] : memref<320000xi32, #tpu.memory_space<hbm>> -> memref<80xi32, #tpu.memory_space<hbm>>
        %dma_start3A_323 = tpu.memref_slice %arg2[%add3A_322] : memref<320000xi32, #tpu.memory_space<hbm>> -> memref<80xi32, #tpu.memory_space<hbm>>
        tpu.enqueue_dma source(%dma_start3A_323 : memref<80xi32, #tpu.memory_space<hbm>>) target(%arg14 : memref<80xi32, #tpu.memory_space<vmem>>) target_semaphore(%arg25 : memref<!tpu.dma_semaphore, #tpu.memory_space<semaphore_mem>>)
      } else {
      }
      %sub3A_310 = arith.constant 5 : i32
      %sub3A_311 = arith.subi %add3A_294, %sub3A_310 : i32
      %ge3A_312 = arith.constant 0 : i32
      %ge3A_313 = arith.cmpi sge, %sub3A_311, %ge3A_312 : i32
      %lt3A_314 = arith.constant 125 : i32
      %lt3A_315 = arith.cmpi slt, %sub3A_311, %lt3A_314 : i32
      %and3A_316 = arith.andi %ge3A_313, %lt3A_315 : i1
      %convert_element_type3A_317 = arith.extui %and3A_316 : i1 to i32
      %cond3A_318 = arith.constant 0 : i32
      %cond3A_319 = arith.cmpi ne, %convert_element_type3A_317, %cond3A_318 : i32
      scf.if %cond3A_319 {
        %dma_wait3A = arith.constant 0 : i32
        %dma_wait3A_320 = tpu.memref_slice %arg2[%dma_wait3A] : memref<320000xi32, #tpu.memory_space<hbm>> -> memref<80xi32, #tpu.memory_space<hbm>>
        %dma_wait3A_321 = arith.constant 0 : i32
        %dma_wait3A_322 = tpu.memref_slice %arg2[%dma_wait3A_321] : memref<320000xi32, #tpu.memory_space<hbm>> -> memref<80xi32, #tpu.memory_space<hbm>>
        tpu.wait_dma2 semaphore(%arg20 : memref<!tpu.dma_semaphore, #tpu.memory_space<semaphore_mem>>) src(%dma_wait3A_322 : memref<80xi32, #tpu.memory_space<hbm>>) dst(%arg9 : memref<80xi32, #tpu.memory_space<vmem>>)
        %dma_start3A = arith.constant 0 : i32
        %dma_start3A_323 = arith.constant 0 : i32
        %dma_start3A_324 = tpu.memref_slice %arg15[%dma_start3A, %dma_start3A_323] : memref<10240x128xf32, #tpu.memory_space<vmem_shared>> -> memref<10240x128xf32, #tpu.memory_space<vmem_shared>>
        tpu.enqueue_indirect_dma source(%arg4 : memref<80x128xf32, #tpu.memory_space<vmem>>) target(%dma_start3A_324 : memref<10240x128xf32, #tpu.memory_space<vmem_shared>>) offsets(%arg9 : memref<80xi32, #tpu.memory_space<vmem>>) semaphore(%arg30 : memref<!tpu.dma_semaphore, #tpu.memory_space<semaphore_mem>>) {add = true}
      } else {
      }
    }
    %scan3A_27 = arith.constant 14 : i32
    %barrier3A_28 = arith.constant 0 : index
    tpu.barrier barrier_id(%barrier3A_28)
    %scan3A_29 = arith.constant 0 : i32
    %scan3A_30 = arith.constant 0 : i32
    %scan3A_31 = arith.constant 8 : i32
    %scan3A_32 = arith.addi %scan3A_30, %scan3A_31 : i32
    %scan3A_33 = arith.constant 1 : i32
    scf.for %scan3A_35 = %scan3A_30 to %scan3A_32 step %scan3A_33  : i32 {
      %mul3A_36 = arith.constant 80 : i32
      %mul3A_37 = arith.muli %scan3A_35, %mul3A_36 : i32
      %add3A_38 = arith.addi %mul3A_5, %mul3A_37 : i32
      "tpu.region"() ({
        %run_scoped3A = tpu.sem_alloc : memref<!tpu.dma_semaphore, #tpu.memory_space<semaphore_mem>>
        %dma_start3A = arith.constant 0 : i32
        %dma_start3A_39 = tpu.memref_slice %arg3[%arg0, %add3A_38, %dma_start3A] : memref<2x10240x128xf32, #tpu.memory_space<hbm>> -> memref<1x80x128xf32, #tpu.memory_space<hbm>>
        %dma_start3A_40 = tpu.memref_squeeze %dma_start3A_39 : memref<1x80x128xf32, #tpu.memory_space<hbm>> -> memref<80x128xf32, #tpu.memory_space<hbm>>
        %dma_start3A_41 = arith.constant 0 : i32
        %dma_start3A_42 = tpu.memref_slice %arg15[%add3A_38, %dma_start3A_41] : memref<10240x128xf32, #tpu.memory_space<vmem_shared>> -> memref<80x128xf32, #tpu.memory_space<vmem_shared>>
        tpu.enqueue_dma source(%dma_start3A_42 : memref<80x128xf32, #tpu.memory_space<vmem_shared>>) target(%dma_start3A_40 : memref<80x128xf32, #tpu.memory_space<hbm>>) target_semaphore(%run_scoped3A : memref<!tpu.dma_semaphore, #tpu.memory_space<semaphore_mem>>)
        %dma_wait3A = arith.constant 0 : i32
        %dma_wait3A_43 = tpu.memref_slice %arg3[%arg0, %add3A_38, %dma_wait3A] : memref<2x10240x128xf32, #tpu.memory_space<hbm>> -> memref<1x80x128xf32, #tpu.memory_space<hbm>>
        %dma_wait3A_44 = tpu.memref_squeeze %dma_wait3A_43 : memref<1x80x128xf32, #tpu.memory_space<hbm>> -> memref<80x128xf32, #tpu.memory_space<hbm>>
        %dma_wait3A_45 = arith.constant 0 : i32
        %dma_wait3A_46 = tpu.memref_slice %arg15[%add3A_38, %dma_wait3A_45] : memref<10240x128xf32, #tpu.memory_space<vmem_shared>> -> memref<80x128xf32, #tpu.memory_space<vmem_shared>>
        tpu.wait_dma2 semaphore(%run_scoped3A : memref<!tpu.dma_semaphore, #tpu.memory_space<semaphore_mem>>) src(%dma_wait3A_46 : memref<80x128xf32, #tpu.memory_space<vmem_shared>>) dst(%dma_wait3A_44 : memref<80x128xf32, #tpu.memory_space<hbm>>)
        tpu.yield
      }) : () -> ()
    }
    %scan3A_34 = arith.constant 8 : i32
    return
  }
}

#map = affine_map<(d0, d1) -> (0, 0)>
#map1 = affine_map<(d0, d1) -> (0)>
module attributes {stable_mosaic.version = 14 : i64} {
  func.func @k(%arg0: i32, %arg1: i32, %arg2: memref<10000x128xf32, #tpu.memory_space<hbm>>, %arg3: memref<10000x128xf32, #tpu.memory_space<hbm>>, %arg4: memref<320000xi32, #tpu.memory_space<hbm>>, %arg5: memref<320000xi32, #tpu.memory_space<hbm>>, %arg6: memref<320000x128xf32, #tpu.memory_space<hbm>>, %arg7: memref<10000xi32, #tpu.memory_space<vmem>>, %arg8: memref<10000xi32, #tpu.memory_space<vmem>>, %arg9: memref<80x128xf32, #tpu.memory_space<vmem>>, %arg10: memref<80x128xf32, #tpu.memory_space<vmem>>, %arg11: memref<80x128xf32, #tpu.memory_space<vmem>>, %arg12: memref<80x128xf32, #tpu.memory_space<vmem>>, %arg13: memref<80x128xf32, #tpu.memory_space<vmem>>, %arg14: memref<80x128xf32, #tpu.memory_space<vmem>>, %arg15: memref<80x128xf32, #tpu.memory_space<vmem>>, %arg16: memref<80x128xf32, #tpu.memory_space<vmem>>, %arg17: memref<80x128xf32, #tpu.memory_space<vmem>>, %arg18: memref<80x128xf32, #tpu.memory_space<vmem>>, %arg19: memref<!tpu.dma_semaphore, #tpu.memory_space<semaphore_mem>>, %arg20: memref<!tpu.dma_semaphore, #tpu.memory_space<semaphore_mem>>, %arg21: memref<!tpu.dma_semaphore, #tpu.memory_space<semaphore_mem>>, %arg22: memref<!tpu.dma_semaphore, #tpu.memory_space<semaphore_mem>>, %arg23: memref<!tpu.dma_semaphore, #tpu.memory_space<semaphore_mem>>, %arg24: memref<!tpu.dma_semaphore, #tpu.memory_space<semaphore_mem>>, %arg25: memref<!tpu.dma_semaphore, #tpu.memory_space<semaphore_mem>>, %arg26: memref<!tpu.dma_semaphore, #tpu.memory_space<semaphore_mem>>, %arg27: memref<!tpu.dma_semaphore, #tpu.memory_space<semaphore_mem>>, %arg28: memref<!tpu.dma_semaphore, #tpu.memory_space<semaphore_mem>>, %arg29: memref<!tpu.dma_semaphore, #tpu.memory_space<semaphore_mem>>, %arg30: memref<!tpu.dma_semaphore, #tpu.memory_space<semaphore_mem>>, %arg31: memref<!tpu.dma_semaphore, #tpu.memory_space<semaphore_mem>>, %arg32: memref<!tpu.dma_semaphore, #tpu.memory_space<semaphore_mem>>, %arg33: memref<!tpu.dma_semaphore, #tpu.memory_space<semaphore_mem>>, %arg34: memref<!tpu.dma_semaphore, #tpu.memory_space<semaphore_mem>>, %arg35: memref<!tpu.dma_semaphore, #tpu.memory_space<semaphore_mem>>, %arg36: memref<!tpu.dma_semaphore, #tpu.memory_space<semaphore_mem>>, %arg37: memref<!tpu.dma_semaphore, #tpu.memory_space<semaphore_mem>>, %arg38: memref<!tpu.dma_semaphore, #tpu.memory_space<semaphore_mem>>) attributes {dimension_semantics = [#tpu.dimension_semantics<core_parallel>, #tpu.dimension_semantics<subcore_parallel>], iteration_bounds = array<i64: 2, 16>, scalar_prefetch = 0 : i64, scratch_operands = 32 : i64, tpu.core_type = #tpu.core_type<sc_vector_subcore>, window_params = [{transform_indices = #map}, {transform_indices = #map}, {transform_indices = #map1}, {transform_indices = #map1}, {transform_indices = #map}]} {
    %mul3A = arith.constant 16 : i32
    %mul3A_0 = arith.muli %arg0, %mul3A : i32
    %add3A = arith.addi %mul3A_0, %arg1 : i32
    %mul3A_1 = arith.constant 10000 : i32
    %mul3A_2 = arith.muli %add3A, %mul3A_1 : i32
    "tpu.region"() ({
      %run_scoped3A = tpu.sem_alloc : memref<!tpu.dma_semaphore, #tpu.memory_space<semaphore_mem>>
      %dma_start3A = tpu.memref_slice %arg4[%mul3A_2] : memref<320000xi32, #tpu.memory_space<hbm>> -> memref<10000xi32, #tpu.memory_space<hbm>>
      %dma_start3A_8 = tpu.memref_slice %arg4[%mul3A_2] : memref<320000xi32, #tpu.memory_space<hbm>> -> memref<10000xi32, #tpu.memory_space<hbm>>
      tpu.enqueue_dma source(%dma_start3A_8 : memref<10000xi32, #tpu.memory_space<hbm>>) target(%arg7 : memref<10000xi32, #tpu.memory_space<vmem>>) target_semaphore(%run_scoped3A : memref<!tpu.dma_semaphore, #tpu.memory_space<semaphore_mem>>)
      %dma_wait3A = tpu.memref_slice %arg4[%mul3A_2] : memref<320000xi32, #tpu.memory_space<hbm>> -> memref<10000xi32, #tpu.memory_space<hbm>>
      %dma_wait3A_9 = tpu.memref_slice %arg4[%mul3A_2] : memref<320000xi32, #tpu.memory_space<hbm>> -> memref<10000xi32, #tpu.memory_space<hbm>>
      tpu.wait_dma2 semaphore(%run_scoped3A : memref<!tpu.dma_semaphore, #tpu.memory_space<semaphore_mem>>) src(%dma_wait3A_9 : memref<10000xi32, #tpu.memory_space<hbm>>) dst(%arg7 : memref<10000xi32, #tpu.memory_space<vmem>>)
      tpu.yield
    }) : () -> ()
    "tpu.region"() ({
      %run_scoped3A = tpu.sem_alloc : memref<!tpu.dma_semaphore, #tpu.memory_space<semaphore_mem>>
      %dma_start3A = tpu.memref_slice %arg5[%mul3A_2] : memref<320000xi32, #tpu.memory_space<hbm>> -> memref<10000xi32, #tpu.memory_space<hbm>>
      %dma_start3A_8 = tpu.memref_slice %arg5[%mul3A_2] : memref<320000xi32, #tpu.memory_space<hbm>> -> memref<10000xi32, #tpu.memory_space<hbm>>
      tpu.enqueue_dma source(%dma_start3A_8 : memref<10000xi32, #tpu.memory_space<hbm>>) target(%arg8 : memref<10000xi32, #tpu.memory_space<vmem>>) target_semaphore(%run_scoped3A : memref<!tpu.dma_semaphore, #tpu.memory_space<semaphore_mem>>)
      %dma_wait3A = tpu.memref_slice %arg5[%mul3A_2] : memref<320000xi32, #tpu.memory_space<hbm>> -> memref<10000xi32, #tpu.memory_space<hbm>>
      %dma_wait3A_9 = tpu.memref_slice %arg5[%mul3A_2] : memref<320000xi32, #tpu.memory_space<hbm>> -> memref<10000xi32, #tpu.memory_space<hbm>>
      tpu.wait_dma2 semaphore(%run_scoped3A : memref<!tpu.dma_semaphore, #tpu.memory_space<semaphore_mem>>) src(%dma_wait3A_9 : memref<10000xi32, #tpu.memory_space<hbm>>) dst(%arg8 : memref<10000xi32, #tpu.memory_space<vmem>>)
      tpu.yield
    }) : () -> ()
    %scan3A = arith.constant 0 : i32
    %scan3A_3 = arith.constant 0 : i32
    %scan3A_4 = arith.constant 14 : i32
    %scan3A_5 = arith.addi %scan3A_3, %scan3A_4 : i32
    %scan3A_6 = arith.constant 1 : i32
    scf.for %scan3A_8 = %scan3A_3 to %scan3A_5 step %scan3A_6  : i32 {
      %mul3A_9 = arith.constant 10 : i32
      %mul3A_10 = arith.muli %scan3A_8, %mul3A_9 : i32
      %add3A_11 = arith.constant 0 : i32
      %add3A_12 = arith.addi %mul3A_10, %add3A_11 : i32
      %ge3A = arith.constant 10 : i32
      %ge3A_13 = arith.cmpi sge, %add3A_12, %ge3A : i32
      %sub3A = arith.constant 10 : i32
      %sub3A_14 = arith.subi %add3A_12, %sub3A : i32
      %lt3A = arith.constant 125 : i32
      %lt3A_15 = arith.cmpi slt, %sub3A_14, %lt3A : i32
      %and3A = arith.andi %ge3A_13, %lt3A_15 : i1
      %convert_element_type3A = arith.extui %and3A : i1 to i32
      %cond3A = arith.constant 0 : i32
      %cond3A_16 = arith.cmpi ne, %convert_element_type3A, %cond3A : i32
      scf.if %cond3A_16 {
        %dma_wait3A = arith.constant 0 : i32
        %dma_wait3A_393 = arith.constant 0 : i32
        %dma_wait3A_394 = tpu.memref_slice %arg6[%dma_wait3A, %dma_wait3A_393] : memref<320000x128xf32, #tpu.memory_space<hbm>> -> memref<80x128xf32, #tpu.memory_space<hbm>>
        %dma_wait3A_395 = arith.constant 0 : i32
        %dma_wait3A_396 = arith.constant 0 : i32
        %dma_wait3A_397 = tpu.memref_slice %arg6[%dma_wait3A_395, %dma_wait3A_396] : memref<320000x128xf32, #tpu.memory_space<hbm>> -> memref<80x128xf32, #tpu.memory_space<hbm>>
        tpu.wait_dma2 semaphore(%arg29 : memref<!tpu.dma_semaphore, #tpu.memory_space<semaphore_mem>>) src(%arg9 : memref<80x128xf32, #tpu.memory_space<vmem>>) dst(%dma_wait3A_397 : memref<80x128xf32, #tpu.memory_space<hbm>>)
      } else {
      }
      %lt3A_17 = arith.constant 125 : i32
      %lt3A_18 = arith.cmpi slt, %add3A_12, %lt3A_17 : i32
      %convert_element_type3A_19 = arith.extui %lt3A_18 : i1 to i32
      %cond3A_20 = arith.constant 0 : i32
      %cond3A_21 = arith.cmpi ne, %convert_element_type3A_19, %cond3A_20 : i32
      scf.if %cond3A_21 {
        %mul3A_393 = arith.constant 80 : i32
        %mul3A_394 = arith.muli %add3A_12, %mul3A_393 : i32
        %dma_start3A = tpu.memref_slice %arg7[%mul3A_394] : memref<10000xi32, #tpu.memory_space<vmem>> -> memref<80xi32, #tpu.memory_space<vmem>>
        %dma_start3A_395 = arith.constant 0 : i32
        %dma_start3A_396 = arith.constant 0 : i32
        %dma_start3A_397 = tpu.memref_slice %arg2[%dma_start3A_395, %dma_start3A_396] : memref<10000x128xf32, #tpu.memory_space<hbm>> -> memref<10000x128xf32, #tpu.memory_space<hbm>>
        tpu.enqueue_indirect_dma source(%dma_start3A_397 : memref<10000x128xf32, #tpu.memory_space<hbm>>) target(%arg9 : memref<80x128xf32, #tpu.memory_space<vmem>>) offsets(%dma_start3A : memref<80xi32, #tpu.memory_space<vmem>>) semaphore(%arg19 : memref<!tpu.dma_semaphore, #tpu.memory_space<semaphore_mem>>)
      } else {
      }
      %sub3A_22 = arith.constant 4 : i32
      %sub3A_23 = arith.subi %add3A_12, %sub3A_22 : i32
      %ge3A_24 = arith.constant 0 : i32
      %ge3A_25 = arith.cmpi sge, %sub3A_23, %ge3A_24 : i32
      %lt3A_26 = arith.constant 125 : i32
      %lt3A_27 = arith.cmpi slt, %sub3A_23, %lt3A_26 : i32
      %and3A_28 = arith.andi %ge3A_25, %lt3A_27 : i1
      %convert_element_type3A_29 = arith.extui %and3A_28 : i1 to i32
      %cond3A_30 = arith.constant 0 : i32
      %cond3A_31 = arith.cmpi ne, %convert_element_type3A_29, %cond3A_30 : i32
      scf.if %cond3A_31 {
        %dma_wait3A = arith.constant 0 : i32
        %dma_wait3A_393 = tpu.memref_slice %arg7[%dma_wait3A] : memref<10000xi32, #tpu.memory_space<vmem>> -> memref<80xi32, #tpu.memory_space<vmem>>
        %dma_wait3A_394 = arith.constant 0 : i32
        %dma_wait3A_395 = arith.constant 0 : i32
        %dma_wait3A_396 = tpu.memref_slice %arg2[%dma_wait3A_394, %dma_wait3A_395] : memref<10000x128xf32, #tpu.memory_space<hbm>> -> memref<10000x128xf32, #tpu.memory_space<hbm>>
        tpu.wait_indirect_dma semaphore(%arg25 : memref<!tpu.dma_semaphore, #tpu.memory_space<semaphore_mem>>) src(%dma_wait3A_396 : memref<10000x128xf32, #tpu.memory_space<hbm>>) dst(%arg15 : memref<80x128xf32, #tpu.memory_space<vmem>>)
        %mul3A_397 = arith.constant 80 : i32
        %mul3A_398 = arith.muli %sub3A_23, %mul3A_397 : i32
        %dma_start3A = tpu.memref_slice %arg8[%mul3A_398] : memref<10000xi32, #tpu.memory_space<vmem>> -> memref<80xi32, #tpu.memory_space<vmem>>
        %dma_start3A_399 = arith.constant 0 : i32
        %dma_start3A_400 = arith.constant 0 : i32
        %dma_start3A_401 = tpu.memref_slice %arg3[%dma_start3A_399, %dma_start3A_400] : memref<10000x128xf32, #tpu.memory_space<hbm>> -> memref<10000x128xf32, #tpu.memory_space<hbm>>
        tpu.enqueue_indirect_dma source(%dma_start3A_401 : memref<10000x128xf32, #tpu.memory_space<hbm>>) target(%arg15 : memref<80x128xf32, #tpu.memory_space<vmem>>) offsets(%dma_start3A : memref<80xi32, #tpu.memory_space<vmem>>) semaphore(%arg25 : memref<!tpu.dma_semaphore, #tpu.memory_space<semaphore_mem>>) {add = true}
      } else {
      }
      %sub3A_32 = arith.constant 8 : i32
      %sub3A_33 = arith.subi %add3A_12, %sub3A_32 : i32
      %ge3A_34 = arith.constant 0 : i32
      %ge3A_35 = arith.cmpi sge, %sub3A_33, %ge3A_34 : i32
      %lt3A_36 = arith.constant 125 : i32
      %lt3A_37 = arith.cmpi slt, %sub3A_33, %lt3A_36 : i32
      %and3A_38 = arith.andi %ge3A_35, %lt3A_37 : i1
      %convert_element_type3A_39 = arith.extui %and3A_38 : i1 to i32
      %cond3A_40 = arith.constant 0 : i32
      %cond3A_41 = arith.cmpi ne, %convert_element_type3A_39, %cond3A_40 : i32
      scf.if %cond3A_41 {
        %dma_wait3A = arith.constant 0 : i32
        %dma_wait3A_393 = tpu.memref_slice %arg8[%dma_wait3A] : memref<10000xi32, #tpu.memory_space<vmem>> -> memref<80xi32, #tpu.memory_space<vmem>>
        %dma_wait3A_394 = arith.constant 0 : i32
        %dma_wait3A_395 = arith.constant 0 : i32
        %dma_wait3A_396 = tpu.memref_slice %arg3[%dma_wait3A_394, %dma_wait3A_395] : memref<10000x128xf32, #tpu.memory_space<hbm>> -> memref<10000x128xf32, #tpu.memory_space<hbm>>
        tpu.wait_indirect_dma semaphore(%arg21 : memref<!tpu.dma_semaphore, #tpu.memory_space<semaphore_mem>>) src(%dma_wait3A_396 : memref<10000x128xf32, #tpu.memory_space<hbm>>) dst(%arg11 : memref<80x128xf32, #tpu.memory_space<vmem>>)
        %mul3A_397 = arith.constant 80 : i32
        %mul3A_398 = arith.muli %sub3A_33, %mul3A_397 : i32
        %add3A_399 = arith.addi %mul3A_2, %mul3A_398 : i32
        %dma_start3A = arith.constant 0 : i32
        %dma_start3A_400 = tpu.memref_slice %arg6[%add3A_399, %dma_start3A] : memref<320000x128xf32, #tpu.memory_space<hbm>> -> memref<80x128xf32, #tpu.memory_space<hbm>>
        %dma_start3A_401 = arith.constant 0 : i32
        %dma_start3A_402 = tpu.memref_slice %arg6[%add3A_399, %dma_start3A_401] : memref<320000x128xf32, #tpu.memory_space<hbm>> -> memref<80x128xf32, #tpu.memory_space<hbm>>
        tpu.enqueue_dma source(%arg11 : memref<80x128xf32, #tpu.memory_space<vmem>>) target(%dma_start3A_402 : memref<80x128xf32, #tpu.memory_space<hbm>>) target_semaphore(%arg31 : memref<!tpu.dma_semaphore, #tpu.memory_space<semaphore_mem>>)
      } else {
      }
      %mul3A_42 = arith.constant 10 : i32
      %mul3A_43 = arith.muli %scan3A_8, %mul3A_42 : i32
      %add3A_44 = arith.constant 1 : i32
      %add3A_45 = arith.addi %mul3A_43, %add3A_44 : i32
      %ge3A_46 = arith.constant 10 : i32
      %ge3A_47 = arith.cmpi sge, %add3A_45, %ge3A_46 : i32
      %sub3A_48 = arith.constant 10 : i32
      %sub3A_49 = arith.subi %add3A_45, %sub3A_48 : i32
      %lt3A_50 = arith.constant 125 : i32
      %lt3A_51 = arith.cmpi slt, %sub3A_49, %lt3A_50 : i32
      %and3A_52 = arith.andi %ge3A_47, %lt3A_51 : i1
      %convert_element_type3A_53 = arith.extui %and3A_52 : i1 to i32
      %cond3A_54 = arith.constant 0 : i32
      %cond3A_55 = arith.cmpi ne, %convert_element_type3A_53, %cond3A_54 : i32
      scf.if %cond3A_55 {
        %dma_wait3A = arith.constant 0 : i32
        %dma_wait3A_393 = arith.constant 0 : i32
        %dma_wait3A_394 = tpu.memref_slice %arg6[%dma_wait3A, %dma_wait3A_393] : memref<320000x128xf32, #tpu.memory_space<hbm>> -> memref<80x128xf32, #tpu.memory_space<hbm>>
        %dma_wait3A_395 = arith.constant 0 : i32
        %dma_wait3A_396 = arith.constant 0 : i32
        %dma_wait3A_397 = tpu.memref_slice %arg6[%dma_wait3A_395, %dma_wait3A_396] : memref<320000x128xf32, #tpu.memory_space<hbm>> -> memref<80x128xf32, #tpu.memory_space<hbm>>
        tpu.wait_dma2 semaphore(%arg30 : memref<!tpu.dma_semaphore, #tpu.memory_space<semaphore_mem>>) src(%arg10 : memref<80x128xf32, #tpu.memory_space<vmem>>) dst(%dma_wait3A_397 : memref<80x128xf32, #tpu.memory_space<hbm>>)
      } else {
      }
      %lt3A_56 = arith.constant 125 : i32
      %lt3A_57 = arith.cmpi slt, %add3A_45, %lt3A_56 : i32
      %convert_element_type3A_58 = arith.extui %lt3A_57 : i1 to i32
      %cond3A_59 = arith.constant 0 : i32
      %cond3A_60 = arith.cmpi ne, %convert_element_type3A_58, %cond3A_59 : i32
      scf.if %cond3A_60 {
        %mul3A_393 = arith.constant 80 : i32
        %mul3A_394 = arith.muli %add3A_45, %mul3A_393 : i32
        %dma_start3A = tpu.memref_slice %arg7[%mul3A_394] : memref<10000xi32, #tpu.memory_space<vmem>> -> memref<80xi32, #tpu.memory_space<vmem>>
        %dma_start3A_395 = arith.constant 0 : i32
        %dma_start3A_396 = arith.constant 0 : i32
        %dma_start3A_397 = tpu.memref_slice %arg2[%dma_start3A_395, %dma_start3A_396] : memref<10000x128xf32, #tpu.memory_space<hbm>> -> memref<10000x128xf32, #tpu.memory_space<hbm>>
        tpu.enqueue_indirect_dma source(%dma_start3A_397 : memref<10000x128xf32, #tpu.memory_space<hbm>>) target(%arg10 : memref<80x128xf32, #tpu.memory_space<vmem>>) offsets(%dma_start3A : memref<80xi32, #tpu.memory_space<vmem>>) semaphore(%arg20 : memref<!tpu.dma_semaphore, #tpu.memory_space<semaphore_mem>>)
      } else {
      }
      %sub3A_61 = arith.constant 4 : i32
      %sub3A_62 = arith.subi %add3A_45, %sub3A_61 : i32
      %ge3A_63 = arith.constant 0 : i32
      %ge3A_64 = arith.cmpi sge, %sub3A_62, %ge3A_63 : i32
      %lt3A_65 = arith.constant 125 : i32
      %lt3A_66 = arith.cmpi slt, %sub3A_62, %lt3A_65 : i32
      %and3A_67 = arith.andi %ge3A_64, %lt3A_66 : i1
      %convert_element_type3A_68 = arith.extui %and3A_67 : i1 to i32
      %cond3A_69 = arith.constant 0 : i32
      %cond3A_70 = arith.cmpi ne, %convert_element_type3A_68, %cond3A_69 : i32
      scf.if %cond3A_70 {
        %dma_wait3A = arith.constant 0 : i32
        %dma_wait3A_393 = tpu.memref_slice %arg7[%dma_wait3A] : memref<10000xi32, #tpu.memory_space<vmem>> -> memref<80xi32, #tpu.memory_space<vmem>>
        %dma_wait3A_394 = arith.constant 0 : i32
        %dma_wait3A_395 = arith.constant 0 : i32
        %dma_wait3A_396 = tpu.memref_slice %arg2[%dma_wait3A_394, %dma_wait3A_395] : memref<10000x128xf32, #tpu.memory_space<hbm>> -> memref<10000x128xf32, #tpu.memory_space<hbm>>
        tpu.wait_indirect_dma semaphore(%arg26 : memref<!tpu.dma_semaphore, #tpu.memory_space<semaphore_mem>>) src(%dma_wait3A_396 : memref<10000x128xf32, #tpu.memory_space<hbm>>) dst(%arg16 : memref<80x128xf32, #tpu.memory_space<vmem>>)
        %mul3A_397 = arith.constant 80 : i32
        %mul3A_398 = arith.muli %sub3A_62, %mul3A_397 : i32
        %dma_start3A = tpu.memref_slice %arg8[%mul3A_398] : memref<10000xi32, #tpu.memory_space<vmem>> -> memref<80xi32, #tpu.memory_space<vmem>>
        %dma_start3A_399 = arith.constant 0 : i32
        %dma_start3A_400 = arith.constant 0 : i32
        %dma_start3A_401 = tpu.memref_slice %arg3[%dma_start3A_399, %dma_start3A_400] : memref<10000x128xf32, #tpu.memory_space<hbm>> -> memref<10000x128xf32, #tpu.memory_space<hbm>>
        tpu.enqueue_indirect_dma source(%dma_start3A_401 : memref<10000x128xf32, #tpu.memory_space<hbm>>) target(%arg16 : memref<80x128xf32, #tpu.memory_space<vmem>>) offsets(%dma_start3A : memref<80xi32, #tpu.memory_space<vmem>>) semaphore(%arg26 : memref<!tpu.dma_semaphore, #tpu.memory_space<semaphore_mem>>) {add = true}
      } else {
      }
      %sub3A_71 = arith.constant 8 : i32
      %sub3A_72 = arith.subi %add3A_45, %sub3A_71 : i32
      %ge3A_73 = arith.constant 0 : i32
      %ge3A_74 = arith.cmpi sge, %sub3A_72, %ge3A_73 : i32
      %lt3A_75 = arith.constant 125 : i32
      %lt3A_76 = arith.cmpi slt, %sub3A_72, %lt3A_75 : i32
      %and3A_77 = arith.andi %ge3A_74, %lt3A_76 : i1
      %convert_element_type3A_78 = arith.extui %and3A_77 : i1 to i32
      %cond3A_79 = arith.constant 0 : i32
      %cond3A_80 = arith.cmpi ne, %convert_element_type3A_78, %cond3A_79 : i32
      scf.if %cond3A_80 {
        %dma_wait3A = arith.constant 0 : i32
        %dma_wait3A_393 = tpu.memref_slice %arg8[%dma_wait3A] : memref<10000xi32, #tpu.memory_space<vmem>> -> memref<80xi32, #tpu.memory_space<vmem>>
        %dma_wait3A_394 = arith.constant 0 : i32
        %dma_wait3A_395 = arith.constant 0 : i32
        %dma_wait3A_396 = tpu.memref_slice %arg3[%dma_wait3A_394, %dma_wait3A_395] : memref<10000x128xf32, #tpu.memory_space<hbm>> -> memref<10000x128xf32, #tpu.memory_space<hbm>>
        tpu.wait_indirect_dma semaphore(%arg22 : memref<!tpu.dma_semaphore, #tpu.memory_space<semaphore_mem>>) src(%dma_wait3A_396 : memref<10000x128xf32, #tpu.memory_space<hbm>>) dst(%arg12 : memref<80x128xf32, #tpu.memory_space<vmem>>)
        %mul3A_397 = arith.constant 80 : i32
        %mul3A_398 = arith.muli %sub3A_72, %mul3A_397 : i32
        %add3A_399 = arith.addi %mul3A_2, %mul3A_398 : i32
        %dma_start3A = arith.constant 0 : i32
        %dma_start3A_400 = tpu.memref_slice %arg6[%add3A_399, %dma_start3A] : memref<320000x128xf32, #tpu.memory_space<hbm>> -> memref<80x128xf32, #tpu.memory_space<hbm>>
        %dma_start3A_401 = arith.constant 0 : i32
        %dma_start3A_402 = tpu.memref_slice %arg6[%add3A_399, %dma_start3A_401] : memref<320000x128xf32, #tpu.memory_space<hbm>> -> memref<80x128xf32, #tpu.memory_space<hbm>>
        tpu.enqueue_dma source(%arg12 : memref<80x128xf32, #tpu.memory_space<vmem>>) target(%dma_start3A_402 : memref<80x128xf32, #tpu.memory_space<hbm>>) target_semaphore(%arg32 : memref<!tpu.dma_semaphore, #tpu.memory_space<semaphore_mem>>)
      } else {
      }
      %mul3A_81 = arith.constant 10 : i32
      %mul3A_82 = arith.muli %scan3A_8, %mul3A_81 : i32
      %add3A_83 = arith.constant 2 : i32
      %add3A_84 = arith.addi %mul3A_82, %add3A_83 : i32
      %ge3A_85 = arith.constant 10 : i32
      %ge3A_86 = arith.cmpi sge, %add3A_84, %ge3A_85 : i32
      %sub3A_87 = arith.constant 10 : i32
      %sub3A_88 = arith.subi %add3A_84, %sub3A_87 : i32
      %lt3A_89 = arith.constant 125 : i32
      %lt3A_90 = arith.cmpi slt, %sub3A_88, %lt3A_89 : i32
      %and3A_91 = arith.andi %ge3A_86, %lt3A_90 : i1
      %convert_element_type3A_92 = arith.extui %and3A_91 : i1 to i32
      %cond3A_93 = arith.constant 0 : i32
      %cond3A_94 = arith.cmpi ne, %convert_element_type3A_92, %cond3A_93 : i32
      scf.if %cond3A_94 {
        %dma_wait3A = arith.constant 0 : i32
        %dma_wait3A_393 = arith.constant 0 : i32
        %dma_wait3A_394 = tpu.memref_slice %arg6[%dma_wait3A, %dma_wait3A_393] : memref<320000x128xf32, #tpu.memory_space<hbm>> -> memref<80x128xf32, #tpu.memory_space<hbm>>
        %dma_wait3A_395 = arith.constant 0 : i32
        %dma_wait3A_396 = arith.constant 0 : i32
        %dma_wait3A_397 = tpu.memref_slice %arg6[%dma_wait3A_395, %dma_wait3A_396] : memref<320000x128xf32, #tpu.memory_space<hbm>> -> memref<80x128xf32, #tpu.memory_space<hbm>>
        tpu.wait_dma2 semaphore(%arg31 : memref<!tpu.dma_semaphore, #tpu.memory_space<semaphore_mem>>) src(%arg11 : memref<80x128xf32, #tpu.memory_space<vmem>>) dst(%dma_wait3A_397 : memref<80x128xf32, #tpu.memory_space<hbm>>)
      } else {
      }
      %lt3A_95 = arith.constant 125 : i32
      %lt3A_96 = arith.cmpi slt, %add3A_84, %lt3A_95 : i32
      %convert_element_type3A_97 = arith.extui %lt3A_96 : i1 to i32
      %cond3A_98 = arith.constant 0 : i32
      %cond3A_99 = arith.cmpi ne, %convert_element_type3A_97, %cond3A_98 : i32
      scf.if %cond3A_99 {
        %mul3A_393 = arith.constant 80 : i32
        %mul3A_394 = arith.muli %add3A_84, %mul3A_393 : i32
        %dma_start3A = tpu.memref_slice %arg7[%mul3A_394] : memref<10000xi32, #tpu.memory_space<vmem>> -> memref<80xi32, #tpu.memory_space<vmem>>
        %dma_start3A_395 = arith.constant 0 : i32
        %dma_start3A_396 = arith.constant 0 : i32
        %dma_start3A_397 = tpu.memref_slice %arg2[%dma_start3A_395, %dma_start3A_396] : memref<10000x128xf32, #tpu.memory_space<hbm>> -> memref<10000x128xf32, #tpu.memory_space<hbm>>
        tpu.enqueue_indirect_dma source(%dma_start3A_397 : memref<10000x128xf32, #tpu.memory_space<hbm>>) target(%arg11 : memref<80x128xf32, #tpu.memory_space<vmem>>) offsets(%dma_start3A : memref<80xi32, #tpu.memory_space<vmem>>) semaphore(%arg21 : memref<!tpu.dma_semaphore, #tpu.memory_space<semaphore_mem>>)
      } else {
      }
      %sub3A_100 = arith.constant 4 : i32
      %sub3A_101 = arith.subi %add3A_84, %sub3A_100 : i32
      %ge3A_102 = arith.constant 0 : i32
      %ge3A_103 = arith.cmpi sge, %sub3A_101, %ge3A_102 : i32
      %lt3A_104 = arith.constant 125 : i32
      %lt3A_105 = arith.cmpi slt, %sub3A_101, %lt3A_104 : i32
      %and3A_106 = arith.andi %ge3A_103, %lt3A_105 : i1
      %convert_element_type3A_107 = arith.extui %and3A_106 : i1 to i32
      %cond3A_108 = arith.constant 0 : i32
      %cond3A_109 = arith.cmpi ne, %convert_element_type3A_107, %cond3A_108 : i32
      scf.if %cond3A_109 {
        %dma_wait3A = arith.constant 0 : i32
        %dma_wait3A_393 = tpu.memref_slice %arg7[%dma_wait3A] : memref<10000xi32, #tpu.memory_space<vmem>> -> memref<80xi32, #tpu.memory_space<vmem>>
        %dma_wait3A_394 = arith.constant 0 : i32
        %dma_wait3A_395 = arith.constant 0 : i32
        %dma_wait3A_396 = tpu.memref_slice %arg2[%dma_wait3A_394, %dma_wait3A_395] : memref<10000x128xf32, #tpu.memory_space<hbm>> -> memref<10000x128xf32, #tpu.memory_space<hbm>>
        tpu.wait_indirect_dma semaphore(%arg27 : memref<!tpu.dma_semaphore, #tpu.memory_space<semaphore_mem>>) src(%dma_wait3A_396 : memref<10000x128xf32, #tpu.memory_space<hbm>>) dst(%arg17 : memref<80x128xf32, #tpu.memory_space<vmem>>)
        %mul3A_397 = arith.constant 80 : i32
        %mul3A_398 = arith.muli %sub3A_101, %mul3A_397 : i32
        %dma_start3A = tpu.memref_slice %arg8[%mul3A_398] : memref<10000xi32, #tpu.memory_space<vmem>> -> memref<80xi32, #tpu.memory_space<vmem>>
        %dma_start3A_399 = arith.constant 0 : i32
        %dma_start3A_400 = arith.constant 0 : i32
        %dma_start3A_401 = tpu.memref_slice %arg3[%dma_start3A_399, %dma_start3A_400] : memref<10000x128xf32, #tpu.memory_space<hbm>> -> memref<10000x128xf32, #tpu.memory_space<hbm>>
        tpu.enqueue_indirect_dma source(%dma_start3A_401 : memref<10000x128xf32, #tpu.memory_space<hbm>>) target(%arg17 : memref<80x128xf32, #tpu.memory_space<vmem>>) offsets(%dma_start3A : memref<80xi32, #tpu.memory_space<vmem>>) semaphore(%arg27 : memref<!tpu.dma_semaphore, #tpu.memory_space<semaphore_mem>>) {add = true}
      } else {
      }
      %sub3A_110 = arith.constant 8 : i32
      %sub3A_111 = arith.subi %add3A_84, %sub3A_110 : i32
      %ge3A_112 = arith.constant 0 : i32
      %ge3A_113 = arith.cmpi sge, %sub3A_111, %ge3A_112 : i32
      %lt3A_114 = arith.constant 125 : i32
      %lt3A_115 = arith.cmpi slt, %sub3A_111, %lt3A_114 : i32
      %and3A_116 = arith.andi %ge3A_113, %lt3A_115 : i1
      %convert_element_type3A_117 = arith.extui %and3A_116 : i1 to i32
      %cond3A_118 = arith.constant 0 : i32
      %cond3A_119 = arith.cmpi ne, %convert_element_type3A_117, %cond3A_118 : i32
      scf.if %cond3A_119 {
        %dma_wait3A = arith.constant 0 : i32
        %dma_wait3A_393 = tpu.memref_slice %arg8[%dma_wait3A] : memref<10000xi32, #tpu.memory_space<vmem>> -> memref<80xi32, #tpu.memory_space<vmem>>
        %dma_wait3A_394 = arith.constant 0 : i32
        %dma_wait3A_395 = arith.constant 0 : i32
        %dma_wait3A_396 = tpu.memref_slice %arg3[%dma_wait3A_394, %dma_wait3A_395] : memref<10000x128xf32, #tpu.memory_space<hbm>> -> memref<10000x128xf32, #tpu.memory_space<hbm>>
        tpu.wait_indirect_dma semaphore(%arg23 : memref<!tpu.dma_semaphore, #tpu.memory_space<semaphore_mem>>) src(%dma_wait3A_396 : memref<10000x128xf32, #tpu.memory_space<hbm>>) dst(%arg13 : memref<80x128xf32, #tpu.memory_space<vmem>>)
        %mul3A_397 = arith.constant 80 : i32
        %mul3A_398 = arith.muli %sub3A_111, %mul3A_397 : i32
        %add3A_399 = arith.addi %mul3A_2, %mul3A_398 : i32
        %dma_start3A = arith.constant 0 : i32
        %dma_start3A_400 = tpu.memref_slice %arg6[%add3A_399, %dma_start3A] : memref<320000x128xf32, #tpu.memory_space<hbm>> -> memref<80x128xf32, #tpu.memory_space<hbm>>
        %dma_start3A_401 = arith.constant 0 : i32
        %dma_start3A_402 = tpu.memref_slice %arg6[%add3A_399, %dma_start3A_401] : memref<320000x128xf32, #tpu.memory_space<hbm>> -> memref<80x128xf32, #tpu.memory_space<hbm>>
        tpu.enqueue_dma source(%arg13 : memref<80x128xf32, #tpu.memory_space<vmem>>) target(%dma_start3A_402 : memref<80x128xf32, #tpu.memory_space<hbm>>) target_semaphore(%arg33 : memref<!tpu.dma_semaphore, #tpu.memory_space<semaphore_mem>>)
      } else {
      }
      %mul3A_120 = arith.constant 10 : i32
      %mul3A_121 = arith.muli %scan3A_8, %mul3A_120 : i32
      %add3A_122 = arith.constant 3 : i32
      %add3A_123 = arith.addi %mul3A_121, %add3A_122 : i32
      %ge3A_124 = arith.constant 10 : i32
      %ge3A_125 = arith.cmpi sge, %add3A_123, %ge3A_124 : i32
      %sub3A_126 = arith.constant 10 : i32
      %sub3A_127 = arith.subi %add3A_123, %sub3A_126 : i32
      %lt3A_128 = arith.constant 125 : i32
      %lt3A_129 = arith.cmpi slt, %sub3A_127, %lt3A_128 : i32
      %and3A_130 = arith.andi %ge3A_125, %lt3A_129 : i1
      %convert_element_type3A_131 = arith.extui %and3A_130 : i1 to i32
      %cond3A_132 = arith.constant 0 : i32
      %cond3A_133 = arith.cmpi ne, %convert_element_type3A_131, %cond3A_132 : i32
      scf.if %cond3A_133 {
        %dma_wait3A = arith.constant 0 : i32
        %dma_wait3A_393 = arith.constant 0 : i32
        %dma_wait3A_394 = tpu.memref_slice %arg6[%dma_wait3A, %dma_wait3A_393] : memref<320000x128xf32, #tpu.memory_space<hbm>> -> memref<80x128xf32, #tpu.memory_space<hbm>>
        %dma_wait3A_395 = arith.constant 0 : i32
        %dma_wait3A_396 = arith.constant 0 : i32
        %dma_wait3A_397 = tpu.memref_slice %arg6[%dma_wait3A_395, %dma_wait3A_396] : memref<320000x128xf32, #tpu.memory_space<hbm>> -> memref<80x128xf32, #tpu.memory_space<hbm>>
        tpu.wait_dma2 semaphore(%arg32 : memref<!tpu.dma_semaphore, #tpu.memory_space<semaphore_mem>>) src(%arg12 : memref<80x128xf32, #tpu.memory_space<vmem>>) dst(%dma_wait3A_397 : memref<80x128xf32, #tpu.memory_space<hbm>>)
      } else {
      }
      %lt3A_134 = arith.constant 125 : i32
      %lt3A_135 = arith.cmpi slt, %add3A_123, %lt3A_134 : i32
      %convert_element_type3A_136 = arith.extui %lt3A_135 : i1 to i32
      %cond3A_137 = arith.constant 0 : i32
      %cond3A_138 = arith.cmpi ne, %convert_element_type3A_136, %cond3A_137 : i32
      scf.if %cond3A_138 {
        %mul3A_393 = arith.constant 80 : i32
        %mul3A_394 = arith.muli %add3A_123, %mul3A_393 : i32
        %dma_start3A = tpu.memref_slice %arg7[%mul3A_394] : memref<10000xi32, #tpu.memory_space<vmem>> -> memref<80xi32, #tpu.memory_space<vmem>>
        %dma_start3A_395 = arith.constant 0 : i32
        %dma_start3A_396 = arith.constant 0 : i32
        %dma_start3A_397 = tpu.memref_slice %arg2[%dma_start3A_395, %dma_start3A_396] : memref<10000x128xf32, #tpu.memory_space<hbm>> -> memref<10000x128xf32, #tpu.memory_space<hbm>>
        tpu.enqueue_indirect_dma source(%dma_start3A_397 : memref<10000x128xf32, #tpu.memory_space<hbm>>) target(%arg12 : memref<80x128xf32, #tpu.memory_space<vmem>>) offsets(%dma_start3A : memref<80xi32, #tpu.memory_space<vmem>>) semaphore(%arg22 : memref<!tpu.dma_semaphore, #tpu.memory_space<semaphore_mem>>)
      } else {
      }
      %sub3A_139 = arith.constant 4 : i32
      %sub3A_140 = arith.subi %add3A_123, %sub3A_139 : i32
      %ge3A_141 = arith.constant 0 : i32
      %ge3A_142 = arith.cmpi sge, %sub3A_140, %ge3A_141 : i32
      %lt3A_143 = arith.constant 125 : i32
      %lt3A_144 = arith.cmpi slt, %sub3A_140, %lt3A_143 : i32
      %and3A_145 = arith.andi %ge3A_142, %lt3A_144 : i1
      %convert_element_type3A_146 = arith.extui %and3A_145 : i1 to i32
      %cond3A_147 = arith.constant 0 : i32
      %cond3A_148 = arith.cmpi ne, %convert_element_type3A_146, %cond3A_147 : i32
      scf.if %cond3A_148 {
        %dma_wait3A = arith.constant 0 : i32
        %dma_wait3A_393 = tpu.memref_slice %arg7[%dma_wait3A] : memref<10000xi32, #tpu.memory_space<vmem>> -> memref<80xi32, #tpu.memory_space<vmem>>
        %dma_wait3A_394 = arith.constant 0 : i32
        %dma_wait3A_395 = arith.constant 0 : i32
        %dma_wait3A_396 = tpu.memref_slice %arg2[%dma_wait3A_394, %dma_wait3A_395] : memref<10000x128xf32, #tpu.memory_space<hbm>> -> memref<10000x128xf32, #tpu.memory_space<hbm>>
        tpu.wait_indirect_dma semaphore(%arg28 : memref<!tpu.dma_semaphore, #tpu.memory_space<semaphore_mem>>) src(%dma_wait3A_396 : memref<10000x128xf32, #tpu.memory_space<hbm>>) dst(%arg18 : memref<80x128xf32, #tpu.memory_space<vmem>>)
        %mul3A_397 = arith.constant 80 : i32
        %mul3A_398 = arith.muli %sub3A_140, %mul3A_397 : i32
        %dma_start3A = tpu.memref_slice %arg8[%mul3A_398] : memref<10000xi32, #tpu.memory_space<vmem>> -> memref<80xi32, #tpu.memory_space<vmem>>
        %dma_start3A_399 = arith.constant 0 : i32
        %dma_start3A_400 = arith.constant 0 : i32
        %dma_start3A_401 = tpu.memref_slice %arg3[%dma_start3A_399, %dma_start3A_400] : memref<10000x128xf32, #tpu.memory_space<hbm>> -> memref<10000x128xf32, #tpu.memory_space<hbm>>
        tpu.enqueue_indirect_dma source(%dma_start3A_401 : memref<10000x128xf32, #tpu.memory_space<hbm>>) target(%arg18 : memref<80x128xf32, #tpu.memory_space<vmem>>) offsets(%dma_start3A : memref<80xi32, #tpu.memory_space<vmem>>) semaphore(%arg28 : memref<!tpu.dma_semaphore, #tpu.memory_space<semaphore_mem>>) {add = true}
      } else {
      }
      %sub3A_149 = arith.constant 8 : i32
      %sub3A_150 = arith.subi %add3A_123, %sub3A_149 : i32
      %ge3A_151 = arith.constant 0 : i32
      %ge3A_152 = arith.cmpi sge, %sub3A_150, %ge3A_151 : i32
      %lt3A_153 = arith.constant 125 : i32
      %lt3A_154 = arith.cmpi slt, %sub3A_150, %lt3A_153 : i32
      %and3A_155 = arith.andi %ge3A_152, %lt3A_154 : i1
      %convert_element_type3A_156 = arith.extui %and3A_155 : i1 to i32
      %cond3A_157 = arith.constant 0 : i32
      %cond3A_158 = arith.cmpi ne, %convert_element_type3A_156, %cond3A_157 : i32
      scf.if %cond3A_158 {
        %dma_wait3A = arith.constant 0 : i32
        %dma_wait3A_393 = tpu.memref_slice %arg8[%dma_wait3A] : memref<10000xi32, #tpu.memory_space<vmem>> -> memref<80xi32, #tpu.memory_space<vmem>>
        %dma_wait3A_394 = arith.constant 0 : i32
        %dma_wait3A_395 = arith.constant 0 : i32
        %dma_wait3A_396 = tpu.memref_slice %arg3[%dma_wait3A_394, %dma_wait3A_395] : memref<10000x128xf32, #tpu.memory_space<hbm>> -> memref<10000x128xf32, #tpu.memory_space<hbm>>
        tpu.wait_indirect_dma semaphore(%arg24 : memref<!tpu.dma_semaphore, #tpu.memory_space<semaphore_mem>>) src(%dma_wait3A_396 : memref<10000x128xf32, #tpu.memory_space<hbm>>) dst(%arg14 : memref<80x128xf32, #tpu.memory_space<vmem>>)
        %mul3A_397 = arith.constant 80 : i32
        %mul3A_398 = arith.muli %sub3A_150, %mul3A_397 : i32
        %add3A_399 = arith.addi %mul3A_2, %mul3A_398 : i32
        %dma_start3A = arith.constant 0 : i32
        %dma_start3A_400 = tpu.memref_slice %arg6[%add3A_399, %dma_start3A] : memref<320000x128xf32, #tpu.memory_space<hbm>> -> memref<80x128xf32, #tpu.memory_space<hbm>>
        %dma_start3A_401 = arith.constant 0 : i32
        %dma_start3A_402 = tpu.memref_slice %arg6[%add3A_399, %dma_start3A_401] : memref<320000x128xf32, #tpu.memory_space<hbm>> -> memref<80x128xf32, #tpu.memory_space<hbm>>
        tpu.enqueue_dma source(%arg14 : memref<80x128xf32, #tpu.memory_space<vmem>>) target(%dma_start3A_402 : memref<80x128xf32, #tpu.memory_space<hbm>>) target_semaphore(%arg34 : memref<!tpu.dma_semaphore, #tpu.memory_space<semaphore_mem>>)
      } else {
      }
      %mul3A_159 = arith.constant 10 : i32
      %mul3A_160 = arith.muli %scan3A_8, %mul3A_159 : i32
      %add3A_161 = arith.constant 4 : i32
      %add3A_162 = arith.addi %mul3A_160, %add3A_161 : i32
      %ge3A_163 = arith.constant 10 : i32
      %ge3A_164 = arith.cmpi sge, %add3A_162, %ge3A_163 : i32
      %sub3A_165 = arith.constant 10 : i32
      %sub3A_166 = arith.subi %add3A_162, %sub3A_165 : i32
      %lt3A_167 = arith.constant 125 : i32
      %lt3A_168 = arith.cmpi slt, %sub3A_166, %lt3A_167 : i32
      %and3A_169 = arith.andi %ge3A_164, %lt3A_168 : i1
      %convert_element_type3A_170 = arith.extui %and3A_169 : i1 to i32
      %cond3A_171 = arith.constant 0 : i32
      %cond3A_172 = arith.cmpi ne, %convert_element_type3A_170, %cond3A_171 : i32
      scf.if %cond3A_172 {
        %dma_wait3A = arith.constant 0 : i32
        %dma_wait3A_393 = arith.constant 0 : i32
        %dma_wait3A_394 = tpu.memref_slice %arg6[%dma_wait3A, %dma_wait3A_393] : memref<320000x128xf32, #tpu.memory_space<hbm>> -> memref<80x128xf32, #tpu.memory_space<hbm>>
        %dma_wait3A_395 = arith.constant 0 : i32
        %dma_wait3A_396 = arith.constant 0 : i32
        %dma_wait3A_397 = tpu.memref_slice %arg6[%dma_wait3A_395, %dma_wait3A_396] : memref<320000x128xf32, #tpu.memory_space<hbm>> -> memref<80x128xf32, #tpu.memory_space<hbm>>
        tpu.wait_dma2 semaphore(%arg33 : memref<!tpu.dma_semaphore, #tpu.memory_space<semaphore_mem>>) src(%arg13 : memref<80x128xf32, #tpu.memory_space<vmem>>) dst(%dma_wait3A_397 : memref<80x128xf32, #tpu.memory_space<hbm>>)
      } else {
      }
      %lt3A_173 = arith.constant 125 : i32
      %lt3A_174 = arith.cmpi slt, %add3A_162, %lt3A_173 : i32
      %convert_element_type3A_175 = arith.extui %lt3A_174 : i1 to i32
      %cond3A_176 = arith.constant 0 : i32
      %cond3A_177 = arith.cmpi ne, %convert_element_type3A_175, %cond3A_176 : i32
      scf.if %cond3A_177 {
        %mul3A_393 = arith.constant 80 : i32
        %mul3A_394 = arith.muli %add3A_162, %mul3A_393 : i32
        %dma_start3A = tpu.memref_slice %arg7[%mul3A_394] : memref<10000xi32, #tpu.memory_space<vmem>> -> memref<80xi32, #tpu.memory_space<vmem>>
        %dma_start3A_395 = arith.constant 0 : i32
        %dma_start3A_396 = arith.constant 0 : i32
        %dma_start3A_397 = tpu.memref_slice %arg2[%dma_start3A_395, %dma_start3A_396] : memref<10000x128xf32, #tpu.memory_space<hbm>> -> memref<10000x128xf32, #tpu.memory_space<hbm>>
        tpu.enqueue_indirect_dma source(%dma_start3A_397 : memref<10000x128xf32, #tpu.memory_space<hbm>>) target(%arg13 : memref<80x128xf32, #tpu.memory_space<vmem>>) offsets(%dma_start3A : memref<80xi32, #tpu.memory_space<vmem>>) semaphore(%arg23 : memref<!tpu.dma_semaphore, #tpu.memory_space<semaphore_mem>>)
      } else {
      }
      %sub3A_178 = arith.constant 4 : i32
      %sub3A_179 = arith.subi %add3A_162, %sub3A_178 : i32
      %ge3A_180 = arith.constant 0 : i32
      %ge3A_181 = arith.cmpi sge, %sub3A_179, %ge3A_180 : i32
      %lt3A_182 = arith.constant 125 : i32
      %lt3A_183 = arith.cmpi slt, %sub3A_179, %lt3A_182 : i32
      %and3A_184 = arith.andi %ge3A_181, %lt3A_183 : i1
      %convert_element_type3A_185 = arith.extui %and3A_184 : i1 to i32
      %cond3A_186 = arith.constant 0 : i32
      %cond3A_187 = arith.cmpi ne, %convert_element_type3A_185, %cond3A_186 : i32
      scf.if %cond3A_187 {
        %dma_wait3A = arith.constant 0 : i32
        %dma_wait3A_393 = tpu.memref_slice %arg7[%dma_wait3A] : memref<10000xi32, #tpu.memory_space<vmem>> -> memref<80xi32, #tpu.memory_space<vmem>>
        %dma_wait3A_394 = arith.constant 0 : i32
        %dma_wait3A_395 = arith.constant 0 : i32
        %dma_wait3A_396 = tpu.memref_slice %arg2[%dma_wait3A_394, %dma_wait3A_395] : memref<10000x128xf32, #tpu.memory_space<hbm>> -> memref<10000x128xf32, #tpu.memory_space<hbm>>
        tpu.wait_indirect_dma semaphore(%arg19 : memref<!tpu.dma_semaphore, #tpu.memory_space<semaphore_mem>>) src(%dma_wait3A_396 : memref<10000x128xf32, #tpu.memory_space<hbm>>) dst(%arg9 : memref<80x128xf32, #tpu.memory_space<vmem>>)
        %mul3A_397 = arith.constant 80 : i32
        %mul3A_398 = arith.muli %sub3A_179, %mul3A_397 : i32
        %dma_start3A = tpu.memref_slice %arg8[%mul3A_398] : memref<10000xi32, #tpu.memory_space<vmem>> -> memref<80xi32, #tpu.memory_space<vmem>>
        %dma_start3A_399 = arith.constant 0 : i32
        %dma_start3A_400 = arith.constant 0 : i32
        %dma_start3A_401 = tpu.memref_slice %arg3[%dma_start3A_399, %dma_start3A_400] : memref<10000x128xf32, #tpu.memory_space<hbm>> -> memref<10000x128xf32, #tpu.memory_space<hbm>>
        tpu.enqueue_indirect_dma source(%dma_start3A_401 : memref<10000x128xf32, #tpu.memory_space<hbm>>) target(%arg9 : memref<80x128xf32, #tpu.memory_space<vmem>>) offsets(%dma_start3A : memref<80xi32, #tpu.memory_space<vmem>>) semaphore(%arg19 : memref<!tpu.dma_semaphore, #tpu.memory_space<semaphore_mem>>) {add = true}
      } else {
      }
      %sub3A_188 = arith.constant 8 : i32
      %sub3A_189 = arith.subi %add3A_162, %sub3A_188 : i32
      %ge3A_190 = arith.constant 0 : i32
      %ge3A_191 = arith.cmpi sge, %sub3A_189, %ge3A_190 : i32
      %lt3A_192 = arith.constant 125 : i32
      %lt3A_193 = arith.cmpi slt, %sub3A_189, %lt3A_192 : i32
      %and3A_194 = arith.andi %ge3A_191, %lt3A_193 : i1
      %convert_element_type3A_195 = arith.extui %and3A_194 : i1 to i32
      %cond3A_196 = arith.constant 0 : i32
      %cond3A_197 = arith.cmpi ne, %convert_element_type3A_195, %cond3A_196 : i32
      scf.if %cond3A_197 {
        %dma_wait3A = arith.constant 0 : i32
        %dma_wait3A_393 = tpu.memref_slice %arg8[%dma_wait3A] : memref<10000xi32, #tpu.memory_space<vmem>> -> memref<80xi32, #tpu.memory_space<vmem>>
        %dma_wait3A_394 = arith.constant 0 : i32
        %dma_wait3A_395 = arith.constant 0 : i32
        %dma_wait3A_396 = tpu.memref_slice %arg3[%dma_wait3A_394, %dma_wait3A_395] : memref<10000x128xf32, #tpu.memory_space<hbm>> -> memref<10000x128xf32, #tpu.memory_space<hbm>>
        tpu.wait_indirect_dma semaphore(%arg25 : memref<!tpu.dma_semaphore, #tpu.memory_space<semaphore_mem>>) src(%dma_wait3A_396 : memref<10000x128xf32, #tpu.memory_space<hbm>>) dst(%arg15 : memref<80x128xf32, #tpu.memory_space<vmem>>)
        %mul3A_397 = arith.constant 80 : i32
        %mul3A_398 = arith.muli %sub3A_189, %mul3A_397 : i32
        %add3A_399 = arith.addi %mul3A_2, %mul3A_398 : i32
        %dma_start3A = arith.constant 0 : i32
        %dma_start3A_400 = tpu.memref_slice %arg6[%add3A_399, %dma_start3A] : memref<320000x128xf32, #tpu.memory_space<hbm>> -> memref<80x128xf32, #tpu.memory_space<hbm>>
        %dma_start3A_401 = arith.constant 0 : i32
        %dma_start3A_402 = tpu.memref_slice %arg6[%add3A_399, %dma_start3A_401] : memref<320000x128xf32, #tpu.memory_space<hbm>> -> memref<80x128xf32, #tpu.memory_space<hbm>>
        tpu.enqueue_dma source(%arg15 : memref<80x128xf32, #tpu.memory_space<vmem>>) target(%dma_start3A_402 : memref<80x128xf32, #tpu.memory_space<hbm>>) target_semaphore(%arg35 : memref<!tpu.dma_semaphore, #tpu.memory_space<semaphore_mem>>)
      } else {
      }
      %mul3A_198 = arith.constant 10 : i32
      %mul3A_199 = arith.muli %scan3A_8, %mul3A_198 : i32
      %add3A_200 = arith.constant 5 : i32
      %add3A_201 = arith.addi %mul3A_199, %add3A_200 : i32
      %ge3A_202 = arith.constant 10 : i32
      %ge3A_203 = arith.cmpi sge, %add3A_201, %ge3A_202 : i32
      %sub3A_204 = arith.constant 10 : i32
      %sub3A_205 = arith.subi %add3A_201, %sub3A_204 : i32
      %lt3A_206 = arith.constant 125 : i32
      %lt3A_207 = arith.cmpi slt, %sub3A_205, %lt3A_206 : i32
      %and3A_208 = arith.andi %ge3A_203, %lt3A_207 : i1
      %convert_element_type3A_209 = arith.extui %and3A_208 : i1 to i32
      %cond3A_210 = arith.constant 0 : i32
      %cond3A_211 = arith.cmpi ne, %convert_element_type3A_209, %cond3A_210 : i32
      scf.if %cond3A_211 {
        %dma_wait3A = arith.constant 0 : i32
        %dma_wait3A_393 = arith.constant 0 : i32
        %dma_wait3A_394 = tpu.memref_slice %arg6[%dma_wait3A, %dma_wait3A_393] : memref<320000x128xf32, #tpu.memory_space<hbm>> -> memref<80x128xf32, #tpu.memory_space<hbm>>
        %dma_wait3A_395 = arith.constant 0 : i32
        %dma_wait3A_396 = arith.constant 0 : i32
        %dma_wait3A_397 = tpu.memref_slice %arg6[%dma_wait3A_395, %dma_wait3A_396] : memref<320000x128xf32, #tpu.memory_space<hbm>> -> memref<80x128xf32, #tpu.memory_space<hbm>>
        tpu.wait_dma2 semaphore(%arg34 : memref<!tpu.dma_semaphore, #tpu.memory_space<semaphore_mem>>) src(%arg14 : memref<80x128xf32, #tpu.memory_space<vmem>>) dst(%dma_wait3A_397 : memref<80x128xf32, #tpu.memory_space<hbm>>)
      } else {
      }
      %lt3A_212 = arith.constant 125 : i32
      %lt3A_213 = arith.cmpi slt, %add3A_201, %lt3A_212 : i32
      %convert_element_type3A_214 = arith.extui %lt3A_213 : i1 to i32
      %cond3A_215 = arith.constant 0 : i32
      %cond3A_216 = arith.cmpi ne, %convert_element_type3A_214, %cond3A_215 : i32
      scf.if %cond3A_216 {
        %mul3A_393 = arith.constant 80 : i32
        %mul3A_394 = arith.muli %add3A_201, %mul3A_393 : i32
        %dma_start3A = tpu.memref_slice %arg7[%mul3A_394] : memref<10000xi32, #tpu.memory_space<vmem>> -> memref<80xi32, #tpu.memory_space<vmem>>
        %dma_start3A_395 = arith.constant 0 : i32
        %dma_start3A_396 = arith.constant 0 : i32
        %dma_start3A_397 = tpu.memref_slice %arg2[%dma_start3A_395, %dma_start3A_396] : memref<10000x128xf32, #tpu.memory_space<hbm>> -> memref<10000x128xf32, #tpu.memory_space<hbm>>
        tpu.enqueue_indirect_dma source(%dma_start3A_397 : memref<10000x128xf32, #tpu.memory_space<hbm>>) target(%arg14 : memref<80x128xf32, #tpu.memory_space<vmem>>) offsets(%dma_start3A : memref<80xi32, #tpu.memory_space<vmem>>) semaphore(%arg24 : memref<!tpu.dma_semaphore, #tpu.memory_space<semaphore_mem>>)
      } else {
      }
      %sub3A_217 = arith.constant 4 : i32
      %sub3A_218 = arith.subi %add3A_201, %sub3A_217 : i32
      %ge3A_219 = arith.constant 0 : i32
      %ge3A_220 = arith.cmpi sge, %sub3A_218, %ge3A_219 : i32
      %lt3A_221 = arith.constant 125 : i32
      %lt3A_222 = arith.cmpi slt, %sub3A_218, %lt3A_221 : i32
      %and3A_223 = arith.andi %ge3A_220, %lt3A_222 : i1
      %convert_element_type3A_224 = arith.extui %and3A_223 : i1 to i32
      %cond3A_225 = arith.constant 0 : i32
      %cond3A_226 = arith.cmpi ne, %convert_element_type3A_224, %cond3A_225 : i32
      scf.if %cond3A_226 {
        %dma_wait3A = arith.constant 0 : i32
        %dma_wait3A_393 = tpu.memref_slice %arg7[%dma_wait3A] : memref<10000xi32, #tpu.memory_space<vmem>> -> memref<80xi32, #tpu.memory_space<vmem>>
        %dma_wait3A_394 = arith.constant 0 : i32
        %dma_wait3A_395 = arith.constant 0 : i32
        %dma_wait3A_396 = tpu.memref_slice %arg2[%dma_wait3A_394, %dma_wait3A_395] : memref<10000x128xf32, #tpu.memory_space<hbm>> -> memref<10000x128xf32, #tpu.memory_space<hbm>>
        tpu.wait_indirect_dma semaphore(%arg20 : memref<!tpu.dma_semaphore, #tpu.memory_space<semaphore_mem>>) src(%dma_wait3A_396 : memref<10000x128xf32, #tpu.memory_space<hbm>>) dst(%arg10 : memref<80x128xf32, #tpu.memory_space<vmem>>)
        %mul3A_397 = arith.constant 80 : i32
        %mul3A_398 = arith.muli %sub3A_218, %mul3A_397 : i32
        %dma_start3A = tpu.memref_slice %arg8[%mul3A_398] : memref<10000xi32, #tpu.memory_space<vmem>> -> memref<80xi32, #tpu.memory_space<vmem>>
        %dma_start3A_399 = arith.constant 0 : i32
        %dma_start3A_400 = arith.constant 0 : i32
        %dma_start3A_401 = tpu.memref_slice %arg3[%dma_start3A_399, %dma_start3A_400] : memref<10000x128xf32, #tpu.memory_space<hbm>> -> memref<10000x128xf32, #tpu.memory_space<hbm>>
        tpu.enqueue_indirect_dma source(%dma_start3A_401 : memref<10000x128xf32, #tpu.memory_space<hbm>>) target(%arg10 : memref<80x128xf32, #tpu.memory_space<vmem>>) offsets(%dma_start3A : memref<80xi32, #tpu.memory_space<vmem>>) semaphore(%arg20 : memref<!tpu.dma_semaphore, #tpu.memory_space<semaphore_mem>>) {add = true}
      } else {
      }
      %sub3A_227 = arith.constant 8 : i32
      %sub3A_228 = arith.subi %add3A_201, %sub3A_227 : i32
      %ge3A_229 = arith.constant 0 : i32
      %ge3A_230 = arith.cmpi sge, %sub3A_228, %ge3A_229 : i32
      %lt3A_231 = arith.constant 125 : i32
      %lt3A_232 = arith.cmpi slt, %sub3A_228, %lt3A_231 : i32
      %and3A_233 = arith.andi %ge3A_230, %lt3A_232 : i1
      %convert_element_type3A_234 = arith.extui %and3A_233 : i1 to i32
      %cond3A_235 = arith.constant 0 : i32
      %cond3A_236 = arith.cmpi ne, %convert_element_type3A_234, %cond3A_235 : i32
      scf.if %cond3A_236 {
        %dma_wait3A = arith.constant 0 : i32
        %dma_wait3A_393 = tpu.memref_slice %arg8[%dma_wait3A] : memref<10000xi32, #tpu.memory_space<vmem>> -> memref<80xi32, #tpu.memory_space<vmem>>
        %dma_wait3A_394 = arith.constant 0 : i32
        %dma_wait3A_395 = arith.constant 0 : i32
        %dma_wait3A_396 = tpu.memref_slice %arg3[%dma_wait3A_394, %dma_wait3A_395] : memref<10000x128xf32, #tpu.memory_space<hbm>> -> memref<10000x128xf32, #tpu.memory_space<hbm>>
        tpu.wait_indirect_dma semaphore(%arg26 : memref<!tpu.dma_semaphore, #tpu.memory_space<semaphore_mem>>) src(%dma_wait3A_396 : memref<10000x128xf32, #tpu.memory_space<hbm>>) dst(%arg16 : memref<80x128xf32, #tpu.memory_space<vmem>>)
        %mul3A_397 = arith.constant 80 : i32
        %mul3A_398 = arith.muli %sub3A_228, %mul3A_397 : i32
        %add3A_399 = arith.addi %mul3A_2, %mul3A_398 : i32
        %dma_start3A = arith.constant 0 : i32
        %dma_start3A_400 = tpu.memref_slice %arg6[%add3A_399, %dma_start3A] : memref<320000x128xf32, #tpu.memory_space<hbm>> -> memref<80x128xf32, #tpu.memory_space<hbm>>
        %dma_start3A_401 = arith.constant 0 : i32
        %dma_start3A_402 = tpu.memref_slice %arg6[%add3A_399, %dma_start3A_401] : memref<320000x128xf32, #tpu.memory_space<hbm>> -> memref<80x128xf32, #tpu.memory_space<hbm>>
        tpu.enqueue_dma source(%arg16 : memref<80x128xf32, #tpu.memory_space<vmem>>) target(%dma_start3A_402 : memref<80x128xf32, #tpu.memory_space<hbm>>) target_semaphore(%arg36 : memref<!tpu.dma_semaphore, #tpu.memory_space<semaphore_mem>>)
      } else {
      }
      %mul3A_237 = arith.constant 10 : i32
      %mul3A_238 = arith.muli %scan3A_8, %mul3A_237 : i32
      %add3A_239 = arith.constant 6 : i32
      %add3A_240 = arith.addi %mul3A_238, %add3A_239 : i32
      %ge3A_241 = arith.constant 10 : i32
      %ge3A_242 = arith.cmpi sge, %add3A_240, %ge3A_241 : i32
      %sub3A_243 = arith.constant 10 : i32
      %sub3A_244 = arith.subi %add3A_240, %sub3A_243 : i32
      %lt3A_245 = arith.constant 125 : i32
      %lt3A_246 = arith.cmpi slt, %sub3A_244, %lt3A_245 : i32
      %and3A_247 = arith.andi %ge3A_242, %lt3A_246 : i1
      %convert_element_type3A_248 = arith.extui %and3A_247 : i1 to i32
      %cond3A_249 = arith.constant 0 : i32
      %cond3A_250 = arith.cmpi ne, %convert_element_type3A_248, %cond3A_249 : i32
      scf.if %cond3A_250 {
        %dma_wait3A = arith.constant 0 : i32
        %dma_wait3A_393 = arith.constant 0 : i32
        %dma_wait3A_394 = tpu.memref_slice %arg6[%dma_wait3A, %dma_wait3A_393] : memref<320000x128xf32, #tpu.memory_space<hbm>> -> memref<80x128xf32, #tpu.memory_space<hbm>>
        %dma_wait3A_395 = arith.constant 0 : i32
        %dma_wait3A_396 = arith.constant 0 : i32
        %dma_wait3A_397 = tpu.memref_slice %arg6[%dma_wait3A_395, %dma_wait3A_396] : memref<320000x128xf32, #tpu.memory_space<hbm>> -> memref<80x128xf32, #tpu.memory_space<hbm>>
        tpu.wait_dma2 semaphore(%arg35 : memref<!tpu.dma_semaphore, #tpu.memory_space<semaphore_mem>>) src(%arg15 : memref<80x128xf32, #tpu.memory_space<vmem>>) dst(%dma_wait3A_397 : memref<80x128xf32, #tpu.memory_space<hbm>>)
      } else {
      }
      %lt3A_251 = arith.constant 125 : i32
      %lt3A_252 = arith.cmpi slt, %add3A_240, %lt3A_251 : i32
      %convert_element_type3A_253 = arith.extui %lt3A_252 : i1 to i32
      %cond3A_254 = arith.constant 0 : i32
      %cond3A_255 = arith.cmpi ne, %convert_element_type3A_253, %cond3A_254 : i32
      scf.if %cond3A_255 {
        %mul3A_393 = arith.constant 80 : i32
        %mul3A_394 = arith.muli %add3A_240, %mul3A_393 : i32
        %dma_start3A = tpu.memref_slice %arg7[%mul3A_394] : memref<10000xi32, #tpu.memory_space<vmem>> -> memref<80xi32, #tpu.memory_space<vmem>>
        %dma_start3A_395 = arith.constant 0 : i32
        %dma_start3A_396 = arith.constant 0 : i32
        %dma_start3A_397 = tpu.memref_slice %arg2[%dma_start3A_395, %dma_start3A_396] : memref<10000x128xf32, #tpu.memory_space<hbm>> -> memref<10000x128xf32, #tpu.memory_space<hbm>>
        tpu.enqueue_indirect_dma source(%dma_start3A_397 : memref<10000x128xf32, #tpu.memory_space<hbm>>) target(%arg15 : memref<80x128xf32, #tpu.memory_space<vmem>>) offsets(%dma_start3A : memref<80xi32, #tpu.memory_space<vmem>>) semaphore(%arg25 : memref<!tpu.dma_semaphore, #tpu.memory_space<semaphore_mem>>)
      } else {
      }
      %sub3A_256 = arith.constant 4 : i32
      %sub3A_257 = arith.subi %add3A_240, %sub3A_256 : i32
      %ge3A_258 = arith.constant 0 : i32
      %ge3A_259 = arith.cmpi sge, %sub3A_257, %ge3A_258 : i32
      %lt3A_260 = arith.constant 125 : i32
      %lt3A_261 = arith.cmpi slt, %sub3A_257, %lt3A_260 : i32
      %and3A_262 = arith.andi %ge3A_259, %lt3A_261 : i1
      %convert_element_type3A_263 = arith.extui %and3A_262 : i1 to i32
      %cond3A_264 = arith.constant 0 : i32
      %cond3A_265 = arith.cmpi ne, %convert_element_type3A_263, %cond3A_264 : i32
      scf.if %cond3A_265 {
        %dma_wait3A = arith.constant 0 : i32
        %dma_wait3A_393 = tpu.memref_slice %arg7[%dma_wait3A] : memref<10000xi32, #tpu.memory_space<vmem>> -> memref<80xi32, #tpu.memory_space<vmem>>
        %dma_wait3A_394 = arith.constant 0 : i32
        %dma_wait3A_395 = arith.constant 0 : i32
        %dma_wait3A_396 = tpu.memref_slice %arg2[%dma_wait3A_394, %dma_wait3A_395] : memref<10000x128xf32, #tpu.memory_space<hbm>> -> memref<10000x128xf32, #tpu.memory_space<hbm>>
        tpu.wait_indirect_dma semaphore(%arg21 : memref<!tpu.dma_semaphore, #tpu.memory_space<semaphore_mem>>) src(%dma_wait3A_396 : memref<10000x128xf32, #tpu.memory_space<hbm>>) dst(%arg11 : memref<80x128xf32, #tpu.memory_space<vmem>>)
        %mul3A_397 = arith.constant 80 : i32
        %mul3A_398 = arith.muli %sub3A_257, %mul3A_397 : i32
        %dma_start3A = tpu.memref_slice %arg8[%mul3A_398] : memref<10000xi32, #tpu.memory_space<vmem>> -> memref<80xi32, #tpu.memory_space<vmem>>
        %dma_start3A_399 = arith.constant 0 : i32
        %dma_start3A_400 = arith.constant 0 : i32
        %dma_start3A_401 = tpu.memref_slice %arg3[%dma_start3A_399, %dma_start3A_400] : memref<10000x128xf32, #tpu.memory_space<hbm>> -> memref<10000x128xf32, #tpu.memory_space<hbm>>
        tpu.enqueue_indirect_dma source(%dma_start3A_401 : memref<10000x128xf32, #tpu.memory_space<hbm>>) target(%arg11 : memref<80x128xf32, #tpu.memory_space<vmem>>) offsets(%dma_start3A : memref<80xi32, #tpu.memory_space<vmem>>) semaphore(%arg21 : memref<!tpu.dma_semaphore, #tpu.memory_space<semaphore_mem>>) {add = true}
      } else {
      }
      %sub3A_266 = arith.constant 8 : i32
      %sub3A_267 = arith.subi %add3A_240, %sub3A_266 : i32
      %ge3A_268 = arith.constant 0 : i32
      %ge3A_269 = arith.cmpi sge, %sub3A_267, %ge3A_268 : i32
      %lt3A_270 = arith.constant 125 : i32
      %lt3A_271 = arith.cmpi slt, %sub3A_267, %lt3A_270 : i32
      %and3A_272 = arith.andi %ge3A_269, %lt3A_271 : i1
      %convert_element_type3A_273 = arith.extui %and3A_272 : i1 to i32
      %cond3A_274 = arith.constant 0 : i32
      %cond3A_275 = arith.cmpi ne, %convert_element_type3A_273, %cond3A_274 : i32
      scf.if %cond3A_275 {
        %dma_wait3A = arith.constant 0 : i32
        %dma_wait3A_393 = tpu.memref_slice %arg8[%dma_wait3A] : memref<10000xi32, #tpu.memory_space<vmem>> -> memref<80xi32, #tpu.memory_space<vmem>>
        %dma_wait3A_394 = arith.constant 0 : i32
        %dma_wait3A_395 = arith.constant 0 : i32
        %dma_wait3A_396 = tpu.memref_slice %arg3[%dma_wait3A_394, %dma_wait3A_395] : memref<10000x128xf32, #tpu.memory_space<hbm>> -> memref<10000x128xf32, #tpu.memory_space<hbm>>
        tpu.wait_indirect_dma semaphore(%arg27 : memref<!tpu.dma_semaphore, #tpu.memory_space<semaphore_mem>>) src(%dma_wait3A_396 : memref<10000x128xf32, #tpu.memory_space<hbm>>) dst(%arg17 : memref<80x128xf32, #tpu.memory_space<vmem>>)
        %mul3A_397 = arith.constant 80 : i32
        %mul3A_398 = arith.muli %sub3A_267, %mul3A_397 : i32
        %add3A_399 = arith.addi %mul3A_2, %mul3A_398 : i32
        %dma_start3A = arith.constant 0 : i32
        %dma_start3A_400 = tpu.memref_slice %arg6[%add3A_399, %dma_start3A] : memref<320000x128xf32, #tpu.memory_space<hbm>> -> memref<80x128xf32, #tpu.memory_space<hbm>>
        %dma_start3A_401 = arith.constant 0 : i32
        %dma_start3A_402 = tpu.memref_slice %arg6[%add3A_399, %dma_start3A_401] : memref<320000x128xf32, #tpu.memory_space<hbm>> -> memref<80x128xf32, #tpu.memory_space<hbm>>
        tpu.enqueue_dma source(%arg17 : memref<80x128xf32, #tpu.memory_space<vmem>>) target(%dma_start3A_402 : memref<80x128xf32, #tpu.memory_space<hbm>>) target_semaphore(%arg37 : memref<!tpu.dma_semaphore, #tpu.memory_space<semaphore_mem>>)
      } else {
      }
      %mul3A_276 = arith.constant 10 : i32
      %mul3A_277 = arith.muli %scan3A_8, %mul3A_276 : i32
      %add3A_278 = arith.constant 7 : i32
      %add3A_279 = arith.addi %mul3A_277, %add3A_278 : i32
      %ge3A_280 = arith.constant 10 : i32
      %ge3A_281 = arith.cmpi sge, %add3A_279, %ge3A_280 : i32
      %sub3A_282 = arith.constant 10 : i32
      %sub3A_283 = arith.subi %add3A_279, %sub3A_282 : i32
      %lt3A_284 = arith.constant 125 : i32
      %lt3A_285 = arith.cmpi slt, %sub3A_283, %lt3A_284 : i32
      %and3A_286 = arith.andi %ge3A_281, %lt3A_285 : i1
      %convert_element_type3A_287 = arith.extui %and3A_286 : i1 to i32
      %cond3A_288 = arith.constant 0 : i32
      %cond3A_289 = arith.cmpi ne, %convert_element_type3A_287, %cond3A_288 : i32
      scf.if %cond3A_289 {
        %dma_wait3A = arith.constant 0 : i32
        %dma_wait3A_393 = arith.constant 0 : i32
        %dma_wait3A_394 = tpu.memref_slice %arg6[%dma_wait3A, %dma_wait3A_393] : memref<320000x128xf32, #tpu.memory_space<hbm>> -> memref<80x128xf32, #tpu.memory_space<hbm>>
        %dma_wait3A_395 = arith.constant 0 : i32
        %dma_wait3A_396 = arith.constant 0 : i32
        %dma_wait3A_397 = tpu.memref_slice %arg6[%dma_wait3A_395, %dma_wait3A_396] : memref<320000x128xf32, #tpu.memory_space<hbm>> -> memref<80x128xf32, #tpu.memory_space<hbm>>
        tpu.wait_dma2 semaphore(%arg36 : memref<!tpu.dma_semaphore, #tpu.memory_space<semaphore_mem>>) src(%arg16 : memref<80x128xf32, #tpu.memory_space<vmem>>) dst(%dma_wait3A_397 : memref<80x128xf32, #tpu.memory_space<hbm>>)
      } else {
      }
      %lt3A_290 = arith.constant 125 : i32
      %lt3A_291 = arith.cmpi slt, %add3A_279, %lt3A_290 : i32
      %convert_element_type3A_292 = arith.extui %lt3A_291 : i1 to i32
      %cond3A_293 = arith.constant 0 : i32
      %cond3A_294 = arith.cmpi ne, %convert_element_type3A_292, %cond3A_293 : i32
      scf.if %cond3A_294 {
        %mul3A_393 = arith.constant 80 : i32
        %mul3A_394 = arith.muli %add3A_279, %mul3A_393 : i32
        %dma_start3A = tpu.memref_slice %arg7[%mul3A_394] : memref<10000xi32, #tpu.memory_space<vmem>> -> memref<80xi32, #tpu.memory_space<vmem>>
        %dma_start3A_395 = arith.constant 0 : i32
        %dma_start3A_396 = arith.constant 0 : i32
        %dma_start3A_397 = tpu.memref_slice %arg2[%dma_start3A_395, %dma_start3A_396] : memref<10000x128xf32, #tpu.memory_space<hbm>> -> memref<10000x128xf32, #tpu.memory_space<hbm>>
        tpu.enqueue_indirect_dma source(%dma_start3A_397 : memref<10000x128xf32, #tpu.memory_space<hbm>>) target(%arg16 : memref<80x128xf32, #tpu.memory_space<vmem>>) offsets(%dma_start3A : memref<80xi32, #tpu.memory_space<vmem>>) semaphore(%arg26 : memref<!tpu.dma_semaphore, #tpu.memory_space<semaphore_mem>>)
      } else {
      }
      %sub3A_295 = arith.constant 4 : i32
      %sub3A_296 = arith.subi %add3A_279, %sub3A_295 : i32
      %ge3A_297 = arith.constant 0 : i32
      %ge3A_298 = arith.cmpi sge, %sub3A_296, %ge3A_297 : i32
      %lt3A_299 = arith.constant 125 : i32
      %lt3A_300 = arith.cmpi slt, %sub3A_296, %lt3A_299 : i32
      %and3A_301 = arith.andi %ge3A_298, %lt3A_300 : i1
      %convert_element_type3A_302 = arith.extui %and3A_301 : i1 to i32
      %cond3A_303 = arith.constant 0 : i32
      %cond3A_304 = arith.cmpi ne, %convert_element_type3A_302, %cond3A_303 : i32
      scf.if %cond3A_304 {
        %dma_wait3A = arith.constant 0 : i32
        %dma_wait3A_393 = tpu.memref_slice %arg7[%dma_wait3A] : memref<10000xi32, #tpu.memory_space<vmem>> -> memref<80xi32, #tpu.memory_space<vmem>>
        %dma_wait3A_394 = arith.constant 0 : i32
        %dma_wait3A_395 = arith.constant 0 : i32
        %dma_wait3A_396 = tpu.memref_slice %arg2[%dma_wait3A_394, %dma_wait3A_395] : memref<10000x128xf32, #tpu.memory_space<hbm>> -> memref<10000x128xf32, #tpu.memory_space<hbm>>
        tpu.wait_indirect_dma semaphore(%arg22 : memref<!tpu.dma_semaphore, #tpu.memory_space<semaphore_mem>>) src(%dma_wait3A_396 : memref<10000x128xf32, #tpu.memory_space<hbm>>) dst(%arg12 : memref<80x128xf32, #tpu.memory_space<vmem>>)
        %mul3A_397 = arith.constant 80 : i32
        %mul3A_398 = arith.muli %sub3A_296, %mul3A_397 : i32
        %dma_start3A = tpu.memref_slice %arg8[%mul3A_398] : memref<10000xi32, #tpu.memory_space<vmem>> -> memref<80xi32, #tpu.memory_space<vmem>>
        %dma_start3A_399 = arith.constant 0 : i32
        %dma_start3A_400 = arith.constant 0 : i32
        %dma_start3A_401 = tpu.memref_slice %arg3[%dma_start3A_399, %dma_start3A_400] : memref<10000x128xf32, #tpu.memory_space<hbm>> -> memref<10000x128xf32, #tpu.memory_space<hbm>>
        tpu.enqueue_indirect_dma source(%dma_start3A_401 : memref<10000x128xf32, #tpu.memory_space<hbm>>) target(%arg12 : memref<80x128xf32, #tpu.memory_space<vmem>>) offsets(%dma_start3A : memref<80xi32, #tpu.memory_space<vmem>>) semaphore(%arg22 : memref<!tpu.dma_semaphore, #tpu.memory_space<semaphore_mem>>) {add = true}
      } else {
      }
      %sub3A_305 = arith.constant 8 : i32
      %sub3A_306 = arith.subi %add3A_279, %sub3A_305 : i32
      %ge3A_307 = arith.constant 0 : i32
      %ge3A_308 = arith.cmpi sge, %sub3A_306, %ge3A_307 : i32
      %lt3A_309 = arith.constant 125 : i32
      %lt3A_310 = arith.cmpi slt, %sub3A_306, %lt3A_309 : i32
      %and3A_311 = arith.andi %ge3A_308, %lt3A_310 : i1
      %convert_element_type3A_312 = arith.extui %and3A_311 : i1 to i32
      %cond3A_313 = arith.constant 0 : i32
      %cond3A_314 = arith.cmpi ne, %convert_element_type3A_312, %cond3A_313 : i32
      scf.if %cond3A_314 {
        %dma_wait3A = arith.constant 0 : i32
        %dma_wait3A_393 = tpu.memref_slice %arg8[%dma_wait3A] : memref<10000xi32, #tpu.memory_space<vmem>> -> memref<80xi32, #tpu.memory_space<vmem>>
        %dma_wait3A_394 = arith.constant 0 : i32
        %dma_wait3A_395 = arith.constant 0 : i32
        %dma_wait3A_396 = tpu.memref_slice %arg3[%dma_wait3A_394, %dma_wait3A_395] : memref<10000x128xf32, #tpu.memory_space<hbm>> -> memref<10000x128xf32, #tpu.memory_space<hbm>>
        tpu.wait_indirect_dma semaphore(%arg28 : memref<!tpu.dma_semaphore, #tpu.memory_space<semaphore_mem>>) src(%dma_wait3A_396 : memref<10000x128xf32, #tpu.memory_space<hbm>>) dst(%arg18 : memref<80x128xf32, #tpu.memory_space<vmem>>)
        %mul3A_397 = arith.constant 80 : i32
        %mul3A_398 = arith.muli %sub3A_306, %mul3A_397 : i32
        %add3A_399 = arith.addi %mul3A_2, %mul3A_398 : i32
        %dma_start3A = arith.constant 0 : i32
        %dma_start3A_400 = tpu.memref_slice %arg6[%add3A_399, %dma_start3A] : memref<320000x128xf32, #tpu.memory_space<hbm>> -> memref<80x128xf32, #tpu.memory_space<hbm>>
        %dma_start3A_401 = arith.constant 0 : i32
        %dma_start3A_402 = tpu.memref_slice %arg6[%add3A_399, %dma_start3A_401] : memref<320000x128xf32, #tpu.memory_space<hbm>> -> memref<80x128xf32, #tpu.memory_space<hbm>>
        tpu.enqueue_dma source(%arg18 : memref<80x128xf32, #tpu.memory_space<vmem>>) target(%dma_start3A_402 : memref<80x128xf32, #tpu.memory_space<hbm>>) target_semaphore(%arg38 : memref<!tpu.dma_semaphore, #tpu.memory_space<semaphore_mem>>)
      } else {
      }
      %mul3A_315 = arith.constant 10 : i32
      %mul3A_316 = arith.muli %scan3A_8, %mul3A_315 : i32
      %add3A_317 = arith.constant 8 : i32
      %add3A_318 = arith.addi %mul3A_316, %add3A_317 : i32
      %ge3A_319 = arith.constant 10 : i32
      %ge3A_320 = arith.cmpi sge, %add3A_318, %ge3A_319 : i32
      %sub3A_321 = arith.constant 10 : i32
      %sub3A_322 = arith.subi %add3A_318, %sub3A_321 : i32
      %lt3A_323 = arith.constant 125 : i32
      %lt3A_324 = arith.cmpi slt, %sub3A_322, %lt3A_323 : i32
      %and3A_325 = arith.andi %ge3A_320, %lt3A_324 : i1
      %convert_element_type3A_326 = arith.extui %and3A_325 : i1 to i32
      %cond3A_327 = arith.constant 0 : i32
      %cond3A_328 = arith.cmpi ne, %convert_element_type3A_326, %cond3A_327 : i32
      scf.if %cond3A_328 {
        %dma_wait3A = arith.constant 0 : i32
        %dma_wait3A_393 = arith.constant 0 : i32
        %dma_wait3A_394 = tpu.memref_slice %arg6[%dma_wait3A, %dma_wait3A_393] : memref<320000x128xf32, #tpu.memory_space<hbm>> -> memref<80x128xf32, #tpu.memory_space<hbm>>
        %dma_wait3A_395 = arith.constant 0 : i32
        %dma_wait3A_396 = arith.constant 0 : i32
        %dma_wait3A_397 = tpu.memref_slice %arg6[%dma_wait3A_395, %dma_wait3A_396] : memref<320000x128xf32, #tpu.memory_space<hbm>> -> memref<80x128xf32, #tpu.memory_space<hbm>>
        tpu.wait_dma2 semaphore(%arg37 : memref<!tpu.dma_semaphore, #tpu.memory_space<semaphore_mem>>) src(%arg17 : memref<80x128xf32, #tpu.memory_space<vmem>>) dst(%dma_wait3A_397 : memref<80x128xf32, #tpu.memory_space<hbm>>)
      } else {
      }
      %lt3A_329 = arith.constant 125 : i32
      %lt3A_330 = arith.cmpi slt, %add3A_318, %lt3A_329 : i32
      %convert_element_type3A_331 = arith.extui %lt3A_330 : i1 to i32
      %cond3A_332 = arith.constant 0 : i32
      %cond3A_333 = arith.cmpi ne, %convert_element_type3A_331, %cond3A_332 : i32
      scf.if %cond3A_333 {
        %mul3A_393 = arith.constant 80 : i32
        %mul3A_394 = arith.muli %add3A_318, %mul3A_393 : i32
        %dma_start3A = tpu.memref_slice %arg7[%mul3A_394] : memref<10000xi32, #tpu.memory_space<vmem>> -> memref<80xi32, #tpu.memory_space<vmem>>
        %dma_start3A_395 = arith.constant 0 : i32
        %dma_start3A_396 = arith.constant 0 : i32
        %dma_start3A_397 = tpu.memref_slice %arg2[%dma_start3A_395, %dma_start3A_396] : memref<10000x128xf32, #tpu.memory_space<hbm>> -> memref<10000x128xf32, #tpu.memory_space<hbm>>
        tpu.enqueue_indirect_dma source(%dma_start3A_397 : memref<10000x128xf32, #tpu.memory_space<hbm>>) target(%arg17 : memref<80x128xf32, #tpu.memory_space<vmem>>) offsets(%dma_start3A : memref<80xi32, #tpu.memory_space<vmem>>) semaphore(%arg27 : memref<!tpu.dma_semaphore, #tpu.memory_space<semaphore_mem>>)
      } else {
      }
      %sub3A_334 = arith.constant 4 : i32
      %sub3A_335 = arith.subi %add3A_318, %sub3A_334 : i32
      %ge3A_336 = arith.constant 0 : i32
      %ge3A_337 = arith.cmpi sge, %sub3A_335, %ge3A_336 : i32
      %lt3A_338 = arith.constant 125 : i32
      %lt3A_339 = arith.cmpi slt, %sub3A_335, %lt3A_338 : i32
      %and3A_340 = arith.andi %ge3A_337, %lt3A_339 : i1
      %convert_element_type3A_341 = arith.extui %and3A_340 : i1 to i32
      %cond3A_342 = arith.constant 0 : i32
      %cond3A_343 = arith.cmpi ne, %convert_element_type3A_341, %cond3A_342 : i32
      scf.if %cond3A_343 {
        %dma_wait3A = arith.constant 0 : i32
        %dma_wait3A_393 = tpu.memref_slice %arg7[%dma_wait3A] : memref<10000xi32, #tpu.memory_space<vmem>> -> memref<80xi32, #tpu.memory_space<vmem>>
        %dma_wait3A_394 = arith.constant 0 : i32
        %dma_wait3A_395 = arith.constant 0 : i32
        %dma_wait3A_396 = tpu.memref_slice %arg2[%dma_wait3A_394, %dma_wait3A_395] : memref<10000x128xf32, #tpu.memory_space<hbm>> -> memref<10000x128xf32, #tpu.memory_space<hbm>>
        tpu.wait_indirect_dma semaphore(%arg23 : memref<!tpu.dma_semaphore, #tpu.memory_space<semaphore_mem>>) src(%dma_wait3A_396 : memref<10000x128xf32, #tpu.memory_space<hbm>>) dst(%arg13 : memref<80x128xf32, #tpu.memory_space<vmem>>)
        %mul3A_397 = arith.constant 80 : i32
        %mul3A_398 = arith.muli %sub3A_335, %mul3A_397 : i32
        %dma_start3A = tpu.memref_slice %arg8[%mul3A_398] : memref<10000xi32, #tpu.memory_space<vmem>> -> memref<80xi32, #tpu.memory_space<vmem>>
        %dma_start3A_399 = arith.constant 0 : i32
        %dma_start3A_400 = arith.constant 0 : i32
        %dma_start3A_401 = tpu.memref_slice %arg3[%dma_start3A_399, %dma_start3A_400] : memref<10000x128xf32, #tpu.memory_space<hbm>> -> memref<10000x128xf32, #tpu.memory_space<hbm>>
        tpu.enqueue_indirect_dma source(%dma_start3A_401 : memref<10000x128xf32, #tpu.memory_space<hbm>>) target(%arg13 : memref<80x128xf32, #tpu.memory_space<vmem>>) offsets(%dma_start3A : memref<80xi32, #tpu.memory_space<vmem>>) semaphore(%arg23 : memref<!tpu.dma_semaphore, #tpu.memory_space<semaphore_mem>>) {add = true}
      } else {
      }
      %sub3A_344 = arith.constant 8 : i32
      %sub3A_345 = arith.subi %add3A_318, %sub3A_344 : i32
      %ge3A_346 = arith.constant 0 : i32
      %ge3A_347 = arith.cmpi sge, %sub3A_345, %ge3A_346 : i32
      %lt3A_348 = arith.constant 125 : i32
      %lt3A_349 = arith.cmpi slt, %sub3A_345, %lt3A_348 : i32
      %and3A_350 = arith.andi %ge3A_347, %lt3A_349 : i1
      %convert_element_type3A_351 = arith.extui %and3A_350 : i1 to i32
      %cond3A_352 = arith.constant 0 : i32
      %cond3A_353 = arith.cmpi ne, %convert_element_type3A_351, %cond3A_352 : i32
      scf.if %cond3A_353 {
        %dma_wait3A = arith.constant 0 : i32
        %dma_wait3A_393 = tpu.memref_slice %arg8[%dma_wait3A] : memref<10000xi32, #tpu.memory_space<vmem>> -> memref<80xi32, #tpu.memory_space<vmem>>
        %dma_wait3A_394 = arith.constant 0 : i32
        %dma_wait3A_395 = arith.constant 0 : i32
        %dma_wait3A_396 = tpu.memref_slice %arg3[%dma_wait3A_394, %dma_wait3A_395] : memref<10000x128xf32, #tpu.memory_space<hbm>> -> memref<10000x128xf32, #tpu.memory_space<hbm>>
        tpu.wait_indirect_dma semaphore(%arg19 : memref<!tpu.dma_semaphore, #tpu.memory_space<semaphore_mem>>) src(%dma_wait3A_396 : memref<10000x128xf32, #tpu.memory_space<hbm>>) dst(%arg9 : memref<80x128xf32, #tpu.memory_space<vmem>>)
        %mul3A_397 = arith.constant 80 : i32
        %mul3A_398 = arith.muli %sub3A_345, %mul3A_397 : i32
        %add3A_399 = arith.addi %mul3A_2, %mul3A_398 : i32
        %dma_start3A = arith.constant 0 : i32
        %dma_start3A_400 = tpu.memref_slice %arg6[%add3A_399, %dma_start3A] : memref<320000x128xf32, #tpu.memory_space<hbm>> -> memref<80x128xf32, #tpu.memory_space<hbm>>
        %dma_start3A_401 = arith.constant 0 : i32
        %dma_start3A_402 = tpu.memref_slice %arg6[%add3A_399, %dma_start3A_401] : memref<320000x128xf32, #tpu.memory_space<hbm>> -> memref<80x128xf32, #tpu.memory_space<hbm>>
        tpu.enqueue_dma source(%arg9 : memref<80x128xf32, #tpu.memory_space<vmem>>) target(%dma_start3A_402 : memref<80x128xf32, #tpu.memory_space<hbm>>) target_semaphore(%arg29 : memref<!tpu.dma_semaphore, #tpu.memory_space<semaphore_mem>>)
      } else {
      }
      %mul3A_354 = arith.constant 10 : i32
      %mul3A_355 = arith.muli %scan3A_8, %mul3A_354 : i32
      %add3A_356 = arith.constant 9 : i32
      %add3A_357 = arith.addi %mul3A_355, %add3A_356 : i32
      %ge3A_358 = arith.constant 10 : i32
      %ge3A_359 = arith.cmpi sge, %add3A_357, %ge3A_358 : i32
      %sub3A_360 = arith.constant 10 : i32
      %sub3A_361 = arith.subi %add3A_357, %sub3A_360 : i32
      %lt3A_362 = arith.constant 125 : i32
      %lt3A_363 = arith.cmpi slt, %sub3A_361, %lt3A_362 : i32
      %and3A_364 = arith.andi %ge3A_359, %lt3A_363 : i1
      %convert_element_type3A_365 = arith.extui %and3A_364 : i1 to i32
      %cond3A_366 = arith.constant 0 : i32
      %cond3A_367 = arith.cmpi ne, %convert_element_type3A_365, %cond3A_366 : i32
      scf.if %cond3A_367 {
        %dma_wait3A = arith.constant 0 : i32
        %dma_wait3A_393 = arith.constant 0 : i32
        %dma_wait3A_394 = tpu.memref_slice %arg6[%dma_wait3A, %dma_wait3A_393] : memref<320000x128xf32, #tpu.memory_space<hbm>> -> memref<80x128xf32, #tpu.memory_space<hbm>>
        %dma_wait3A_395 = arith.constant 0 : i32
        %dma_wait3A_396 = arith.constant 0 : i32
        %dma_wait3A_397 = tpu.memref_slice %arg6[%dma_wait3A_395, %dma_wait3A_396] : memref<320000x128xf32, #tpu.memory_space<hbm>> -> memref<80x128xf32, #tpu.memory_space<hbm>>
        tpu.wait_dma2 semaphore(%arg38 : memref<!tpu.dma_semaphore, #tpu.memory_space<semaphore_mem>>) src(%arg18 : memref<80x128xf32, #tpu.memory_space<vmem>>) dst(%dma_wait3A_397 : memref<80x128xf32, #tpu.memory_space<hbm>>)
      } else {
      }
      %lt3A_368 = arith.constant 125 : i32
      %lt3A_369 = arith.cmpi slt, %add3A_357, %lt3A_368 : i32
      %convert_element_type3A_370 = arith.extui %lt3A_369 : i1 to i32
      %cond3A_371 = arith.constant 0 : i32
      %cond3A_372 = arith.cmpi ne, %convert_element_type3A_370, %cond3A_371 : i32
      scf.if %cond3A_372 {
        %mul3A_393 = arith.constant 80 : i32
        %mul3A_394 = arith.muli %add3A_357, %mul3A_393 : i32
        %dma_start3A = tpu.memref_slice %arg7[%mul3A_394] : memref<10000xi32, #tpu.memory_space<vmem>> -> memref<80xi32, #tpu.memory_space<vmem>>
        %dma_start3A_395 = arith.constant 0 : i32
        %dma_start3A_396 = arith.constant 0 : i32
        %dma_start3A_397 = tpu.memref_slice %arg2[%dma_start3A_395, %dma_start3A_396] : memref<10000x128xf32, #tpu.memory_space<hbm>> -> memref<10000x128xf32, #tpu.memory_space<hbm>>
        tpu.enqueue_indirect_dma source(%dma_start3A_397 : memref<10000x128xf32, #tpu.memory_space<hbm>>) target(%arg18 : memref<80x128xf32, #tpu.memory_space<vmem>>) offsets(%dma_start3A : memref<80xi32, #tpu.memory_space<vmem>>) semaphore(%arg28 : memref<!tpu.dma_semaphore, #tpu.memory_space<semaphore_mem>>)
      } else {
      }
      %sub3A_373 = arith.constant 4 : i32
      %sub3A_374 = arith.subi %add3A_357, %sub3A_373 : i32
      %ge3A_375 = arith.constant 0 : i32
      %ge3A_376 = arith.cmpi sge, %sub3A_374, %ge3A_375 : i32
      %lt3A_377 = arith.constant 125 : i32
      %lt3A_378 = arith.cmpi slt, %sub3A_374, %lt3A_377 : i32
      %and3A_379 = arith.andi %ge3A_376, %lt3A_378 : i1
      %convert_element_type3A_380 = arith.extui %and3A_379 : i1 to i32
      %cond3A_381 = arith.constant 0 : i32
      %cond3A_382 = arith.cmpi ne, %convert_element_type3A_380, %cond3A_381 : i32
      scf.if %cond3A_382 {
        %dma_wait3A = arith.constant 0 : i32
        %dma_wait3A_393 = tpu.memref_slice %arg7[%dma_wait3A] : memref<10000xi32, #tpu.memory_space<vmem>> -> memref<80xi32, #tpu.memory_space<vmem>>
        %dma_wait3A_394 = arith.constant 0 : i32
        %dma_wait3A_395 = arith.constant 0 : i32
        %dma_wait3A_396 = tpu.memref_slice %arg2[%dma_wait3A_394, %dma_wait3A_395] : memref<10000x128xf32, #tpu.memory_space<hbm>> -> memref<10000x128xf32, #tpu.memory_space<hbm>>
        tpu.wait_indirect_dma semaphore(%arg24 : memref<!tpu.dma_semaphore, #tpu.memory_space<semaphore_mem>>) src(%dma_wait3A_396 : memref<10000x128xf32, #tpu.memory_space<hbm>>) dst(%arg14 : memref<80x128xf32, #tpu.memory_space<vmem>>)
        %mul3A_397 = arith.constant 80 : i32
        %mul3A_398 = arith.muli %sub3A_374, %mul3A_397 : i32
        %dma_start3A = tpu.memref_slice %arg8[%mul3A_398] : memref<10000xi32, #tpu.memory_space<vmem>> -> memref<80xi32, #tpu.memory_space<vmem>>
        %dma_start3A_399 = arith.constant 0 : i32
        %dma_start3A_400 = arith.constant 0 : i32
        %dma_start3A_401 = tpu.memref_slice %arg3[%dma_start3A_399, %dma_start3A_400] : memref<10000x128xf32, #tpu.memory_space<hbm>> -> memref<10000x128xf32, #tpu.memory_space<hbm>>
        tpu.enqueue_indirect_dma source(%dma_start3A_401 : memref<10000x128xf32, #tpu.memory_space<hbm>>) target(%arg14 : memref<80x128xf32, #tpu.memory_space<vmem>>) offsets(%dma_start3A : memref<80xi32, #tpu.memory_space<vmem>>) semaphore(%arg24 : memref<!tpu.dma_semaphore, #tpu.memory_space<semaphore_mem>>) {add = true}
      } else {
      }
      %sub3A_383 = arith.constant 8 : i32
      %sub3A_384 = arith.subi %add3A_357, %sub3A_383 : i32
      %ge3A_385 = arith.constant 0 : i32
      %ge3A_386 = arith.cmpi sge, %sub3A_384, %ge3A_385 : i32
      %lt3A_387 = arith.constant 125 : i32
      %lt3A_388 = arith.cmpi slt, %sub3A_384, %lt3A_387 : i32
      %and3A_389 = arith.andi %ge3A_386, %lt3A_388 : i1
      %convert_element_type3A_390 = arith.extui %and3A_389 : i1 to i32
      %cond3A_391 = arith.constant 0 : i32
      %cond3A_392 = arith.cmpi ne, %convert_element_type3A_390, %cond3A_391 : i32
      scf.if %cond3A_392 {
        %dma_wait3A = arith.constant 0 : i32
        %dma_wait3A_393 = tpu.memref_slice %arg8[%dma_wait3A] : memref<10000xi32, #tpu.memory_space<vmem>> -> memref<80xi32, #tpu.memory_space<vmem>>
        %dma_wait3A_394 = arith.constant 0 : i32
        %dma_wait3A_395 = arith.constant 0 : i32
        %dma_wait3A_396 = tpu.memref_slice %arg3[%dma_wait3A_394, %dma_wait3A_395] : memref<10000x128xf32, #tpu.memory_space<hbm>> -> memref<10000x128xf32, #tpu.memory_space<hbm>>
        tpu.wait_indirect_dma semaphore(%arg20 : memref<!tpu.dma_semaphore, #tpu.memory_space<semaphore_mem>>) src(%dma_wait3A_396 : memref<10000x128xf32, #tpu.memory_space<hbm>>) dst(%arg10 : memref<80x128xf32, #tpu.memory_space<vmem>>)
        %mul3A_397 = arith.constant 80 : i32
        %mul3A_398 = arith.muli %sub3A_384, %mul3A_397 : i32
        %add3A_399 = arith.addi %mul3A_2, %mul3A_398 : i32
        %dma_start3A = arith.constant 0 : i32
        %dma_start3A_400 = tpu.memref_slice %arg6[%add3A_399, %dma_start3A] : memref<320000x128xf32, #tpu.memory_space<hbm>> -> memref<80x128xf32, #tpu.memory_space<hbm>>
        %dma_start3A_401 = arith.constant 0 : i32
        %dma_start3A_402 = tpu.memref_slice %arg6[%add3A_399, %dma_start3A_401] : memref<320000x128xf32, #tpu.memory_space<hbm>> -> memref<80x128xf32, #tpu.memory_space<hbm>>
        tpu.enqueue_dma source(%arg10 : memref<80x128xf32, #tpu.memory_space<vmem>>) target(%dma_start3A_402 : memref<80x128xf32, #tpu.memory_space<hbm>>) target_semaphore(%arg30 : memref<!tpu.dma_semaphore, #tpu.memory_space<semaphore_mem>>)
      } else {
      }
    }
    %scan3A_7 = arith.constant 14 : i32
    return
  }
}

#map = affine_map<(d0, d1) -> (0, 0)>
#map1 = affine_map<(d0, d1) -> (0)>
#map2 = affine_map<(d0, d1) -> (0, 0, 0)>
module attributes {stable_mosaic.version = 14 : i64} {
  func.func @k(%arg0: i32, %arg1: i32, %arg2: memref<10000x128xf32, #tpu.memory_space<hbm>>, %arg3: memref<320000xi32, #tpu.memory_space<hbm>>, %arg4: memref<320000xi32, #tpu.memory_space<hbm>>, %arg5: memref<2x10240x128xf32, #tpu.memory_space<hbm>>, %arg6: memref<80xi32, #tpu.memory_space<vmem>>, %arg7: memref<80xi32, #tpu.memory_space<vmem>>, %arg8: memref<80xi32, #tpu.memory_space<vmem>>, %arg9: memref<80xi32, #tpu.memory_space<vmem>>, %arg10: memref<80xi32, #tpu.memory_space<vmem>>, %arg11: memref<80xi32, #tpu.memory_space<vmem>>, %arg12: memref<80xi32, #tpu.memory_space<vmem>>, %arg13: memref<80xi32, #tpu.memory_space<vmem>>, %arg14: memref<80x128xf32, #tpu.memory_space<vmem>>, %arg15: memref<80x128xf32, #tpu.memory_space<vmem>>, %arg16: memref<80x128xf32, #tpu.memory_space<vmem>>, %arg17: memref<80x128xf32, #tpu.memory_space<vmem>>, %arg18: memref<10240x128xf32, #tpu.memory_space<vmem_shared>>, %arg19: memref<!tpu.dma_semaphore, #tpu.memory_space<semaphore_mem>>, %arg20: memref<!tpu.dma_semaphore, #tpu.memory_space<semaphore_mem>>, %arg21: memref<!tpu.dma_semaphore, #tpu.memory_space<semaphore_mem>>, %arg22: memref<!tpu.dma_semaphore, #tpu.memory_space<semaphore_mem>>, %arg23: memref<!tpu.dma_semaphore, #tpu.memory_space<semaphore_mem>>, %arg24: memref<!tpu.dma_semaphore, #tpu.memory_space<semaphore_mem>>, %arg25: memref<!tpu.dma_semaphore, #tpu.memory_space<semaphore_mem>>, %arg26: memref<!tpu.dma_semaphore, #tpu.memory_space<semaphore_mem>>, %arg27: memref<!tpu.dma_semaphore, #tpu.memory_space<semaphore_mem>>, %arg28: memref<!tpu.dma_semaphore, #tpu.memory_space<semaphore_mem>>, %arg29: memref<!tpu.dma_semaphore, #tpu.memory_space<semaphore_mem>>, %arg30: memref<!tpu.dma_semaphore, #tpu.memory_space<semaphore_mem>>) attributes {dimension_semantics = [#tpu.dimension_semantics<core_parallel>, #tpu.dimension_semantics<subcore_parallel>], iteration_bounds = array<i64: 2, 16>, scalar_prefetch = 0 : i64, scratch_operands = 25 : i64, tpu.core_type = #tpu.core_type<sc_vector_subcore>, window_params = [{transform_indices = #map}, {transform_indices = #map1}, {transform_indices = #map1}, {transform_indices = #map2}]} {
    %scan3A = arith.constant 0 : i32
    %scan3A_0 = arith.constant 0 : i32
    %scan3A_1 = arith.constant 80 : i32
    %scan3A_2 = arith.addi %scan3A_0, %scan3A_1 : i32
    %scan3A_3 = arith.constant 1 : i32
    scf.for %scan3A_29 = %scan3A_0 to %scan3A_2 step %scan3A_3  : i32 {
      %broadcast_in_dim3A = arith.constant 0.000000e+00 : f32
      %broadcast_in_dim3A_30 = vector.broadcast %broadcast_in_dim3A : f32 to vector<16xf32>
      %swap3A = arith.index_cast %scan3A_29 : i32 to index
      %swap3A_31 = arith.constant 0 : index
      %swap3A_32 = tpu.vector_load %arg14[%swap3A, %swap3A_31] {strides = array<i32>} : memref<80x128xf32, #tpu.memory_space<vmem>>, vector<1x16xf32>,
      %swap3A_33 = vector.shape_cast %swap3A_32 : vector<1x16xf32> to vector<16xf32>
      %swap3A_34 = vector.shape_cast %broadcast_in_dim3A_30 : vector<16xf32> to vector<1x16xf32>
      tpu.vector_store %arg14[%swap3A, %swap3A_31], %swap3A_34 {strides = array<i32>} : memref<80x128xf32, #tpu.memory_space<vmem>>, vector<1x16xf32>,
      %broadcast_in_dim3A_35 = arith.constant 0.000000e+00 : f32
      %broadcast_in_dim3A_36 = vector.broadcast %broadcast_in_dim3A_35 : f32 to vector<16xf32>
      %swap3A_37 = arith.index_cast %scan3A_29 : i32 to index
      %swap3A_38 = arith.constant 16 : index
      %swap3A_39 = tpu.vector_load %arg14[%swap3A_37, %swap3A_38] {strides = array<i32>} : memref<80x128xf32, #tpu.memory_space<vmem>>, vector<1x16xf32>,
      %swap3A_40 = vector.shape_cast %swap3A_39 : vector<1x16xf32> to vector<16xf32>
      %swap3A_41 = vector.shape_cast %broadcast_in_dim3A_36 : vector<16xf32> to vector<1x16xf32>
      tpu.vector_store %arg14[%swap3A_37, %swap3A_38], %swap3A_41 {strides = array<i32>} : memref<80x128xf32, #tpu.memory_space<vmem>>, vector<1x16xf32>,
      %broadcast_in_dim3A_42 = arith.constant 0.000000e+00 : f32
      %broadcast_in_dim3A_43 = vector.broadcast %broadcast_in_dim3A_42 : f32 to vector<16xf32>
      %swap3A_44 = arith.index_cast %scan3A_29 : i32 to index
      %swap3A_45 = arith.constant 32 : index
      %swap3A_46 = tpu.vector_load %arg14[%swap3A_44, %swap3A_45] {strides = array<i32>} : memref<80x128xf32, #tpu.memory_space<vmem>>, vector<1x16xf32>,
      %swap3A_47 = vector.shape_cast %swap3A_46 : vector<1x16xf32> to vector<16xf32>
      %swap3A_48 = vector.shape_cast %broadcast_in_dim3A_43 : vector<16xf32> to vector<1x16xf32>
      tpu.vector_store %arg14[%swap3A_44, %swap3A_45], %swap3A_48 {strides = array<i32>} : memref<80x128xf32, #tpu.memory_space<vmem>>, vector<1x16xf32>,
      %broadcast_in_dim3A_49 = arith.constant 0.000000e+00 : f32
      %broadcast_in_dim3A_50 = vector.broadcast %broadcast_in_dim3A_49 : f32 to vector<16xf32>
      %swap3A_51 = arith.index_cast %scan3A_29 : i32 to index
      %swap3A_52 = arith.constant 48 : index
      %swap3A_53 = tpu.vector_load %arg14[%swap3A_51, %swap3A_52] {strides = array<i32>} : memref<80x128xf32, #tpu.memory_space<vmem>>, vector<1x16xf32>,
      %swap3A_54 = vector.shape_cast %swap3A_53 : vector<1x16xf32> to vector<16xf32>
      %swap3A_55 = vector.shape_cast %broadcast_in_dim3A_50 : vector<16xf32> to vector<1x16xf32>
      tpu.vector_store %arg14[%swap3A_51, %swap3A_52], %swap3A_55 {strides = array<i32>} : memref<80x128xf32, #tpu.memory_space<vmem>>, vector<1x16xf32>,
      %broadcast_in_dim3A_56 = arith.constant 0.000000e+00 : f32
      %broadcast_in_dim3A_57 = vector.broadcast %broadcast_in_dim3A_56 : f32 to vector<16xf32>
      %swap3A_58 = arith.index_cast %scan3A_29 : i32 to index
      %swap3A_59 = arith.constant 64 : index
      %swap3A_60 = tpu.vector_load %arg14[%swap3A_58, %swap3A_59] {strides = array<i32>} : memref<80x128xf32, #tpu.memory_space<vmem>>, vector<1x16xf32>,
      %swap3A_61 = vector.shape_cast %swap3A_60 : vector<1x16xf32> to vector<16xf32>
      %swap3A_62 = vector.shape_cast %broadcast_in_dim3A_57 : vector<16xf32> to vector<1x16xf32>
      tpu.vector_store %arg14[%swap3A_58, %swap3A_59], %swap3A_62 {strides = array<i32>} : memref<80x128xf32, #tpu.memory_space<vmem>>, vector<1x16xf32>,
      %broadcast_in_dim3A_63 = arith.constant 0.000000e+00 : f32
      %broadcast_in_dim3A_64 = vector.broadcast %broadcast_in_dim3A_63 : f32 to vector<16xf32>
      %swap3A_65 = arith.index_cast %scan3A_29 : i32 to index
      %swap3A_66 = arith.constant 80 : index
      %swap3A_67 = tpu.vector_load %arg14[%swap3A_65, %swap3A_66] {strides = array<i32>} : memref<80x128xf32, #tpu.memory_space<vmem>>, vector<1x16xf32>,
      %swap3A_68 = vector.shape_cast %swap3A_67 : vector<1x16xf32> to vector<16xf32>
      %swap3A_69 = vector.shape_cast %broadcast_in_dim3A_64 : vector<16xf32> to vector<1x16xf32>
      tpu.vector_store %arg14[%swap3A_65, %swap3A_66], %swap3A_69 {strides = array<i32>} : memref<80x128xf32, #tpu.memory_space<vmem>>, vector<1x16xf32>,
      %broadcast_in_dim3A_70 = arith.constant 0.000000e+00 : f32
      %broadcast_in_dim3A_71 = vector.broadcast %broadcast_in_dim3A_70 : f32 to vector<16xf32>
      %swap3A_72 = arith.index_cast %scan3A_29 : i32 to index
      %swap3A_73 = arith.constant 96 : index
      %swap3A_74 = tpu.vector_load %arg14[%swap3A_72, %swap3A_73] {strides = array<i32>} : memref<80x128xf32, #tpu.memory_space<vmem>>, vector<1x16xf32>,
      %swap3A_75 = vector.shape_cast %swap3A_74 : vector<1x16xf32> to vector<16xf32>
      %swap3A_76 = vector.shape_cast %broadcast_in_dim3A_71 : vector<16xf32> to vector<1x16xf32>
      tpu.vector_store %arg14[%swap3A_72, %swap3A_73], %swap3A_76 {strides = array<i32>} : memref<80x128xf32, #tpu.memory_space<vmem>>, vector<1x16xf32>,
      %broadcast_in_dim3A_77 = arith.constant 0.000000e+00 : f32
      %broadcast_in_dim3A_78 = vector.broadcast %broadcast_in_dim3A_77 : f32 to vector<16xf32>
      %swap3A_79 = arith.index_cast %scan3A_29 : i32 to index
      %swap3A_80 = arith.constant 112 : index
      %swap3A_81 = tpu.vector_load %arg14[%swap3A_79, %swap3A_80] {strides = array<i32>} : memref<80x128xf32, #tpu.memory_space<vmem>>, vector<1x16xf32>,
      %swap3A_82 = vector.shape_cast %swap3A_81 : vector<1x16xf32> to vector<16xf32>
      %swap3A_83 = vector.shape_cast %broadcast_in_dim3A_78 : vector<16xf32> to vector<1x16xf32>
      tpu.vector_store %arg14[%swap3A_79, %swap3A_80], %swap3A_83 {strides = array<i32>} : memref<80x128xf32, #tpu.memory_space<vmem>>, vector<1x16xf32>,
    }
    %scan3A_4 = arith.constant 80 : i32
    %mul3A = arith.constant 640 : i32
    %mul3A_5 = arith.muli %arg1, %mul3A : i32
    %scan3A_6 = arith.constant 0 : i32
    %scan3A_7 = arith.constant 0 : i32
    %scan3A_8 = arith.constant 8 : i32
    %scan3A_9 = arith.addi %scan3A_7, %scan3A_8 : i32
    %scan3A_10 = arith.constant 1 : i32
    scf.for %scan3A_29 = %scan3A_7 to %scan3A_9 step %scan3A_10  : i32 {
      %mul3A_30 = arith.constant 80 : i32
      %mul3A_31 = arith.muli %scan3A_29, %mul3A_30 : i32
      %add3A_32 = arith.addi %mul3A_5, %mul3A_31 : i32
      "tpu.region"() ({
        %run_scoped3A = tpu.sem_alloc : memref<!tpu.dma_semaphore, #tpu.memory_space<semaphore_mem>>
        %dma_start3A = arith.constant 0 : i32
        %dma_start3A_33 = tpu.memref_slice %arg18[%add3A_32, %dma_start3A] : memref<10240x128xf32, #tpu.memory_space<vmem_shared>> -> memref<80x128xf32, #tpu.memory_space<vmem_shared>>
        %dma_start3A_34 = arith.constant 0 : i32
        %dma_start3A_35 = tpu.memref_slice %arg18[%add3A_32, %dma_start3A_34] : memref<10240x128xf32, #tpu.memory_space<vmem_shared>> -> memref<80x128xf32, #tpu.memory_space<vmem_shared>>
        tpu.enqueue_dma source(%arg14 : memref<80x128xf32, #tpu.memory_space<vmem>>) target(%dma_start3A_35 : memref<80x128xf32, #tpu.memory_space<vmem_shared>>) target_semaphore(%run_scoped3A : memref<!tpu.dma_semaphore, #tpu.memory_space<semaphore_mem>>)
        %dma_wait3A = arith.constant 0 : i32
        %dma_wait3A_36 = tpu.memref_slice %arg18[%add3A_32, %dma_wait3A] : memref<10240x128xf32, #tpu.memory_space<vmem_shared>> -> memref<80x128xf32, #tpu.memory_space<vmem_shared>>
        %dma_wait3A_37 = arith.constant 0 : i32
        %dma_wait3A_38 = tpu.memref_slice %arg18[%add3A_32, %dma_wait3A_37] : memref<10240x128xf32, #tpu.memory_space<vmem_shared>> -> memref<80x128xf32, #tpu.memory_space<vmem_shared>>
        tpu.wait_dma2 semaphore(%run_scoped3A : memref<!tpu.dma_semaphore, #tpu.memory_space<semaphore_mem>>) src(%arg14 : memref<80x128xf32, #tpu.memory_space<vmem>>) dst(%dma_wait3A_38 : memref<80x128xf32, #tpu.memory_space<vmem_shared>>)
        tpu.yield
      }) : () -> ()
    }
    %scan3A_11 = arith.constant 8 : i32
    %barrier3A = arith.constant 0 : index
    tpu.barrier barrier_id(%barrier3A)
    %mul3A_12 = arith.constant 16 : i32
    %mul3A_13 = arith.muli %arg0, %mul3A_12 : i32
    %add3A = arith.addi %mul3A_13, %arg1 : i32
    %mul3A_14 = arith.constant 10000 : i32
    %mul3A_15 = arith.muli %add3A, %mul3A_14 : i32
    %scan3A_16 = arith.constant 0 : i32
    %scan3A_17 = arith.constant 0 : i32
    %scan3A_18 = arith.constant 33 : i32
    %scan3A_19 = arith.addi %scan3A_17, %scan3A_18 : i32
    %scan3A_20 = arith.constant 1 : i32
    scf.for %scan3A_29 = %scan3A_17 to %scan3A_19 step %scan3A_20  : i32 {
      %mul3A_30 = arith.constant 4 : i32
      %mul3A_31 = arith.muli %scan3A_29, %mul3A_30 : i32
      %add3A_32 = arith.constant 0 : i32
      %add3A_33 = arith.addi %mul3A_31, %add3A_32 : i32
      %ge3A = arith.constant 4 : i32
      %ge3A_34 = arith.cmpi sge, %add3A_33, %ge3A : i32
      %sub3A = arith.constant 4 : i32
      %sub3A_35 = arith.subi %add3A_33, %sub3A : i32
      %lt3A = arith.constant 125 : i32
      %lt3A_36 = arith.cmpi slt, %sub3A_35, %lt3A : i32
      %and3A = arith.andi %ge3A_34, %lt3A_36 : i1
      %convert_element_type3A = arith.extui %and3A : i1 to i32
      %cond3A = arith.constant 0 : i32
      %cond3A_37 = arith.cmpi ne, %convert_element_type3A, %cond3A : i32
      scf.if %cond3A_37 {
        %dma_wait3A = arith.constant 0 : i32
        %dma_wait3A_180 = arith.constant 0 : i32
        %dma_wait3A_181 = tpu.memref_slice %arg18[%dma_wait3A, %dma_wait3A_180] : memref<10240x128xf32, #tpu.memory_space<vmem_shared>> -> memref<10240x128xf32, #tpu.memory_space<vmem_shared>>
        tpu.wait_indirect_dma semaphore(%arg27 : memref<!tpu.dma_semaphore, #tpu.memory_space<semaphore_mem>>) src(%arg14 : memref<80x128xf32, #tpu.memory_space<vmem>>) dst(%dma_wait3A_181 : memref<10240x128xf32, #tpu.memory_space<vmem_shared>>)
      } else {
      }
      %lt3A_38 = arith.constant 125 : i32
      %lt3A_39 = arith.cmpi slt, %add3A_33, %lt3A_38 : i32
      %convert_element_type3A_40 = arith.extui %lt3A_39 : i1 to i32
      %cond3A_41 = arith.constant 0 : i32
      %cond3A_42 = arith.cmpi ne, %convert_element_type3A_40, %cond3A_41 : i32
      scf.if %cond3A_42 {
        %mul3A_180 = arith.constant 80 : i32
        %mul3A_181 = arith.muli %add3A_33, %mul3A_180 : i32
        %add3A_182 = arith.addi %mul3A_15, %mul3A_181 : i32
        %dma_start3A = tpu.memref_slice %arg3[%add3A_182] : memref<320000xi32, #tpu.memory_space<hbm>> -> memref<80xi32, #tpu.memory_space<hbm>>
        %dma_start3A_183 = tpu.memref_slice %arg3[%add3A_182] : memref<320000xi32, #tpu.memory_space<hbm>> -> memref<80xi32, #tpu.memory_space<hbm>>
        tpu.enqueue_dma source(%dma_start3A_183 : memref<80xi32, #tpu.memory_space<hbm>>) target(%arg6 : memref<80xi32, #tpu.memory_space<vmem>>) target_semaphore(%arg19 : memref<!tpu.dma_semaphore, #tpu.memory_space<semaphore_mem>>)
        %dma_start3A_184 = tpu.memref_slice %arg4[%add3A_182] : memref<320000xi32, #tpu.memory_space<hbm>> -> memref<80xi32, #tpu.memory_space<hbm>>
        %dma_start3A_185 = tpu.memref_slice %arg4[%add3A_182] : memref<320000xi32, #tpu.memory_space<hbm>> -> memref<80xi32, #tpu.memory_space<hbm>>
        tpu.enqueue_dma source(%dma_start3A_185 : memref<80xi32, #tpu.memory_space<hbm>>) target(%arg10 : memref<80xi32, #tpu.memory_space<vmem>>) target_semaphore(%arg19 : memref<!tpu.dma_semaphore, #tpu.memory_space<semaphore_mem>>)
      } else {
      }
      %sub3A_43 = arith.constant 1 : i32
      %sub3A_44 = arith.subi %add3A_33, %sub3A_43 : i32
      %ge3A_45 = arith.constant 0 : i32
      %ge3A_46 = arith.cmpi sge, %sub3A_44, %ge3A_45 : i32
      %lt3A_47 = arith.constant 125 : i32
      %lt3A_48 = arith.cmpi slt, %sub3A_44, %lt3A_47 : i32
      %and3A_49 = arith.andi %ge3A_46, %lt3A_48 : i1
      %convert_element_type3A_50 = arith.extui %and3A_49 : i1 to i32
      %cond3A_51 = arith.constant 0 : i32
      %cond3A_52 = arith.cmpi ne, %convert_element_type3A_50, %cond3A_51 : i32
      scf.if %cond3A_52 {
        %dma_wait3A = arith.constant 0 : i32
        %dma_wait3A_180 = tpu.memref_slice %arg3[%dma_wait3A] : memref<320000xi32, #tpu.memory_space<hbm>> -> memref<80xi32, #tpu.memory_space<hbm>>
        %dma_wait3A_181 = arith.constant 0 : i32
        %dma_wait3A_182 = tpu.memref_slice %arg3[%dma_wait3A_181] : memref<320000xi32, #tpu.memory_space<hbm>> -> memref<80xi32, #tpu.memory_space<hbm>>
        tpu.wait_dma2 semaphore(%arg22 : memref<!tpu.dma_semaphore, #tpu.memory_space<semaphore_mem>>) src(%dma_wait3A_182 : memref<80xi32, #tpu.memory_space<hbm>>) dst(%arg9 : memref<80xi32, #tpu.memory_space<vmem>>)
        %dma_wait3A_183 = arith.constant 0 : i32
        %dma_wait3A_184 = tpu.memref_slice %arg4[%dma_wait3A_183] : memref<320000xi32, #tpu.memory_space<hbm>> -> memref<80xi32, #tpu.memory_space<hbm>>
        %dma_wait3A_185 = arith.constant 0 : i32
        %dma_wait3A_186 = tpu.memref_slice %arg4[%dma_wait3A_185] : memref<320000xi32, #tpu.memory_space<hbm>> -> memref<80xi32, #tpu.memory_space<hbm>>
        tpu.wait_dma2 semaphore(%arg22 : memref<!tpu.dma_semaphore, #tpu.memory_space<semaphore_mem>>) src(%dma_wait3A_186 : memref<80xi32, #tpu.memory_space<hbm>>) dst(%arg13 : memref<80xi32, #tpu.memory_space<vmem>>)
        %dma_start3A = arith.constant 0 : i32
        %dma_start3A_187 = arith.constant 0 : i32
        %dma_start3A_188 = tpu.memref_slice %arg2[%dma_start3A, %dma_start3A_187] : memref<10000x128xf32, #tpu.memory_space<hbm>> -> memref<10000x128xf32, #tpu.memory_space<hbm>>
        tpu.enqueue_indirect_dma source(%dma_start3A_188 : memref<10000x128xf32, #tpu.memory_space<hbm>>) target(%arg17 : memref<80x128xf32, #tpu.memory_space<vmem>>) offsets(%arg9 : memref<80xi32, #tpu.memory_space<vmem>>) semaphore(%arg26 : memref<!tpu.dma_semaphore, #tpu.memory_space<semaphore_mem>>)
      } else {
      }
      %sub3A_53 = arith.constant 3 : i32
      %sub3A_54 = arith.subi %add3A_33, %sub3A_53 : i32
      %ge3A_55 = arith.constant 0 : i32
      %ge3A_56 = arith.cmpi sge, %sub3A_54, %ge3A_55 : i32
      %lt3A_57 = arith.constant 125 : i32
      %lt3A_58 = arith.cmpi slt, %sub3A_54, %lt3A_57 : i32
      %and3A_59 = arith.andi %ge3A_56, %lt3A_58 : i1
      %convert_element_type3A_60 = arith.extui %and3A_59 : i1 to i32
      %cond3A_61 = arith.constant 0 : i32
      %cond3A_62 = arith.cmpi ne, %convert_element_type3A_60, %cond3A_61 : i32
      scf.if %cond3A_62 {
        %dma_wait3A = arith.constant 0 : i32
        %dma_wait3A_180 = arith.constant 0 : i32
        %dma_wait3A_181 = tpu.memref_slice %arg2[%dma_wait3A, %dma_wait3A_180] : memref<10000x128xf32, #tpu.memory_space<hbm>> -> memref<10000x128xf32, #tpu.memory_space<hbm>>
        tpu.wait_indirect_dma semaphore(%arg24 : memref<!tpu.dma_semaphore, #tpu.memory_space<semaphore_mem>>) src(%dma_wait3A_181 : memref<10000x128xf32, #tpu.memory_space<hbm>>) dst(%arg15 : memref<80x128xf32, #tpu.memory_space<vmem>>)
        %dma_start3A = arith.constant 0 : i32
        %dma_start3A_182 = arith.constant 0 : i32
        %dma_start3A_183 = tpu.memref_slice %arg18[%dma_start3A, %dma_start3A_182] : memref<10240x128xf32, #tpu.memory_space<vmem_shared>> -> memref<10240x128xf32, #tpu.memory_space<vmem_shared>>
        tpu.enqueue_indirect_dma source(%arg15 : memref<80x128xf32, #tpu.memory_space<vmem>>) target(%dma_start3A_183 : memref<10240x128xf32, #tpu.memory_space<vmem_shared>>) offsets(%arg11 : memref<80xi32, #tpu.memory_space<vmem>>) semaphore(%arg28 : memref<!tpu.dma_semaphore, #tpu.memory_space<semaphore_mem>>) {add = true}
      } else {
      }
      %mul3A_63 = arith.constant 4 : i32
      %mul3A_64 = arith.muli %scan3A_29, %mul3A_63 : i32
      %add3A_65 = arith.constant 1 : i32
      %add3A_66 = arith.addi %mul3A_64, %add3A_65 : i32
      %ge3A_67 = arith.constant 4 : i32
      %ge3A_68 = arith.cmpi sge, %add3A_66, %ge3A_67 : i32
      %sub3A_69 = arith.constant 4 : i32
      %sub3A_70 = arith.subi %add3A_66, %sub3A_69 : i32
      %lt3A_71 = arith.constant 125 : i32
      %lt3A_72 = arith.cmpi slt, %sub3A_70, %lt3A_71 : i32
      %and3A_73 = arith.andi %ge3A_68, %lt3A_72 : i1
      %convert_element_type3A_74 = arith.extui %and3A_73 : i1 to i32
      %cond3A_75 = arith.constant 0 : i32
      %cond3A_76 = arith.cmpi ne, %convert_element_type3A_74, %cond3A_75 : i32
      scf.if %cond3A_76 {
        %dma_wait3A = arith.constant 0 : i32
        %dma_wait3A_180 = arith.constant 0 : i32
        %dma_wait3A_181 = tpu.memref_slice %arg18[%dma_wait3A, %dma_wait3A_180] : memref<10240x128xf32, #tpu.memory_space<vmem_shared>> -> memref<10240x128xf32, #tpu.memory_space<vmem_shared>>
        tpu.wait_indirect_dma semaphore(%arg28 : memref<!tpu.dma_semaphore, #tpu.memory_space<semaphore_mem>>) src(%arg15 : memref<80x128xf32, #tpu.memory_space<vmem>>) dst(%dma_wait3A_181 : memref<10240x128xf32, #tpu.memory_space<vmem_shared>>)
      } else {
      }
      %lt3A_77 = arith.constant 125 : i32
      %lt3A_78 = arith.cmpi slt, %add3A_66, %lt3A_77 : i32
      %convert_element_type3A_79 = arith.extui %lt3A_78 : i1 to i32
      %cond3A_80 = arith.constant 0 : i32
      %cond3A_81 = arith.cmpi ne, %convert_element_type3A_79, %cond3A_80 : i32
      scf.if %cond3A_81 {
        %mul3A_180 = arith.constant 80 : i32
        %mul3A_181 = arith.muli %add3A_66, %mul3A_180 : i32
        %add3A_182 = arith.addi %mul3A_15, %mul3A_181 : i32
        %dma_start3A = tpu.memref_slice %arg3[%add3A_182] : memref<320000xi32, #tpu.memory_space<hbm>> -> memref<80xi32, #tpu.memory_space<hbm>>
        %dma_start3A_183 = tpu.memref_slice %arg3[%add3A_182] : memref<320000xi32, #tpu.memory_space<hbm>> -> memref<80xi32, #tpu.memory_space<hbm>>
        tpu.enqueue_dma source(%dma_start3A_183 : memref<80xi32, #tpu.memory_space<hbm>>) target(%arg7 : memref<80xi32, #tpu.memory_space<vmem>>) target_semaphore(%arg20 : memref<!tpu.dma_semaphore, #tpu.memory_space<semaphore_mem>>)
        %dma_start3A_184 = tpu.memref_slice %arg4[%add3A_182] : memref<320000xi32, #tpu.memory_space<hbm>> -> memref<80xi32, #tpu.memory_space<hbm>>
        %dma_start3A_185 = tpu.memref_slice %arg4[%add3A_182] : memref<320000xi32, #tpu.memory_space<hbm>> -> memref<80xi32, #tpu.memory_space<hbm>>
        tpu.enqueue_dma source(%dma_start3A_185 : memref<80xi32, #tpu.memory_space<hbm>>) target(%arg11 : memref<80xi32, #tpu.memory_space<vmem>>) target_semaphore(%arg20 : memref<!tpu.dma_semaphore, #tpu.memory_space<semaphore_mem>>)
      } else {
      }
      %sub3A_82 = arith.constant 1 : i32
      %sub3A_83 = arith.subi %add3A_66, %sub3A_82 : i32
      %ge3A_84 = arith.constant 0 : i32
      %ge3A_85 = arith.cmpi sge, %sub3A_83, %ge3A_84 : i32
      %lt3A_86 = arith.constant 125 : i32
      %lt3A_87 = arith.cmpi slt, %sub3A_83, %lt3A_86 : i32
      %and3A_88 = arith.andi %ge3A_85, %lt3A_87 : i1
      %convert_element_type3A_89 = arith.extui %and3A_88 : i1 to i32
      %cond3A_90 = arith.constant 0 : i32
      %cond3A_91 = arith.cmpi ne, %convert_element_type3A_89, %cond3A_90 : i32
      scf.if %cond3A_91 {
        %dma_wait3A = arith.constant 0 : i32
        %dma_wait3A_180 = tpu.memref_slice %arg3[%dma_wait3A] : memref<320000xi32, #tpu.memory_space<hbm>> -> memref<80xi32, #tpu.memory_space<hbm>>
        %dma_wait3A_181 = arith.constant 0 : i32
        %dma_wait3A_182 = tpu.memref_slice %arg3[%dma_wait3A_181] : memref<320000xi32, #tpu.memory_space<hbm>> -> memref<80xi32, #tpu.memory_space<hbm>>
        tpu.wait_dma2 semaphore(%arg19 : memref<!tpu.dma_semaphore, #tpu.memory_space<semaphore_mem>>) src(%dma_wait3A_182 : memref<80xi32, #tpu.memory_space<hbm>>) dst(%arg6 : memref<80xi32, #tpu.memory_space<vmem>>)
        %dma_wait3A_183 = arith.constant 0 : i32
        %dma_wait3A_184 = tpu.memref_slice %arg4[%dma_wait3A_183] : memref<320000xi32, #tpu.memory_space<hbm>> -> memref<80xi32, #tpu.memory_space<hbm>>
        %dma_wait3A_185 = arith.constant 0 : i32
        %dma_wait3A_186 = tpu.memref_slice %arg4[%dma_wait3A_185] : memref<320000xi32, #tpu.memory_space<hbm>> -> memref<80xi32, #tpu.memory_space<hbm>>
        tpu.wait_dma2 semaphore(%arg19 : memref<!tpu.dma_semaphore, #tpu.memory_space<semaphore_mem>>) src(%dma_wait3A_186 : memref<80xi32, #tpu.memory_space<hbm>>) dst(%arg10 : memref<80xi32, #tpu.memory_space<vmem>>)
        %dma_start3A = arith.constant 0 : i32
        %dma_start3A_187 = arith.constant 0 : i32
        %dma_start3A_188 = tpu.memref_slice %arg2[%dma_start3A, %dma_start3A_187] : memref<10000x128xf32, #tpu.memory_space<hbm>> -> memref<10000x128xf32, #tpu.memory_space<hbm>>
        tpu.enqueue_indirect_dma source(%dma_start3A_188 : memref<10000x128xf32, #tpu.memory_space<hbm>>) target(%arg14 : memref<80x128xf32, #tpu.memory_space<vmem>>) offsets(%arg6 : memref<80xi32, #tpu.memory_space<vmem>>) semaphore(%arg23 : memref<!tpu.dma_semaphore, #tpu.memory_space<semaphore_mem>>)
      } else {
      }
      %sub3A_92 = arith.constant 3 : i32
      %sub3A_93 = arith.subi %add3A_66, %sub3A_92 : i32
      %ge3A_94 = arith.constant 0 : i32
      %ge3A_95 = arith.cmpi sge, %sub3A_93, %ge3A_94 : i32
      %lt3A_96 = arith.constant 125 : i32
      %lt3A_97 = arith.cmpi slt, %sub3A_93, %lt3A_96 : i32
      %and3A_98 = arith.andi %ge3A_95, %lt3A_97 : i1
      %convert_element_type3A_99 = arith.extui %and3A_98 : i1 to i32
      %cond3A_100 = arith.constant 0 : i32
      %cond3A_101 = arith.cmpi ne, %convert_element_type3A_99, %cond3A_100 : i32
      scf.if %cond3A_101 {
        %dma_wait3A = arith.constant 0 : i32
        %dma_wait3A_180 = arith.constant 0 : i32
        %dma_wait3A_181 = tpu.memref_slice %arg2[%dma_wait3A, %dma_wait3A_180] : memref<10000x128xf32, #tpu.memory_space<hbm>> -> memref<10000x128xf32, #tpu.memory_space<hbm>>
        tpu.wait_indirect_dma semaphore(%arg25 : memref<!tpu.dma_semaphore, #tpu.memory_space<semaphore_mem>>) src(%dma_wait3A_181 : memref<10000x128xf32, #tpu.memory_space<hbm>>) dst(%arg16 : memref<80x128xf32, #tpu.memory_space<vmem>>)
        %dma_start3A = arith.constant 0 : i32
        %dma_start3A_182 = arith.constant 0 : i32
        %dma_start3A_183 = tpu.memref_slice %arg18[%dma_start3A, %dma_start3A_182] : memref<10240x128xf32, #tpu.memory_space<vmem_shared>> -> memref<10240x128xf32, #tpu.memory_space<vmem_shared>>
        tpu.enqueue_indirect_dma source(%arg16 : memref<80x128xf32, #tpu.memory_space<vmem>>) target(%dma_start3A_183 : memref<10240x128xf32, #tpu.memory_space<vmem_shared>>) offsets(%arg12 : memref<80xi32, #tpu.memory_space<vmem>>) semaphore(%arg29 : memref<!tpu.dma_semaphore, #tpu.memory_space<semaphore_mem>>) {add = true}
      } else {
      }
      %mul3A_102 = arith.constant 4 : i32
      %mul3A_103 = arith.muli %scan3A_29, %mul3A_102 : i32
      %add3A_104 = arith.constant 2 : i32
      %add3A_105 = arith.addi %mul3A_103, %add3A_104 : i32
      %ge3A_106 = arith.constant 4 : i32
      %ge3A_107 = arith.cmpi sge, %add3A_105, %ge3A_106 : i32
      %sub3A_108 = arith.constant 4 : i32
      %sub3A_109 = arith.subi %add3A_105, %sub3A_108 : i32
      %lt3A_110 = arith.constant 125 : i32
      %lt3A_111 = arith.cmpi slt, %sub3A_109, %lt3A_110 : i32
      %and3A_112 = arith.andi %ge3A_107, %lt3A_111 : i1
      %convert_element_type3A_113 = arith.extui %and3A_112 : i1 to i32
      %cond3A_114 = arith.constant 0 : i32
      %cond3A_115 = arith.cmpi ne, %convert_element_type3A_113, %cond3A_114 : i32
      scf.if %cond3A_115 {
        %dma_wait3A = arith.constant 0 : i32
        %dma_wait3A_180 = arith.constant 0 : i32
        %dma_wait3A_181 = tpu.memref_slice %arg18[%dma_wait3A, %dma_wait3A_180] : memref<10240x128xf32, #tpu.memory_space<vmem_shared>> -> memref<10240x128xf32, #tpu.memory_space<vmem_shared>>
        tpu.wait_indirect_dma semaphore(%arg29 : memref<!tpu.dma_semaphore, #tpu.memory_space<semaphore_mem>>) src(%arg16 : memref<80x128xf32, #tpu.memory_space<vmem>>) dst(%dma_wait3A_181 : memref<10240x128xf32, #tpu.memory_space<vmem_shared>>)
      } else {
      }
      %lt3A_116 = arith.constant 125 : i32
      %lt3A_117 = arith.cmpi slt, %add3A_105, %lt3A_116 : i32
      %convert_element_type3A_118 = arith.extui %lt3A_117 : i1 to i32
      %cond3A_119 = arith.constant 0 : i32
      %cond3A_120 = arith.cmpi ne, %convert_element_type3A_118, %cond3A_119 : i32
      scf.if %cond3A_120 {
        %mul3A_180 = arith.constant 80 : i32
        %mul3A_181 = arith.muli %add3A_105, %mul3A_180 : i32
        %add3A_182 = arith.addi %mul3A_15, %mul3A_181 : i32
        %dma_start3A = tpu.memref_slice %arg3[%add3A_182] : memref<320000xi32, #tpu.memory_space<hbm>> -> memref<80xi32, #tpu.memory_space<hbm>>
        %dma_start3A_183 = tpu.memref_slice %arg3[%add3A_182] : memref<320000xi32, #tpu.memory_space<hbm>> -> memref<80xi32, #tpu.memory_space<hbm>>
        tpu.enqueue_dma source(%dma_start3A_183 : memref<80xi32, #tpu.memory_space<hbm>>) target(%arg8 : memref<80xi32, #tpu.memory_space<vmem>>) target_semaphore(%arg21 : memref<!tpu.dma_semaphore, #tpu.memory_space<semaphore_mem>>)
        %dma_start3A_184 = tpu.memref_slice %arg4[%add3A_182] : memref<320000xi32, #tpu.memory_space<hbm>> -> memref<80xi32, #tpu.memory_space<hbm>>
        %dma_start3A_185 = tpu.memref_slice %arg4[%add3A_182] : memref<320000xi32, #tpu.memory_space<hbm>> -> memref<80xi32, #tpu.memory_space<hbm>>
        tpu.enqueue_dma source(%dma_start3A_185 : memref<80xi32, #tpu.memory_space<hbm>>) target(%arg12 : memref<80xi32, #tpu.memory_space<vmem>>) target_semaphore(%arg21 : memref<!tpu.dma_semaphore, #tpu.memory_space<semaphore_mem>>)
      } else {
      }
      %sub3A_121 = arith.constant 1 : i32
      %sub3A_122 = arith.subi %add3A_105, %sub3A_121 : i32
      %ge3A_123 = arith.constant 0 : i32
      %ge3A_124 = arith.cmpi sge, %sub3A_122, %ge3A_123 : i32
      %lt3A_125 = arith.constant 125 : i32
      %lt3A_126 = arith.cmpi slt, %sub3A_122, %lt3A_125 : i32
      %and3A_127 = arith.andi %ge3A_124, %lt3A_126 : i1
      %convert_element_type3A_128 = arith.extui %and3A_127 : i1 to i32
      %cond3A_129 = arith.constant 0 : i32
      %cond3A_130 = arith.cmpi ne, %convert_element_type3A_128, %cond3A_129 : i32
      scf.if %cond3A_130 {
        %dma_wait3A = arith.constant 0 : i32
        %dma_wait3A_180 = tpu.memref_slice %arg3[%dma_wait3A] : memref<320000xi32, #tpu.memory_space<hbm>> -> memref<80xi32, #tpu.memory_space<hbm>>
        %dma_wait3A_181 = arith.constant 0 : i32
        %dma_wait3A_182 = tpu.memref_slice %arg3[%dma_wait3A_181] : memref<320000xi32, #tpu.memory_space<hbm>> -> memref<80xi32, #tpu.memory_space<hbm>>
        tpu.wait_dma2 semaphore(%arg20 : memref<!tpu.dma_semaphore, #tpu.memory_space<semaphore_mem>>) src(%dma_wait3A_182 : memref<80xi32, #tpu.memory_space<hbm>>) dst(%arg7 : memref<80xi32, #tpu.memory_space<vmem>>)
        %dma_wait3A_183 = arith.constant 0 : i32
        %dma_wait3A_184 = tpu.memref_slice %arg4[%dma_wait3A_183] : memref<320000xi32, #tpu.memory_space<hbm>> -> memref<80xi32, #tpu.memory_space<hbm>>
        %dma_wait3A_185 = arith.constant 0 : i32
        %dma_wait3A_186 = tpu.memref_slice %arg4[%dma_wait3A_185] : memref<320000xi32, #tpu.memory_space<hbm>> -> memref<80xi32, #tpu.memory_space<hbm>>
        tpu.wait_dma2 semaphore(%arg20 : memref<!tpu.dma_semaphore, #tpu.memory_space<semaphore_mem>>) src(%dma_wait3A_186 : memref<80xi32, #tpu.memory_space<hbm>>) dst(%arg11 : memref<80xi32, #tpu.memory_space<vmem>>)
        %dma_start3A = arith.constant 0 : i32
        %dma_start3A_187 = arith.constant 0 : i32
        %dma_start3A_188 = tpu.memref_slice %arg2[%dma_start3A, %dma_start3A_187] : memref<10000x128xf32, #tpu.memory_space<hbm>> -> memref<10000x128xf32, #tpu.memory_space<hbm>>
        tpu.enqueue_indirect_dma source(%dma_start3A_188 : memref<10000x128xf32, #tpu.memory_space<hbm>>) target(%arg15 : memref<80x128xf32, #tpu.memory_space<vmem>>) offsets(%arg7 : memref<80xi32, #tpu.memory_space<vmem>>) semaphore(%arg24 : memref<!tpu.dma_semaphore, #tpu.memory_space<semaphore_mem>>)
      } else {
      }
      %sub3A_131 = arith.constant 3 : i32
      %sub3A_132 = arith.subi %add3A_105, %sub3A_131 : i32
      %ge3A_133 = arith.constant 0 : i32
      %ge3A_134 = arith.cmpi sge, %sub3A_132, %ge3A_133 : i32
      %lt3A_135 = arith.constant 125 : i32
      %lt3A_136 = arith.cmpi slt, %sub3A_132, %lt3A_135 : i32
      %and3A_137 = arith.andi %ge3A_134, %lt3A_136 : i1
      %convert_element_type3A_138 = arith.extui %and3A_137 : i1 to i32
      %cond3A_139 = arith.constant 0 : i32
      %cond3A_140 = arith.cmpi ne, %convert_element_type3A_138, %cond3A_139 : i32
      scf.if %cond3A_140 {
        %dma_wait3A = arith.constant 0 : i32
        %dma_wait3A_180 = arith.constant 0 : i32
        %dma_wait3A_181 = tpu.memref_slice %arg2[%dma_wait3A, %dma_wait3A_180] : memref<10000x128xf32, #tpu.memory_space<hbm>> -> memref<10000x128xf32, #tpu.memory_space<hbm>>
        tpu.wait_indirect_dma semaphore(%arg26 : memref<!tpu.dma_semaphore, #tpu.memory_space<semaphore_mem>>) src(%dma_wait3A_181 : memref<10000x128xf32, #tpu.memory_space<hbm>>) dst(%arg17 : memref<80x128xf32, #tpu.memory_space<vmem>>)
        %dma_start3A = arith.constant 0 : i32
        %dma_start3A_182 = arith.constant 0 : i32
        %dma_start3A_183 = tpu.memref_slice %arg18[%dma_start3A, %dma_start3A_182] : memref<10240x128xf32, #tpu.memory_space<vmem_shared>> -> memref<10240x128xf32, #tpu.memory_space<vmem_shared>>
        tpu.enqueue_indirect_dma source(%arg17 : memref<80x128xf32, #tpu.memory_space<vmem>>) target(%dma_start3A_183 : memref<10240x128xf32, #tpu.memory_space<vmem_shared>>) offsets(%arg13 : memref<80xi32, #tpu.memory_space<vmem>>) semaphore(%arg30 : memref<!tpu.dma_semaphore, #tpu.memory_space<semaphore_mem>>) {add = true}
      } else {
      }
      %mul3A_141 = arith.constant 4 : i32
      %mul3A_142 = arith.muli %scan3A_29, %mul3A_141 : i32
      %add3A_143 = arith.constant 3 : i32
      %add3A_144 = arith.addi %mul3A_142, %add3A_143 : i32
      %ge3A_145 = arith.constant 4 : i32
      %ge3A_146 = arith.cmpi sge, %add3A_144, %ge3A_145 : i32
      %sub3A_147 = arith.constant 4 : i32
      %sub3A_148 = arith.subi %add3A_144, %sub3A_147 : i32
      %lt3A_149 = arith.constant 125 : i32
      %lt3A_150 = arith.cmpi slt, %sub3A_148, %lt3A_149 : i32
      %and3A_151 = arith.andi %ge3A_146, %lt3A_150 : i1
      %convert_element_type3A_152 = arith.extui %and3A_151 : i1 to i32
      %cond3A_153 = arith.constant 0 : i32
      %cond3A_154 = arith.cmpi ne, %convert_element_type3A_152, %cond3A_153 : i32
      scf.if %cond3A_154 {
        %dma_wait3A = arith.constant 0 : i32
        %dma_wait3A_180 = arith.constant 0 : i32
        %dma_wait3A_181 = tpu.memref_slice %arg18[%dma_wait3A, %dma_wait3A_180] : memref<10240x128xf32, #tpu.memory_space<vmem_shared>> -> memref<10240x128xf32, #tpu.memory_space<vmem_shared>>
        tpu.wait_indirect_dma semaphore(%arg30 : memref<!tpu.dma_semaphore, #tpu.memory_space<semaphore_mem>>) src(%arg17 : memref<80x128xf32, #tpu.memory_space<vmem>>) dst(%dma_wait3A_181 : memref<10240x128xf32, #tpu.memory_space<vmem_shared>>)
      } else {
      }
      %lt3A_155 = arith.constant 125 : i32
      %lt3A_156 = arith.cmpi slt, %add3A_144, %lt3A_155 : i32
      %convert_element_type3A_157 = arith.extui %lt3A_156 : i1 to i32
      %cond3A_158 = arith.constant 0 : i32
      %cond3A_159 = arith.cmpi ne, %convert_element_type3A_157, %cond3A_158 : i32
      scf.if %cond3A_159 {
        %mul3A_180 = arith.constant 80 : i32
        %mul3A_181 = arith.muli %add3A_144, %mul3A_180 : i32
        %add3A_182 = arith.addi %mul3A_15, %mul3A_181 : i32
        %dma_start3A = tpu.memref_slice %arg3[%add3A_182] : memref<320000xi32, #tpu.memory_space<hbm>> -> memref<80xi32, #tpu.memory_space<hbm>>
        %dma_start3A_183 = tpu.memref_slice %arg3[%add3A_182] : memref<320000xi32, #tpu.memory_space<hbm>> -> memref<80xi32, #tpu.memory_space<hbm>>
        tpu.enqueue_dma source(%dma_start3A_183 : memref<80xi32, #tpu.memory_space<hbm>>) target(%arg9 : memref<80xi32, #tpu.memory_space<vmem>>) target_semaphore(%arg22 : memref<!tpu.dma_semaphore, #tpu.memory_space<semaphore_mem>>)
        %dma_start3A_184 = tpu.memref_slice %arg4[%add3A_182] : memref<320000xi32, #tpu.memory_space<hbm>> -> memref<80xi32, #tpu.memory_space<hbm>>
        %dma_start3A_185 = tpu.memref_slice %arg4[%add3A_182] : memref<320000xi32, #tpu.memory_space<hbm>> -> memref<80xi32, #tpu.memory_space<hbm>>
        tpu.enqueue_dma source(%dma_start3A_185 : memref<80xi32, #tpu.memory_space<hbm>>) target(%arg13 : memref<80xi32, #tpu.memory_space<vmem>>) target_semaphore(%arg22 : memref<!tpu.dma_semaphore, #tpu.memory_space<semaphore_mem>>)
      } else {
      }
      %sub3A_160 = arith.constant 1 : i32
      %sub3A_161 = arith.subi %add3A_144, %sub3A_160 : i32
      %ge3A_162 = arith.constant 0 : i32
      %ge3A_163 = arith.cmpi sge, %sub3A_161, %ge3A_162 : i32
      %lt3A_164 = arith.constant 125 : i32
      %lt3A_165 = arith.cmpi slt, %sub3A_161, %lt3A_164 : i32
      %and3A_166 = arith.andi %ge3A_163, %lt3A_165 : i1
      %convert_element_type3A_167 = arith.extui %and3A_166 : i1 to i32
      %cond3A_168 = arith.constant 0 : i32
      %cond3A_169 = arith.cmpi ne, %convert_element_type3A_167, %cond3A_168 : i32
      scf.if %cond3A_169 {
        %dma_wait3A = arith.constant 0 : i32
        %dma_wait3A_180 = tpu.memref_slice %arg3[%dma_wait3A] : memref<320000xi32, #tpu.memory_space<hbm>> -> memref<80xi32, #tpu.memory_space<hbm>>
        %dma_wait3A_181 = arith.constant 0 : i32
        %dma_wait3A_182 = tpu.memref_slice %arg3[%dma_wait3A_181] : memref<320000xi32, #tpu.memory_space<hbm>> -> memref<80xi32, #tpu.memory_space<hbm>>
        tpu.wait_dma2 semaphore(%arg21 : memref<!tpu.dma_semaphore, #tpu.memory_space<semaphore_mem>>) src(%dma_wait3A_182 : memref<80xi32, #tpu.memory_space<hbm>>) dst(%arg8 : memref<80xi32, #tpu.memory_space<vmem>>)
        %dma_wait3A_183 = arith.constant 0 : i32
        %dma_wait3A_184 = tpu.memref_slice %arg4[%dma_wait3A_183] : memref<320000xi32, #tpu.memory_space<hbm>> -> memref<80xi32, #tpu.memory_space<hbm>>
        %dma_wait3A_185 = arith.constant 0 : i32
        %dma_wait3A_186 = tpu.memref_slice %arg4[%dma_wait3A_185] : memref<320000xi32, #tpu.memory_space<hbm>> -> memref<80xi32, #tpu.memory_space<hbm>>
        tpu.wait_dma2 semaphore(%arg21 : memref<!tpu.dma_semaphore, #tpu.memory_space<semaphore_mem>>) src(%dma_wait3A_186 : memref<80xi32, #tpu.memory_space<hbm>>) dst(%arg12 : memref<80xi32, #tpu.memory_space<vmem>>)
        %dma_start3A = arith.constant 0 : i32
        %dma_start3A_187 = arith.constant 0 : i32
        %dma_start3A_188 = tpu.memref_slice %arg2[%dma_start3A, %dma_start3A_187] : memref<10000x128xf32, #tpu.memory_space<hbm>> -> memref<10000x128xf32, #tpu.memory_space<hbm>>
        tpu.enqueue_indirect_dma source(%dma_start3A_188 : memref<10000x128xf32, #tpu.memory_space<hbm>>) target(%arg16 : memref<80x128xf32, #tpu.memory_space<vmem>>) offsets(%arg8 : memref<80xi32, #tpu.memory_space<vmem>>) semaphore(%arg25 : memref<!tpu.dma_semaphore, #tpu.memory_space<semaphore_mem>>)
      } else {
      }
      %sub3A_170 = arith.constant 3 : i32
      %sub3A_171 = arith.subi %add3A_144, %sub3A_170 : i32
      %ge3A_172 = arith.constant 0 : i32
      %ge3A_173 = arith.cmpi sge, %sub3A_171, %ge3A_172 : i32
      %lt3A_174 = arith.constant 125 : i32
      %lt3A_175 = arith.cmpi slt, %sub3A_171, %lt3A_174 : i32
      %and3A_176 = arith.andi %ge3A_173, %lt3A_175 : i1
      %convert_element_type3A_177 = arith.extui %and3A_176 : i1 to i32
      %cond3A_178 = arith.constant 0 : i32
      %cond3A_179 = arith.cmpi ne, %convert_element_type3A_177, %cond3A_178 : i32
      scf.if %cond3A_179 {
        %dma_wait3A = arith.constant 0 : i32
        %dma_wait3A_180 = arith.constant 0 : i32
        %dma_wait3A_181 = tpu.memref_slice %arg2[%dma_wait3A, %dma_wait3A_180] : memref<10000x128xf32, #tpu.memory_space<hbm>> -> memref<10000x128xf32, #tpu.memory_space<hbm>>
        tpu.wait_indirect_dma semaphore(%arg23 : memref<!tpu.dma_semaphore, #tpu.memory_space<semaphore_mem>>) src(%dma_wait3A_181 : memref<10000x128xf32, #tpu.memory_space<hbm>>) dst(%arg14 : memref<80x128xf32, #tpu.memory_space<vmem>>)
        %dma_start3A = arith.constant 0 : i32
        %dma_start3A_182 = arith.constant 0 : i32
        %dma_start3A_183 = tpu.memref_slice %arg18[%dma_start3A, %dma_start3A_182] : memref<10240x128xf32, #tpu.memory_space<vmem_shared>> -> memref<10240x128xf32, #tpu.memory_space<vmem_shared>>
        tpu.enqueue_indirect_dma source(%arg14 : memref<80x128xf32, #tpu.memory_space<vmem>>) target(%dma_start3A_183 : memref<10240x128xf32, #tpu.memory_space<vmem_shared>>) offsets(%arg10 : memref<80xi32, #tpu.memory_space<vmem>>) semaphore(%arg27 : memref<!tpu.dma_semaphore, #tpu.memory_space<semaphore_mem>>) {add = true}
      } else {
      }
    }
    %scan3A_21 = arith.constant 33 : i32
    %barrier3A_22 = arith.constant 0 : index
    tpu.barrier barrier_id(%barrier3A_22)
    %scan3A_23 = arith.constant 0 : i32
    %scan3A_24 = arith.constant 0 : i32
    %scan3A_25 = arith.constant 8 : i32
    %scan3A_26 = arith.addi %scan3A_24, %scan3A_25 : i32
    %scan3A_27 = arith.constant 1 : i32
    scf.for %scan3A_29 = %scan3A_24 to %scan3A_26 step %scan3A_27  : i32 {
      %mul3A_30 = arith.constant 80 : i32
      %mul3A_31 = arith.muli %scan3A_29, %mul3A_30 : i32
      %add3A_32 = arith.addi %mul3A_5, %mul3A_31 : i32
      "tpu.region"() ({
        %run_scoped3A = tpu.sem_alloc : memref<!tpu.dma_semaphore, #tpu.memory_space<semaphore_mem>>
        %dma_start3A = arith.constant 0 : i32
        %dma_start3A_33 = tpu.memref_slice %arg5[%arg0, %add3A_32, %dma_start3A] : memref<2x10240x128xf32, #tpu.memory_space<hbm>> -> memref<1x80x128xf32, #tpu.memory_space<hbm>>
        %dma_start3A_34 = tpu.memref_squeeze %dma_start3A_33 : memref<1x80x128xf32, #tpu.memory_space<hbm>> -> memref<80x128xf32, #tpu.memory_space<hbm>>
        %dma_start3A_35 = arith.constant 0 : i32
        %dma_start3A_36 = tpu.memref_slice %arg18[%add3A_32, %dma_start3A_35] : memref<10240x128xf32, #tpu.memory_space<vmem_shared>> -> memref<80x128xf32, #tpu.memory_space<vmem_shared>>
        tpu.enqueue_dma source(%dma_start3A_36 : memref<80x128xf32, #tpu.memory_space<vmem_shared>>) target(%dma_start3A_34 : memref<80x128xf32, #tpu.memory_space<hbm>>) target_semaphore(%run_scoped3A : memref<!tpu.dma_semaphore, #tpu.memory_space<semaphore_mem>>)
        %dma_wait3A = arith.constant 0 : i32
        %dma_wait3A_37 = tpu.memref_slice %arg5[%arg0, %add3A_32, %dma_wait3A] : memref<2x10240x128xf32, #tpu.memory_space<hbm>> -> memref<1x80x128xf32, #tpu.memory_space<hbm>>
        %dma_wait3A_38 = tpu.memref_squeeze %dma_wait3A_37 : memref<1x80x128xf32, #tpu.memory_space<hbm>> -> memref<80x128xf32, #tpu.memory_space<hbm>>
        %dma_wait3A_39 = arith.constant 0 : i32
        %dma_wait3A_40 = tpu.memref_slice %arg18[%add3A_32, %dma_wait3A_39] : memref<10240x128xf32, #tpu.memory_space<vmem_shared>> -> memref<80x128xf32, #tpu.memory_space<vmem_shared>>
        tpu.wait_dma2 semaphore(%run_scoped3A : memref<!tpu.dma_semaphore, #tpu.memory_space<semaphore_mem>>) src(%dma_wait3A_40 : memref<80x128xf32, #tpu.memory_space<vmem_shared>>) dst(%dma_wait3A_38 : memref<80x128xf32, #tpu.memory_space<hbm>>)
        tpu.yield
      }) : () -> ()
    }
    %scan3A_28 = arith.constant 8 : i32
    return
  }
}

module attributes {stable_mosaic.version = 14 : i64} {
  func.func @body(%arg0: i32, %arg1: memref<2x1000x128xf32, #tpu.memory_space<vmem>>, %arg2: memref<1000x128xf32, #tpu.memory_space<vmem>>, %arg3: memref<1000x1xf32, #tpu.memory_space<vmem>>, %arg4: memref<128x128xf32, #tpu.memory_space<vmem>>, %arg5: memref<1x128xf32, #tpu.memory_space<vmem>>, %arg6: memref<128x128xf32, #tpu.memory_space<vmem>>, %arg7: memref<128x128xf32, #tpu.memory_space<vmem>>, %arg8: memref<128x128xf32, #tpu.memory_space<vmem>>, %arg9: memref<1000x128xf32, #tpu.memory_space<vmem>>, %arg10: memref<1000x128xf32, #tpu.memory_space<vmem>>) attributes {dimension_semantics = [#tpu.dimension_semantics<arbitrary>], iteration_bounds = array<i64: 10>, scalar_prefetch = 0 : i64, scratch_operands = 0 : i64, tpu.core_type = #tpu.core_type<tc>, window_params = [{transform_indices = @transform_0, window_bounds = array<i64: 2, 1000, 128>}, {transform_indices = @transform_1, window_bounds = array<i64: 1000, 128>}, {transform_indices = @transform_2, window_bounds = array<i64: 1000, 1>}, {pipeline_mode = #tpu.pipeline_mode<synchronous>, transform_indices = @transform_3, window_bounds = array<i64: 128, 128>}, {pipeline_mode = #tpu.pipeline_mode<synchronous>, transform_indices = @transform_4, window_bounds = array<i64: 1, 128>}, {pipeline_mode = #tpu.pipeline_mode<synchronous>, transform_indices = @transform_5, window_bounds = array<i64: 128, 128>}, {pipeline_mode = #tpu.pipeline_mode<synchronous>, transform_indices = @transform_6, window_bounds = array<i64: 128, 128>}, {pipeline_mode = #tpu.pipeline_mode<synchronous>, transform_indices = @transform_7, window_bounds = array<i64: 128, 128>}, {transform_indices = @transform_8, window_bounds = array<i64: 1000, 128>}, {transform_indices = @transform_9, window_bounds = array<i64: 1000, 128>}]} {
    %get3A = arith.constant 0 : index
    %get3A_0 = arith.constant 0 : index
    %get3A_1 = arith.constant 0 : index
    %get3A_2 = vector.load %arg1[%get3A, %get3A_0, %get3A_1] : memref<2x1000x128xf32, #tpu.memory_space<vmem>>, vector<1x1000x128xf32>
    %get3A_3 = vector.shape_cast %get3A_2 : vector<1x1000x128xf32> to vector<1000x128xf32>
    %get3A_4 = arith.constant 1 : index
    %get3A_5 = arith.constant 0 : index
    %get3A_6 = arith.constant 0 : index
    %get3A_7 = vector.load %arg1[%get3A_4, %get3A_5, %get3A_6] : memref<2x1000x128xf32, #tpu.memory_space<vmem>>, vector<1x1000x128xf32>
    %get3A_8 = vector.shape_cast %get3A_7 : vector<1x1000x128xf32> to vector<1000x128xf32>
    %add3A = arith.addf %get3A_3, %get3A_8 : vector<1000x128xf32>
    %get3A_9 = arith.constant 0 : index
    %get3A_10 = arith.constant 0 : index
    %get3A_11 = vector.load %arg3[%get3A_9, %get3A_10] : memref<1000x1xf32, #tpu.memory_space<vmem>>, vector<1000x1xf32>
    %mul3A = vector.broadcast %get3A_11 : vector<1000x1xf32> to vector<1000x128xf32>
    %mul3A_12 = arith.mulf %add3A, %mul3A : vector<1000x128xf32>
    %get3A_13 = arith.constant 0 : index
    %get3A_14 = arith.constant 0 : index
    %get3A_15 = vector.load %arg4[%get3A_13, %get3A_14] : memref<128x128xf32, #tpu.memory_space<vmem>>, vector<128x128xf32>
    %dot_general3A = arith.constant dense<0.000000e+00> : vector<1000x128xf32>
    %dot_general3A_16 = tpu.matmul %mul3A_12, %get3A_15, %dot_general3A {dimension_numbers = #tpu.dot_dimension_numbers<[1], [1], [0], [0], [0, 0, 1, 0], [], []>, transpose_lhs_hint = false} : vector<1000x128xf32>, vector<128x128xf32>, vector<1000x128xf32> -> vector<1000x128xf32>
    %get3A_17 = arith.constant 0 : index
    %get3A_18 = arith.constant 0 : index
    %get3A_19 = vector.load %arg5[%get3A_17, %get3A_18] : memref<1x128xf32, #tpu.memory_space<vmem>>, vector<1x128xf32>
    %add3A_20 = vector.broadcast %get3A_19 : vector<1x128xf32> to vector<1000x128xf32>
    %add3A_21 = arith.addf %dot_general3A_16, %add3A_20 : vector<1000x128xf32>
    %get3A_22 = arith.constant 0 : index
    %get3A_23 = arith.constant 0 : index
    %get3A_24 = vector.load %arg2[%get3A_22, %get3A_23] : memref<1000x128xf32, #tpu.memory_space<vmem>>, vector<1000x128xf32>
    %get3A_25 = arith.constant 0 : index
    %get3A_26 = arith.constant 0 : index
    %get3A_27 = vector.load %arg6[%get3A_25, %get3A_26] : memref<128x128xf32, #tpu.memory_space<vmem>>, vector<128x128xf32>
    %dot_general3A_28 = arith.constant dense<0.000000e+00> : vector<1000x128xf32>
    %dot_general3A_29 = tpu.matmul %get3A_24, %get3A_27, %dot_general3A_28 {dimension_numbers = #tpu.dot_dimension_numbers<[1], [1], [0], [0], [0, 0, 1, 0], [], []>, transpose_lhs_hint = false} : vector<1000x128xf32>, vector<128x128xf32>, vector<1000x128xf32> -> vector<1000x128xf32>
    %add3A_30 = arith.addf %add3A_21, %dot_general3A_29 : vector<1000x128xf32>
    %get3A_31 = arith.constant 0 : index
    %get3A_32 = arith.constant 0 : index
    %get3A_33 = vector.load %arg7[%get3A_31, %get3A_32] : memref<128x128xf32, #tpu.memory_space<vmem>>, vector<128x128xf32>
    %dot_general3A_34 = arith.constant dense<0.000000e+00> : vector<1000x128xf32>
    %dot_general3A_35 = tpu.matmul %add3A_30, %get3A_33, %dot_general3A_34 {dimension_numbers = #tpu.dot_dimension_numbers<[1], [1], [0], [0], [0, 0, 1, 0], [], []>, transpose_lhs_hint = false} : vector<1000x128xf32>, vector<128x128xf32>, vector<1000x128xf32> -> vector<1000x128xf32>
    %swap3A = arith.constant 0 : index
    %swap3A_36 = arith.constant 0 : index
    %swap3A_37 = vector.load %arg9[%swap3A, %swap3A_36] : memref<1000x128xf32, #tpu.memory_space<vmem>>, vector<1000x128xf32>
    tpu.vector_store %arg9[%swap3A, %swap3A_36], %dot_general3A_35 {strides = array<i32>} : memref<1000x128xf32, #tpu.memory_space<vmem>>, vector<1000x128xf32>,
    %get3A_38 = arith.constant 0 : index
    %get3A_39 = arith.constant 0 : index
    %get3A_40 = vector.load %arg8[%get3A_38, %get3A_39] : memref<128x128xf32, #tpu.memory_space<vmem>>, vector<128x128xf32>
    %dot_general3A_41 = arith.constant dense<0.000000e+00> : vector<1000x128xf32>
    %dot_general3A_42 = tpu.matmul %add3A_30, %get3A_40, %dot_general3A_41 {dimension_numbers = #tpu.dot_dimension_numbers<[1], [1], [0], [0], [0, 0, 1, 0], [], []>, transpose_lhs_hint = false} : vector<1000x128xf32>, vector<128x128xf32>, vector<1000x128xf32> -> vector<1000x128xf32>
    %swap3A_43 = arith.constant 0 : index
    %swap3A_44 = arith.constant 0 : index
    %swap3A_45 = vector.load %arg10[%swap3A_43, %swap3A_44] : memref<1000x128xf32, #tpu.memory_space<vmem>>, vector<1000x128xf32>
    tpu.vector_store %arg10[%swap3A_43, %swap3A_44], %dot_general3A_42 {strides = array<i32>} : memref<1000x128xf32, #tpu.memory_space<vmem>>, vector<1000x128xf32>,
    return
  }
  func.func @transform_0(%arg0: i32) -> (i32, i32, i32) {
    %c0_i32 = arith.constant 0 : i32
    %c0_i32_0 = arith.constant 0 : i32
    %c0_i32_1 = arith.constant 0 : i32
    return %c0_i32, %arg0, %c0_i32_0 : i32, i32, i32
  }
  func.func @transform_1(%arg0: i32) -> (i32, i32) {
    %c0_i32 = arith.constant 0 : i32
    %c0_i32_0 = arith.constant 0 : i32
    return %arg0, %c0_i32 : i32, i32
  }
  func.func @transform_2(%arg0: i32) -> (i32, i32) {
    %c0_i32 = arith.constant 0 : i32
    %c0_i32_0 = arith.constant 0 : i32
    return %arg0, %c0_i32 : i32, i32
  }
  func.func @transform_3(%arg0: i32) -> (i32, i32) {
    %c0_i32 = arith.constant 0 : i32
    %c0_i32_0 = arith.constant 0 : i32
    %c0_i32_1 = arith.constant 0 : i32
    return %c0_i32, %c0_i32_0 : i32, i32
  }
  func.func @transform_4(%arg0: i32) -> (i32, i32) {
    %c0_i32 = arith.constant 0 : i32
    %c0_i32_0 = arith.constant 0 : i32
    %c0_i32_1 = arith.constant 0 : i32
    return %c0_i32, %c0_i32_0 : i32, i32
  }
  func.func @transform_5(%arg0: i32) -> (i32, i32) {
    %c0_i32 = arith.constant 0 : i32
    %c0_i32_0 = arith.constant 0 : i32
    %c0_i32_1 = arith.constant 0 : i32
    return %c0_i32, %c0_i32_0 : i32, i32
  }
  func.func @transform_6(%arg0: i32) -> (i32, i32) {
    %c0_i32 = arith.constant 0 : i32
    %c0_i32_0 = arith.constant 0 : i32
    %c0_i32_1 = arith.constant 0 : i32
    return %c0_i32, %c0_i32_0 : i32, i32
  }
  func.func @transform_7(%arg0: i32) -> (i32, i32) {
    %c0_i32 = arith.constant 0 : i32
    %c0_i32_0 = arith.constant 0 : i32
    %c0_i32_1 = arith.constant 0 : i32
    return %c0_i32, %c0_i32_0 : i32, i32
  }
  func.func @transform_8(%arg0: i32) -> (i32, i32) {
    %c0_i32 = arith.constant 0 : i32
    %c0_i32_0 = arith.constant 0 : i32
    return %arg0, %c0_i32 : i32, i32
  }
  func.func @transform_9(%arg0: i32) -> (i32, i32) {
    %c0_i32 = arith.constant 0 : i32
    %c0_i32_0 = arith.constant 0 : i32
    return %arg0, %c0_i32 : i32, i32
  }
}

module attributes {stable_mosaic.version = 14 : i64} {
  func.func @body(%arg0: i32, %arg1: memref<2x1000x128xf32, #tpu.memory_space<vmem>>, %arg2: memref<2x1000x128xf32, #tpu.memory_space<vmem>>, %arg3: memref<1000x128xf32, #tpu.memory_space<vmem>>, %arg4: memref<128x128xf32, #tpu.memory_space<vmem>>, %arg5: memref<1x128xf32, #tpu.memory_space<vmem>>, %arg6: memref<128x128xf32, #tpu.memory_space<vmem>>, %arg7: memref<1000x128xf32, #tpu.memory_space<vmem>>, %arg8: memref<1000x1xf32, #tpu.memory_space<vmem>>) attributes {dimension_semantics = [#tpu.dimension_semantics<arbitrary>], iteration_bounds = array<i64: 10>, scalar_prefetch = 0 : i64, scratch_operands = 0 : i64, tpu.core_type = #tpu.core_type<tc>, window_params = [{transform_indices = @transform_0, window_bounds = array<i64: 2, 1000, 128>}, {transform_indices = @transform_1, window_bounds = array<i64: 2, 1000, 128>}, {transform_indices = @transform_2, window_bounds = array<i64: 1000, 128>}, {pipeline_mode = #tpu.pipeline_mode<synchronous>, transform_indices = @transform_3, window_bounds = array<i64: 128, 128>}, {pipeline_mode = #tpu.pipeline_mode<synchronous>, transform_indices = @transform_4, window_bounds = array<i64: 1, 128>}, {pipeline_mode = #tpu.pipeline_mode<synchronous>, transform_indices = @transform_5, window_bounds = array<i64: 128, 128>}, {transform_indices = @transform_6, window_bounds = array<i64: 1000, 128>}, {transform_indices = @transform_7, window_bounds = array<i64: 1000, 1>}]} {
    %get3A = arith.constant 0 : index
    %get3A_0 = arith.constant 0 : index
    %get3A_1 = arith.constant 0 : index
    %get3A_2 = vector.load %arg2[%get3A, %get3A_0, %get3A_1] : memref<2x1000x128xf32, #tpu.memory_space<vmem>>, vector<1x1000x128xf32>
    %get3A_3 = vector.shape_cast %get3A_2 : vector<1x1000x128xf32> to vector<1000x128xf32>
    %slice3A = vector.extract_strided_slice %get3A_3 {offsets = [0, 0], sizes = [1000, 1], strides = [1, 1]} : vector<1000x128xf32> to vector<1000x1xf32>
    %get3A_4 = arith.constant 1 : index
    %get3A_5 = arith.constant 0 : index
    %get3A_6 = arith.constant 0 : index
    %get3A_7 = vector.load %arg2[%get3A_4, %get3A_5, %get3A_6] : memref<2x1000x128xf32, #tpu.memory_space<vmem>>, vector<1x1000x128xf32>
    %get3A_8 = vector.shape_cast %get3A_7 : vector<1x1000x128xf32> to vector<1000x128xf32>
    %slice3A_9 = vector.extract_strided_slice %get3A_8 {offsets = [0, 0], sizes = [1000, 1], strides = [1, 1]} : vector<1000x128xf32> to vector<1000x1xf32>
    %add3A = arith.addf %slice3A, %slice3A_9 : vector<1000x1xf32>
    %max3A = arith.constant 1.000000e+00 : f32
    %max3A_10 = vector.broadcast %max3A : f32 to vector<1000x1xf32>
    %max3A_11 = arith.maximumf %add3A, %max3A_10 : vector<1000x1xf32>
    %div3A = arith.constant 1.000000e+00 : f32
    %div3A_12 = vector.broadcast %div3A : f32 to vector<1000x1xf32>
    %div3A_13 = arith.divf %div3A_12, %max3A_11 : vector<1000x1xf32>
    %get3A_14 = arith.constant 0 : index
    %get3A_15 = arith.constant 0 : index
    %get3A_16 = arith.constant 0 : index
    %get3A_17 = vector.load %arg1[%get3A_14, %get3A_15, %get3A_16] : memref<2x1000x128xf32, #tpu.memory_space<vmem>>, vector<1x1000x128xf32>
    %get3A_18 = vector.shape_cast %get3A_17 : vector<1x1000x128xf32> to vector<1000x128xf32>
    %get3A_19 = arith.constant 1 : index
    %get3A_20 = arith.constant 0 : index
    %get3A_21 = arith.constant 0 : index
    %get3A_22 = vector.load %arg1[%get3A_19, %get3A_20, %get3A_21] : memref<2x1000x128xf32, #tpu.memory_space<vmem>>, vector<1x1000x128xf32>
    %get3A_23 = vector.shape_cast %get3A_22 : vector<1x1000x128xf32> to vector<1000x128xf32>
    %add3A_24 = arith.addf %get3A_18, %get3A_23 : vector<1000x128xf32>
    %mul3A = vector.broadcast %div3A_13 : vector<1000x1xf32> to vector<1000x128xf32>
    %mul3A_25 = arith.mulf %add3A_24, %mul3A : vector<1000x128xf32>
    %get3A_26 = arith.constant 0 : index
    %get3A_27 = arith.constant 0 : index
    %get3A_28 = vector.load %arg4[%get3A_26, %get3A_27] : memref<128x128xf32, #tpu.memory_space<vmem>>, vector<128x128xf32>
    %dot_general3A = arith.constant dense<0.000000e+00> : vector<1000x128xf32>
    %dot_general3A_29 = tpu.matmul %mul3A_25, %get3A_28, %dot_general3A {dimension_numbers = #tpu.dot_dimension_numbers<[1], [1], [0], [0], [0, 0, 1, 0], [], []>, transpose_lhs_hint = false} : vector<1000x128xf32>, vector<128x128xf32>, vector<1000x128xf32> -> vector<1000x128xf32>
    %get3A_30 = arith.constant 0 : index
    %get3A_31 = arith.constant 0 : index
    %get3A_32 = vector.load %arg5[%get3A_30, %get3A_31] : memref<1x128xf32, #tpu.memory_space<vmem>>, vector<1x128xf32>
    %add3A_33 = vector.broadcast %get3A_32 : vector<1x128xf32> to vector<1000x128xf32>
    %add3A_34 = arith.addf %dot_general3A_29, %add3A_33 : vector<1000x128xf32>
    %get3A_35 = arith.constant 0 : index
    %get3A_36 = arith.constant 0 : index
    %get3A_37 = vector.load %arg3[%get3A_35, %get3A_36] : memref<1000x128xf32, #tpu.memory_space<vmem>>, vector<1000x128xf32>
    %get3A_38 = arith.constant 0 : index
    %get3A_39 = arith.constant 0 : index
    %get3A_40 = vector.load %arg6[%get3A_38, %get3A_39] : memref<128x128xf32, #tpu.memory_space<vmem>>, vector<128x128xf32>
    %dot_general3A_41 = arith.constant dense<0.000000e+00> : vector<1000x128xf32>
    %dot_general3A_42 = tpu.matmul %get3A_37, %get3A_40, %dot_general3A_41 {dimension_numbers = #tpu.dot_dimension_numbers<[1], [1], [0], [0], [0, 0, 1, 0], [], []>, transpose_lhs_hint = false} : vector<1000x128xf32>, vector<128x128xf32>, vector<1000x128xf32> -> vector<1000x128xf32>
    %add3A_43 = arith.addf %add3A_34, %dot_general3A_42 : vector<1000x128xf32>
    %max3A_44 = arith.constant 0.000000e+00 : f32
    %max3A_45 = vector.broadcast %max3A_44 : f32 to vector<1000x128xf32>
    %max3A_46 = arith.maximumf %add3A_43, %max3A_45 : vector<1000x128xf32>
    %swap3A = arith.constant 0 : index
    %swap3A_47 = arith.constant 0 : index
    %swap3A_48 = vector.load %arg7[%swap3A, %swap3A_47] : memref<1000x128xf32, #tpu.memory_space<vmem>>, vector<1000x128xf32>
    tpu.vector_store %arg7[%swap3A, %swap3A_47], %max3A_46 {strides = array<i32>} : memref<1000x128xf32, #tpu.memory_space<vmem>>, vector<1000x128xf32>,
    %swap3A_49 = arith.constant 0 : index
    %swap3A_50 = arith.constant 0 : index
    %swap3A_51 = vector.load %arg8[%swap3A_49, %swap3A_50] : memref<1000x1xf32, #tpu.memory_space<vmem>>, vector<1000x1xf32>
    tpu.vector_store %arg8[%swap3A_49, %swap3A_50], %div3A_13 {strides = array<i32>} : memref<1000x1xf32, #tpu.memory_space<vmem>>, vector<1000x1xf32>,
    return
  }
  func.func @transform_0(%arg0: i32) -> (i32, i32, i32) {
    %c0_i32 = arith.constant 0 : i32
    %c0_i32_0 = arith.constant 0 : i32
    %c0_i32_1 = arith.constant 0 : i32
    return %c0_i32, %arg0, %c0_i32_0 : i32, i32, i32
  }
  func.func @transform_1(%arg0: i32) -> (i32, i32, i32) {
    %c0_i32 = arith.constant 0 : i32
    %c0_i32_0 = arith.constant 0 : i32
    %c0_i32_1 = arith.constant 0 : i32
    return %c0_i32, %arg0, %c0_i32_0 : i32, i32, i32
  }
  func.func @transform_2(%arg0: i32) -> (i32, i32) {
    %c0_i32 = arith.constant 0 : i32
    %c0_i32_0 = arith.constant 0 : i32
    return %arg0, %c0_i32 : i32, i32
  }
  func.func @transform_3(%arg0: i32) -> (i32, i32) {
    %c0_i32 = arith.constant 0 : i32
    %c0_i32_0 = arith.constant 0 : i32
    %c0_i32_1 = arith.constant 0 : i32
    return %c0_i32, %c0_i32_0 : i32, i32
  }
  func.func @transform_4(%arg0: i32) -> (i32, i32) {
    %c0_i32 = arith.constant 0 : i32
    %c0_i32_0 = arith.constant 0 : i32
    %c0_i32_1 = arith.constant 0 : i32
    return %c0_i32, %c0_i32_0 : i32, i32
  }
  func.func @transform_5(%arg0: i32) -> (i32, i32) {
    %c0_i32 = arith.constant 0 : i32
    %c0_i32_0 = arith.constant 0 : i32
    %c0_i32_1 = arith.constant 0 : i32
    return %c0_i32, %c0_i32_0 : i32, i32
  }
  func.func @transform_6(%arg0: i32) -> (i32, i32) {
    %c0_i32 = arith.constant 0 : i32
    %c0_i32_0 = arith.constant 0 : i32
    return %arg0, %c0_i32 : i32, i32
  }
  func.func @transform_7(%arg0: i32) -> (i32, i32) {
    %c0_i32 = arith.constant 0 : i32
    %c0_i32_0 = arith.constant 0 : i32
    return %arg0, %c0_i32 : i32, i32
  }
}

module attributes {stable_mosaic.version = 14 : i64} {
  func.func @body(%arg0: i32, %arg1: memref<6400x128xf32, #tpu.memory_space<vmem>>, %arg2: memref<16x6400xf32, #tpu.memory_space<vmem>>, %arg3: memref<128x16xf32, #tpu.memory_space<vmem>>, %arg4: memref<1x128xf32, #tpu.memory_space<vmem>>, %arg5: memref<1x128xf32, #tpu.memory_space<vmem>>, %arg6: memref<1x1xf32, #tpu.memory_space<vmem>>, %arg7: memref<320000xf32, #tpu.memory_space<vmem>>) attributes {dimension_semantics = [#tpu.dimension_semantics<arbitrary>], iteration_bounds = array<i64: 50>, scalar_prefetch = 0 : i64, scratch_operands = 0 : i64, tpu.core_type = #tpu.core_type<tc>, window_params = [{transform_indices = @transform_0, window_bounds = array<i64: 6400, 128>}, {transform_indices = @transform_1, window_bounds = array<i64: 16, 6400>}, {pipeline_mode = #tpu.pipeline_mode<synchronous>, transform_indices = @transform_2, window_bounds = array<i64: 128, 16>}, {pipeline_mode = #tpu.pipeline_mode<synchronous>, transform_indices = @transform_3, window_bounds = array<i64: 1, 128>}, {pipeline_mode = #tpu.pipeline_mode<synchronous>, transform_indices = @transform_4, window_bounds = array<i64: 1, 128>}, {pipeline_mode = #tpu.pipeline_mode<synchronous>, transform_indices = @transform_5, window_bounds = array<i64: 1, 1>}, {pipeline_mode = #tpu.pipeline_mode<synchronous>, transform_indices = @transform_6, window_bounds = array<i64: 320000>}]} {
    %get3A = arith.constant 0 : index
    %get3A_0 = arith.constant 0 : index
    %get3A_1 = vector.load %arg2[%get3A, %get3A_0] : memref<16x6400xf32, #tpu.memory_space<vmem>>, vector<16x6400xf32>
    %get3A_2 = arith.constant 0 : index
    %get3A_3 = arith.constant 0 : index
    %get3A_4 = vector.load %arg3[%get3A_2, %get3A_3] : memref<128x16xf32, #tpu.memory_space<vmem>>, vector<128x16xf32>
    %dot_general3A = arith.constant dense<0.000000e+00> : vector<6400x128xf32>
    %dot_general3A_5 = tpu.matmul %get3A_1, %get3A_4, %dot_general3A {dimension_numbers = #tpu.dot_dimension_numbers<[0], [1], [1], [0], [0, 1, 1, 0], [], []>, transpose_lhs_hint = false} : vector<16x6400xf32>, vector<128x16xf32>, vector<6400x128xf32> -> vector<6400x128xf32>
    %get3A_6 = arith.constant 0 : index
    %get3A_7 = arith.constant 0 : index
    %get3A_8 = vector.load %arg1[%get3A_6, %get3A_7] : memref<6400x128xf32, #tpu.memory_space<vmem>>, vector<6400x128xf32>
    %add3A = arith.addf %get3A_8, %dot_general3A_5 : vector<6400x128xf32>
    %get3A_9 = arith.constant 0 : index
    %get3A_10 = arith.constant 0 : index
    %get3A_11 = vector.load %arg4[%get3A_9, %get3A_10] : memref<1x128xf32, #tpu.memory_space<vmem>>, vector<1x128xf32>
    %add3A_12 = vector.broadcast %get3A_11 : vector<1x128xf32> to vector<6400x128xf32>
    %add3A_13 = arith.addf %add3A, %add3A_12 : vector<6400x128xf32>
    %max3A = arith.constant 0.000000e+00 : f32
    %max3A_14 = vector.broadcast %max3A : f32 to vector<6400x128xf32>
    %max3A_15 = arith.maximumf %add3A_13, %max3A_14 : vector<6400x128xf32>
    %get3A_16 = arith.constant 0 : index
    %get3A_17 = arith.constant 0 : index
    %get3A_18 = vector.load %arg5[%get3A_16, %get3A_17] : memref<1x128xf32, #tpu.memory_space<vmem>>, vector<1x128xf32>
    %mul3A = vector.broadcast %get3A_18 : vector<1x128xf32> to vector<6400x128xf32>
    %mul3A_19 = arith.mulf %max3A_15, %mul3A : vector<6400x128xf32>
    %reduce_sum3A = arith.constant dense<0.000000e+00> : vector<6400xf32>
    %reduce_sum3A_20 = vector.multi_reduction <add>, %mul3A_19, %reduce_sum3A [1] : vector<6400x128xf32> to vector<6400xf32>
    %get3A_21 = arith.constant 0 : index
    %get3A_22 = arith.constant 0 : index
    %get3A_23 = vector.load %arg6[%get3A_21, %get3A_22] : memref<1x1xf32, #tpu.memory_space<vmem>>, vector<1x1xf32>
    %get3A_24 = vector.extract %get3A_23[0, 0] : f32 from vector<1x1xf32>
    %add3A_25 = vector.broadcast %get3A_24 : f32 to vector<6400xf32>
    %add3A_26 = arith.addf %reduce_sum3A_20, %add3A_25 : vector<6400xf32>
    %mul3A_27 = arith.constant 6400 : i32
    %mul3A_28 = arith.muli %arg0, %mul3A_27 : i32
    %swap3A = arith.index_cast %mul3A_28 : i32 to index
    %swap3A_29 = vector.load %arg7[%swap3A] : memref<320000xf32, #tpu.memory_space<vmem>>, vector<6400xf32>
    tpu.vector_store %arg7[%swap3A], %add3A_26 {strides = array<i32>} : memref<320000xf32, #tpu.memory_space<vmem>>, vector<6400xf32>,
    return
  }
  func.func @transform_0(%arg0: i32) -> (i32, i32) {
    %c0_i32 = arith.constant 0 : i32
    %c0_i32_0 = arith.constant 0 : i32
    return %arg0, %c0_i32 : i32, i32
  }
  func.func @transform_1(%arg0: i32) -> (i32, i32) {
    %c0_i32 = arith.constant 0 : i32
    %c0_i32_0 = arith.constant 0 : i32
    return %c0_i32, %arg0 : i32, i32
  }
  func.func @transform_2(%arg0: i32) -> (i32, i32) {
    %c0_i32 = arith.constant 0 : i32
    %c0_i32_0 = arith.constant 0 : i32
    %c0_i32_1 = arith.constant 0 : i32
    return %c0_i32, %c0_i32_0 : i32, i32
  }
  func.func @transform_3(%arg0: i32) -> (i32, i32) {
    %c0_i32 = arith.constant 0 : i32
    %c0_i32_0 = arith.constant 0 : i32
    %c0_i32_1 = arith.constant 0 : i32
    return %c0_i32, %c0_i32_0 : i32, i32
  }
  func.func @transform_4(%arg0: i32) -> (i32, i32) {
    %c0_i32 = arith.constant 0 : i32
    %c0_i32_0 = arith.constant 0 : i32
    %c0_i32_1 = arith.constant 0 : i32
    return %c0_i32, %c0_i32_0 : i32, i32
  }
  func.func @transform_5(%arg0: i32) -> (i32, i32) {
    %c0_i32 = arith.constant 0 : i32
    %c0_i32_0 = arith.constant 0 : i32
    %c0_i32_1 = arith.constant 0 : i32
    return %c0_i32, %c0_i32_0 : i32, i32
  }
  func.func @transform_6(%arg0: i32) -> i32 {
    %c0_i32 = arith.constant 0 : i32
    %c0_i32_0 = arith.constant 0 : i32
    return %c0_i32 : i32
  }
}

</mosaic_0001>

<sc_bundles>
// kernel: kernel.12.cloned.1.call-start
scs
__scs_entry_jumppad:
0x0: {  	(pc) =	sbr.rel $0x88, $3  }
0x1: {  	(tag) =	ssettag $0x0;
	lr =	simm.s32 $0x1  }
0x2: {  	[smem:$0x3F94] =	sst lr;
	_ =	strace $0xD0000000  }
0x3: {  	_ = 	snop  }
0x4: {  	_ = 	snop  }
0x5: {  	_ = 	snop  }
0x6: {  	_ = 	snop  }
0x7: {  	_ = 	snop  }
__scs_overlays_trampoline_lowered:
0x8: {  	[smem:$0x3FA3] =	sst s0  }
0x9: {  	[smem:$0x3FA4] =	sst s1  }
0xa: {  	[smem:$0x3FA5] =	sst s2  }
0xb: {  	[smem:$0x3FA6] =	sst s3  }
0xc: {  	[smem:$0x3FA7] =	sst s4  }
0xd: {  	[smem:$0x3FA8] =	sst s5  }
0xe: {  	[smem:$0x3FA9] =	sst s6  }
0xf: {  	[smem:$0x3FAA] =	sst s7  }
0x10: {  	[smem:$0x3FAB] =	sst s8  }
0x11: {  	[smem:$0x3FAC] =	sst s9;
	s0 =	simm.s32 @!p0 $0x0  }
0x12: {  	s1 =	sld [smem:$0x3F92];
	s0 =	simm.s32 @p0 $0x1  }
0x13: {  	[smem:$0x3FAD] =	sst s0;
	s0 =	simm.s32 @!p1 $0x0  }
0x14: {  	s2 =	sld [smem:$0x3F91];
	s0 =	simm.s32 @p1 $0x1  }
0x15: {  	[smem:$0x3FAE] =	sst s0;
	s0 =	simm.s32 @!p2 $0x0  }
0x16: {  	s3 =	sld [smem:$0x3FDB];
	s0 =	simm.s32 @p2 $0x1  }
0x17: {  	s4 =	simm.s32 $0x1BF5;
	[smem:$0x3FB0] =	sst s0  }
0x18: {  	s0 =	sld [smem:$0x3F93];
	_ =	swait.ge [sflag:s4], $0x0  }
0x19: {  	s7 =	sld [smem:$0x3F94]  }
0x1a: {  	s8 =	sadd.s32 $0xFFFFE003, lr  }
0x1b: {  	s9 =	sadd.s32 $0xFFFFFEF7, lr;
	s5 =	simm.s32 $0xFFFFFFFF;
	p2 =	slt.u32 s8, $0xFFFFF086  }
0x1c: {  	p1 =	slt.u32 s9, $0xF7A;
	s5 =	simm.s32 @!p2 $0x0  }
0x1d: {  	s5 =	simm.s32 @p1 $0x1;
	p0 =	seq.s32 s7, s2  }
0x1e: {  	s7 =	smul.u32 @!p0 $0xF7A, s2;
	p2 =	seq.s32 @!p0 s5, $0x0  }
0x1f: {  	s9 =	smul.u32 $0xF7A, s1;
	s8 =	simm.s32 @!p0 $0x1BF5;
	p2 =	por !p2, p0  }
0x20: {  	[sflag:s8] =	ssyncset.s32 @!p0 $0xFFFFF086;
	s6 =	sadd.s32 @!p0 s3, s7;
	s7 =	simm.s32 @!p0 $0x108  }
0x21: {  	s3 =	sadd.s32 s3, s9;
	s6 =	sadd.s32 @!p0 $0x88, s6;
	s7 =	simm.s32 @p2 $0x1082  }
0x22: {  	[simem:s7], [sflag:s8] =	dma.local @!p0 [hbm:s6], $0xF7A  }
0x23: {  	s9 =	sor.u32 $0xD0000000, s2;
	s6 =	simm.s32 $0x108;
	_ =	swait.ge @!p0 [sflag:s8], $0x0  }
0x24: {  	s3 =	sadd.s32 $0x88, s3;
	s6 =	simm.s32 @!p1 $0x1082;
	[sflag:s4] =	ssyncset.s32 $0xFFFFF086  }
0x25: {  	[simem:s6], [sflag:s4] =	dma.local [hbm:s3], $0xF7A  }
0x26: {  	[smem:$0x3F94] =	sst s1;
	(tag) =	ssettag s2;
	_ =	strace s9  }
0x27: {  	s1 =	sld [smem:$0x3FA4]  }
0x28: {  	s2 =	sld [smem:$0x3FA5]  }
0x29: {  	s4 =	sld [smem:$0x3FA7]  }
0x2a: {  	p0 =	seq.s32 s5, $0x0;
	s5 =	sld [smem:$0x3FA8]  }
0x2b: {  	s6 =	sld [smem:$0x3FA9]  }
0x2c: {  	s7 =	sld [smem:$0x3FAA]  }
0x2d: {  	s3 =	simm.s32 $0x108;
	s8 =	sld [smem:$0x3FAB]  }
0x2e: {  	s3 =	simm.s32 @!p0 $0x1082;
	s9 =	sld [smem:$0x3FAC]  }
0x2f: {  	lr =	sadd.s32 s0, s3;
	s0 =	sld [smem:$0x3FA3]  }
0x30: {  	s3 =	sld [smem:$0x3FA6]  }
0x31: {  	[smem:$0x3FAF] =	sst s10  }
0x32: {  	s10 =	sld [smem:$0x3FAD];
	_ =	sdelay $0x3  }
0x33: {  	p0 =	seq.s32 s10, $0x1;
	s10 =	sld [smem:$0x3FAF];
	_ =	sdelay $0x3  }
0x34: {  	[smem:$0x3FAF] =	sst s10  }
0x35: {  	s10 =	sld [smem:$0x3FAE];
	_ =	sdelay $0x3  }
0x36: {  	p1 =	seq.s32 s10, $0x1;
	s10 =	sld [smem:$0x3FAF];
	_ =	sdelay $0x3  }
0x37: {  	[smem:$0x3FAF] =	sst s10  }
0x38: {  	s10 =	sld [smem:$0x3FB0]  }
0x39: {  	_ = 	snop;
	(pc) =	sbr.ind lr, $3  }
0x3a: {  	_ = 	snop  }
0x3b: {  	_ = 	snop  }
0x3c: {  	p2 =	seq.s32 s10, $0x1;
	s10 =	sld [smem:$0x3FAF]  }
0x3d: {  	_ =	shalt  }
0x3e: {  	_ =	shalt  }
0x3f: {  	_ =	shalt  }
0x40: {  	_ =	shalt  }
0x41: {  	_ =	shalt  }
0x42: {  	_ =	shalt  }
0x43: {  	_ =	shalt  }
0x44: {  	_ =	shalt  }
0x45: {  	_ =	shalt  }
0x46: {  	_ =	shalt  }
0x47: {  	_ =	shalt  }
0x48: {  	_ =	shalt  }
0x49: {  	_ =	shalt  }
0x4a: {  	_ =	shalt  }
0x4b: {  	_ =	shalt  }
0x4c: {  	_ =	shalt  }
0x4d: {  	_ =	shalt  }
0x4e: {  	_ =	shalt  }
0x4f: {  	_ =	shalt  }
0x50: {  	_ =	shalt  }
0x51: {  	_ =	shalt  }
0x52: {  	_ =	shalt  }
0x53: {  	_ =	shalt  }
0x54: {  	_ =	shalt  }
0x55: {  	_ =	shalt  }
0x56: {  	_ =	shalt  }
0x57: {  	_ =	shalt  }
0x58: {  	_ =	shalt  }
0x59: {  	_ =	shalt  }
0x5a: {  	_ =	shalt  }
0x5b: {  	_ =	shalt  }
0x5c: {  	_ =	shalt  }
0x5d: {  	_ =	shalt  }
0x5e: {  	_ =	shalt  }
0x5f: {  	_ =	shalt  }
0x60: {  	_ =	shalt  }
0x61: {  	_ =	shalt  }
0x62: {  	_ =	shalt  }
0x63: {  	_ =	shalt  }
0x64: {  	_ =	shalt  }
0x65: {  	_ =	shalt  }
0x66: {  	_ =	shalt  }
0x67: {  	_ =	shalt  }
0x68: {  	_ =	shalt  }
0x69: {  	_ =	shalt  }
0x6a: {  	_ =	shalt  }
0x6b: {  	_ =	shalt  }
0x6c: {  	_ =	shalt  }
0x6d: {  	_ =	shalt  }
0x6e: {  	_ =	shalt  }
0x6f: {  	_ =	shalt  }
0x70: {  	_ =	shalt  }
0x71: {  	_ =	shalt  }
0x72: {  	_ =	shalt  }
0x73: {  	_ =	shalt  }
0x74: {  	_ =	shalt  }
0x75: {  	_ =	shalt  }
0x76: {  	_ =	shalt  }
0x77: {  	_ =	shalt  }
0x78: {  	_ =	shalt  }
0x79: {  	_ =	shalt  }
0x7a: {  	_ =	shalt  }
0x7b: {  	_ =	shalt  }
0x7c: {  	_ =	shalt  }
0x7d: {  	_ =	shalt  }
0x7e: {  	_ =	shalt  }
0x7f: {  	_ =	shalt  }
0x80: {  	_ =	shalt  }
0x81: {  	_ =	shalt  }
0x82: {  	_ =	shalt  }
0x83: {  	_ =	shalt  }
0x84: {  	_ =	shalt  }
0x85: {  	_ =	shalt  }
0x86: {  	_ =	shalt  }
0x87: {  	_ =	shalt  }
.Lfunc_end0:
.L_simem_size_0:
called_computation.1_lowered:
.L_overlay_start_0:
0x88: {  	s2 =	sld [smem:$0x3FD9]  }
0x89: {  	s3 =	sld [smem:$0x3FFE];
	_ =	sdelay $0x1  }
0x8a: {  	s1 =	srdreg.scid  }
0x8b: {  	s0 =	sand.u32 $0x1, s1  }
0x8c: {  	s17 =	sshll.u32 s0, $0xA;
	s2 =	sadd.s32 s3, s2  }
0x8d: {  	s2 =	sadd.s32 s2, s17  }
0x8e: {  	[smem:$0x3FBB] =	sst s2  }
0x8f: {  	_ = 	snop  }
0x90: {  	s2 =	sld [smem:$0x3FC9]  }
0x91: {  	s18 =	sld [smem:$0x3FD0];
	(tm) =	ssettm $0x1  }
0x92: {  	s4 =	sld [smem:$0x3FFB];
	_ =	sdelay $0x3  }
0x93: {  	_ =	strace s4  }
0x94: {  	s4 =	sld [smem:$0x3FFC];
	_ =	sdelay $0x3  }
0x95: {  	_ =	strace s4  }
0x96: {  	s4 =	sld [smem:$0x3FFD];
	_ =	sdelay $0x3  }
0x97: {  	_ =	strace s4  }
0x98: {  	_ =	strace $0x8FFFFFFF  }
0x99: {  	s19 =	sld [smem:$0x3FDB];
	_ =	sdelay $0x1  }
0x9a: {  	s5 =	simm.s32 $_scs_section_size  }
0x9b: {  	s6 =	simm.s32 $_size__tile_overlayer_lowered;
	s7 =	simm.s32 $_tile_overlayer_lowered  }
0x9c: {  	s22 =	simm.s32 $0x1BFF;
	s21 =	sshll.u32 s7, $0x1;
	s4 =	sadd.s32 s5, s19  }
0x9d: {  	s8 =	simm.s32 $0x0;
	s20 =	sshll.u32 s6, $0x1;
	s6 =	sadd.s32 s21, s4  }
0x9e: {  	[timem:s8], [sflag:s22] =	dma.local [hbm:s6], s20  }
0x9f: {  	_ =	swait.ge [sflag:s22], s20  }
0xa0: {  	s5 =	ssub.s32 $0x0, s20;
	[sflag:s22] =	ssyncset.done $0x0  }
0xa1: {  	[sflag:s22] =	ssyncadd.s32 s5;
	_ =	sdelay $0x1  }
0xa2: {  	s23 =	simm.s32 $0x1B8B  }
0xa3: {  	_ =	swait.ge [sflag:s23], $0x1  }
0xa4: {  	[sflag:s23] =	ssyncset.done $0x0  }
0xa5: {  	s25 =	simm.s32 $0x1B8E;
	s24 =	sld [smem:$0x3FFE];
	[sflag:s23] =	ssyncadd.s32 $0xFFFFFFFF  }
0xa6: {  	s26 =	simm.s32 $execute0_lowered;
	[smem:$0x3FD2] =	sst s25  }
0xa7: {  	s6 =	sshll.u32 s26, $0x1;
	_ =	strace $0x80000046;
	[dreg:$0x1] =	wrdreg $0xFFFFFFFF  }
0xa8: {  	s28 =	simm.s32 $_size_execute0_lowered;
	s4 =	sadd.s32 s4, s6;
	[dreg:$0x0] =	wrdreg $0x0  }
0xa9: {  	s6 =	sshll.u32 s28, $0x1;
	[dreg:$0x2] =	wrdreg s4  }
0xaa: {  	[dreg:$0x3] =	wrdreg s6  }
0xab: {  	[dreg:$0x4] =	wrdreg $0xC0  }
0xac: {  	_ =	task [dreg:s8], $0x5FFFF  }
0xad: {  	[dreg:$0x1] =	wrdreg $0xFFFFFFFF  }
0xae: {  	[dreg:$0x0] =	wrdreg $0x60  }
0xaf: {  	[dreg:$0x2] =	wrdreg s2  }
0xb0: {  	[dreg:$0x3] =	wrdreg s24  }
0xb1: {  	[dreg:$0x4] =	wrdreg s18  }
0xb2: {  	[dreg:$0x5] =	wrdreg $0xA4000  }
0xb3: {  	[dreg:$0x6] =	wrdreg $0xA  }
0xb4: {  	_ =	task.clear_ibuf [dreg:s8], $0x7FFFF;
	_ =	strace $0x90000046  }
0xb5: {  	s29 =	simm.s32 $0xA;
	_ =	strace $0x80000048  }
0xb6: {  	_ =	swait.ge [sflag:s29], $0x1  }
0xb7: {  	[sflag:s29] =	ssyncadd.s32 $0xFFFFFFFF  }
0xb8: {  	_ =	strace $0x90000048  }
0xb9: {  	_ =	sfence  }
0xba: {  	s30 =	sld [smem:$0x0];
	_ =	sdelay $0x2  }
0xbb: {  	s31 =	sshll.u32 s1, $0xD;
	s1 =	sshrl.u32 s1, $0x2  }
0xbc: {  	s3 =	sand.u32 $0x4000, s31;
	s1 =	sadd.s32 s1, s30  }
0xbd: {  	s0 =	sor.u32 s3, s0;
	s1 =	sshll.u32 s1, $0x11  }
0xbe: {  	s0 =	sor.u32 s1, s0  }
0xbf: {  	s0 =	sadd.s32 $0x8F2B, s0  }
0xc0: {  	[sflag:s0] =	ssyncadd.remote.s32 $0x1  }
0xc1: {  	_ =	sfence.sel $0xFFFF  }
0xc2: {  	[dreg:$0x0] =	wrdreg $0xFFFFFFFF;
	(pc) =	sbr.abs _section_cstart, $3  }
0xc3: {  	[dreg:$0x1] =	wrdreg $0xFFFFFFFF  }
0xc4: {  	_ =	task.clear_ibuf [dreg:s8], $0x2FFFF;
	_ =	strace $0x9FFFFFFF  }
0xc5: {  	(tm) =	ssettm $0x7FFFFFFF  }
tec
execute0_lowered:
.L_overlay_start_1:
0x0: {  	(tag) =	ssettag $0x1  }
0x1: {  	s0 =	srdreg.scid;
	s2 =	rddreg [dreg:$0x1]  }
0x2: {  	s19 =	stileid.u32;
	s4 =	rddreg [dreg:$0x2];
	s1 =	simm.s32 $0x0  }
0x3: {  	s31 =	simm.s32 $0x400;
	s28 =	simm.s32 $0x5;
	s5 =	smul.u32 $0x14000, s19  }
0x4: {  	s0 =	sand.u32 $0x1, s0;
	[smem:$0x7FF] =	sst s1;
	s17 =	smul.u32 $0x2710, s19  }
0x5: {  	s7 =	sadd.s32 $0x3600, s2;
	s3 =	smul.u32 $0x140000, s0;
	s6 =	ssub.s32 $0x2, s0  }
0x6: {  	s2 =	sadd.s32 $0xD400, s2;
	s0 =	smul.u32 $0x27100, s0;
	s8 =	sshrl.u32 s6, $0x1  }
0x7: {  	s16 =	sadd.s32 $0x7800, s5;
	s21 =	sadd.s32 $0xA000, s5;
	s22 =	sadd.s32 $0xC800, s5  }
0x8: {  	s23 =	sadd.s32 $0xF000, s5;
	s9 =	sadd.s32 s3, s5;
	s6 =	ssub.s32 s6, s8  }
0x9: {  	s12 =	sadd.s32 s3, s16;
	s13 =	sadd.s32 s3, s21;
	s14 =	sadd.s32 s3, s22  }
0xa: {  	s18 =	sadd.s32 s3, s23;
	s0 =	sadd.s32 s17, s0;
	s17 =	rddreg [dreg:$0x0]  }
0xb: {  	s25 =	sshrl.u32 s9, $0x3;
	s9 =	sadd.s32 $0x5000, s5;
	s29 =	sshrl.u32 s12, $0x3  }
0xc: {  	s15 =	sshrl.u32 s14, $0x3;
	s20 =	sshrl.u32 s0, $0x3;
	s24 =	sadd.s32 $0xF0, s0  }
0xd: {  	s6 =	smax.u32 s6, $0x1;
	s8 =	sadd.s32 s2, s25;
	s11 =	sadd.s32 s3, s9  }
0xe: {  	s12 =	sadd.s32 s2, s29;
	s25 =	sadd.s32 $0xA0, s0;
	s0 =	sadd.s32 $0x50, s0  }
0xf: {  	[dreg:$0x5] =	wrdreg s8;
	s8 =	sor.u32 $0x2800, s5;
	s5 =	sadd.s32 $0x11800, s5  }
0x10: {  	s26 =	sshrl.u32 s11, $0x3;
	[dreg:$0x8] =	wrdreg s12;
	s10 =	sadd.s32 s3, s8  }
0x11: {  	s11 =	sadd.s32 s20, s7;
	s29 =	sshrl.u32 s25, $0x3;
	s10 =	sshrl.u32 s10, $0x3  }
0x12: {  	s0 =	sshrl.u32 s0, $0x3;
	s3 =	sadd.s32 s3, s5;
	s10 =	sadd.s32 s2, s10  }
0x13: {  	s14 =	sadd.s32 s29, s4;
	[dreg:$0x6] =	wrdreg s10;
	s10 =	sadd.s32 s2, s26  }
0x14: {  	s26 =	sshrl.u32 s24, $0x3;
	[dreg:$0x7] =	wrdreg s10;
	s10 =	sshrl.u32 s13, $0x3  }
0x15: {  	s3 =	sshrl.u32 s3, $0x3;
	s12 =	sadd.s32 s26, s4;
	s10 =	sadd.s32 s2, s10  }
0x16: {  	s13 =	sadd.s32 s26, s7;
	[dreg:$0x9] =	wrdreg s10;
	s10 =	sadd.s32 s2, s15  }
0x17: {  	s15 =	sadd.s32 s29, s7;
	[dreg:$0xa] =	wrdreg s10;
	s10 =	sshrl.u32 s18, $0x3  }
0x18: {  	s18 =	rddreg [dreg:$0x3];
	s10 =	sadd.s32 s2, s10;
	s2 =	sadd.s32 s2, s3  }
0x19: {  	s3 =	smul.u32 $0x50000, s19;
	s19 =	sadd.s32 s0, s4;
	s30 =	sadd.s32 s8, s18  }
0x1a: {  	s9 =	sadd.s32 s9, s18;
	s16 =	sadd.s32 s16, s18;
	[dreg:$0xb] =	wrdreg s10  }
0x1b: {  	s21 =	sadd.s32 s21, s18;
	s25 =	sadd.s32 s22, s18;
	[dreg:$0xc] =	wrdreg s2  }
0x1c: {  	s26 =	sadd.s32 s23, s18;
	_ =	strace $0x80000047;
	[dreg:$0xd] =	wrdreg s6  }
0x1d: {  	s29 =	sadd.s32 s5, s18;
	s8 =	simm.s32 $0x2C00;
	[dreg:$0x10] =	wrdreg s9  }
0x1e: {  	s23 =	simm.s32 $0xC;
	s10 =	sadd.s32 s20, s4;
	[dreg:$0x11] =	wrdreg s16  }
0x1f: {  	s20 =	sadd.s32 s0, s7;
	s0 =	simm.s32 $0x200;
	[dreg:$0x12] =	wrdreg s21  }
0x20: {  	s2 =	simm.s32 $0x1;
	s4 =	simm.s32 $0x100;
	[dreg:$0x13] =	wrdreg s25  }
.Ltmp0:
0x21: {  	s7 =	sshrl.u32 s3, $0x2;
	[dreg:$0x14] =	wrdreg s26;
	(pc) =	sbr.rel .LBB2_1-.Ltmp0, $4  }
0x22: {  	[dreg:$0x15] =	wrdreg s29;
	s16 =	simm.s32 $0xD;
	s3 =	simm.s32 $0x50  }
0x23: {  	s6 =	simm.s32 $0x2;
	s9 =	simm.s32 $0x8;
	s21 =	simm.s32 $0x380  }
0x24: {  	s25 =	simm.s32 $0x3;
	[dreg:$0xf] =	wrdreg s30;
	s24 =	sadd.s32 s7, s18  }
0x25: {  	v0 =	vimm.f32 $0.0e+00;
	s26 =	simm.s32 $0x5400;
	s7 =	simm.s32 $0x0;
	[dreg:$0xe] =	wrdreg s24  }
.LBB2_16:
0x26: {  	s5 =	stileid.u32;
	[bflag:$0x0] =	sbarrier.arrive $0xFFFF  }
0x27: {  	s5 =	sshll.u32 s5, $0x6;
	s24 =	rddreg [dreg:$0xe]  }
0x28: {  	s22 =	rddreg [dreg:$0x5];
	s5 =	sor.u32 $0x1C0D, s5;
	s7 =	sshrl.u32 s24, $0x3  }
0x29: {  	[hbm:s22], [sflag:s5] =	dma.local [spmem:s7], $0x500  }
0x2a: {  	_ =	swait.ge [sflag:s16], $0x500  }
0x2b: {  	[sflag:s16] =	ssyncset.done $0x0;
	s30 =	rddreg [dreg:$0xf]  }
0x2c: {  	s29 =	rddreg [dreg:$0x6];
	[sflag:s16] =	ssyncadd.s32 $0xFFFFFB00;
	s22 =	sshrl.u32 s30, $0x3  }
0x2d: {  	[hbm:s29], [sflag:s5] =	dma.local [spmem:s22], $0x500  }
0x2e: {  	_ =	swait.ge [sflag:s16], $0x500  }
0x2f: {  	[sflag:s16] =	ssyncset.done $0x0;
	s22 =	rddreg [dreg:$0x10]  }
0x30: {  	s29 =	rddreg [dreg:$0x7];
	[sflag:s16] =	ssyncadd.s32 $0xFFFFFB00;
	s7 =	sshrl.u32 s22, $0x3  }
0x31: {  	[hbm:s29], [sflag:s5] =	dma.local [spmem:s7], $0x500  }
0x32: {  	_ =	swait.ge [sflag:s16], $0x500  }
0x33: {  	[sflag:s16] =	ssyncset.done $0x0;
	s22 =	rddreg [dreg:$0x11]  }
0x34: {  	s29 =	rddreg [dreg:$0x8];
	[sflag:s16] =	ssyncadd.s32 $0xFFFFFB00;
	s7 =	sshrl.u32 s22, $0x3  }
0x35: {  	[hbm:s29], [sflag:s5] =	dma.local [spmem:s7], $0x500  }
0x36: {  	_ =	swait.ge [sflag:s16], $0x500  }
0x37: {  	[sflag:s16] =	ssyncset.done $0x0;
	s22 =	rddreg [dreg:$0x12]  }
0x38: {  	s29 =	rddreg [dreg:$0x9];
	[sflag:s16] =	ssyncadd.s32 $0xFFFFFB00;
	s7 =	sshrl.u32 s22, $0x3  }
0x39: {  	[hbm:s29], [sflag:s5] =	dma.local [spmem:s7], $0x500  }
0x3a: {  	_ =	swait.ge [sflag:s16], $0x500  }
0x3b: {  	[sflag:s16] =	ssyncset.done $0x0;
	s22 =	rddreg [dreg:$0x13]  }
0x3c: {  	s29 =	rddreg [dreg:$0xa];
	[sflag:s16] =	ssyncadd.s32 $0xFFFFFB00;
	s7 =	sshrl.u32 s22, $0x3  }
0x3d: {  	[hbm:s29], [sflag:s5] =	dma.local [spmem:s7], $0x500  }
0x3e: {  	_ =	swait.ge [sflag:s16], $0x500  }
0x3f: {  	[sflag:s16] =	ssyncset.done $0x0;
	s22 =	rddreg [dreg:$0x14]  }
0x40: {  	s29 =	rddreg [dreg:$0xb];
	[sflag:s16] =	ssyncadd.s32 $0xFFFFFB00;
	s7 =	sshrl.u32 s22, $0x3  }
0x41: {  	[hbm:s29], [sflag:s5] =	dma.local [spmem:s7], $0x500  }
0x42: {  	_ =	swait.ge [sflag:s16], $0x500  }
0x43: {  	[sflag:s16] =	ssyncset.done $0x0;
	s22 =	rddreg [dreg:$0x15]  }
0x44: {  	s29 =	rddreg [dreg:$0xc];
	[sflag:s16] =	ssyncadd.s32 $0xFFFFFB00;
	s7 =	sshrl.u32 s22, $0x3  }
0x45: {  	[hbm:s29], [sflag:s5] =	dma.local [spmem:s7], $0x500  }
0x46: {  	_ =	swait.ge [sflag:s16], $0x500  }
0x47: {  	s22 =	rddreg [dreg:$0x16]  }
0x48: {  	s29 =	rddreg [dreg:$0xd];
	s7 =	sadd.s32 $0x1, s22  }
0x49: {  	p0 =	sne.s32 s7, s29  }
.Ltmp1:
0x4a: {  	_ = 	snop;
	(pc) =	sbr.rel @!p0 .LBB2_17-.Ltmp1, $3  }
0x4b: {  	_ =	sdelay $0x1  }
0x4c: {  	[sflag:s16] =	ssyncset.done $0x0  }
0x4d: {  	[sflag:s16] =	ssyncadd.s32 $0xFFFFFB00  }
.LBB2_1:
0x4e: {  	[dreg:$0x16] =	wrdreg s7;
	s5 =	simm.s32 $0x0;
	s29 =	simm.s32 $0x200  }
.LBB2_2:
0x4f: {  	p0 =	sne.s32 s29, $0x9E00;
	[tilespmem:s5+$0x470] =	vst v0  }
0x50: {  	[tilespmem:s5+$0x400] =	vst v0  }
0x51: {  	[tilespmem:s5+$0x410] =	vst v0  }
.Ltmp2:
0x52: {  	[tilespmem:s5+$0x420] =	vst v0;
	(pc) =	sbr.rel @p0 .LBB2_2-.Ltmp2, $4  }
0x53: {  	[tilespmem:s5+$0x430] =	vst v0  }
0x54: {  	[tilespmem:s5+$0x440] =	vst v0  }
0x55: {  	[tilespmem:s5+$0x450] =	vst v0  }
0x56: {  	[tilespmem:s5+$0x460] =	vst v0;
	s5 =	sshra.s32 s29, $0x2;
	s29 =	sadd.s32 $0x200, s29  }
0x57: {  	[tilespmem:s5+$0x470] =	vst v0  }
0x58: {  	[tilespmem:s5+$0x400] =	vst v0  }
0x59: {  	[tilespmem:s5+$0x410] =	vst v0  }
0x5a: {  	[tilespmem:s5+$0x420] =	vst v0  }
0x5b: {  	[tilespmem:s5+$0x430] =	vst v0  }
0x5c: {  	[tilespmem:s5+$0x440] =	vst v0  }
0x5d: {  	[tilespmem:s5+$0x450] =	vst v0  }
0x5e: {  	[tilespmem:s5+$0x460] =	vst v0  }
0x5f: {  	[spmem:s24] =	stream.linear.scatter [tilespmem:s31], [sflag:$0xD], $0x2800, $0x38;
	[tilespmem:$0x1E400] =	vst v63  }
0x60: {  	_ =	swait.ge [sflag:s16], $0x2800  }
0x61: {  	[sflag:s16] =	ssyncset.done $0x0  }
0x62: {  	[sflag:s16] =	ssyncadd.s32 $0xFFFFD800  }
0x63: {  	[spmem:s30] =	stream.linear.scatter [tilespmem:s31], [sflag:$0xD], $0x2800, $0x38;
	[tilespmem:$0x1E400] =	vst v63  }
0x64: {  	_ =	swait.ge [sflag:s16], $0x2800  }
0x65: {  	[sflag:s16] =	ssyncset.done $0x0  }
0x66: {  	s7 =	rddreg [dreg:$0x10];
	[sflag:s16] =	ssyncadd.s32 $0xFFFFD800  }
0x67: {  	[spmem:s7] =	stream.linear.scatter [tilespmem:s31], [sflag:$0xD], $0x2800, $0x38;
	[tilespmem:$0x1E400] =	vst v63  }
0x68: {  	_ =	swait.ge [sflag:s16], $0x2800  }
0x69: {  	[sflag:s16] =	ssyncset.done $0x0  }
0x6a: {  	s22 =	rddreg [dreg:$0x11];
	[sflag:s16] =	ssyncadd.s32 $0xFFFFD800  }
0x6b: {  	[spmem:s22] =	stream.linear.scatter [tilespmem:s31], [sflag:$0xD], $0x2800, $0x38;
	[tilespmem:$0x1E400] =	vst v63  }
0x6c: {  	_ =	swait.ge [sflag:s16], $0x2800  }
0x6d: {  	[sflag:s16] =	ssyncset.done $0x0  }
0x6e: {  	s24 =	rddreg [dreg:$0x12];
	[sflag:s16] =	ssyncadd.s32 $0xFFFFD800  }
0x6f: {  	[spmem:s24] =	stream.linear.scatter [tilespmem:s31], [sflag:$0xD], $0x2800, $0x38;
	[tilespmem:$0x1E400] =	vst v63  }
0x70: {  	_ =	swait.ge [sflag:s16], $0x2800  }
0x71: {  	[sflag:s16] =	ssyncset.done $0x0  }
0x72: {  	s7 =	rddreg [dreg:$0x13];
	[sflag:s16] =	ssyncadd.s32 $0xFFFFD800  }
0x73: {  	[spmem:s7] =	stream.linear.scatter [tilespmem:s31], [sflag:$0xD], $0x2800, $0x38;
	[tilespmem:$0x1E400] =	vst v63  }
0x74: {  	_ =	swait.ge [sflag:s16], $0x2800  }
0x75: {  	[sflag:s16] =	ssyncset.done $0x0  }
0x76: {  	s22 =	rddreg [dreg:$0x14];
	[sflag:s16] =	ssyncadd.s32 $0xFFFFD800  }
0x77: {  	[spmem:s22] =	stream.linear.scatter [tilespmem:s31], [sflag:$0xD], $0x2800, $0x38;
	[tilespmem:$0x1E400] =	vst v63  }
0x78: {  	_ =	swait.ge [sflag:s16], $0x2800  }
0x79: {  	[sflag:s16] =	ssyncset.done $0x0  }
0x7a: {  	s24 =	rddreg [dreg:$0x15];
	[sflag:s16] =	ssyncadd.s32 $0xFFFFD800  }
0x7b: {  	[spmem:s24] =	stream.linear.scatter [tilespmem:s31], [sflag:$0xD], $0x2800, $0x38;
	[tilespmem:$0x1E400] =	vst v63  }
.Ltmp3:
0x7c: {  	_ =	swait.ge [sflag:s16], $0x2800;
	(pc) =	sbr.rel .LBB2_4-.Ltmp3, $4  }
0x7d: {  	[sflag:s16] =	ssyncset.done $0x0  }
0x7e: {  	[sflag:s16] =	ssyncadd.s32 $0xFFFFD800  }
0x7f: {  	[bflag:$0x0] =	sbarrier.arrive $0xFFFF  }
0x80: {  	s29 =	simm.s32 $0x3;
	s30 =	simm.s32 $0x0  }
.LBB2_12:
0x81: {  	s5 =	sadd.s32 s30, s13;
	s7 =	simm.s32 $0x180  }
0x82: {  	[tilespmem:s7], [sflag:$0x4] =	stream.linear.gather [hbm4b:s5+s1], $0x50, $0x38;
	[tilespmem:$0x1E400] =	vst v63  }
0x83: {  	s24 =	sadd.s32 s30, s12  }
0x84: {  	[tilespmem:s21], [sflag:$0x4] =	stream.linear.gather [hbm4b:s24+s1], $0x50, $0x38;
	[tilespmem:$0x1E400] =	vst v63  }
.LBB2_14:
0x85: {  	_ =	swait.ge [sflag:s25], $0x50  }
0x86: {  	[sflag:s25] =	ssyncset.done $0x0  }
0x87: {  	[sflag:s25] =	ssyncadd.s32 $0xFFFFFFB0  }
0x88: {  	_ =	swait.ge [sflag:s25], $0x50  }
0x89: {  	[sflag:s25] =	ssyncset.done $0x0  }
0x8a: {  	[sflag:s25] =	ssyncadd.s32 $0xFFFFFFB0  }
0x8b: {  	[tilespmem:s26], [sflag:$0x7] =	stream.indirect.gather [hbm4b:s17+s3], $0x80, s4, s3, $0xb8;
	[tilespmem:$0x1E400] =	vst v63  }
.LBB2_15:
0x8c: {  	_ =	swait.ge [sflag:s28], $0x2800  }
0x8d: {  	[sflag:s28] =	ssyncset.done $0x0  }
0x8e: {  	s30 =	sadd.s32 $0x28, s30;
	s29 =	sadd.s32 $0x4, s29;
	[sflag:s28] =	ssyncadd.s32 $0xFFFFD800  }
0x8f: {  	[spmem:s18] =	stream.indirect.scatter.add.f32 [tilespmem:s31], [sflag:$0x9], $0x80, s0, s3, $0xb8;
	[tilespmem:$0x1E400] =	vst v63  }
.LBB2_4:
0x90: {  	s5 =	sadd.s32 $0xFFFFFFF9, s29;
	p1 =	seq.s32 s30, $0x500  }
.Ltmp4:
0x91: {  	p0 =	sgt.u32 s5, $0x7C;
	(pc) =	sbr.rel @p1 .LBB2_16-.Ltmp4, $4  }
0x92: {  	s5 =	simm.s32 @!p0 $0x9  }
0x93: {  	_ =	swait.ge @!p0 [sflag:s5], $0x2800  }
0x94: {  	[sflag:s5] =	ssyncset.done @!p0 $0x0  }
0x95: {  	[sflag:s5] =	ssyncadd.s32 @!p0 $0xFFFFD800  }
0x96: {  	s5 =	sadd.s32 s30, s11  }
0x97: {  	[tilespmem:s1], [sflag:$0x1] =	stream.linear.gather [hbm4b:s5+s1], $0x50, $0x38;
	[tilespmem:$0x1E400] =	vst v63  }
0x98: {  	s5 =	sadd.s32 $0xFFFFFFFC, s29  }
0x99: {  	s7 =	sadd.s32 s30, s10;
	p0 =	sgt.u32 s5, $0x7C  }
0x9a: {  	[tilespmem:s0], [sflag:$0x1] =	stream.linear.gather [hbm4b:s7+s1], $0x50, $0x38;
	[tilespmem:$0x1E400] =	vst v63  }
0x9b: {  	s22 =	simm.s32 @!p0 $0x4  }
0x9c: {  	_ =	swait.ge @!p0 [sflag:s22], $0x50  }
0x9d: {  	[sflag:s22] =	ssyncset.done @!p0 $0x0  }
0x9e: {  	[sflag:s22] =	ssyncadd.s32 @!p0 $0xFFFFFFB0  }
0x9f: {  	_ =	swait.ge @!p0 [sflag:s22], $0x50  }
0xa0: {  	s24 =	simm.s32 @!p0 $0x180;
	[sflag:s22] =	ssyncset.done @!p0 $0x0  }
0xa1: {  	s7 =	simm.s32 @!p0 $0x7C00;
	[sflag:s22] =	ssyncadd.s32 @!p0 $0xFFFFFFB0;
	s22 =	simm.s32 @!p0 $0x50  }
0xa2: {  	[tilespmem:s7], [sflag:$0x8] =	stream.indirect.gather @!p0 [hbm4b:s17+s22], $0x80, s24, s22, $0xb8;
	[tilespmem:$0x1E400] =	vst v63  }
0xa3: {  	s22 =	sadd.s32 $0xFFFFFFFA, s29  }
0xa4: {  	p1 =	sgt.u32 s22, $0x7C  }
0xa5: {  	s7 =	simm.s32 @!p1 $0x6  }
0xa6: {  	_ =	swait.ge @!p1 [sflag:s7], $0x2800  }
0xa7: {  	s22 =	simm.s32 @!p1 $0x280;
	[sflag:s7] =	ssyncset.done @!p1 $0x0  }
0xa8: {  	s24 =	simm.s32 @!p1 $0x2C00;
	[sflag:s7] =	ssyncadd.s32 @!p1 $0xFFFFD800;
	s7 =	simm.s32 @!p1 $0x50  }
0xa9: {  	[spmem:s18] =	stream.indirect.scatter.add.f32 @!p1 [tilespmem:s24], [sflag:$0xA], $0x80, s22, s7, $0xb8;
	[tilespmem:$0x1E400] =	vst v63  }
0xaa: {  	s7 =	simm.s32 @!p1 $0xA;
	s24 =	sadd.s32 $0xFFFFFFFE, s29  }
0xab: {  	_ =	swait.ge @!p1 [sflag:s7], $0x2800;
	p2 =	sgt.u32 s24, $0x7C  }
0xac: {  	[sflag:s7] =	ssyncset.done @!p1 $0x0;
	s22 =	simm.s32 @!p2 $0x0  }
0xad: {  	s24 =	simm.s32 @!p2 $0x80;
	[sflag:s7] =	ssyncadd.s32 @!p1 $0xFFFFD800;
	s7 =	sadd.s32 @!p2 s30, s20  }
0xae: {  	[tilespmem:s24], [sflag:$0x2] =	stream.linear.gather @!p2 [hbm4b:s7+s22], $0x50, $0x38;
	[tilespmem:$0x1E400] =	vst v63  }
0xaf: {  	s7 =	sadd.s32 @!p2 s30, s19;
	s24 =	simm.s32 @!p2 $0x280  }
0xb0: {  	[tilespmem:s24], [sflag:$0x2] =	stream.linear.gather @!p2 [hbm4b:s7+s22], $0x50, $0x38;
	[tilespmem:$0x1E400] =	vst v63  }
0xb1: {  	_ =	swait.ge [sflag:s2], $0x50  }
0xb2: {  	[sflag:s2] =	ssyncset.done $0x0  }
0xb3: {  	[sflag:s2] =	ssyncadd.s32 $0xFFFFFFB0  }
0xb4: {  	s22 =	sadd.s32 $0xFFFFFFFB, s29;
	_ =	swait.ge [sflag:s2], $0x50  }
0xb5: {  	p3 =	sgt.u32 s22, $0x7C;
	[sflag:s2] =	ssyncset.done $0x0  }
0xb6: {  	s7 =	simm.s32 @!p3 $0x7;
	[sflag:s2] =	ssyncadd.s32 $0xFFFFFFB0  }
0xb7: {  	[tilespmem:s31], [sflag:$0x5] =	stream.indirect.gather [hbm4b:s17+s3], $0x80, s1, s3, $0xb8;
	[tilespmem:$0x1E400] =	vst v63  }
0xb8: {  	_ =	swait.ge @!p3 [sflag:s7], $0x2800  }
0xb9: {  	s22 =	simm.s32 @!p3 $0x300;
	[sflag:s7] =	ssyncset.done @!p3 $0x0  }
0xba: {  	s24 =	simm.s32 @!p3 $0x5400;
	[sflag:s7] =	ssyncadd.s32 @!p3 $0xFFFFD800;
	s7 =	simm.s32 @!p3 $0x50  }
0xbb: {  	[spmem:s18] =	stream.indirect.scatter.add.f32 @!p3 [tilespmem:s24], [sflag:$0xB], $0x80, s22, s7, $0xb8;
	[tilespmem:$0x1E400] =	vst v63  }
0xbc: {  	s24 =	sadd.s32 $0xFFFFFFFF, s29  }
0xbd: {  	p1 =	sgt.u32 s24, $0x7C  }
.Ltmp5:
0xbe: {  	_ = 	snop;
	(pc) =	sbr.rel @p1 .LBB2_7-.Ltmp5, $4  }
0xbf: {  	s7 =	simm.s32 @!p3 $0xB  }
0xc0: {  	_ =	swait.ge @!p3 [sflag:s7], $0x2800  }
0xc1: {  	[sflag:s7] =	ssyncset.done @!p3 $0x0  }
0xc2: {  	[sflag:s7] =	ssyncadd.s32 @!p3 $0xFFFFD800  }
.Ltmp6:
0xc3: {  	(pc) =	sbr.rel .LBB2_8-.Ltmp6, $4  }
0xc4: {  	s7 =	sadd.s32 s30, s15  }
0xc5: {  	[tilespmem:s4], [sflag:$0x3] =	stream.linear.gather [hbm4b:s7+s1], $0x50, $0x38;
	[tilespmem:$0x1E400] =	vst v63  }
0xc6: {  	s24 =	sadd.s32 s30, s14;
	s22 =	simm.s32 $0x300  }
0xc7: {  	[tilespmem:s22], [sflag:$0x3] =	stream.linear.gather [hbm4b:s24+s1], $0x50, $0x38;
	[tilespmem:$0x1E400] =	vst v63  }
.LBB2_7:
.Ltmp7:
0xc8: {  	(pc) =	sbr.rel @p2 .LBB2_9-.Ltmp7, $1  }
0xc9: {  	_ =	sdelay $0x3  }
.LBB2_8:
0xca: {  	_ =	swait.ge [sflag:s6], $0x50  }
0xcb: {  	p0 =	slt.u32 s5, $0x7D;
	[sflag:s6] =	ssyncset.done $0x0  }
.Ltmp8:
0xcc: {  	[sflag:s6] =	ssyncadd.s32 $0xFFFFFFB0;
	(pc) =	sbr.rel @!p0 .LBB2_11-.Ltmp8, $4  }
0xcd: {  	_ =	swait.ge [sflag:s6], $0x50  }
0xce: {  	[sflag:s6] =	ssyncset.done $0x0  }
0xcf: {  	s7 =	simm.s32 $0x80;
	[sflag:s6] =	ssyncadd.s32 $0xFFFFFFB0  }
0xd0: {  	[tilespmem:s8], [sflag:$0x6] =	stream.indirect.gather [hbm4b:s17+s3], $0x80, s7, s3, $0xb8;
	[tilespmem:$0x1E400] =	vst v63  }
.LBB2_10:
0xd1: {  	_ =	swait.ge [sflag:s9], $0x2800  }
0xd2: {  	[sflag:s9] =	ssyncset.done $0x0  }
0xd3: {  	s5 =	simm.s32 $0x7C00;
	[sflag:s9] =	ssyncadd.s32 $0xFFFFD800  }
0xd4: {  	[spmem:s18] =	stream.indirect.scatter.add.f32 [tilespmem:s5], [sflag:$0xC], $0x80, s21, s3, $0xb8;
	[tilespmem:$0x1E400] =	vst v63  }
0xd5: {  	_ =	swait.ge [sflag:s23], $0x2800  }
0xd6: {  	[sflag:s23] =	ssyncset.done $0x0  }
0xd7: {  	[sflag:s23] =	ssyncadd.s32 $0xFFFFD800  }
.LBB2_11:
0xd8: {  	p0 =	sgt.u32 s29, $0x7C  }
.Ltmp9:
0xd9: {  	_ = 	snop;
	(pc) =	sbr.rel @!p0 .LBB2_12-.Ltmp9, $1  }
0xda: {  	_ =	sdelay $0x3  }
.Ltmp10:
0xdb: {  	(pc) =	sbr.rel @p1 .LBB2_15-.Ltmp10, $4  }
.Ltmp11:
0xdc: {  	(pc) =	sbr.rel @!p1 .LBB2_14-.Ltmp11, $4  }
0xdd: {  	_ = 	snop  }
0xde: {  	_ = 	snop  }
0xdf: {  	_ = 	snop  }
0xe0: {  	_ = 	snop  }
.LBB2_9:
.Ltmp12:
0xe1: {  	(pc) =	sbr.rel @p0 .LBB2_11-.Ltmp12, $4  }
.Ltmp13:
0xe2: {  	(pc) =	sbr.rel @!p0 .LBB2_10-.Ltmp13, $4  }
0xe3: {  	_ = 	snop  }
0xe4: {  	_ = 	snop  }
0xe5: {  	_ = 	snop  }
0xe6: {  	_ = 	snop  }
.LBB2_17:
0xe7: {  	_ =	sfence.sel $0x180000  }
0xe8: {  	[bflag:$0x0] =	sbarrier.arrive $0xFFFF  }
0xe9: {  	_ =	strace $0x90000047  }
0xea: {  	s0 =	stileid.u32;
	[bflag:$0x2] =	sbarrier.arrive $0xFFFF  }
0xeb: {  	p0 =	sne.s32 s0, $0x0;
	s0 =	rddreg [dreg:$0x4]  }
0xec: {  	s0 =	sadd.s32 @!p0 $0x100000, s0  }
0xed: {  	[sflag:s0] =	ssyncadd.tile.s32 @!p0 $0x1;
	_ =	shalt  }
.Lfunc_end2:
_tile_overlayer_lowered:
.L_overlay_start_2:
0xee: {  	(tag) =	ssettag $0x2  }
0xef: {  	s0 =	rddreg [dreg:$0x0];
	s2 =	stileid.u32  }
0xf0: {  	s1 =	rddreg [dreg:$0x1];
	p0 =	sne.s32 s2, $0x0  }
0xf1: {  	s3 =	rddreg [dreg:$0x2];
	[bflag:$0x3] =	sbarrier.arrive $0xFFFF;
	s2 =	simm.s32 @!p0 $0x1C0D  }
0xf2: {  	[timem:s3], [sflag:s2] =	dma.local @!p0 [hbm:s0], s1  }
0xf3: {  	s0 =	simm.s32 @!p0 $0xD  }
0xf4: {  	_ =	swait.ge @!p0 [sflag:s0], s1  }
0xf5: {  	s1 =	ssub.s32 @!p0 $0x0, s1;
	[sflag:s0] =	ssyncset.done @!p0 $0x0  }
0xf6: {  	[sflag:s0] =	ssyncadd.s32 @!p0 s1  }
0xf7: {  	[bflag:$0x3] =	sbarrier.arrive $0xFFFF  }
0xf8: {  	_ =	shalt  }

// kernel: kernel.15.cloned.1.call-start
scs
__scs_entry_jumppad:
0x0: {  	(pc) =	sbr.rel $0x88, $3  }
0x1: {  	(tag) =	ssettag $0x0;
	lr =	simm.s32 $0x1  }
0x2: {  	[smem:$0x3F94] =	sst lr;
	_ =	strace $0xD0000000  }
0x3: {  	_ = 	snop  }
0x4: {  	_ = 	snop  }
0x5: {  	_ = 	snop  }
0x6: {  	_ = 	snop  }
0x7: {  	_ = 	snop  }
__scs_overlays_trampoline_lowered:
0x8: {  	[smem:$0x3FA3] =	sst s0  }
0x9: {  	[smem:$0x3FA4] =	sst s1  }
0xa: {  	[smem:$0x3FA5] =	sst s2  }
0xb: {  	[smem:$0x3FA6] =	sst s3  }
0xc: {  	[smem:$0x3FA7] =	sst s4  }
0xd: {  	[smem:$0x3FA8] =	sst s5  }
0xe: {  	[smem:$0x3FA9] =	sst s6  }
0xf: {  	[smem:$0x3FAA] =	sst s7  }
0x10: {  	[smem:$0x3FAB] =	sst s8  }
0x11: {  	[smem:$0x3FAC] =	sst s9;
	s0 =	simm.s32 @!p0 $0x0  }
0x12: {  	s1 =	sld [smem:$0x3F92];
	s0 =	simm.s32 @p0 $0x1  }
0x13: {  	[smem:$0x3FAD] =	sst s0;
	s0 =	simm.s32 @!p1 $0x0  }
0x14: {  	s2 =	sld [smem:$0x3F91];
	s0 =	simm.s32 @p1 $0x1  }
0x15: {  	[smem:$0x3FAE] =	sst s0;
	s0 =	simm.s32 @!p2 $0x0  }
0x16: {  	s3 =	sld [smem:$0x3FDB];
	s0 =	simm.s32 @p2 $0x1  }
0x17: {  	s4 =	simm.s32 $0x1BF5;
	[smem:$0x3FB0] =	sst s0  }
0x18: {  	s0 =	sld [smem:$0x3F93];
	_ =	swait.ge [sflag:s4], $0x0  }
0x19: {  	s7 =	sld [smem:$0x3F94]  }
0x1a: {  	s8 =	sadd.s32 $0xFFFFE003, lr  }
0x1b: {  	s9 =	sadd.s32 $0xFFFFFEF7, lr;
	s5 =	simm.s32 $0xFFFFFFFF;
	p2 =	slt.u32 s8, $0xFFFFF086  }
0x1c: {  	p1 =	slt.u32 s9, $0xF7A;
	s5 =	simm.s32 @!p2 $0x0  }
0x1d: {  	s5 =	simm.s32 @p1 $0x1;
	p0 =	seq.s32 s7, s2  }
0x1e: {  	s7 =	smul.u32 @!p0 $0xF7A, s2;
	p2 =	seq.s32 @!p0 s5, $0x0  }
0x1f: {  	s9 =	smul.u32 $0xF7A, s1;
	s8 =	simm.s32 @!p0 $0x1BF5;
	p2 =	por !p2, p0  }
0x20: {  	[sflag:s8] =	ssyncset.s32 @!p0 $0xFFFFF086;
	s6 =	sadd.s32 @!p0 s3, s7;
	s7 =	simm.s32 @!p0 $0x108  }
0x21: {  	s3 =	sadd.s32 s3, s9;
	s6 =	sadd.s32 @!p0 $0x88, s6;
	s7 =	simm.s32 @p2 $0x1082  }
0x22: {  	[simem:s7], [sflag:s8] =	dma.local @!p0 [hbm:s6], $0xF7A  }
0x23: {  	s9 =	sor.u32 $0xD0000000, s2;
	s6 =	simm.s32 $0x108;
	_ =	swait.ge @!p0 [sflag:s8], $0x0  }
0x24: {  	s3 =	sadd.s32 $0x88, s3;
	s6 =	simm.s32 @!p1 $0x1082;
	[sflag:s4] =	ssyncset.s32 $0xFFFFF086  }
0x25: {  	[simem:s6], [sflag:s4] =	dma.local [hbm:s3], $0xF7A  }
0x26: {  	[smem:$0x3F94] =	sst s1;
	(tag) =	ssettag s2;
	_ =	strace s9  }
0x27: {  	s1 =	sld [smem:$0x3FA4]  }
0x28: {  	s2 =	sld [smem:$0x3FA5]  }
0x29: {  	s4 =	sld [smem:$0x3FA7]  }
0x2a: {  	p0 =	seq.s32 s5, $0x0;
	s5 =	sld [smem:$0x3FA8]  }
0x2b: {  	s6 =	sld [smem:$0x3FA9]  }
0x2c: {  	s7 =	sld [smem:$0x3FAA]  }
0x2d: {  	s3 =	simm.s32 $0x108;
	s8 =	sld [smem:$0x3FAB]  }
0x2e: {  	s3 =	simm.s32 @!p0 $0x1082;
	s9 =	sld [smem:$0x3FAC]  }
0x2f: {  	lr =	sadd.s32 s0, s3;
	s0 =	sld [smem:$0x3FA3]  }
0x30: {  	s3 =	sld [smem:$0x3FA6]  }
0x31: {  	[smem:$0x3FAF] =	sst s10  }
0x32: {  	s10 =	sld [smem:$0x3FAD];
	_ =	sdelay $0x3  }
0x33: {  	p0 =	seq.s32 s10, $0x1;
	s10 =	sld [smem:$0x3FAF];
	_ =	sdelay $0x3  }
0x34: {  	[smem:$0x3FAF] =	sst s10  }
0x35: {  	s10 =	sld [smem:$0x3FAE];
	_ =	sdelay $0x3  }
0x36: {  	p1 =	seq.s32 s10, $0x1;
	s10 =	sld [smem:$0x3FAF];
	_ =	sdelay $0x3  }
0x37: {  	[smem:$0x3FAF] =	sst s10  }
0x38: {  	s10 =	sld [smem:$0x3FB0]  }
0x39: {  	_ = 	snop;
	(pc) =	sbr.ind lr, $3  }
0x3a: {  	_ = 	snop  }
0x3b: {  	_ = 	snop  }
0x3c: {  	p2 =	seq.s32 s10, $0x1;
	s10 =	sld [smem:$0x3FAF]  }
0x3d: {  	_ =	shalt  }
0x3e: {  	_ =	shalt  }
0x3f: {  	_ =	shalt  }
0x40: {  	_ =	shalt  }
0x41: {  	_ =	shalt  }
0x42: {  	_ =	shalt  }
0x43: {  	_ =	shalt  }
0x44: {  	_ =	shalt  }
0x45: {  	_ =	shalt  }
0x46: {  	_ =	shalt  }
0x47: {  	_ =	shalt  }
0x48: {  	_ =	shalt  }
0x49: {  	_ =	shalt  }
0x4a: {  	_ =	shalt  }
0x4b: {  	_ =	shalt  }
0x4c: {  	_ =	shalt  }
0x4d: {  	_ =	shalt  }
0x4e: {  	_ =	shalt  }
0x4f: {  	_ =	shalt  }
0x50: {  	_ =	shalt  }
0x51: {  	_ =	shalt  }
0x52: {  	_ =	shalt  }
0x53: {  	_ =	shalt  }
0x54: {  	_ =	shalt  }
0x55: {  	_ =	shalt  }
0x56: {  	_ =	shalt  }
0x57: {  	_ =	shalt  }
0x58: {  	_ =	shalt  }
0x59: {  	_ =	shalt  }
0x5a: {  	_ =	shalt  }
0x5b: {  	_ =	shalt  }
0x5c: {  	_ =	shalt  }
0x5d: {  	_ =	shalt  }
0x5e: {  	_ =	shalt  }
0x5f: {  	_ =	shalt  }
0x60: {  	_ =	shalt  }
0x61: {  	_ =	shalt  }
0x62: {  	_ =	shalt  }
0x63: {  	_ =	shalt  }
0x64: {  	_ =	shalt  }
0x65: {  	_ =	shalt  }
0x66: {  	_ =	shalt  }
0x67: {  	_ =	shalt  }
0x68: {  	_ =	shalt  }
0x69: {  	_ =	shalt  }
0x6a: {  	_ =	shalt  }
0x6b: {  	_ =	shalt  }
0x6c: {  	_ =	shalt  }
0x6d: {  	_ =	shalt  }
0x6e: {  	_ =	shalt  }
0x6f: {  	_ =	shalt  }
0x70: {  	_ =	shalt  }
0x71: {  	_ =	shalt  }
0x72: {  	_ =	shalt  }
0x73: {  	_ =	shalt  }
0x74: {  	_ =	shalt  }
0x75: {  	_ =	shalt  }
0x76: {  	_ =	shalt  }
0x77: {  	_ =	shalt  }
0x78: {  	_ =	shalt  }
0x79: {  	_ =	shalt  }
0x7a: {  	_ =	shalt  }
0x7b: {  	_ =	shalt  }
0x7c: {  	_ =	shalt  }
0x7d: {  	_ =	shalt  }
0x7e: {  	_ =	shalt  }
0x7f: {  	_ =	shalt  }
0x80: {  	_ =	shalt  }
0x81: {  	_ =	shalt  }
0x82: {  	_ =	shalt  }
0x83: {  	_ =	shalt  }
0x84: {  	_ =	shalt  }
0x85: {  	_ =	shalt  }
0x86: {  	_ =	shalt  }
0x87: {  	_ =	shalt  }
.Lfunc_end0:
.L_simem_size_0:
called_computation.2_lowered:
.L_overlay_start_0:
0x88: {  	s2 =	sld [smem:$0x3FD9]  }
0x89: {  	s3 =	sld [smem:$0x3FFE];
	_ =	sdelay $0x1  }
0x8a: {  	s1 =	srdreg.scid  }
0x8b: {  	s0 =	sand.u32 $0x1, s1  }
0x8c: {  	s17 =	sshll.u32 s0, $0xA;
	s2 =	sadd.s32 s3, s2  }
0x8d: {  	s2 =	sadd.s32 s2, s17  }
0x8e: {  	[smem:$0x3FBB] =	sst s2  }
0x8f: {  	_ = 	snop  }
0x90: {  	s2 =	sld [smem:$0x3FD0];
	(tm) =	ssettm $0x1  }
0x91: {  	s18 =	sld [smem:$0x3FFB];
	_ =	sdelay $0x3  }
0x92: {  	_ =	strace s18  }
0x93: {  	s3 =	sld [smem:$0x3FFC];
	_ =	sdelay $0x3  }
0x94: {  	_ =	strace s3  }
0x95: {  	s3 =	sld [smem:$0x3FFD];
	_ =	sdelay $0x3  }
0x96: {  	_ =	strace s3  }
0x97: {  	_ =	strace $0x8FFFFFFF  }
0x98: {  	s19 =	sld [smem:$0x3FDB];
	_ =	sdelay $0x1  }
0x99: {  	s4 =	simm.s32 $_scs_section_size  }
0x9a: {  	s5 =	simm.s32 $_size__tile_overlayer_lowered;
	s6 =	simm.s32 $_tile_overlayer_lowered  }
0x9b: {  	s22 =	simm.s32 $0x1BFF;
	s21 =	sshll.u32 s6, $0x1;
	s3 =	sadd.s32 s4, s19  }
0x9c: {  	s7 =	simm.s32 $0x0;
	s20 =	sshll.u32 s5, $0x1;
	s5 =	sadd.s32 s21, s3  }
0x9d: {  	[timem:s7], [sflag:s22] =	dma.local [hbm:s5], s20  }
0x9e: {  	_ =	swait.ge [sflag:s22], s20  }
0x9f: {  	s4 =	ssub.s32 $0x0, s20;
	[sflag:s22] =	ssyncset.done $0x0  }
0xa0: {  	[sflag:s22] =	ssyncadd.s32 s4;
	_ =	sdelay $0x1  }
0xa1: {  	s23 =	simm.s32 $0x1B8B  }
0xa2: {  	_ =	swait.ge [sflag:s23], $0x1  }
0xa3: {  	[sflag:s23] =	ssyncset.done $0x0  }
0xa4: {  	s25 =	simm.s32 $0x1B8E;
	s24 =	sld [smem:$0x3FFE];
	[sflag:s23] =	ssyncadd.s32 $0xFFFFFFFF  }
0xa5: {  	s26 =	simm.s32 $execute0_lowered;
	[smem:$0x3FD2] =	sst s25  }
0xa6: {  	s5 =	sshll.u32 s26, $0x1;
	_ =	strace $0x8000004C;
	[dreg:$0x1] =	wrdreg $0xFFFFFFFF  }
0xa7: {  	s28 =	simm.s32 $_size_execute0_lowered;
	s3 =	sadd.s32 s3, s5;
	[dreg:$0x0] =	wrdreg $0x0  }
0xa8: {  	s5 =	sshll.u32 s28, $0x1;
	[dreg:$0x2] =	wrdreg s3  }
0xa9: {  	[dreg:$0x3] =	wrdreg s5  }
0xaa: {  	[dreg:$0x4] =	wrdreg $0xC0  }
0xab: {  	_ =	task [dreg:s7], $0x5FFFF  }
0xac: {  	[dreg:$0x1] =	wrdreg $0xFFFFFFFF  }
0xad: {  	[dreg:$0x0] =	wrdreg $0x60  }
0xae: {  	[dreg:$0x2] =	wrdreg s24  }
0xaf: {  	[dreg:$0x3] =	wrdreg s2  }
0xb0: {  	[dreg:$0x4] =	wrdreg $0xA4000  }
0xb1: {  	[dreg:$0x5] =	wrdreg $0x9  }
0xb2: {  	_ =	task.clear_ibuf [dreg:s7], $0x6FFFF;
	_ =	strace $0x9000004C  }
0xb3: {  	s29 =	simm.s32 $0x9;
	_ =	strace $0x8000004E  }
0xb4: {  	_ =	swait.ge [sflag:s29], $0x1  }
0xb5: {  	[sflag:s29] =	ssyncadd.s32 $0xFFFFFFFF  }
0xb6: {  	_ =	strace $0x9000004E  }
0xb7: {  	_ =	sfence  }
0xb8: {  	s30 =	sld [smem:$0x0];
	_ =	sdelay $0x2  }
0xb9: {  	s31 =	sshll.u32 s1, $0xD;
	s1 =	sshrl.u32 s1, $0x2  }
0xba: {  	s3 =	sand.u32 $0x4000, s31;
	s1 =	sadd.s32 s1, s30  }
0xbb: {  	s0 =	sor.u32 s3, s0;
	s1 =	sshll.u32 s1, $0x11  }
0xbc: {  	s0 =	sor.u32 s1, s0  }
0xbd: {  	s0 =	sadd.s32 $0x8F2B, s0  }
0xbe: {  	[sflag:s0] =	ssyncadd.remote.s32 $0x1  }
0xbf: {  	_ =	sfence.sel $0xFFFF  }
0xc0: {  	[dreg:$0x0] =	wrdreg $0xFFFFFFFF;
	(pc) =	sbr.abs _section_cstart, $3  }
0xc1: {  	[dreg:$0x1] =	wrdreg $0xFFFFFFFF  }
0xc2: {  	_ =	task.clear_ibuf [dreg:s7], $0x2FFFF;
	_ =	strace $0x9FFFFFFF  }
0xc3: {  	(tm) =	ssettm $0x7FFFFFFF  }
tec
execute0_lowered:
.L_overlay_start_1:
0x0: {  	(tag) =	ssettag $0x1  }
0x1: {  	s1 =	srdreg.scid;
	s0 =	rddreg [dreg:$0x0]  }
0x2: {  	s18 =	stileid.u32;
	s4 =	rddreg [dreg:$0x1];
	s31 =	simm.s32 $0x400  }
0x3: {  	s28 =	simm.s32 $0x5;
	s2 =	sand.u32 $0x1, s1;
	s5 =	smul.u32 $0x14000, s18  }
0x4: {  	s1 =	simm.s32 $0x0;
	s7 =	sadd.s32 $0x3600, s0;
	s19 =	smul.u32 $0x2710, s18  }
0x5: {  	s10 =	sadd.s32 $0x34600, s0;
	s3 =	smul.u32 $0x140000, s2;
	s6 =	ssub.s32 $0x2, s2  }
0x6: {  	[smem:$0x7FF] =	sst s1;
	s2 =	smul.u32 $0x27100, s2;
	s8 =	sshrl.u32 s6, $0x1  }
0x7: {  	s13 =	sadd.s32 $0x7800, s5;
	s21 =	sadd.s32 $0xA000, s5;
	s22 =	sadd.s32 $0xC800, s5  }
0x8: {  	s23 =	sadd.s32 $0xF000, s5;
	s9 =	sadd.s32 s3, s5;
	s6 =	ssub.s32 s6, s8  }
0x9: {  	s14 =	sadd.s32 s3, s13;
	s15 =	sadd.s32 s3, s21;
	s16 =	sadd.s32 s3, s22  }
0xa: {  	s20 =	sadd.s32 s3, s23;
	s2 =	sadd.s32 s19, s2;
	s25 =	sshrl.u32 s9, $0x3  }
0xb: {  	s9 =	sadd.s32 $0x5000, s5;
	s29 =	sshrl.u32 s14, $0x3;
	s17 =	sshrl.u32 s16, $0x3  }
0xc: {  	s24 =	sshrl.u32 s2, $0x3;
	s6 =	smax.u32 s6, $0x1;
	s8 =	sadd.s32 s10, s25  }
0xd: {  	s12 =	sadd.s32 s3, s9;
	s14 =	sadd.s32 s10, s29;
	s25 =	sadd.s32 $0xA0, s2  }
0xe: {  	s29 =	smul.u32 $0x50000, s18;
	[dreg:$0x4] =	wrdreg s8;
	s8 =	sor.u32 $0x2800, s5  }
0xf: {  	s5 =	sadd.s32 $0x11800, s5;
	s26 =	sshrl.u32 s12, $0x3;
	[dreg:$0x7] =	wrdreg s14  }
0x10: {  	s12 =	sadd.s32 $0xF0, s2;
	s16 =	sshrl.u32 s25, $0x3;
	s11 =	sadd.s32 s3, s8  }
0x11: {  	s2 =	sadd.s32 $0x50, s2;
	s3 =	sadd.s32 s3, s5;
	s11 =	sshrl.u32 s11, $0x3  }
0x12: {  	s2 =	sshrl.u32 s2, $0x3;
	s3 =	sshrl.u32 s3, $0x3;
	s11 =	sadd.s32 s10, s11  }
0x13: {  	s18 =	sadd.s32 s2, s4;
	s3 =	sadd.s32 s10, s3;
	[dreg:$0x5] =	wrdreg s11  }
0x14: {  	s19 =	sadd.s32 s2, s7;
	s11 =	sadd.s32 s10, s26;
	[dreg:$0xb] =	wrdreg s3  }
0x15: {  	s2 =	simm.s32 $0x1;
	[dreg:$0x6] =	wrdreg s11;
	s11 =	sshrl.u32 s15, $0x3  }
0x16: {  	s26 =	sshrl.u32 s12, $0x3;
	s3 =	simm.s32 $0x50;
	s11 =	sadd.s32 s10, s11  }
0x17: {  	s12 =	sadd.s32 s26, s4;
	s14 =	sadd.s32 s26, s7;
	[dreg:$0x8] =	wrdreg s11  }
0x18: {  	s15 =	sadd.s32 s16, s4;
	s11 =	sadd.s32 s10, s17;
	s17 =	rddreg [dreg:$0x2]  }
0x19: {  	s16 =	sadd.s32 s16, s7;
	[dreg:$0x9] =	wrdreg s11;
	s11 =	sshrl.u32 s20, $0x3  }
0x1a: {  	s20 =	sadd.s32 $0xD400, s0;
	s30 =	sadd.s32 s8, s17;
	s11 =	sadd.s32 s10, s11  }
0x1b: {  	s9 =	sadd.s32 s9, s17;
	s13 =	sadd.s32 s13, s17;
	[dreg:$0xa] =	wrdreg s11  }
0x1c: {  	s21 =	sadd.s32 s21, s17;
	_ =	strace $0x8000004D;
	[dreg:$0xc] =	wrdreg s6  }
0x1d: {  	s25 =	sadd.s32 s22, s17;
	s26 =	sadd.s32 s23, s17;
	[dreg:$0xf] =	wrdreg s9  }
0x1e: {  	s0 =	simm.s32 $0x200;
	s8 =	simm.s32 $0x2C00;
	[dreg:$0x10] =	wrdreg s13  }
0x1f: {  	s23 =	simm.s32 $0xC;
	s10 =	sadd.s32 s24, s4;
	[dreg:$0x11] =	wrdreg s21  }
0x20: {  	s11 =	sadd.s32 s24, s7;
	s7 =	sshrl.u32 s29, $0x2;
	[dreg:$0x12] =	wrdreg s25  }
.Ltmp0:
0x21: {  	s29 =	sadd.s32 s5, s17;
	[dreg:$0x13] =	wrdreg s26;
	(pc) =	sbr.rel .LBB2_1-.Ltmp0, $4  }
0x22: {  	s4 =	simm.s32 $0x100;
	s24 =	sadd.s32 s7, s17;
	[dreg:$0x14] =	wrdreg s29  }
0x23: {  	s13 =	simm.s32 $0xD;
	s6 =	simm.s32 $0x2;
	s9 =	simm.s32 $0x8  }
0x24: {  	s21 =	simm.s32 $0x380;
	s25 =	simm.s32 $0x3;
	[dreg:$0xe] =	wrdreg s30  }
0x25: {  	v0 =	vimm.f32 $0.0e+00;
	s26 =	simm.s32 $0x5400;
	s7 =	simm.s32 $0x0;
	[dreg:$0xd] =	wrdreg s24  }
.LBB2_16:
0x26: {  	s5 =	stileid.u32;
	[bflag:$0x0] =	sbarrier.arrive $0xFFFF  }
0x27: {  	s5 =	sshll.u32 s5, $0x6;
	s24 =	rddreg [dreg:$0xd]  }
0x28: {  	s22 =	rddreg [dreg:$0x4];
	s5 =	sor.u32 $0x1C0D, s5;
	s7 =	sshrl.u32 s24, $0x3  }
0x29: {  	[hbm:s22], [sflag:s5] =	dma.local [spmem:s7], $0x500  }
0x2a: {  	_ =	swait.ge [sflag:s13], $0x500  }
0x2b: {  	[sflag:s13] =	ssyncset.done $0x0;
	s30 =	rddreg [dreg:$0xe]  }
0x2c: {  	s29 =	rddreg [dreg:$0x5];
	[sflag:s13] =	ssyncadd.s32 $0xFFFFFB00;
	s22 =	sshrl.u32 s30, $0x3  }
0x2d: {  	[hbm:s29], [sflag:s5] =	dma.local [spmem:s22], $0x500  }
0x2e: {  	_ =	swait.ge [sflag:s13], $0x500  }
0x2f: {  	[sflag:s13] =	ssyncset.done $0x0;
	s22 =	rddreg [dreg:$0xf]  }
0x30: {  	s29 =	rddreg [dreg:$0x6];
	[sflag:s13] =	ssyncadd.s32 $0xFFFFFB00;
	s7 =	sshrl.u32 s22, $0x3  }
0x31: {  	[hbm:s29], [sflag:s5] =	dma.local [spmem:s7], $0x500  }
0x32: {  	_ =	swait.ge [sflag:s13], $0x500  }
0x33: {  	[sflag:s13] =	ssyncset.done $0x0;
	s22 =	rddreg [dreg:$0x10]  }
0x34: {  	s29 =	rddreg [dreg:$0x7];
	[sflag:s13] =	ssyncadd.s32 $0xFFFFFB00;
	s7 =	sshrl.u32 s22, $0x3  }
0x35: {  	[hbm:s29], [sflag:s5] =	dma.local [spmem:s7], $0x500  }
0x36: {  	_ =	swait.ge [sflag:s13], $0x500  }
0x37: {  	[sflag:s13] =	ssyncset.done $0x0;
	s22 =	rddreg [dreg:$0x11]  }
0x38: {  	s29 =	rddreg [dreg:$0x8];
	[sflag:s13] =	ssyncadd.s32 $0xFFFFFB00;
	s7 =	sshrl.u32 s22, $0x3  }
0x39: {  	[hbm:s29], [sflag:s5] =	dma.local [spmem:s7], $0x500  }
0x3a: {  	_ =	swait.ge [sflag:s13], $0x500  }
0x3b: {  	[sflag:s13] =	ssyncset.done $0x0;
	s22 =	rddreg [dreg:$0x12]  }
0x3c: {  	s29 =	rddreg [dreg:$0x9];
	[sflag:s13] =	ssyncadd.s32 $0xFFFFFB00;
	s7 =	sshrl.u32 s22, $0x3  }
0x3d: {  	[hbm:s29], [sflag:s5] =	dma.local [spmem:s7], $0x500  }
0x3e: {  	_ =	swait.ge [sflag:s13], $0x500  }
0x3f: {  	[sflag:s13] =	ssyncset.done $0x0;
	s22 =	rddreg [dreg:$0x13]  }
0x40: {  	s29 =	rddreg [dreg:$0xa];
	[sflag:s13] =	ssyncadd.s32 $0xFFFFFB00;
	s7 =	sshrl.u32 s22, $0x3  }
0x41: {  	[hbm:s29], [sflag:s5] =	dma.local [spmem:s7], $0x500  }
0x42: {  	_ =	swait.ge [sflag:s13], $0x500  }
0x43: {  	[sflag:s13] =	ssyncset.done $0x0;
	s22 =	rddreg [dreg:$0x14]  }
0x44: {  	s29 =	rddreg [dreg:$0xb];
	[sflag:s13] =	ssyncadd.s32 $0xFFFFFB00;
	s7 =	sshrl.u32 s22, $0x3  }
0x45: {  	[hbm:s29], [sflag:s5] =	dma.local [spmem:s7], $0x500  }
0x46: {  	_ =	swait.ge [sflag:s13], $0x500  }
0x47: {  	s22 =	rddreg [dreg:$0x15]  }
0x48: {  	s29 =	rddreg [dreg:$0xc];
	s7 =	sadd.s32 $0x1, s22  }
0x49: {  	p0 =	sne.s32 s7, s29  }
.Ltmp1:
0x4a: {  	_ = 	snop;
	(pc) =	sbr.rel @!p0 .LBB2_17-.Ltmp1, $3  }
0x4b: {  	_ =	sdelay $0x1  }
0x4c: {  	[sflag:s13] =	ssyncset.done $0x0  }
0x4d: {  	[sflag:s13] =	ssyncadd.s32 $0xFFFFFB00  }
.LBB2_1:
0x4e: {  	[dreg:$0x15] =	wrdreg s7;
	s5 =	simm.s32 $0x0;
	s29 =	simm.s32 $0x200  }
.LBB2_2:
0x4f: {  	p0 =	sne.s32 s29, $0x9E00;
	[tilespmem:s5+$0x470] =	vst v0  }
0x50: {  	[tilespmem:s5+$0x400] =	vst v0  }
0x51: {  	[tilespmem:s5+$0x410] =	vst v0  }
.Ltmp2:
0x52: {  	[tilespmem:s5+$0x420] =	vst v0;
	(pc) =	sbr.rel @p0 .LBB2_2-.Ltmp2, $4  }
0x53: {  	[tilespmem:s5+$0x430] =	vst v0  }
0x54: {  	[tilespmem:s5+$0x440] =	vst v0  }
0x55: {  	[tilespmem:s5+$0x450] =	vst v0  }
0x56: {  	[tilespmem:s5+$0x460] =	vst v0;
	s5 =	sshra.s32 s29, $0x2;
	s29 =	sadd.s32 $0x200, s29  }
0x57: {  	[tilespmem:s5+$0x470] =	vst v0  }
0x58: {  	[tilespmem:s5+$0x400] =	vst v0  }
0x59: {  	[tilespmem:s5+$0x410] =	vst v0  }
0x5a: {  	[tilespmem:s5+$0x420] =	vst v0  }
0x5b: {  	[tilespmem:s5+$0x430] =	vst v0  }
0x5c: {  	[tilespmem:s5+$0x440] =	vst v0  }
0x5d: {  	[tilespmem:s5+$0x450] =	vst v0  }
0x5e: {  	[tilespmem:s5+$0x460] =	vst v0  }
0x5f: {  	[spmem:s24] =	stream.linear.scatter [tilespmem:s31], [sflag:$0xD], $0x2800, $0x38;
	[tilespmem:$0x1E400] =	vst v63  }
0x60: {  	_ =	swait.ge [sflag:s13], $0x2800  }
0x61: {  	[sflag:s13] =	ssyncset.done $0x0  }
0x62: {  	[sflag:s13] =	ssyncadd.s32 $0xFFFFD800  }
0x63: {  	[spmem:s30] =	stream.linear.scatter [tilespmem:s31], [sflag:$0xD], $0x2800, $0x38;
	[tilespmem:$0x1E400] =	vst v63  }
0x64: {  	_ =	swait.ge [sflag:s13], $0x2800  }
0x65: {  	[sflag:s13] =	ssyncset.done $0x0  }
0x66: {  	s7 =	rddreg [dreg:$0xf];
	[sflag:s13] =	ssyncadd.s32 $0xFFFFD800  }
0x67: {  	[spmem:s7] =	stream.linear.scatter [tilespmem:s31], [sflag:$0xD], $0x2800, $0x38;
	[tilespmem:$0x1E400] =	vst v63  }
0x68: {  	_ =	swait.ge [sflag:s13], $0x2800  }
0x69: {  	[sflag:s13] =	ssyncset.done $0x0  }
0x6a: {  	s22 =	rddreg [dreg:$0x10];
	[sflag:s13] =	ssyncadd.s32 $0xFFFFD800  }
0x6b: {  	[spmem:s22] =	stream.linear.scatter [tilespmem:s31], [sflag:$0xD], $0x2800, $0x38;
	[tilespmem:$0x1E400] =	vst v63  }
0x6c: {  	_ =	swait.ge [sflag:s13], $0x2800  }
0x6d: {  	[sflag:s13] =	ssyncset.done $0x0  }
0x6e: {  	s24 =	rddreg [dreg:$0x11];
	[sflag:s13] =	ssyncadd.s32 $0xFFFFD800  }
0x6f: {  	[spmem:s24] =	stream.linear.scatter [tilespmem:s31], [sflag:$0xD], $0x2800, $0x38;
	[tilespmem:$0x1E400] =	vst v63  }
0x70: {  	_ =	swait.ge [sflag:s13], $0x2800  }
0x71: {  	[sflag:s13] =	ssyncset.done $0x0  }
0x72: {  	s7 =	rddreg [dreg:$0x12];
	[sflag:s13] =	ssyncadd.s32 $0xFFFFD800  }
0x73: {  	[spmem:s7] =	stream.linear.scatter [tilespmem:s31], [sflag:$0xD], $0x2800, $0x38;
	[tilespmem:$0x1E400] =	vst v63  }
0x74: {  	_ =	swait.ge [sflag:s13], $0x2800  }
0x75: {  	[sflag:s13] =	ssyncset.done $0x0  }
0x76: {  	s22 =	rddreg [dreg:$0x13];
	[sflag:s13] =	ssyncadd.s32 $0xFFFFD800  }
0x77: {  	[spmem:s22] =	stream.linear.scatter [tilespmem:s31], [sflag:$0xD], $0x2800, $0x38;
	[tilespmem:$0x1E400] =	vst v63  }
0x78: {  	_ =	swait.ge [sflag:s13], $0x2800  }
0x79: {  	[sflag:s13] =	ssyncset.done $0x0  }
0x7a: {  	s24 =	rddreg [dreg:$0x14];
	[sflag:s13] =	ssyncadd.s32 $0xFFFFD800  }
0x7b: {  	[spmem:s24] =	stream.linear.scatter [tilespmem:s31], [sflag:$0xD], $0x2800, $0x38;
	[tilespmem:$0x1E400] =	vst v63  }
.Ltmp3:
0x7c: {  	_ =	swait.ge [sflag:s13], $0x2800;
	(pc) =	sbr.rel .LBB2_4-.Ltmp3, $4  }
0x7d: {  	[sflag:s13] =	ssyncset.done $0x0  }
0x7e: {  	[sflag:s13] =	ssyncadd.s32 $0xFFFFD800  }
0x7f: {  	[bflag:$0x0] =	sbarrier.arrive $0xFFFF  }
0x80: {  	s29 =	simm.s32 $0x3;
	s30 =	simm.s32 $0x0  }
.LBB2_12:
0x81: {  	s5 =	sadd.s32 s30, s14;
	s7 =	simm.s32 $0x180  }
0x82: {  	[tilespmem:s7], [sflag:$0x4] =	stream.linear.gather [hbm4b:s5+s1], $0x50, $0x38;
	[tilespmem:$0x1E400] =	vst v63  }
0x83: {  	s24 =	sadd.s32 s30, s12  }
0x84: {  	[tilespmem:s21], [sflag:$0x4] =	stream.linear.gather [hbm4b:s24+s1], $0x50, $0x38;
	[tilespmem:$0x1E400] =	vst v63  }
.LBB2_14:
0x85: {  	_ =	swait.ge [sflag:s25], $0x50  }
0x86: {  	[sflag:s25] =	ssyncset.done $0x0  }
0x87: {  	[sflag:s25] =	ssyncadd.s32 $0xFFFFFFB0  }
0x88: {  	_ =	swait.ge [sflag:s25], $0x50  }
0x89: {  	[sflag:s25] =	ssyncset.done $0x0  }
0x8a: {  	[sflag:s25] =	ssyncadd.s32 $0xFFFFFFB0  }
0x8b: {  	[tilespmem:s26], [sflag:$0x7] =	stream.indirect.gather [hbm4b:s20+s3], $0x80, s4, s3, $0xb8;
	[tilespmem:$0x1E400] =	vst v63  }
.LBB2_15:
0x8c: {  	_ =	swait.ge [sflag:s28], $0x2800  }
0x8d: {  	[sflag:s28] =	ssyncset.done $0x0  }
0x8e: {  	s30 =	sadd.s32 $0x28, s30;
	s29 =	sadd.s32 $0x4, s29;
	[sflag:s28] =	ssyncadd.s32 $0xFFFFD800  }
0x8f: {  	[spmem:s17] =	stream.indirect.scatter.add.f32 [tilespmem:s31], [sflag:$0x9], $0x80, s0, s3, $0xb8;
	[tilespmem:$0x1E400] =	vst v63  }
.LBB2_4:
0x90: {  	s5 =	sadd.s32 $0xFFFFFFF9, s29;
	p1 =	seq.s32 s30, $0x500  }
.Ltmp4:
0x91: {  	p0 =	sgt.u32 s5, $0x7C;
	(pc) =	sbr.rel @p1 .LBB2_16-.Ltmp4, $4  }
0x92: {  	s5 =	simm.s32 @!p0 $0x9  }
0x93: {  	_ =	swait.ge @!p0 [sflag:s5], $0x2800  }
0x94: {  	[sflag:s5] =	ssyncset.done @!p0 $0x0  }
0x95: {  	[sflag:s5] =	ssyncadd.s32 @!p0 $0xFFFFD800  }
0x96: {  	s5 =	sadd.s32 s30, s11  }
0x97: {  	[tilespmem:s1], [sflag:$0x1] =	stream.linear.gather [hbm4b:s5+s1], $0x50, $0x38;
	[tilespmem:$0x1E400] =	vst v63  }
0x98: {  	s5 =	sadd.s32 $0xFFFFFFFC, s29  }
0x99: {  	s7 =	sadd.s32 s30, s10;
	p0 =	sgt.u32 s5, $0x7C  }
0x9a: {  	[tilespmem:s0], [sflag:$0x1] =	stream.linear.gather [hbm4b:s7+s1], $0x50, $0x38;
	[tilespmem:$0x1E400] =	vst v63  }
0x9b: {  	s22 =	simm.s32 @!p0 $0x4  }
0x9c: {  	_ =	swait.ge @!p0 [sflag:s22], $0x50  }
0x9d: {  	[sflag:s22] =	ssyncset.done @!p0 $0x0  }
0x9e: {  	[sflag:s22] =	ssyncadd.s32 @!p0 $0xFFFFFFB0  }
0x9f: {  	_ =	swait.ge @!p0 [sflag:s22], $0x50  }
0xa0: {  	s24 =	simm.s32 @!p0 $0x180;
	[sflag:s22] =	ssyncset.done @!p0 $0x0  }
0xa1: {  	s7 =	simm.s32 @!p0 $0x7C00;
	[sflag:s22] =	ssyncadd.s32 @!p0 $0xFFFFFFB0;
	s22 =	simm.s32 @!p0 $0x50  }
0xa2: {  	[tilespmem:s7], [sflag:$0x8] =	stream.indirect.gather @!p0 [hbm4b:s20+s22], $0x80, s24, s22, $0xb8;
	[tilespmem:$0x1E400] =	vst v63  }
0xa3: {  	s22 =	sadd.s32 $0xFFFFFFFA, s29  }
0xa4: {  	p1 =	sgt.u32 s22, $0x7C  }
0xa5: {  	s7 =	simm.s32 @!p1 $0x6  }
0xa6: {  	_ =	swait.ge @!p1 [sflag:s7], $0x2800  }
0xa7: {  	s22 =	simm.s32 @!p1 $0x280;
	[sflag:s7] =	ssyncset.done @!p1 $0x0  }
0xa8: {  	s24 =	simm.s32 @!p1 $0x2C00;
	[sflag:s7] =	ssyncadd.s32 @!p1 $0xFFFFD800;
	s7 =	simm.s32 @!p1 $0x50  }
0xa9: {  	[spmem:s17] =	stream.indirect.scatter.add.f32 @!p1 [tilespmem:s24], [sflag:$0xA], $0x80, s22, s7, $0xb8;
	[tilespmem:$0x1E400] =	vst v63  }
0xaa: {  	s7 =	simm.s32 @!p1 $0xA;
	s24 =	sadd.s32 $0xFFFFFFFE, s29  }
0xab: {  	_ =	swait.ge @!p1 [sflag:s7], $0x2800;
	p2 =	sgt.u32 s24, $0x7C  }
0xac: {  	[sflag:s7] =	ssyncset.done @!p1 $0x0;
	s22 =	simm.s32 @!p2 $0x0  }
0xad: {  	s24 =	simm.s32 @!p2 $0x80;
	[sflag:s7] =	ssyncadd.s32 @!p1 $0xFFFFD800;
	s7 =	sadd.s32 @!p2 s30, s19  }
0xae: {  	[tilespmem:s24], [sflag:$0x2] =	stream.linear.gather @!p2 [hbm4b:s7+s22], $0x50, $0x38;
	[tilespmem:$0x1E400] =	vst v63  }
0xaf: {  	s7 =	sadd.s32 @!p2 s30, s18;
	s24 =	simm.s32 @!p2 $0x280  }
0xb0: {  	[tilespmem:s24], [sflag:$0x2] =	stream.linear.gather @!p2 [hbm4b:s7+s22], $0x50, $0x38;
	[tilespmem:$0x1E400] =	vst v63  }
0xb1: {  	_ =	swait.ge [sflag:s2], $0x50  }
0xb2: {  	[sflag:s2] =	ssyncset.done $0x0  }
0xb3: {  	[sflag:s2] =	ssyncadd.s32 $0xFFFFFFB0  }
0xb4: {  	s22 =	sadd.s32 $0xFFFFFFFB, s29;
	_ =	swait.ge [sflag:s2], $0x50  }
0xb5: {  	p3 =	sgt.u32 s22, $0x7C;
	[sflag:s2] =	ssyncset.done $0x0  }
0xb6: {  	s7 =	simm.s32 @!p3 $0x7;
	[sflag:s2] =	ssyncadd.s32 $0xFFFFFFB0  }
0xb7: {  	[tilespmem:s31], [sflag:$0x5] =	stream.indirect.gather [hbm4b:s20+s3], $0x80, s1, s3, $0xb8;
	[tilespmem:$0x1E400] =	vst v63  }
0xb8: {  	_ =	swait.ge @!p3 [sflag:s7], $0x2800  }
0xb9: {  	s22 =	simm.s32 @!p3 $0x300;
	[sflag:s7] =	ssyncset.done @!p3 $0x0  }
0xba: {  	s24 =	simm.s32 @!p3 $0x5400;
	[sflag:s7] =	ssyncadd.s32 @!p3 $0xFFFFD800;
	s7 =	simm.s32 @!p3 $0x50  }
0xbb: {  	[spmem:s17] =	stream.indirect.scatter.add.f32 @!p3 [tilespmem:s24], [sflag:$0xB], $0x80, s22, s7, $0xb8;
	[tilespmem:$0x1E400] =	vst v63  }
0xbc: {  	s24 =	sadd.s32 $0xFFFFFFFF, s29  }
0xbd: {  	p1 =	sgt.u32 s24, $0x7C  }
.Ltmp5:
0xbe: {  	_ = 	snop;
	(pc) =	sbr.rel @p1 .LBB2_7-.Ltmp5, $4  }
0xbf: {  	s7 =	simm.s32 @!p3 $0xB  }
0xc0: {  	_ =	swait.ge @!p3 [sflag:s7], $0x2800  }
0xc1: {  	[sflag:s7] =	ssyncset.done @!p3 $0x0  }
0xc2: {  	[sflag:s7] =	ssyncadd.s32 @!p3 $0xFFFFD800  }
.Ltmp6:
0xc3: {  	(pc) =	sbr.rel .LBB2_8-.Ltmp6, $4  }
0xc4: {  	s7 =	sadd.s32 s30, s16  }
0xc5: {  	[tilespmem:s4], [sflag:$0x3] =	stream.linear.gather [hbm4b:s7+s1], $0x50, $0x38;
	[tilespmem:$0x1E400] =	vst v63  }
0xc6: {  	s24 =	sadd.s32 s30, s15;
	s22 =	simm.s32 $0x300  }
0xc7: {  	[tilespmem:s22], [sflag:$0x3] =	stream.linear.gather [hbm4b:s24+s1], $0x50, $0x38;
	[tilespmem:$0x1E400] =	vst v63  }
.LBB2_7:
.Ltmp7:
0xc8: {  	(pc) =	sbr.rel @p2 .LBB2_9-.Ltmp7, $1  }
0xc9: {  	_ =	sdelay $0x3  }
.LBB2_8:
0xca: {  	_ =	swait.ge [sflag:s6], $0x50  }
0xcb: {  	p0 =	slt.u32 s5, $0x7D;
	[sflag:s6] =	ssyncset.done $0x0  }
.Ltmp8:
0xcc: {  	[sflag:s6] =	ssyncadd.s32 $0xFFFFFFB0;
	(pc) =	sbr.rel @!p0 .LBB2_11-.Ltmp8, $4  }
0xcd: {  	_ =	swait.ge [sflag:s6], $0x50  }
0xce: {  	[sflag:s6] =	ssyncset.done $0x0  }
0xcf: {  	s7 =	simm.s32 $0x80;
	[sflag:s6] =	ssyncadd.s32 $0xFFFFFFB0  }
0xd0: {  	[tilespmem:s8], [sflag:$0x6] =	stream.indirect.gather [hbm4b:s20+s3], $0x80, s7, s3, $0xb8;
	[tilespmem:$0x1E400] =	vst v63  }
.LBB2_10:
0xd1: {  	_ =	swait.ge [sflag:s9], $0x2800  }
0xd2: {  	[sflag:s9] =	ssyncset.done $0x0  }
0xd3: {  	s5 =	simm.s32 $0x7C00;
	[sflag:s9] =	ssyncadd.s32 $0xFFFFD800  }
0xd4: {  	[spmem:s17] =	stream.indirect.scatter.add.f32 [tilespmem:s5], [sflag:$0xC], $0x80, s21, s3, $0xb8;
	[tilespmem:$0x1E400] =	vst v63  }
0xd5: {  	_ =	swait.ge [sflag:s23], $0x2800  }
0xd6: {  	[sflag:s23] =	ssyncset.done $0x0  }
0xd7: {  	[sflag:s23] =	ssyncadd.s32 $0xFFFFD800  }
.LBB2_11:
0xd8: {  	p0 =	sgt.u32 s29, $0x7C  }
.Ltmp9:
0xd9: {  	_ = 	snop;
	(pc) =	sbr.rel @!p0 .LBB2_12-.Ltmp9, $1  }
0xda: {  	_ =	sdelay $0x3  }
.Ltmp10:
0xdb: {  	(pc) =	sbr.rel @p1 .LBB2_15-.Ltmp10, $4  }
.Ltmp11:
0xdc: {  	(pc) =	sbr.rel @!p1 .LBB2_14-.Ltmp11, $4  }
0xdd: {  	_ = 	snop  }
0xde: {  	_ = 	snop  }
0xdf: {  	_ = 	snop  }
0xe0: {  	_ = 	snop  }
.LBB2_9:
.Ltmp12:
0xe1: {  	(pc) =	sbr.rel @p0 .LBB2_11-.Ltmp12, $4  }
.Ltmp13:
0xe2: {  	(pc) =	sbr.rel @!p0 .LBB2_10-.Ltmp13, $4  }
0xe3: {  	_ = 	snop  }
0xe4: {  	_ = 	snop  }
0xe5: {  	_ = 	snop  }
0xe6: {  	_ = 	snop  }
.LBB2_17:
0xe7: {  	_ =	sfence.sel $0x180000  }
0xe8: {  	[bflag:$0x0] =	sbarrier.arrive $0xFFFF  }
0xe9: {  	_ =	strace $0x9000004D  }
0xea: {  	s0 =	stileid.u32;
	[bflag:$0x2] =	sbarrier.arrive $0xFFFF  }
0xeb: {  	p0 =	sne.s32 s0, $0x0;
	s0 =	rddreg [dreg:$0x3]  }
0xec: {  	s0 =	sadd.s32 @!p0 $0x100000, s0  }
0xed: {  	[sflag:s0] =	ssyncadd.tile.s32 @!p0 $0x1;
	_ =	shalt  }
.Lfunc_end2:
_tile_overlayer_lowered:
.L_overlay_start_2:
0xee: {  	(tag) =	ssettag $0x2  }
0xef: {  	s0 =	rddreg [dreg:$0x0];
	s2 =	stileid.u32  }
0xf0: {  	s1 =	rddreg [dreg:$0x1];
	p0 =	sne.s32 s2, $0x0  }
0xf1: {  	s3 =	rddreg [dreg:$0x2];
	[bflag:$0x3] =	sbarrier.arrive $0xFFFF;
	s2 =	simm.s32 @!p0 $0x1C0D  }
0xf2: {  	[timem:s3], [sflag:s2] =	dma.local @!p0 [hbm:s0], s1  }
0xf3: {  	s0 =	simm.s32 @!p0 $0xD  }
0xf4: {  	_ =	swait.ge @!p0 [sflag:s0], s1  }
0xf5: {  	s1 =	ssub.s32 @!p0 $0x0, s1;
	[sflag:s0] =	ssyncset.done @!p0 $0x0  }
0xf6: {  	[sflag:s0] =	ssyncadd.s32 @!p0 s1  }
0xf7: {  	[bflag:$0x3] =	sbarrier.arrive $0xFFFF  }
0xf8: {  	_ =	shalt  }

// kernel: kernel.18.cloned.1.call-start
scs
__scs_entry_jumppad:
0x0: {  	(pc) =	sbr.rel $0x88, $3  }
0x1: {  	(tag) =	ssettag $0x0;
	lr =	simm.s32 $0x1  }
0x2: {  	[smem:$0x3F94] =	sst lr;
	_ =	strace $0xD0000000  }
0x3: {  	_ = 	snop  }
0x4: {  	_ = 	snop  }
0x5: {  	_ = 	snop  }
0x6: {  	_ = 	snop  }
0x7: {  	_ = 	snop  }
__scs_overlays_trampoline_lowered:
0x8: {  	[smem:$0x3FA3] =	sst s0  }
0x9: {  	[smem:$0x3FA4] =	sst s1  }
0xa: {  	[smem:$0x3FA5] =	sst s2  }
0xb: {  	[smem:$0x3FA6] =	sst s3  }
0xc: {  	[smem:$0x3FA7] =	sst s4  }
0xd: {  	[smem:$0x3FA8] =	sst s5  }
0xe: {  	[smem:$0x3FA9] =	sst s6  }
0xf: {  	[smem:$0x3FAA] =	sst s7  }
0x10: {  	[smem:$0x3FAB] =	sst s8  }
0x11: {  	[smem:$0x3FAC] =	sst s9;
	s0 =	simm.s32 @!p0 $0x0  }
0x12: {  	s1 =	sld [smem:$0x3F92];
	s0 =	simm.s32 @p0 $0x1  }
0x13: {  	[smem:$0x3FAD] =	sst s0;
	s0 =	simm.s32 @!p1 $0x0  }
0x14: {  	s2 =	sld [smem:$0x3F91];
	s0 =	simm.s32 @p1 $0x1  }
0x15: {  	[smem:$0x3FAE] =	sst s0;
	s0 =	simm.s32 @!p2 $0x0  }
0x16: {  	s3 =	sld [smem:$0x3FDB];
	s0 =	simm.s32 @p2 $0x1  }
0x17: {  	s4 =	simm.s32 $0x1BF5;
	[smem:$0x3FB0] =	sst s0  }
0x18: {  	s0 =	sld [smem:$0x3F93];
	_ =	swait.ge [sflag:s4], $0x0  }
0x19: {  	s7 =	sld [smem:$0x3F94]  }
0x1a: {  	s8 =	sadd.s32 $0xFFFFE003, lr  }
0x1b: {  	s9 =	sadd.s32 $0xFFFFFEF7, lr;
	s5 =	simm.s32 $0xFFFFFFFF;
	p2 =	slt.u32 s8, $0xFFFFF086  }
0x1c: {  	p1 =	slt.u32 s9, $0xF7A;
	s5 =	simm.s32 @!p2 $0x0  }
0x1d: {  	s5 =	simm.s32 @p1 $0x1;
	p0 =	seq.s32 s7, s2  }
0x1e: {  	s7 =	smul.u32 @!p0 $0xF7A, s2;
	p2 =	seq.s32 @!p0 s5, $0x0  }
0x1f: {  	s9 =	smul.u32 $0xF7A, s1;
	s8 =	simm.s32 @!p0 $0x1BF5;
	p2 =	por !p2, p0  }
0x20: {  	[sflag:s8] =	ssyncset.s32 @!p0 $0xFFFFF086;
	s6 =	sadd.s32 @!p0 s3, s7;
	s7 =	simm.s32 @!p0 $0x108  }
0x21: {  	s3 =	sadd.s32 s3, s9;
	s6 =	sadd.s32 @!p0 $0x88, s6;
	s7 =	simm.s32 @p2 $0x1082  }
0x22: {  	[simem:s7], [sflag:s8] =	dma.local @!p0 [hbm:s6], $0xF7A  }
0x23: {  	s9 =	sor.u32 $0xD0000000, s2;
	s6 =	simm.s32 $0x108;
	_ =	swait.ge @!p0 [sflag:s8], $0x0  }
0x24: {  	s3 =	sadd.s32 $0x88, s3;
	s6 =	simm.s32 @!p1 $0x1082;
	[sflag:s4] =	ssyncset.s32 $0xFFFFF086  }
0x25: {  	[simem:s6], [sflag:s4] =	dma.local [hbm:s3], $0xF7A  }
0x26: {  	[smem:$0x3F94] =	sst s1;
	(tag) =	ssettag s2;
	_ =	strace s9  }
0x27: {  	s1 =	sld [smem:$0x3FA4]  }
0x28: {  	s2 =	sld [smem:$0x3FA5]  }
0x29: {  	s4 =	sld [smem:$0x3FA7]  }
0x2a: {  	p0 =	seq.s32 s5, $0x0;
	s5 =	sld [smem:$0x3FA8]  }
0x2b: {  	s6 =	sld [smem:$0x3FA9]  }
0x2c: {  	s7 =	sld [smem:$0x3FAA]  }
0x2d: {  	s3 =	simm.s32 $0x108;
	s8 =	sld [smem:$0x3FAB]  }
0x2e: {  	s3 =	simm.s32 @!p0 $0x1082;
	s9 =	sld [smem:$0x3FAC]  }
0x2f: {  	lr =	sadd.s32 s0, s3;
	s0 =	sld [smem:$0x3FA3]  }
0x30: {  	s3 =	sld [smem:$0x3FA6]  }
0x31: {  	[smem:$0x3FAF] =	sst s10  }
0x32: {  	s10 =	sld [smem:$0x3FAD];
	_ =	sdelay $0x3  }
0x33: {  	p0 =	seq.s32 s10, $0x1;
	s10 =	sld [smem:$0x3FAF];
	_ =	sdelay $0x3  }
0x34: {  	[smem:$0x3FAF] =	sst s10  }
0x35: {  	s10 =	sld [smem:$0x3FAE];
	_ =	sdelay $0x3  }
0x36: {  	p1 =	seq.s32 s10, $0x1;
	s10 =	sld [smem:$0x3FAF];
	_ =	sdelay $0x3  }
0x37: {  	[smem:$0x3FAF] =	sst s10  }
0x38: {  	s10 =	sld [smem:$0x3FB0]  }
0x39: {  	_ = 	snop;
	(pc) =	sbr.ind lr, $3  }
0x3a: {  	_ = 	snop  }
0x3b: {  	_ = 	snop  }
0x3c: {  	p2 =	seq.s32 s10, $0x1;
	s10 =	sld [smem:$0x3FAF]  }
0x3d: {  	_ =	shalt  }
0x3e: {  	_ =	shalt  }
0x3f: {  	_ =	shalt  }
0x40: {  	_ =	shalt  }
0x41: {  	_ =	shalt  }
0x42: {  	_ =	shalt  }
0x43: {  	_ =	shalt  }
0x44: {  	_ =	shalt  }
0x45: {  	_ =	shalt  }
0x46: {  	_ =	shalt  }
0x47: {  	_ =	shalt  }
0x48: {  	_ =	shalt  }
0x49: {  	_ =	shalt  }
0x4a: {  	_ =	shalt  }
0x4b: {  	_ =	shalt  }
0x4c: {  	_ =	shalt  }
0x4d: {  	_ =	shalt  }
0x4e: {  	_ =	shalt  }
0x4f: {  	_ =	shalt  }
0x50: {  	_ =	shalt  }
0x51: {  	_ =	shalt  }
0x52: {  	_ =	shalt  }
0x53: {  	_ =	shalt  }
0x54: {  	_ =	shalt  }
0x55: {  	_ =	shalt  }
0x56: {  	_ =	shalt  }
0x57: {  	_ =	shalt  }
0x58: {  	_ =	shalt  }
0x59: {  	_ =	shalt  }
0x5a: {  	_ =	shalt  }
0x5b: {  	_ =	shalt  }
0x5c: {  	_ =	shalt  }
0x5d: {  	_ =	shalt  }
0x5e: {  	_ =	shalt  }
0x5f: {  	_ =	shalt  }
0x60: {  	_ =	shalt  }
0x61: {  	_ =	shalt  }
0x62: {  	_ =	shalt  }
0x63: {  	_ =	shalt  }
0x64: {  	_ =	shalt  }
0x65: {  	_ =	shalt  }
0x66: {  	_ =	shalt  }
0x67: {  	_ =	shalt  }
0x68: {  	_ =	shalt  }
0x69: {  	_ =	shalt  }
0x6a: {  	_ =	shalt  }
0x6b: {  	_ =	shalt  }
0x6c: {  	_ =	shalt  }
0x6d: {  	_ =	shalt  }
0x6e: {  	_ =	shalt  }
0x6f: {  	_ =	shalt  }
0x70: {  	_ =	shalt  }
0x71: {  	_ =	shalt  }
0x72: {  	_ =	shalt  }
0x73: {  	_ =	shalt  }
0x74: {  	_ =	shalt  }
0x75: {  	_ =	shalt  }
0x76: {  	_ =	shalt  }
0x77: {  	_ =	shalt  }
0x78: {  	_ =	shalt  }
0x79: {  	_ =	shalt  }
0x7a: {  	_ =	shalt  }
0x7b: {  	_ =	shalt  }
0x7c: {  	_ =	shalt  }
0x7d: {  	_ =	shalt  }
0x7e: {  	_ =	shalt  }
0x7f: {  	_ =	shalt  }
0x80: {  	_ =	shalt  }
0x81: {  	_ =	shalt  }
0x82: {  	_ =	shalt  }
0x83: {  	_ =	shalt  }
0x84: {  	_ =	shalt  }
0x85: {  	_ =	shalt  }
0x86: {  	_ =	shalt  }
0x87: {  	_ =	shalt  }
.Lfunc_end0:
.L_simem_size_0:
called_computation.3_lowered:
.L_overlay_start_0:
0x88: {  	s2 =	sld [smem:$0x3FD9]  }
0x89: {  	s3 =	sld [smem:$0x3FFE];
	_ =	sdelay $0x1  }
0x8a: {  	s1 =	srdreg.scid  }
0x8b: {  	s0 =	sand.u32 $0x1, s1  }
0x8c: {  	s17 =	sshll.u32 s0, $0xA;
	s2 =	sadd.s32 s3, s2  }
0x8d: {  	s2 =	sadd.s32 s2, s17  }
0x8e: {  	[smem:$0x3FBB] =	sst s2  }
0x8f: {  	_ = 	snop  }
0x90: {  	s2 =	sld [smem:$0x3FD0];
	(tm) =	ssettm $0x1  }
0x91: {  	s18 =	sld [smem:$0x3FFB];
	_ =	sdelay $0x3  }
0x92: {  	_ =	strace s18  }
0x93: {  	s3 =	sld [smem:$0x3FFC];
	_ =	sdelay $0x3  }
0x94: {  	_ =	strace s3  }
0x95: {  	s3 =	sld [smem:$0x3FFD];
	_ =	sdelay $0x3  }
0x96: {  	_ =	strace s3  }
0x97: {  	_ =	strace $0x8FFFFFFF  }
0x98: {  	s19 =	sld [smem:$0x3FDB];
	_ =	sdelay $0x1  }
0x99: {  	s4 =	simm.s32 $_scs_section_size  }
0x9a: {  	s5 =	simm.s32 $_size__tile_overlayer_lowered;
	s6 =	simm.s32 $_tile_overlayer_lowered  }
0x9b: {  	s22 =	simm.s32 $0x1BFF;
	s21 =	sshll.u32 s6, $0x1;
	s3 =	sadd.s32 s4, s19  }
0x9c: {  	s7 =	simm.s32 $0x0;
	s20 =	sshll.u32 s5, $0x1;
	s5 =	sadd.s32 s21, s3  }
0x9d: {  	[timem:s7], [sflag:s22] =	dma.local [hbm:s5], s20  }
0x9e: {  	_ =	swait.ge [sflag:s22], s20  }
0x9f: {  	s4 =	ssub.s32 $0x0, s20;
	[sflag:s22] =	ssyncset.done $0x0  }
0xa0: {  	[sflag:s22] =	ssyncadd.s32 s4;
	_ =	sdelay $0x1  }
0xa1: {  	s23 =	simm.s32 $0x1B8B  }
0xa2: {  	_ =	swait.ge [sflag:s23], $0x1  }
0xa3: {  	[sflag:s23] =	ssyncset.done $0x0  }
0xa4: {  	s25 =	simm.s32 $0x1B8E;
	s24 =	sld [smem:$0x3FFE];
	[sflag:s23] =	ssyncadd.s32 $0xFFFFFFFF  }
0xa5: {  	s26 =	simm.s32 $execute0_lowered;
	[smem:$0x3FD2] =	sst s25  }
0xa6: {  	s5 =	sshll.u32 s26, $0x1;
	_ =	strace $0x8000004F;
	[dreg:$0x1] =	wrdreg $0xFFFFFFFF  }
0xa7: {  	s28 =	simm.s32 $_size_execute0_lowered;
	s3 =	sadd.s32 s3, s5;
	[dreg:$0x0] =	wrdreg $0x0  }
0xa8: {  	s5 =	sshll.u32 s28, $0x1;
	[dreg:$0x2] =	wrdreg s3  }
0xa9: {  	[dreg:$0x3] =	wrdreg s5  }
0xaa: {  	[dreg:$0x4] =	wrdreg $0xC0  }
0xab: {  	_ =	task [dreg:s7], $0x5FFFF  }
0xac: {  	[dreg:$0x1] =	wrdreg $0xFFFFFFFF  }
0xad: {  	[dreg:$0x0] =	wrdreg $0x60  }
0xae: {  	[dreg:$0x2] =	wrdreg s24  }
0xaf: {  	[dreg:$0x3] =	wrdreg s2  }
0xb0: {  	[dreg:$0x4] =	wrdreg $0x9  }
0xb1: {  	_ =	task.clear_ibuf [dreg:s7], $0x5FFFF;
	_ =	strace $0x9000004F  }
0xb2: {  	s29 =	simm.s32 $0x9;
	_ =	strace $0x80000051  }
0xb3: {  	_ =	swait.ge [sflag:s29], $0x1  }
0xb4: {  	[sflag:s29] =	ssyncadd.s32 $0xFFFFFFFF  }
0xb5: {  	_ =	strace $0x90000051  }
0xb6: {  	_ =	sfence  }
0xb7: {  	s30 =	sld [smem:$0x0];
	_ =	sdelay $0x2  }
0xb8: {  	s31 =	sshll.u32 s1, $0xD;
	s1 =	sshrl.u32 s1, $0x2  }
0xb9: {  	s3 =	sand.u32 $0x4000, s31;
	s1 =	sadd.s32 s1, s30  }
0xba: {  	s0 =	sor.u32 s3, s0;
	s1 =	sshll.u32 s1, $0x11  }
0xbb: {  	s0 =	sor.u32 s1, s0  }
0xbc: {  	s0 =	sadd.s32 $0x8F2B, s0  }
0xbd: {  	[sflag:s0] =	ssyncadd.remote.s32 $0x1  }
0xbe: {  	_ =	sfence.sel $0xFFFF  }
0xbf: {  	[dreg:$0x0] =	wrdreg $0xFFFFFFFF;
	(pc) =	sbr.abs _section_cstart, $3  }
0xc0: {  	[dreg:$0x1] =	wrdreg $0xFFFFFFFF  }
0xc1: {  	_ =	task.clear_ibuf [dreg:s7], $0x2FFFF;
	_ =	strace $0x9FFFFFFF  }
0xc2: {  	(tm) =	ssettm $0x7FFFFFFF  }
0xc3: {  	_ =	shalt  }
tec
execute0_lowered:
.L_overlay_start_1:
0x0: {  	(tag) =	ssettag $0x1  }
0x1: {  	s0 =	srdreg.scid;
	s1 =	rddreg [dreg:$0x0]  }
0x2: {  	s7 =	rddreg [dreg:$0x1];
	s12 =	stileid.u32  }
0x3: {  	s2 =	simm.s32 $0x0;
	s13 =	simm.s32 $0x3;
	s14 =	simm.s32 $0x9F00  }
0x4: {  	s15 =	simm.s32 $0x50;
	s16 =	simm.s32 $0x7700;
	s17 =	simm.s32 $0x5  }
0x5: {  	s18 =	simm.s32 $0xEF00;
	s21 =	simm.s32 $0x4;
	s22 =	simm.s32 $0xC700  }
0x6: {  	s23 =	simm.s32 $0x18F00;
	s0 =	sand.u32 $0x1, s0;
	[smem:$0x7FF] =	sst s2  }
0x7: {  	s4 =	sadd.s32 $0xD400, s1;
	s31 =	smul.u32 $0x27100, s12;
	s3 =	sshll.u32 s0, $0x4  }
0x8: {  	s9 =	ssub.s32 $0x2, s0;
	s0 =	smul.u32 $0x271000, s0;
	s3 =	sor.u32 s12, s3  }
0x9: {  	s5 =	sadd.s32 $0x34600, s1;
	s6 =	sadd.s32 $0x5B800, s1;
	s3 =	smul.u32 $0x2710, s3  }
0xa: {  	_ =	strace $0x80000050;
	s11 =	sshrl.u32 s9, $0x1;
	s0 =	sadd.s32 s0, s6  }
.Ltmp0:
0xb: {  	s0 =	sadd.s32 s31, s0;
	s8 =	sshrl.u32 s3, $0x3;
	(pc) =	sbr.rel .LBB2_1-.Ltmp0, $4  }
0xc: {  	s30 =	ssub.s32 s9, s11;
	[dreg:$0x6] =	wrdreg s0;
	s7 =	sadd.s32 s7, s8  }
0xd: {  	s10 =	sadd.s32 s8, s1;
	s1 =	smax.u32 s30, $0x1;
	[dreg:$0x4] =	wrdreg s7  }
0xe: {  	s24 =	simm.s32 $0x1;
	s10 =	sadd.s32 $0x3600, s10;
	[dreg:$0x5] =	wrdreg s1  }
0xf: {  	s25 =	simm.s32 $0x4F00;
	s1 =	simm.s32 $0x0;
	[dreg:$0x3] =	wrdreg s10  }
.LBB2_23:
0x10: {  	s1 =	rddreg [dreg:$0x7]  }
0x11: {  	s0 =	rddreg [dreg:$0x5];
	s1 =	sadd.s32 $0x1, s1  }
0x12: {  	p0 =	sne.s32 s1, s0  }
.Ltmp1:
0x13: {  	_ = 	snop;
	(pc) =	sbr.rel @!p0 .LBB2_24-.Ltmp1, $1  }
0x14: {  	_ =	sdelay $0x3  }
.LBB2_1:
0x15: {  	[dreg:$0x7] =	wrdreg s1  }
0x16: {  	s0 =	rddreg [dreg:$0x3];
	s20 =	simm.s32 $0x15  }
0x17: {  	[tilespmem:s2], [sflag:$0x15] =	stream.linear.gather [hbm4b:s0+s2], $0x2710, $0x38;
	[tilespmem:$0x1DF00] =	vst v63  }
0x18: {  	_ =	swait.ge [sflag:s20], $0x2710  }
0x19: {  	s7 =	simm.s32 $0x2780;
	[sflag:s20] =	ssyncset.done $0x0  }
.Ltmp2:
0x1a: {  	s26 =	rddreg [dreg:$0x4];
	[sflag:s20] =	ssyncadd.s32 $0xFFFFD8F0;
	(pc) =	sbr.rel .LBB2_2-.Ltmp2, $4  }
0x1b: {  	[tilespmem:s7], [sflag:$0x15] =	stream.linear.gather [hbm4b:s26+s2], $0x2710, $0x38;
	[tilespmem:$0x1DF00] =	vst v63  }
0x1c: {  	_ =	swait.ge [sflag:s20], $0x2710  }
0x1d: {  	s28 =	simm.s32 $0x1;
	s30 =	simm.s32 $0x0;
	[sflag:s20] =	ssyncset.done $0x0  }
0x1e: {  	s31 =	simm.s32 $0x0;
	s29 =	rddreg [dreg:$0x6];
	[sflag:s20] =	ssyncadd.s32 $0xFFFFD8F0  }
.LBB2_19:
0x1f: {  	s8 =	sadd.s32 $0x280, s7  }
0x20: {  	[tilespmem:s23], [sflag:$0x9] =	stream.indirect.gather [hbm4b:s4+s15], $0x80, s8, s15, $0xb8;
	[tilespmem:$0x1DF00] =	vst v63  }
.LBB2_21:
0x21: {  	_ =	swait.ge [sflag:s17], $0x2800  }
0x22: {  	[sflag:s17] =	ssyncset.done $0x0  }
0x23: {  	s7 =	sadd.s32 $0x28C0, s7;
	[sflag:s17] =	ssyncadd.s32 $0xFFFFD800  }
0x24: {  	[tilespmem:s18], [sflag:$0x5] =	stream.indirect.gather.add.f32 [hbm:s5], $0x80, s7, s15, $0xb8;
	[tilespmem:$0x1DF00] =	vst v63  }
0x25: {  	_ =	swait.ge [sflag:s24], $0x2800  }
0x26: {  	[sflag:s24] =	ssyncset.done $0x0  }
0x27: {  	[sflag:s24] =	ssyncadd.s32 $0xFFFFD800  }
0x28: {  	[hbm4b:s29+s2] =	stream.linear.scatter [tilespmem:s25], [sflag:$0xB], $0x2800, $0x38;
	[tilespmem:$0x1DF00] =	vst v63  }
.LBB2_22:
0x29: {  	s7 =	simm.s32 @p2 $0x14  }
0x2a: {  	_ =	swait.ge @p2 [sflag:s7], $0x2800  }
0x2b: {  	s8 =	simm.s32 @!p5 $0x50;
	[sflag:s7] =	ssyncset.done @p2 $0x0  }
0x2c: {  	s9 =	simm.s32 @!p5 $0x1B700;
	[sflag:s7] =	ssyncadd.s32 @p2 $0xFFFFD800;
	s7 =	sadd.s32 @!p5 $0x2D0, s1  }
0x2d: {  	[tilespmem:s9], [sflag:$0xA] =	stream.indirect.gather @!p5 [hbm4b:s4+s8], $0x80, s7, s8, $0xb8;
	[tilespmem:$0x1DF00] =	vst v63  }
0x2e: {  	s7 =	simm.s32 @!p5 $0x6  }
0x2f: {  	s0 =	smul.u32 @p6 $0x50, s0;
	s30 =	sadd.s32 $0xC80, s30;
	_ =	swait.ge @!p5 [sflag:s7], $0x2800  }
0x30: {  	s31 =	sadd.s32 $0x1, s31;
	p0 =	sne.s32 s30, $0xAF00;
	[sflag:s7] =	ssyncset.done @!p5 $0x0  }
0x31: {  	s1 =	sadd.s32 @!p5 $0x2910, s1;
	[sflag:s7] =	ssyncadd.s32 @!p5 $0xFFFFD800;
	s7 =	simm.s32 @!p5 $0x11700  }
0x32: {  	[tilespmem:s7], [sflag:$0x6] =	stream.indirect.gather.add.f32 @!p5 [hbm:s5], $0x80, s1, s8, $0xb8;
	[tilespmem:$0x1DF00] =	vst v63  }
.Ltmp3:
0x33: {  	s0 =	sadd.s32 @p6 s3, s0;
	s1 =	simm.s32 @p6 $0x2;
	(pc) =	sbr.rel @!p0 .LBB2_23-.Ltmp3, $4  }
0x34: {  	s29 =	sadd.s32 $0x3200, s29;
	s0 =	sshll.u32 @p6 s0, $0x4;
	_ =	swait.ge @p6 [sflag:s1], $0x2800  }
0x35: {  	s28 =	sadd.s32 $0xA, s28;
	s0 =	sadd.s32 @p6 s6, s0;
	[sflag:s1] =	ssyncset.done @p6 $0x0  }
0x36: {  	s7 =	simm.s32 @p6 $0x7700;
	[sflag:s1] =	ssyncadd.s32 @p6 $0xFFFFD800;
	s1 =	simm.s32 @p6 $0x0  }
0x37: {  	[hbm4b:s0+s1] =	stream.linear.scatter @p6 [tilespmem:s7], [sflag:$0xC], $0x2800, $0x38;
	[tilespmem:$0x1DF00] =	vst v63  }
.LBB2_2:
0x38: {  	s0 =	sadd.s32 $0xFFFFFFF5, s28  }
0x39: {  	p0 =	sgt.u32 s0, $0x7C  }
0x3a: {  	s0 =	simm.s32 @!p0 $0xB  }
0x3b: {  	_ =	swait.ge @!p0 [sflag:s0], $0x2800  }
0x3c: {  	[sflag:s0] =	ssyncset.done @!p0 $0x0  }
0x3d: {  	[sflag:s0] =	ssyncadd.s32 @!p0 $0xFFFFD800;
	p0 =	seq.s32 s30, $0xA280  }
0x3e: {  	s12 =	sshra.s32 @!p0 s30, $0x2;
	s0 =	simm.s32 @!p0 $0x50;
	s1 =	simm.s32 @!p0 $0x4F00  }
0x3f: {  	[tilespmem:s1], [sflag:$0x1] =	stream.indirect.gather @!p0 [hbm4b:s4+s0], $0x80, s12, s0, $0xb8;
	[tilespmem:$0x1DF00] =	vst v63  }
0x40: {  	s1 =	sadd.s32 @!p0 $0xFFFFFFFB, s28  }
0x41: {  	p1 =	sgt.u32 @!p0 s1, $0x7C  }
0x42: {  	p1 =	por p1, p0  }
0x43: {  	s0 =	simm.s32 @!p1 $0x7  }
0x44: {  	_ =	swait.ge @!p1 [sflag:s0], $0x2800  }
0x45: {  	[sflag:s0] =	ssyncset.done @!p1 $0x0  }
0x46: {  	[sflag:s0] =	ssyncadd.s32 @!p1 $0xFFFFD800;
	s0 =	sshra.s32 @!p1 s30, $0x2  }
0x47: {  	s7 =	simm.s32 @!p1 $0x50;
	s8 =	simm.s32 @!p1 $0x13F00;
	s0 =	sadd.s32 @!p1 $0x2640, s0  }
0x48: {  	[tilespmem:s8], [sflag:$0x7] =	stream.indirect.gather.add.f32 @!p1 [hbm:s5], $0x80, s0, s7, $0xb8;
	[tilespmem:$0x1DF00] =	vst v63  }
0x49: {  	s0 =	sadd.s32 @!p0 $0xFFFFFFF7, s28  }
0x4a: {  	p1 =	sgt.u32 @!p0 s0, $0x7C  }
0x4b: {  	p2 =	por p0, !p1  }
.Ltmp4:
0x4c: {  	_ = 	snop;
	(pc) =	sbr.rel @!p2 .LBB2_3-.Ltmp4, $2  }
0x4d: {  	_ =	sdelay $0x2  }
0x4e: {  	p4 =	por @!p0 $0x0, $0x0;
	p1 =	slt.u32 @!p0 s1, $0x7D  }
0x4f: {  	s0 =	simm.s32 @p0 $0x7A  }
0x50: {  	s0 =	smul.u32 $0x50, s0  }
0x51: {  	_ =	swait.ge [sflag:s13], $0x2800  }
0x52: {  	s26 =	sadd.s32 $0xFFFFFFF6, s28;
	p3 =	por $0x0, $0x0;
	s0 =	sadd.s32 s3, s0  }
0x53: {  	[sflag:s13] =	ssyncset.done $0x0;
	p3 =	por @!p0 p1, p1;
	s0 =	sshll.u32 s0, $0x4  }
0x54: {  	p1 =	sgt.u32 s28, $0x7C;
	[sflag:s13] =	ssyncadd.s32 $0xFFFFD800;
	s0 =	sadd.s32 s6, s0  }
0x55: {  	[hbm4b:s0+s2] =	stream.linear.scatter [tilespmem:s14], [sflag:$0xD], $0x2800, $0x38;
	[tilespmem:$0x1DF00] =	vst v63  }
.Ltmp5:
0x56: {  	p2 =	sgt.u32 s26, $0x7C;
	(pc) =	sbr.rel @!p1 .LBB2_4-.Ltmp5, $4  }
0x57: {  	s0 =	simm.s32 @!p2 $0xC  }
0x58: {  	_ =	swait.ge @!p2 [sflag:s0], $0x2800  }
0x59: {  	[sflag:s0] =	ssyncset.done @!p2 $0x0  }
0x5a: {  	s1 =	simm.s32 @p0 $0x7E;
	p4 =	por $0x1, $0x1;
	[sflag:s0] =	ssyncadd.s32 @!p2 $0xFFFFD800  }
.Ltmp6:
0x5b: {  	(pc) =	sbr.rel .LBB2_7-.Ltmp6, $4  }
0x5c: {  	p1 =	por $0x0, $0x0  }
0x5d: {  	s0 =	smul.u32 $0xA, s31;
	s7 =	simm.s32 @!p1 $0x0  }
0x5e: {  	s7 =	simm.s32 @p1 $0x1  }
0x5f: {  	s0 =	sor.u32 $0x1, s0;
	[smem:$0x7FD] =	sst s7  }
.LBB2_3:
0x60: {  	p3 =	por p1, p1  }
.LBB2_4:
0x61: {  	s0 =	sshra.s32 s30, $0x2  }
0x62: {  	p1 =	por $0x1, $0x1;
	s0 =	sadd.s32 $0x50, s0  }
0x63: {  	[tilespmem:s16], [sflag:$0x2] =	stream.indirect.gather [hbm4b:s4+s15], $0x80, s0, s15, $0xb8;
	[tilespmem:$0x1DF00] =	vst v63  }
0x64: {  	s0 =	simm.s32 @!p1 $0x0  }
0x65: {  	s0 =	simm.s32 @p1 $0x1  }
0x66: {  	[smem:$0x7FD] =	sst s0;
	s0 =	smov.u32 s28  }
.LBB2_7:
0x67: {  	s7 =	sadd.s32 $0xFFFFFFFC, s28  }
0x68: {  	p2 =	sgt.u32 s7, $0x7C  }
0x69: {  	s26 =	sadd.s32 $0xFFFFFFF8, s28;
	s7 =	simm.s32 @!p2 $0x8  }
0x6a: {  	p6 =	sgt.u32 s26, $0x7C;
	_ =	swait.ge @!p2 [sflag:s7], $0x2800  }
0x6b: {  	s8 =	sshra.s32 @!p2 s30, $0x2;
	s10 =	simm.s32 @!p2 $0x50;
	[sflag:s7] =	ssyncset.done @!p2 $0x0  }
0x6c: {  	s9 =	simm.s32 @!p2 $0x16700;
	s8 =	sadd.s32 @!p2 $0x2690, s8;
	[sflag:s7] =	ssyncadd.s32 @!p2 $0xFFFFD800  }
0x6d: {  	[tilespmem:s9], [sflag:$0x8] =	stream.indirect.gather.add.f32 @!p2 [hbm:s5], $0x80, s8, s10, $0xb8;
	[tilespmem:$0x1DF00] =	vst v63  }
0x6e: {  	s8 =	simm.s32 @!p6 $0x4  }
0x6f: {  	_ =	swait.ge @!p6 [sflag:s8], $0x2800  }
0x70: {  	s11 =	simm.s32 @!p6 $0xC700;
	[sflag:s8] =	ssyncset.done @!p6 $0x0  }
0x71: {  	s10 =	simm.s32 @!p6 $0x0;
	[sflag:s8] =	ssyncadd.s32 @!p6 $0xFFFFD800;
	s8 =	sadd.s32 @!p6 $0xFFFFDD00, s29  }
0x72: {  	[hbm4b:s8+s10] =	stream.linear.scatter @!p6 [tilespmem:s11], [sflag:$0xE], $0x2800, $0x38;
	[tilespmem:$0x1DF00] =	vst v63  }
0x73: {  	s8 =	simm.s32 @p4 $0xD  }
0x74: {  	_ =	swait.ge @p4 [sflag:s8], $0x2800  }
0x75: {  	s11 =	simm.s32 @!p0 $0x50;
	[sflag:s8] =	ssyncset.done @p4 $0x0  }
0x76: {  	s10 =	simm.s32 @!p0 $0x9F00;
	[sflag:s8] =	ssyncadd.s32 @p4 $0xFFFFD800;
	s8 =	sadd.s32 @!p0 $0xA0, s12  }
0x77: {  	[tilespmem:s10], [sflag:$0x3] =	stream.indirect.gather @!p0 [hbm4b:s4+s11], $0x80, s8, s11, $0xb8;
	[tilespmem:$0x1DF00] =	vst v63  }
0x78: {  	s8 =	sadd.s32 @!p0 $0xFFFFFFFD, s28  }
0x79: {  	p1 =	sgt.u32 @!p0 s8, $0x7C  }
0x7a: {  	p1 =	por p1, p0  }
0x7b: {  	s10 =	simm.s32 @!p1 $0x9  }
0x7c: {  	_ =	swait.ge @!p1 [sflag:s10], $0x2800  }
0x7d: {  	[sflag:s10] =	ssyncset.done @!p1 $0x0  }
0x7e: {  	[sflag:s10] =	ssyncadd.s32 @!p1 $0xFFFFD800;
	s10 =	sshra.s32 @!p1 s30, $0x2  }
0x7f: {  	s26 =	simm.s32 @!p1 $0x50;
	s19 =	simm.s32 @!p1 $0x18F00;
	s10 =	sadd.s32 @!p1 $0x26E0, s10  }
0x80: {  	[tilespmem:s19], [sflag:$0x9] =	stream.indirect.gather.add.f32 @!p1 [hbm:s5], $0x80, s10, s26, $0xb8;
	[tilespmem:$0x1DF00] =	vst v63  }
0x81: {  	s10 =	sadd.s32 @!p0 $0xFFFFFFF9, s28  }
0x82: {  	p1 =	sgt.u32 @!p0 s10, $0x7C  }
0x83: {  	p1 =	por p0, !p1  }
.Ltmp7:
0x84: {  	_ = 	snop;
	(pc) =	sbr.rel @!p1 .LBB2_8-.Ltmp7, $2  }
0x85: {  	_ =	sdelay $0x2  }
0x86: {  	p4 =	slt.u32 @!p0 s8, $0x7D  }
0x87: {  	s10 =	simm.s32 @p0 $0x7C  }
0x88: {  	s10 =	smul.u32 $0x50, s10  }
.Ltmp8:
0x89: {  	_ =	swait.ge [sflag:s17], $0x2800;
	p1 =	por $0x0, $0x0;
	(pc) =	sbr.rel .LBB2_10-.Ltmp8, $4  }
0x8a: {  	s8 =	simm.s32 @p0 $0x80;
	p5 =	por $0x1, $0x1;
	s10 =	sadd.s32 s3, s10  }
0x8b: {  	[sflag:s17] =	ssyncset.done $0x0;
	p1 =	por @!p0 p4, p4;
	s10 =	sshll.u32 s10, $0x4  }
0x8c: {  	[sflag:s17] =	ssyncadd.s32 $0xFFFFD800;
	p4 =	por p1, p1;
	s10 =	sadd.s32 s6, s10  }
0x8d: {  	[hbm4b:s10+s2] =	stream.linear.scatter [tilespmem:s18], [sflag:$0xF], $0x2800, $0x38;
	[tilespmem:$0x1DF00] =	vst v63  }
.LBB2_8:
0x8e: {  	p5 =	por @!p0 $0x0, $0x0  }
.LBB2_10:
0x8f: {  	s10 =	simm.s32 @!p6 $0xE  }
0x90: {  	_ =	swait.ge @!p6 [sflag:s10], $0x2800  }
0x91: {  	[sflag:s10] =	ssyncset.done @!p6 $0x0  }
0x92: {  	s19 =	simm.s32 @!p0 $0xC700;
	[sflag:s10] =	ssyncadd.s32 @!p6 $0xFFFFD800;
	s10 =	sadd.s32 @!p0 $0xF0, s12  }
0x93: {  	[tilespmem:s19], [sflag:$0x4] =	stream.indirect.gather @!p0 [hbm4b:s4+s11], $0x80, s10, s11, $0xb8;
	[tilespmem:$0x1DF00] =	vst v63  }
0x94: {  	s10 =	sadd.s32 @!p0 $0xFFFFFFFE, s28  }
0x95: {  	p1 =	sgt.u32 @!p0 s10, $0x7C  }
0x96: {  	p1 =	por p1, p0  }
0x97: {  	s19 =	simm.s32 @!p1 $0xA  }
0x98: {  	_ =	swait.ge @!p1 [sflag:s19], $0x2800  }
0x99: {  	[sflag:s19] =	ssyncset.done @!p1 $0x0  }
0x9a: {  	[sflag:s19] =	ssyncadd.s32 @!p1 $0xFFFFD800;
	s19 =	sshra.s32 @!p1 s30, $0x2  }
0x9b: {  	s26 =	simm.s32 @!p1 $0x50;
	s20 =	simm.s32 @!p1 $0x1B700;
	s19 =	sadd.s32 @!p1 $0x2730, s19  }
0x9c: {  	[tilespmem:s20], [sflag:$0xA] =	stream.indirect.gather.add.f32 @!p1 [hbm:s5], $0x80, s19, s26, $0xb8;
	[tilespmem:$0x1DF00] =	vst v63  }
0x9d: {  	s19 =	sadd.s32 @!p0 $0xFFFFFFFA, s28  }
0x9e: {  	p6 =	sgt.u32 @!p0 s19, $0x7C  }
0x9f: {  	p1 =	por p6, p0  }
0xa0: {  	s19 =	simm.s32 @!p1 $0x6  }
0xa1: {  	_ =	swait.ge @!p1 [sflag:s19], $0x2800  }
0xa2: {  	s20 =	simm.s32 @!p1 $0x0;
	[sflag:s19] =	ssyncset.done @!p1 $0x0  }
0xa3: {  	s26 =	simm.s32 @!p1 $0x11700;
	[sflag:s19] =	ssyncadd.s32 @!p1 $0xFFFFD800;
	s19 =	sadd.s32 @!p1 $0xFFFFE700, s29  }
0xa4: {  	[hbm4b:s19+s20] =	stream.linear.scatter @!p1 [tilespmem:s26], [sflag:$0x10], $0x2800, $0x38;
	[tilespmem:$0x1DF00] =	vst v63  }
0xa5: {  	s19 =	simm.s32 @p5 $0xF  }
0xa6: {  	_ =	swait.ge @p5 [sflag:s19], $0x2800  }
0xa7: {  	s1 =	smul.u32 @p3 $0x50, s1;
	[sflag:s19] =	ssyncset.done @p5 $0x0  }
0xa8: {  	s20 =	simm.s32 @!p0 $0xEF00;
	[sflag:s19] =	ssyncadd.s32 @p5 $0xFFFFD800;
	s19 =	sadd.s32 @!p0 $0x140, s12  }
0xa9: {  	[tilespmem:s20], [sflag:$0x5] =	stream.indirect.gather @!p0 [hbm4b:s4+s11], $0x80, s19, s11, $0xb8;
	[tilespmem:$0x1DF00] =	vst v63  }
0xaa: {  	s19 =	simm.s32 @!p0 $0x1  }
0xab: {  	s1 =	sadd.s32 @p3 s3, s1;
	_ =	swait.ge @!p0 [sflag:s19], $0x2800  }
0xac: {  	s1 =	sshll.u32 @p3 s1, $0x4;
	p1 =	por @!p1 $0x1, $0x1;
	[sflag:s19] =	ssyncset.done @!p0 $0x0  }
0xad: {  	s12 =	sadd.s32 @!p0 $0x2780, s12;
	[sflag:s19] =	ssyncadd.s32 @!p0 $0xFFFFD800;
	s19 =	simm.s32 @!p0 $0x4F00  }
0xae: {  	[tilespmem:s19], [sflag:$0x1] =	stream.indirect.gather.add.f32 @!p0 [hbm:s5], $0x80, s12, s11, $0xb8;
	[tilespmem:$0x1DF00] =	vst v63  }
0xaf: {  	p5 =	por !p6, p0;
	p6 =	por @!p0 $0x0, $0x0;
	s11 =	simm.s32 @p3 $0x7  }
0xb0: {  	p1 =	por @!p5 p6, p6;
	p6 =	por $0x0, $0x0;
	_ =	swait.ge @p3 [sflag:s11], $0x2800  }
0xb1: {  	s1 =	sadd.s32 @p3 s6, s1;
	p6 =	por @!p0 p1, p1;
	[sflag:s11] =	ssyncset.done @p3 $0x0  }
0xb2: {  	s12 =	simm.s32 @p3 $0x13F00;
	[sflag:s11] =	ssyncadd.s32 @p3 $0xFFFFD800;
	s11 =	simm.s32 @p3 $0x0  }
0xb3: {  	[hbm4b:s1+s11] =	stream.linear.scatter @p3 [tilespmem:s12], [sflag:$0x11], $0x2800, $0x38;
	[tilespmem:$0x1DF00] =	vst v63  }
0xb4: {  	s1 =	simm.s32 @p6 $0x10  }
0xb5: {  	_ =	swait.ge @p6 [sflag:s1], $0x2800  }
0xb6: {  	p5 =	sgt.u32 s31, $0xB;
	[sflag:s1] =	ssyncset.done @p6 $0x0  }
0xb7: {  	s26 =	sld [smem:$0x7FD];
	[sflag:s1] =	ssyncadd.s32 @p6 $0xFFFFD800;
	s1 =	sshra.s32 @!p5 s30, $0x2  }
0xb8: {  	s19 =	simm.s32 @!p5 $0x11700;
	s12 =	simm.s32 @!p5 $0x50;
	s11 =	sadd.s32 @!p5 $0x190, s1  }
0xb9: {  	[tilespmem:s19], [sflag:$0x6] =	stream.indirect.gather @!p5 [hbm4b:s4+s12], $0x80, s11, s12, $0xb8;
	[tilespmem:$0x1DF00] =	vst v63  }
0xba: {  	p6 =	seq.s32 s26, $0x1  }
0xbb: {  	s11 =	simm.s32 @p6 $0x2  }
0xbc: {  	s12 =	smul.u32 @p6 $0x140, s0;
	_ =	swait.ge @p6 [sflag:s11], $0x2800  }
0xbd: {  	[sflag:s11] =	ssyncset.done @p6 $0x0  }
0xbe: {  	[sflag:s11] =	ssyncadd.s32 @p6 $0xFFFFD800;
	s11 =	sshra.s32 @p6 s12, $0x2  }
0xbf: {  	s19 =	simm.s32 @p6 $0x7700;
	s12 =	simm.s32 @p6 $0x50;
	s11 =	sadd.s32 @p6 $0x2780, s11  }
0xc0: {  	[tilespmem:s19], [sflag:$0x2] =	stream.indirect.gather.add.f32 @p6 [hbm:s5], $0x80, s11, s12, $0xb8;
	[tilespmem:$0x1DF00] =	vst v63  }
0xc1: {  	_ =	swait.ge @!p2 [sflag:s7], $0x2800  }
0xc2: {  	[sflag:s7] =	ssyncset.done @!p2 $0x0  }
0xc3: {  	s11 =	simm.s32 @!p2 $0x0;
	[sflag:s7] =	ssyncadd.s32 @!p2 $0xFFFFD800;
	s7 =	sadd.s32 @!p2 $0xFFFFF100, s29  }
0xc4: {  	[hbm4b:s7+s11] =	stream.linear.scatter @!p2 [tilespmem:s9], [sflag:$0x12], $0x2800, $0x38;
	[tilespmem:$0x1DF00] =	vst v63  }
.Ltmp9:
0xc5: {  	_ = 	snop;
	(pc) =	sbr.rel @p5 .LBB2_12-.Ltmp9, $4  }
0xc6: {  	s7 =	simm.s32 @p3 $0x11  }
0xc7: {  	_ =	swait.ge @p3 [sflag:s7], $0x2800  }
0xc8: {  	[sflag:s7] =	ssyncset.done @p3 $0x0  }
0xc9: {  	[sflag:s7] =	ssyncadd.s32 @p3 $0xFFFFD800;
	s7 =	sshra.s32 s30, $0x2  }
.Ltmp10:
0xca: {  	(pc) =	sbr.rel .LBB2_13-.Ltmp10, $3  }
0xcb: {  	_ =	sdelay $0x1  }
0xcc: {  	s9 =	sadd.s32 $0x1E0, s7;
	s11 =	simm.s32 $0x13F00  }
0xcd: {  	[tilespmem:s11], [sflag:$0x7] =	stream.indirect.gather [hbm4b:s4+s15], $0x80, s9, s15, $0xb8;
	[tilespmem:$0x1DF00] =	vst v63  }
.LBB2_12:
.Ltmp11:
0xce: {  	(pc) =	sbr.rel @p0 .LBB2_14-.Ltmp11, $1  }
0xcf: {  	_ =	sdelay $0x3  }
.LBB2_13:
0xd0: {  	_ =	swait.ge [sflag:s13], $0x2800  }
0xd1: {  	[sflag:s13] =	ssyncset.done $0x0  }
0xd2: {  	s9 =	sadd.s32 $0x2820, s7;
	[sflag:s13] =	ssyncadd.s32 $0xFFFFD800  }
0xd3: {  	[tilespmem:s14], [sflag:$0x3] =	stream.indirect.gather.add.f32 [hbm:s5], $0x80, s9, s15, $0xb8;
	[tilespmem:$0x1DF00] =	vst v63  }
.LBB2_14:
0xd4: {  	s8 =	smul.u32 @p4 $0x50, s8  }
0xd5: {  	s9 =	simm.s32 @p4 $0x9  }
0xd6: {  	_ =	swait.ge @p4 [sflag:s9], $0x2800;
	s8 =	sadd.s32 @p4 s3, s8  }
0xd7: {  	s11 =	simm.s32 @p4 $0x18F00;
	[sflag:s9] =	ssyncset.done @p4 $0x0;
	s8 =	sshll.u32 @p4 s8, $0x4  }
0xd8: {  	[sflag:s9] =	ssyncadd.s32 @p4 $0xFFFFD800;
	s9 =	simm.s32 @p4 $0x0;
	s8 =	sadd.s32 @p4 s6, s8  }
0xd9: {  	[hbm4b:s8+s9] =	stream.linear.scatter @p4 [tilespmem:s11], [sflag:$0x13], $0x2800, $0x38;
	[tilespmem:$0x1DF00] =	vst v63  }
.Ltmp12:
0xda: {  	_ = 	snop;
	(pc) =	sbr.rel @p5 .LBB2_16-.Ltmp12, $4  }
0xdb: {  	s8 =	simm.s32 @!p2 $0x12  }
0xdc: {  	_ =	swait.ge @!p2 [sflag:s8], $0x2800  }
0xdd: {  	[sflag:s8] =	ssyncset.done @!p2 $0x0  }
0xde: {  	[sflag:s8] =	ssyncadd.s32 @!p2 $0xFFFFD800  }
.Ltmp13:
0xdf: {  	(pc) =	sbr.rel .LBB2_17-.Ltmp13, $3  }
0xe0: {  	_ =	sdelay $0x1  }
0xe1: {  	s8 =	sadd.s32 $0x230, s7;
	s9 =	simm.s32 $0x16700  }
0xe2: {  	[tilespmem:s9], [sflag:$0x8] =	stream.indirect.gather [hbm4b:s4+s15], $0x80, s8, s15, $0xb8;
	[tilespmem:$0x1DF00] =	vst v63  }
.LBB2_16:
.Ltmp14:
0xe3: {  	(pc) =	sbr.rel @p0 .LBB2_18-.Ltmp14, $1  }
0xe4: {  	_ =	sdelay $0x3  }
.LBB2_17:
0xe5: {  	_ =	swait.ge [sflag:s21], $0x2800  }
0xe6: {  	[sflag:s21] =	ssyncset.done $0x0  }
0xe7: {  	s8 =	sadd.s32 $0x2870, s7;
	[sflag:s21] =	ssyncadd.s32 $0xFFFFD800  }
0xe8: {  	[tilespmem:s22], [sflag:$0x4] =	stream.indirect.gather.add.f32 [hbm:s5], $0x80, s8, s15, $0xb8;
	[tilespmem:$0x1DF00] =	vst v63  }
.LBB2_18:
0xe9: {  	p1 =	slt.u32 @!p0 s10, $0x7D;
	p2 =	por $0x0, $0x0  }
0xea: {  	s10 =	simm.s32 @p0 $0x81;
	p2 =	por @!p0 p1, p1  }
0xeb: {  	s8 =	simm.s32 @p2 $0xA;
	s9 =	smul.u32 @p2 $0x50, s10  }
0xec: {  	_ =	swait.ge @p2 [sflag:s8], $0x2800  }
0xed: {  	[sflag:s8] =	ssyncset.done @p2 $0x0;
	s9 =	sadd.s32 @p2 s3, s9  }
0xee: {  	[sflag:s8] =	ssyncadd.s32 @p2 $0xFFFFD800;
	s8 =	sshll.u32 @p2 s9, $0x4  }
0xef: {  	s10 =	simm.s32 @p2 $0x1B700;
	s9 =	simm.s32 @p2 $0x0;
	s8 =	sadd.s32 @p2 s6, s8  }
0xf0: {  	[hbm4b:s8+s9] =	stream.linear.scatter @p2 [tilespmem:s10], [sflag:$0x14], $0x2800, $0x38;
	[tilespmem:$0x1DF00] =	vst v63  }
.Ltmp15:
0xf1: {  	_ = 	snop;
	(pc) =	sbr.rel @!p5 .LBB2_19-.Ltmp15, $4  }
0xf2: {  	s8 =	simm.s32 @p4 $0x13  }
0xf3: {  	_ =	swait.ge @p4 [sflag:s8], $0x2800  }
0xf4: {  	[sflag:s8] =	ssyncset.done @p4 $0x0  }
0xf5: {  	[sflag:s8] =	ssyncadd.s32 @p4 $0xFFFFD800  }
.Ltmp16:
0xf6: {  	(pc) =	sbr.rel @p0 .LBB2_22-.Ltmp16, $4  }
.Ltmp17:
0xf7: {  	(pc) =	sbr.rel @!p0 .LBB2_21-.Ltmp17, $4  }
0xf8: {  	_ = 	snop  }
0xf9: {  	_ = 	snop  }
0xfa: {  	_ = 	snop  }
0xfb: {  	_ = 	snop  }
.LBB2_24:
0xfc: {  	_ =	sfence.sel $0x180000  }
0xfd: {  	[bflag:$0x0] =	sbarrier.arrive $0xFFFF  }
0xfe: {  	_ =	strace $0x90000050  }
0xff: {  	s0 =	stileid.u32;
	[bflag:$0x2] =	sbarrier.arrive $0xFFFF  }
0x100: {  	p0 =	sne.s32 s0, $0x0;
	s0 =	rddreg [dreg:$0x2]  }
0x101: {  	s0 =	sadd.s32 @!p0 $0x100000, s0  }
0x102: {  	[sflag:s0] =	ssyncadd.tile.s32 @!p0 $0x1;
	_ =	shalt  }
.Lfunc_end2:
_tile_overlayer_lowered:
.L_overlay_start_2:
0x103: {  	(tag) =	ssettag $0x2  }
0x104: {  	s0 =	rddreg [dreg:$0x0];
	s2 =	stileid.u32  }
0x105: {  	s1 =	rddreg [dreg:$0x1];
	p0 =	sne.s32 s2, $0x0  }
0x106: {  	s3 =	rddreg [dreg:$0x2];
	[bflag:$0x3] =	sbarrier.arrive $0xFFFF;
	s2 =	simm.s32 @!p0 $0x1C15  }
0x107: {  	[timem:s3], [sflag:s2] =	dma.local @!p0 [hbm:s0], s1  }
0x108: {  	s0 =	simm.s32 @!p0 $0x15  }
0x109: {  	_ =	swait.ge @!p0 [sflag:s0], s1  }
0x10a: {  	s1 =	ssub.s32 @!p0 $0x0, s1;
	[sflag:s0] =	ssyncset.done @!p0 $0x0  }
0x10b: {  	[sflag:s0] =	ssyncadd.s32 @!p0 s1  }
0x10c: {  	[bflag:$0x3] =	sbarrier.arrive $0xFFFF  }
0x10d: {  	_ =	shalt  }

// kernel: kernel.9.cloned.1.call-start
scs
__scs_entry_jumppad:
0x0: {  	(pc) =	sbr.rel $0x88, $3  }
0x1: {  	(tag) =	ssettag $0x0;
	lr =	simm.s32 $0x1  }
0x2: {  	[smem:$0x3F94] =	sst lr;
	_ =	strace $0xD0000000  }
0x3: {  	_ = 	snop  }
0x4: {  	_ = 	snop  }
0x5: {  	_ = 	snop  }
0x6: {  	_ = 	snop  }
0x7: {  	_ = 	snop  }
__scs_overlays_trampoline_lowered:
0x8: {  	[smem:$0x3FA3] =	sst s0  }
0x9: {  	[smem:$0x3FA4] =	sst s1  }
0xa: {  	[smem:$0x3FA5] =	sst s2  }
0xb: {  	[smem:$0x3FA6] =	sst s3  }
0xc: {  	[smem:$0x3FA7] =	sst s4  }
0xd: {  	[smem:$0x3FA8] =	sst s5  }
0xe: {  	[smem:$0x3FA9] =	sst s6  }
0xf: {  	[smem:$0x3FAA] =	sst s7  }
0x10: {  	[smem:$0x3FAB] =	sst s8  }
0x11: {  	[smem:$0x3FAC] =	sst s9;
	s0 =	simm.s32 @!p0 $0x0  }
0x12: {  	s1 =	sld [smem:$0x3F92];
	s0 =	simm.s32 @p0 $0x1  }
0x13: {  	[smem:$0x3FAD] =	sst s0;
	s0 =	simm.s32 @!p1 $0x0  }
0x14: {  	s2 =	sld [smem:$0x3F91];
	s0 =	simm.s32 @p1 $0x1  }
0x15: {  	[smem:$0x3FAE] =	sst s0;
	s0 =	simm.s32 @!p2 $0x0  }
0x16: {  	s3 =	sld [smem:$0x3FDB];
	s0 =	simm.s32 @p2 $0x1  }
0x17: {  	s4 =	simm.s32 $0x1BF5;
	[smem:$0x3FB0] =	sst s0  }
0x18: {  	s0 =	sld [smem:$0x3F93];
	_ =	swait.ge [sflag:s4], $0x0  }
0x19: {  	s7 =	sld [smem:$0x3F94]  }
0x1a: {  	s8 =	sadd.s32 $0xFFFFE003, lr  }
0x1b: {  	s9 =	sadd.s32 $0xFFFFFEF7, lr;
	s5 =	simm.s32 $0xFFFFFFFF;
	p2 =	slt.u32 s8, $0xFFFFF086  }
0x1c: {  	p1 =	slt.u32 s9, $0xF7A;
	s5 =	simm.s32 @!p2 $0x0  }
0x1d: {  	s5 =	simm.s32 @p1 $0x1;
	p0 =	seq.s32 s7, s2  }
0x1e: {  	s7 =	smul.u32 @!p0 $0xF7A, s2;
	p2 =	seq.s32 @!p0 s5, $0x0  }
0x1f: {  	s9 =	smul.u32 $0xF7A, s1;
	s8 =	simm.s32 @!p0 $0x1BF5;
	p2 =	por !p2, p0  }
0x20: {  	[sflag:s8] =	ssyncset.s32 @!p0 $0xFFFFF086;
	s6 =	sadd.s32 @!p0 s3, s7;
	s7 =	simm.s32 @!p0 $0x108  }
0x21: {  	s3 =	sadd.s32 s3, s9;
	s6 =	sadd.s32 @!p0 $0x88, s6;
	s7 =	simm.s32 @p2 $0x1082  }
0x22: {  	[simem:s7], [sflag:s8] =	dma.local @!p0 [hbm:s6], $0xF7A  }
0x23: {  	s9 =	sor.u32 $0xD0000000, s2;
	s6 =	simm.s32 $0x108;
	_ =	swait.ge @!p0 [sflag:s8], $0x0  }
0x24: {  	s3 =	sadd.s32 $0x88, s3;
	s6 =	simm.s32 @!p1 $0x1082;
	[sflag:s4] =	ssyncset.s32 $0xFFFFF086  }
0x25: {  	[simem:s6], [sflag:s4] =	dma.local [hbm:s3], $0xF7A  }
0x26: {  	[smem:$0x3F94] =	sst s1;
	(tag) =	ssettag s2;
	_ =	strace s9  }
0x27: {  	s1 =	sld [smem:$0x3FA4]  }
0x28: {  	s2 =	sld [smem:$0x3FA5]  }
0x29: {  	s4 =	sld [smem:$0x3FA7]  }
0x2a: {  	p0 =	seq.s32 s5, $0x0;
	s5 =	sld [smem:$0x3FA8]  }
0x2b: {  	s6 =	sld [smem:$0x3FA9]  }
0x2c: {  	s7 =	sld [smem:$0x3FAA]  }
0x2d: {  	s3 =	simm.s32 $0x108;
	s8 =	sld [smem:$0x3FAB]  }
0x2e: {  	s3 =	simm.s32 @!p0 $0x1082;
	s9 =	sld [smem:$0x3FAC]  }
0x2f: {  	lr =	sadd.s32 s0, s3;
	s0 =	sld [smem:$0x3FA3]  }
0x30: {  	s3 =	sld [smem:$0x3FA6]  }
0x31: {  	[smem:$0x3FAF] =	sst s10  }
0x32: {  	s10 =	sld [smem:$0x3FAD];
	_ =	sdelay $0x3  }
0x33: {  	p0 =	seq.s32 s10, $0x1;
	s10 =	sld [smem:$0x3FAF];
	_ =	sdelay $0x3  }
0x34: {  	[smem:$0x3FAF] =	sst s10  }
0x35: {  	s10 =	sld [smem:$0x3FAE];
	_ =	sdelay $0x3  }
0x36: {  	p1 =	seq.s32 s10, $0x1;
	s10 =	sld [smem:$0x3FAF];
	_ =	sdelay $0x3  }
0x37: {  	[smem:$0x3FAF] =	sst s10  }
0x38: {  	s10 =	sld [smem:$0x3FB0]  }
0x39: {  	_ = 	snop;
	(pc) =	sbr.ind lr, $3  }
0x3a: {  	_ = 	snop  }
0x3b: {  	_ = 	snop  }
0x3c: {  	p2 =	seq.s32 s10, $0x1;
	s10 =	sld [smem:$0x3FAF]  }
0x3d: {  	_ =	shalt  }
0x3e: {  	_ =	shalt  }
0x3f: {  	_ =	shalt  }
0x40: {  	_ =	shalt  }
0x41: {  	_ =	shalt  }
0x42: {  	_ =	shalt  }
0x43: {  	_ =	shalt  }
0x44: {  	_ =	shalt  }
0x45: {  	_ =	shalt  }
0x46: {  	_ =	shalt  }
0x47: {  	_ =	shalt  }
0x48: {  	_ =	shalt  }
0x49: {  	_ =	shalt  }
0x4a: {  	_ =	shalt  }
0x4b: {  	_ =	shalt  }
0x4c: {  	_ =	shalt  }
0x4d: {  	_ =	shalt  }
0x4e: {  	_ =	shalt  }
0x4f: {  	_ =	shalt  }
0x50: {  	_ =	shalt  }
0x51: {  	_ =	shalt  }
0x52: {  	_ =	shalt  }
0x53: {  	_ =	shalt  }
0x54: {  	_ =	shalt  }
0x55: {  	_ =	shalt  }
0x56: {  	_ =	shalt  }
0x57: {  	_ =	shalt  }
0x58: {  	_ =	shalt  }
0x59: {  	_ =	shalt  }
0x5a: {  	_ =	shalt  }
0x5b: {  	_ =	shalt  }
0x5c: {  	_ =	shalt  }
0x5d: {  	_ =	shalt  }
0x5e: {  	_ =	shalt  }
0x5f: {  	_ =	shalt  }
0x60: {  	_ =	shalt  }
0x61: {  	_ =	shalt  }
0x62: {  	_ =	shalt  }
0x63: {  	_ =	shalt  }
0x64: {  	_ =	shalt  }
0x65: {  	_ =	shalt  }
0x66: {  	_ =	shalt  }
0x67: {  	_ =	shalt  }
0x68: {  	_ =	shalt  }
0x69: {  	_ =	shalt  }
0x6a: {  	_ =	shalt  }
0x6b: {  	_ =	shalt  }
0x6c: {  	_ =	shalt  }
0x6d: {  	_ =	shalt  }
0x6e: {  	_ =	shalt  }
0x6f: {  	_ =	shalt  }
0x70: {  	_ =	shalt  }
0x71: {  	_ =	shalt  }
0x72: {  	_ =	shalt  }
0x73: {  	_ =	shalt  }
0x74: {  	_ =	shalt  }
0x75: {  	_ =	shalt  }
0x76: {  	_ =	shalt  }
0x77: {  	_ =	shalt  }
0x78: {  	_ =	shalt  }
0x79: {  	_ =	shalt  }
0x7a: {  	_ =	shalt  }
0x7b: {  	_ =	shalt  }
0x7c: {  	_ =	shalt  }
0x7d: {  	_ =	shalt  }
0x7e: {  	_ =	shalt  }
0x7f: {  	_ =	shalt  }
0x80: {  	_ =	shalt  }
0x81: {  	_ =	shalt  }
0x82: {  	_ =	shalt  }
0x83: {  	_ =	shalt  }
0x84: {  	_ =	shalt  }
0x85: {  	_ =	shalt  }
0x86: {  	_ =	shalt  }
0x87: {  	_ =	shalt  }
.Lfunc_end0:
.L_simem_size_0:
called_computation_lowered:
.L_overlay_start_0:
0x88: {  	s2 =	sld [smem:$0x3FD9]  }
0x89: {  	s3 =	sld [smem:$0x3FFE];
	_ =	sdelay $0x1  }
0x8a: {  	s1 =	srdreg.scid  }
0x8b: {  	s0 =	sand.u32 $0x1, s1  }
0x8c: {  	s17 =	sshll.u32 s0, $0xA;
	s2 =	sadd.s32 s3, s2  }
0x8d: {  	s2 =	sadd.s32 s2, s17  }
0x8e: {  	[smem:$0x3FBB] =	sst s2  }
0x8f: {  	_ = 	snop  }
0x90: {  	s18 =	sld [smem:$0x3FD0];
	(tm) =	ssettm $0x1  }
0x91: {  	s19 =	sld [smem:$0x3FFB];
	_ =	sdelay $0x3  }
0x92: {  	_ =	strace s19  }
0x93: {  	s2 =	sld [smem:$0x3FFC];
	_ =	sdelay $0x3  }
0x94: {  	_ =	strace s2  }
0x95: {  	s2 =	sld [smem:$0x3FFD];
	_ =	sdelay $0x3  }
0x96: {  	_ =	strace s2  }
0x97: {  	_ =	strace $0x8FFFFFFF  }
0x98: {  	s20 =	sld [smem:$0x3FDB];
	_ =	sdelay $0x1  }
0x99: {  	s4 =	simm.s32 $_scs_section_size  }
0x9a: {  	s5 =	simm.s32 $_size__tile_overlayer_lowered;
	s6 =	simm.s32 $_tile_overlayer_lowered  }
0x9b: {  	s7 =	simm.s32 $0x1BFF;
	s21 =	sshll.u32 s6, $0x1;
	s4 =	sadd.s32 s4, s20  }
0x9c: {  	s22 =	simm.s32 $0x0;
	s5 =	sshll.u32 s5, $0x1;
	s6 =	sadd.s32 s21, s4  }
0x9d: {  	[timem:s22], [sflag:s7] =	dma.local [hbm:s6], s5  }
0x9e: {  	_ =	swait.ge [sflag:s7], s5  }
0x9f: {  	s5 =	ssub.s32 $0x0, s5;
	[sflag:s7] =	ssyncset.done $0x0  }
0xa0: {  	[sflag:s7] =	ssyncadd.s32 s5;
	_ =	sdelay $0x1  }
0xa1: {  	s23 =	simm.s32 $0x1B8B  }
0xa2: {  	_ =	swait.ge [sflag:s23], $0x1  }
0xa3: {  	[sflag:s23] =	ssyncset.done $0x0  }
0xa4: {  	[sflag:s23] =	ssyncadd.s32 $0xFFFFFFFF  }
0xa5: {  	s5 =	sld [smem:$0x0]  }
0xa6: {  	s6 =	sand.u32 $0xFFFFFFFE, s1  }
0xa7: {  	p0 =	sne.s32 s1, s6  }
0xa8: {  	s6 =	sshll.u32 @p0 s6, $0xE  }
0xa9: {  	s6 =	sadd.s32 @p0 $0x11B8D, s6;
	s7 =	sshll.u32 @p0 s5, $0x11  }
0xaa: {  	s6 =	sor.u32 @p0 s7, s6  }
0xab: {  	[sflag:s6] =	ssyncadd.remote.s32 @p0 $0x1;
	_ =	sdelay $0x1  }
0xac: {  	s6 =	simm.s32 @p0 $0x1B8D  }
0xad: {  	_ =	swait.eq @p0 [sflag:s6], $0x1  }
0xae: {  	[sflag:s6] =	ssyncadd.s32 @p0 $0xFFFFFFFF  }
0xaf: {  	s7 =	sshll.u32 @!p0 s1, $0xE  }
0xb0: {  	s7 =	sor.u32 @!p0 $0x4000, s7;
	s6 =	simm.s32 @!p0 $0x1B8D  }
0xb1: {  	s5 =	sshll.u32 @!p0 s5, $0x11;
	s7 =	sadd.s32 @!p0 $0x11B8D, s7;
	_ =	swait.eq @!p0 [sflag:s6], $0x1  }
0xb2: {  	s5 =	sor.u32 @!p0 s5, s7;
	[sflag:s6] =	ssyncadd.s32 @!p0 $0xFFFFFFFF  }
0xb3: {  	s25 =	simm.s32 $0x1B8E;
	s24 =	sld [smem:$0x3FFE];
	[sflag:s5] =	ssyncadd.remote.s32 @!p0 $0x1  }
0xb4: {  	s26 =	simm.s32 $execute0_lowered;
	[smem:$0x3FD2] =	sst s25  }
0xb5: {  	s6 =	sshll.u32 s26, $0x1;
	_ =	strace $0x80000049;
	[dreg:$0x1] =	wrdreg $0xFFFFFFFF  }
0xb6: {  	s28 =	simm.s32 $_size_execute0_lowered;
	s4 =	sadd.s32 s4, s6;
	[dreg:$0x0] =	wrdreg $0x0  }
0xb7: {  	s6 =	sshll.u32 s28, $0x1;
	[dreg:$0x2] =	wrdreg s4  }
0xb8: {  	[dreg:$0x3] =	wrdreg s6  }
0xb9: {  	[dreg:$0x4] =	wrdreg $0xC0  }
0xba: {  	_ =	task [dreg:s22], $0x5FFFF  }
0xbb: {  	[dreg:$0x1] =	wrdreg $0xFFFFFFFF  }
0xbc: {  	[dreg:$0x0] =	wrdreg $0x60  }
0xbd: {  	[dreg:$0x2] =	wrdreg s18  }
0xbe: {  	[dreg:$0x3] =	wrdreg s24  }
0xbf: {  	[dreg:$0x4] =	wrdreg $0x2D000  }
0xc0: {  	[dreg:$0x5] =	wrdreg $0x9  }
0xc1: {  	_ =	task.clear_ibuf [dreg:s22], $0x6FFFF;
	_ =	strace $0x90000049  }
0xc2: {  	s29 =	simm.s32 $0x9;
	_ =	strace $0x8000004B  }
0xc3: {  	_ =	swait.ge [sflag:s29], $0x1  }
0xc4: {  	[sflag:s29] =	ssyncadd.s32 $0xFFFFFFFF  }
0xc5: {  	_ =	strace $0x9000004B  }
0xc6: {  	_ =	sfence  }
0xc7: {  	s30 =	sld [smem:$0x0];
	_ =	sdelay $0x2  }
0xc8: {  	s31 =	sshll.u32 s1, $0xD;
	s1 =	sshrl.u32 s1, $0x2  }
0xc9: {  	s4 =	sand.u32 $0x4000, s31;
	s1 =	sadd.s32 s1, s30  }
0xca: {  	s0 =	sor.u32 s4, s0;
	s1 =	sshll.u32 s1, $0x11  }
0xcb: {  	s0 =	sor.u32 s1, s0  }
0xcc: {  	s0 =	sadd.s32 $0x8F2B, s0  }
0xcd: {  	[sflag:s0] =	ssyncadd.remote.s32 $0x1  }
0xce: {  	_ =	sfence.sel $0xFFFF  }
0xcf: {  	[dreg:$0x0] =	wrdreg $0xFFFFFFFF;
	(pc) =	sbr.abs _section_cstart, $3  }
0xd0: {  	[dreg:$0x1] =	wrdreg $0xFFFFFFFF  }
0xd1: {  	_ =	task.clear_ibuf [dreg:s22], $0x2FFFF;
	_ =	strace $0x9FFFFFFF  }
0xd2: {  	(tm) =	ssettm $0x7FFFFFFF  }
0xd3: {  	_ =	shalt  }
tec
execute0_lowered:
.L_overlay_start_1:
0x0: {  	(tag) =	ssettag $0x1  }
0x1: {  	s7 =	rddreg [dreg:$0x0]  }
0x2: {  	s0 =	rddreg [dreg:$0x1]  }
0x3: {  	s2 =	rddreg [dreg:$0x2];
	s14 =	stileid.u32  }
0x4: {  	s1 =	srdreg.scid;
	s6 =	smul.u32 $0x14000, s14  }
0x5: {  	s4 =	simm.s32 $0x0;
	s1 =	sand.u32 $0x1, s1;
	s11 =	smul.u32 $0x50000, s14  }
0x6: {  	[smem:$0x7FF] =	sst s4;
	s0 =	sadd.s32 $0x5D400, s0;
	s3 =	smul.u32 $0x140000, s1  }
0x7: {  	_ =	strace $0x8000004A;
	s5 =	ssub.s32 $0x2, s1;
	s9 =	sshll.u32 s1, $0x4  }
0x8: {  	s1 =	smul.u32 $0x27100, s1;
	s8 =	sshrl.u32 s5, $0x1;
	s9 =	sor.u32 s14, s9  }
0x9: {  	s19 =	sshrl.u32 s11, $0x2;
	s20 =	sor.u32 $0x2800, s6;
	s21 =	sadd.s32 $0x5000, s6  }
0xa: {  	s24 =	sadd.s32 $0x7800, s6;
	s26 =	sadd.s32 $0xA000, s6;
	s12 =	sadd.s32 $0xC800, s6  }
0xb: {  	s11 =	simm.s32 $0x5;
	s10 =	sadd.s32 s3, s6;
	s22 =	sadd.s32 s20, s2  }
0xc: {  	s8 =	ssub.s32 s5, s8;
	s23 =	sadd.s32 s21, s2;
	[dreg:$0x7] =	wrdreg s22  }
0xd: {  	s5 =	smul.u32 $0x2710, s9;
	s25 =	sadd.s32 s24, s2;
	[dreg:$0x8] =	wrdreg s23  }
0xe: {  	s15 =	sadd.s32 s19, s2;
	s13 =	sadd.s32 s26, s2;
	[dreg:$0x9] =	wrdreg s25  }
0xf: {  	s17 =	sadd.s32 s12, s2;
	s18 =	sshrl.u32 s10, $0x3;
	[dreg:$0xa] =	wrdreg s13  }
0x10: {  	s8 =	smax.u32 s8, $0x1;
	[dreg:$0xb] =	wrdreg s17;
	s23 =	sadd.s32 s3, s26  }
0x11: {  	s26 =	smul.u32 $0x2710, s14;
	[dreg:$0x6] =	wrdreg s15;
	s9 =	sadd.s32 s0, s18  }
0x12: {  	[dreg:$0x5] =	wrdreg s8;
	s18 =	sadd.s32 $0xF000, s6;
	s6 =	sadd.s32 $0x11800, s6  }
0x13: {  	s8 =	sadd.s32 s3, s20;
	[dreg:$0x4] =	wrdreg s9;
	s16 =	sadd.s32 s18, s2  }
0x14: {  	s19 =	sadd.s32 s6, s2;
	s8 =	sshrl.u32 s8, $0x3;
	s9 =	sadd.s32 s3, s21  }
0x15: {  	s21 =	sadd.s32 s3, s24;
	s24 =	sadd.s32 s3, s12;
	s25 =	sadd.s32 s3, s18  }
0x16: {  	s3 =	sadd.s32 s3, s6;
	s1 =	sadd.s32 s26, s1;
	[dreg:$0xc] =	wrdreg s16  }
0x17: {  	s6 =	simm.s32 $0xC;
	[dreg:$0xd] =	wrdreg s19;
	s8 =	sadd.s32 s0, s8  }
0x18: {  	s20 =	sshrl.u32 s9, $0x3;
	s22 =	sshrl.u32 s21, $0x3;
	s9 =	sshrl.u32 s23, $0x3  }
0x19: {  	s10 =	sshrl.u32 s24, $0x3;
	s12 =	sshrl.u32 s25, $0x3;
	s3 =	sshrl.u32 s3, $0x3  }
0x1a: {  	s14 =	sadd.s32 $0x2D0, s1;
	s16 =	sadd.s32 $0x280, s1;
	s17 =	sadd.s32 $0x230, s1  }
0x1b: {  	s18 =	sadd.s32 $0x1E0, s1;
	s19 =	sadd.s32 $0x190, s1;
	s21 =	sadd.s32 $0xF0, s1  }
0x1c: {  	[dreg:$0xe] =	wrdreg s8;
	s8 =	sadd.s32 s0, s20;
	s9 =	sadd.s32 s0, s9  }
0x1d: {  	s13 =	sadd.s32 s0, s12;
	s23 =	sshrl.u32 s14, $0x3;
	s24 =	sshrl.u32 s16, $0x3  }
0x1e: {  	s25 =	sshrl.u32 s17, $0x3;
	s26 =	sshrl.u32 s18, $0x3;
	s28 =	sshrl.u32 s19, $0x3  }
0x1f: {  	s20 =	sadd.s32 $0x140, s1;
	s30 =	sshrl.u32 s21, $0x3;
	[dreg:$0xf] =	wrdreg s8  }
0x20: {  	s16 =	simm.s32 $0x1;
	s17 =	simm.s32 $0x50;
	[dreg:$0x11] =	wrdreg s9  }
0x21: {  	s12 =	simm.s32 $0x2A00;
	s8 =	sadd.s32 s0, s22;
	[dreg:$0x13] =	wrdreg s13  }
.Ltmp0:
0x22: {  	s29 =	sshrl.u32 s20, $0x3;
	s22 =	sadd.s32 $0xA0, s1;
	(pc) =	sbr.rel .LBB2_1-.Ltmp0, $4  }
0x23: {  	s20 =	simm.s32 $0x3;
	s9 =	simm.s32 $0x2980;
	[dreg:$0x10] =	wrdreg s8  }
0x24: {  	s8 =	sadd.s32 s0, s10;
	s0 =	sadd.s32 s0, s3;
	s31 =	sshrl.u32 s22, $0x3  }
0x25: {  	s3 =	simm.s32 $0x15;
	s10 =	simm.s32 $0x0;
	[dreg:$0x12] =	wrdreg s8  }
0x26: {  	v0 =	vimm.f32 $0.0e+00;
	v1 =	vimm.f32 $1.000000000e+00;
	[dreg:$0x14] =	wrdreg s0;
	s0 =	sshrl.u32 s1, $0x3;
	s8 =	simm.s32 $0x4  }
.LBB2_25:
0x27: {  	s1 =	stileid.u32;
	[bflag:$0x0] =	sbarrier.arrive $0xFFFF  }
0x28: {  	s1 =	sshll.u32 s1, $0x6;
	s15 =	rddreg [dreg:$0x6]  }
0x29: {  	s13 =	rddreg [dreg:$0x4];
	s1 =	sor.u32 $0x1C15, s1;
	s10 =	sshrl.u32 s15, $0x3  }
0x2a: {  	[hbm:s13], [sflag:s1] =	dma.local [spmem:s10], $0x500  }
0x2b: {  	_ =	swait.ge [sflag:s3], $0x500  }
0x2c: {  	[sflag:s3] =	ssyncset.done $0x0;
	s18 =	rddreg [dreg:$0x7]  }
0x2d: {  	s19 =	rddreg [dreg:$0xe];
	[sflag:s3] =	ssyncadd.s32 $0xFFFFFB00;
	s10 =	sshrl.u32 s18, $0x3  }
0x2e: {  	[hbm:s19], [sflag:s1] =	dma.local [spmem:s10], $0x500  }
0x2f: {  	_ =	swait.ge [sflag:s3], $0x500  }
0x30: {  	[sflag:s3] =	ssyncset.done $0x0;
	s21 =	rddreg [dreg:$0x8]  }
0x31: {  	s22 =	rddreg [dreg:$0xf];
	[sflag:s3] =	ssyncadd.s32 $0xFFFFFB00;
	s10 =	sshrl.u32 s21, $0x3  }
0x32: {  	[hbm:s22], [sflag:s1] =	dma.local [spmem:s10], $0x500  }
0x33: {  	_ =	swait.ge [sflag:s3], $0x500  }
0x34: {  	[sflag:s3] =	ssyncset.done $0x0;
	s13 =	rddreg [dreg:$0x9]  }
0x35: {  	s14 =	rddreg [dreg:$0x10];
	[sflag:s3] =	ssyncadd.s32 $0xFFFFFB00;
	s10 =	sshrl.u32 s13, $0x3  }
0x36: {  	[hbm:s14], [sflag:s1] =	dma.local [spmem:s10], $0x500  }
0x37: {  	_ =	swait.ge [sflag:s3], $0x500  }
0x38: {  	[sflag:s3] =	ssyncset.done $0x0;
	s18 =	rddreg [dreg:$0xa]  }
0x39: {  	s19 =	rddreg [dreg:$0x11];
	[sflag:s3] =	ssyncadd.s32 $0xFFFFFB00;
	s10 =	sshrl.u32 s18, $0x3  }
0x3a: {  	[hbm:s19], [sflag:s1] =	dma.local [spmem:s10], $0x500  }
0x3b: {  	_ =	swait.ge [sflag:s3], $0x500  }
0x3c: {  	[sflag:s3] =	ssyncset.done $0x0;
	s21 =	rddreg [dreg:$0xb]  }
0x3d: {  	s22 =	rddreg [dreg:$0x12];
	[sflag:s3] =	ssyncadd.s32 $0xFFFFFB00;
	s10 =	sshrl.u32 s21, $0x3  }
0x3e: {  	[hbm:s22], [sflag:s1] =	dma.local [spmem:s10], $0x500  }
0x3f: {  	_ =	swait.ge [sflag:s3], $0x500  }
0x40: {  	[sflag:s3] =	ssyncset.done $0x0;
	s13 =	rddreg [dreg:$0xc]  }
0x41: {  	s14 =	rddreg [dreg:$0x13];
	[sflag:s3] =	ssyncadd.s32 $0xFFFFFB00;
	s10 =	sshrl.u32 s13, $0x3  }
0x42: {  	[hbm:s14], [sflag:s1] =	dma.local [spmem:s10], $0x500  }
0x43: {  	_ =	swait.ge [sflag:s3], $0x500  }
0x44: {  	[sflag:s3] =	ssyncset.done $0x0;
	s18 =	rddreg [dreg:$0xd]  }
0x45: {  	s19 =	rddreg [dreg:$0x14];
	[sflag:s3] =	ssyncadd.s32 $0xFFFFFB00;
	s10 =	sshrl.u32 s18, $0x3  }
0x46: {  	[hbm:s19], [sflag:s1] =	dma.local [spmem:s10], $0x500  }
0x47: {  	_ =	swait.ge [sflag:s3], $0x500  }
0x48: {  	s21 =	rddreg [dreg:$0x15]  }
0x49: {  	s22 =	rddreg [dreg:$0x5];
	s10 =	sadd.s32 $0x1, s21  }
0x4a: {  	p0 =	sne.s32 s10, s22  }
.Ltmp1:
0x4b: {  	_ = 	snop;
	(pc) =	sbr.rel @!p0 .LBB2_26-.Ltmp1, $3  }
0x4c: {  	_ =	sdelay $0x1  }
0x4d: {  	[sflag:s3] =	ssyncset.done $0x0  }
0x4e: {  	[sflag:s3] =	ssyncadd.s32 $0xFFFFFB00  }
.LBB2_1:
0x4f: {  	s1 =	simm.s32 $0x0;
	s14 =	simm.s32 $0x200  }
.LBB2_2:
0x50: {  	p0 =	sne.s32 s14, $0x9E00;
	[tilespmem:s1+$0x70] =	vst v0  }
0x51: {  	[tilespmem:s1+$0x0] =	vst v0  }
0x52: {  	[tilespmem:s1+$0x10] =	vst v0  }
.Ltmp2:
0x53: {  	[tilespmem:s1+$0x20] =	vst v0;
	(pc) =	sbr.rel @p0 .LBB2_2-.Ltmp2, $4  }
0x54: {  	[tilespmem:s1+$0x30] =	vst v0  }
0x55: {  	[tilespmem:s1+$0x40] =	vst v0  }
0x56: {  	[tilespmem:s1+$0x50] =	vst v0  }
0x57: {  	[tilespmem:s1+$0x60] =	vst v0;
	s1 =	sshra.s32 s14, $0x2;
	s14 =	sadd.s32 $0x200, s14  }
0x58: {  	[tilespmem:s1+$0x70] =	vst v0  }
0x59: {  	[tilespmem:s1+$0x0] =	vst v0  }
0x5a: {  	[tilespmem:s1+$0x10] =	vst v0  }
0x5b: {  	[tilespmem:s1+$0x20] =	vst v0  }
0x5c: {  	[tilespmem:s1+$0x30] =	vst v0  }
0x5d: {  	[tilespmem:s1+$0x40] =	vst v0  }
0x5e: {  	[tilespmem:s1+$0x50] =	vst v0  }
0x5f: {  	[tilespmem:s1+$0x60] =	vst v0;
	s14 =	simm.s32 $0x0  }
0x60: {  	[spmem:s15] =	stream.linear.scatter [tilespmem:s14], [sflag:$0x15], $0x2800, $0x38;
	[tilespmem:$0x16D00] =	vst v63  }
0x61: {  	_ =	swait.ge [sflag:s3], $0x2800  }
0x62: {  	[sflag:s3] =	ssyncset.done $0x0  }
0x63: {  	s22 =	rddreg [dreg:$0x7];
	[sflag:s3] =	ssyncadd.s32 $0xFFFFD800  }
0x64: {  	[spmem:s22] =	stream.linear.scatter [tilespmem:s14], [sflag:$0x15], $0x2800, $0x38;
	[tilespmem:$0x16D00] =	vst v63  }
0x65: {  	_ =	swait.ge [sflag:s3], $0x2800  }
0x66: {  	[sflag:s3] =	ssyncset.done $0x0  }
0x67: {  	s13 =	rddreg [dreg:$0x8];
	[sflag:s3] =	ssyncadd.s32 $0xFFFFD800  }
0x68: {  	[spmem:s13] =	stream.linear.scatter [tilespmem:s14], [sflag:$0x15], $0x2800, $0x38;
	[tilespmem:$0x16D00] =	vst v63  }
0x69: {  	_ =	swait.ge [sflag:s3], $0x2800  }
0x6a: {  	[sflag:s3] =	ssyncset.done $0x0  }
0x6b: {  	s15 =	rddreg [dreg:$0x9];
	[sflag:s3] =	ssyncadd.s32 $0xFFFFD800  }
0x6c: {  	[spmem:s15] =	stream.linear.scatter [tilespmem:s14], [sflag:$0x15], $0x2800, $0x38;
	[tilespmem:$0x16D00] =	vst v63  }
0x6d: {  	_ =	swait.ge [sflag:s3], $0x2800  }
0x6e: {  	[sflag:s3] =	ssyncset.done $0x0  }
0x6f: {  	s18 =	rddreg [dreg:$0xa];
	[sflag:s3] =	ssyncadd.s32 $0xFFFFD800  }
0x70: {  	[spmem:s18] =	stream.linear.scatter [tilespmem:s14], [sflag:$0x15], $0x2800, $0x38;
	[tilespmem:$0x16D00] =	vst v63  }
0x71: {  	_ =	swait.ge [sflag:s3], $0x2800  }
0x72: {  	[sflag:s3] =	ssyncset.done $0x0  }
0x73: {  	s19 =	rddreg [dreg:$0xb];
	[sflag:s3] =	ssyncadd.s32 $0xFFFFD800  }
0x74: {  	[spmem:s19] =	stream.linear.scatter [tilespmem:s14], [sflag:$0x15], $0x2800, $0x38;
	[tilespmem:$0x16D00] =	vst v63  }
0x75: {  	_ =	swait.ge [sflag:s3], $0x2800  }
0x76: {  	[sflag:s3] =	ssyncset.done $0x0  }
0x77: {  	s21 =	rddreg [dreg:$0xc];
	[sflag:s3] =	ssyncadd.s32 $0xFFFFD800  }
0x78: {  	[spmem:s21] =	stream.linear.scatter [tilespmem:s14], [sflag:$0x15], $0x2800, $0x38;
	[tilespmem:$0x16D00] =	vst v63  }
0x79: {  	_ =	swait.ge [sflag:s3], $0x2800  }
0x7a: {  	[sflag:s3] =	ssyncset.done $0x0  }
0x7b: {  	s22 =	rddreg [dreg:$0xd];
	[sflag:s3] =	ssyncadd.s32 $0xFFFFD800  }
0x7c: {  	[spmem:s22] =	stream.linear.scatter [tilespmem:s14], [sflag:$0x15], $0x2800, $0x38;
	[tilespmem:$0x16D00] =	vst v63  }
0x7d: {  	_ =	swait.ge [sflag:s3], $0x2800  }
0x7e: {  	[sflag:s3] =	ssyncset.done $0x0  }
0x7f: {  	[sflag:s3] =	ssyncadd.s32 $0xFFFFD800  }
0x80: {  	s1 =	simm.s32 $0x0;
	s15 =	simm.s32 $0x200;
	[bflag:$0x0] =	sbarrier.arrive $0xFFFF  }
.LBB2_4:
0x81: {  	p0 =	sne.s32 s15, $0x9E00;
	[tilespmem:s1+$0x70] =	vst v1  }
0x82: {  	[tilespmem:s1+$0x0] =	vst v1  }
0x83: {  	[tilespmem:s1+$0x10] =	vst v1  }
.Ltmp3:
0x84: {  	[tilespmem:s1+$0x20] =	vst v1;
	(pc) =	sbr.rel @p0 .LBB2_4-.Ltmp3, $4  }
0x85: {  	[tilespmem:s1+$0x30] =	vst v1  }
0x86: {  	[tilespmem:s1+$0x40] =	vst v1  }
0x87: {  	[tilespmem:s1+$0x50] =	vst v1  }
0x88: {  	[tilespmem:s1+$0x60] =	vst v1;
	s1 =	sshra.s32 s15, $0x2;
	s15 =	sadd.s32 $0x200, s15  }
0x89: {  	[tilespmem:s1+$0x70] =	vst v1  }
0x8a: {  	[tilespmem:s1+$0x0] =	vst v1  }
0x8b: {  	[tilespmem:s1+$0x10] =	vst v1  }
.Ltmp4:
0x8c: {  	[tilespmem:s1+$0x20] =	vst v1;
	(pc) =	sbr.rel .LBB2_6-.Ltmp4, $4  }
0x8d: {  	[tilespmem:s1+$0x30] =	vst v1  }
0x8e: {  	[tilespmem:s1+$0x40] =	vst v1  }
0x8f: {  	[tilespmem:s1+$0x50] =	vst v1  }
0x90: {  	[dreg:$0x15] =	wrdreg s10;
	[tilespmem:s1+$0x60] =	vst v1;
	s15 =	simm.s32 $0x1;
	s1 =	smov.u32 s7  }
.LBB2_22:
0x91: {  	s10 =	sadd.s32 s1, s23;
	s13 =	simm.s32 $0x2C80  }
0x92: {  	[tilespmem:s13], [sflag:$0xA] =	stream.linear.gather [hbm4b:s10+s4], $0x50, $0x38;
	[tilespmem:$0x16D00] =	vst v63  }
.LBB2_24:
0x93: {  	s15 =	sadd.s32 $0xA, s15  }
0x94: {  	p0 =	sne.s32 s15, $0x8D  }
.Ltmp5:
0x95: {  	_ = 	snop;
	(pc) =	sbr.rel @!p0 .LBB2_25-.Ltmp5, $4  }
0x96: {  	_ =	swait.ge [sflag:s11], $0x50  }
0x97: {  	[sflag:s11] =	ssyncset.done $0x0  }
0x98: {  	s14 =	sadd.s32 $0x1, s14;
	s1 =	sadd.s32 $0x64, s1;
	[sflag:s11] =	ssyncadd.s32 $0xFFFFFFB0  }
0x99: {  	[spmem:s2] =	stream.indirect.scatter.add.f32 [tilespmem:s4], [sflag:$0xF], $0x80, s12, s17, $0xb8;
	[tilespmem:$0x16D00] =	vst v63  }
.LBB2_6:
0x9a: {  	s19 =	sadd.s32 $0xFFFFFFF5, s15  }
0x9b: {  	p0 =	sgt.u32 s19, $0x7C  }
0x9c: {  	s19 =	simm.s32 @!p0 $0xB  }
0x9d: {  	_ =	swait.ge @!p0 [sflag:s19], $0x2800  }
0x9e: {  	[sflag:s19] =	ssyncset.done @!p0 $0x0  }
0x9f: {  	[sflag:s19] =	ssyncadd.s32 @!p0 $0xFFFFD800;
	p0 =	seq.s32 s15, $0x83  }
0xa0: {  	s19 =	sadd.s32 @!p0 s1, s0;
	s22 =	simm.s32 @!p0 $0x0;
	s10 =	simm.s32 @!p0 $0x2800  }
0xa1: {  	[tilespmem:s10], [sflag:$0x1] =	stream.linear.gather @!p0 [hbm4b:s19+s22], $0x50, $0x38;
	[tilespmem:$0x16D00] =	vst v63  }
0xa2: {  	s10 =	sadd.s32 @!p0 $0xFFFFFFFA, s15  }
0xa3: {  	p1 =	sgt.u32 @!p0 s10, $0x7C  }
0xa4: {  	p1 =	por p1, p0  }
0xa5: {  	s19 =	simm.s32 @!p1 $0x6  }
0xa6: {  	_ =	swait.ge @!p1 [sflag:s19], $0x50  }
0xa7: {  	s22 =	simm.s32 @!p1 $0x2A80;
	[sflag:s19] =	ssyncset.done @!p1 $0x0  }
0xa8: {  	s13 =	simm.s32 @!p1 $0x0;
	[sflag:s19] =	ssyncadd.s32 @!p1 $0xFFFFFFB0;
	s19 =	simm.s32 @!p1 $0x50  }
0xa9: {  	[spmem:s2] =	stream.indirect.scatter.add.f32 @!p1 [tilespmem:s13], [sflag:$0x10], $0x80, s22, s19, $0xb8;
	[tilespmem:$0x16D00] =	vst v63  }
0xaa: {  	s13 =	sadd.s32 @!p0 $0xFFFFFFF6, s15  }
0xab: {  	p1 =	sgt.u32 @!p0 s13, $0x7C  }
0xac: {  	p1 =	por p0, !p1  }
.Ltmp6:
0xad: {  	_ = 	snop;
	(pc) =	sbr.rel @!p1 .LBB2_7-.Ltmp6, $2  }
0xae: {  	_ =	sdelay $0x2  }
0xaf: {  	p3 =	slt.u32 @!p0 s10, $0x7D  }
.Ltmp7:
0xb0: {  	(pc) =	sbr.rel .LBB2_9-.Ltmp7, $4  }
0xb1: {  	_ = 	snop  }
0xb2: {  	p1 =	por $0x0, $0x0;
	_ =	swait.ge [sflag:s6], $0x2800  }
0xb3: {  	s19 =	smov.u32 s15;
	p1 =	por @!p0 p3, p3;
	[sflag:s6] =	ssyncset.done $0x0  }
0xb4: {  	s19 =	simm.s32 @p0 $0x83;
	[sflag:s6] =	ssyncadd.s32 $0xFFFFD800;
	p3 =	por p1, p1  }
.LBB2_7:
0xb5: {  	s19 =	smov.u32 s15  }
.LBB2_9:
0xb6: {  	p2 =	sgt.u32 s19, $0x7C  }
0xb7: {  	s10 =	smul.u32 @!p2 $0x50, s19;
	_ =	sdelay $0x1  }
0xb8: {  	s10 =	sadd.s32 @!p2 s5, s10  }
0xb9: {  	s21 =	sadd.s32 $0xFFFFFFFB, s15;
	s13 =	simm.s32 @!p2 $0x0;
	s10 =	sshrl.u32 @!p2 s10, $0x3  }
0xba: {  	s19 =	simm.s32 @!p2 $0x2880;
	p4 =	sgt.u32 s21, $0x7C;
	s10 =	sadd.s32 @!p2 s7, s10  }
0xbb: {  	[tilespmem:s19], [sflag:$0x2] =	stream.linear.gather @!p2 [hbm4b:s10+s13], $0x50, $0x38;
	[tilespmem:$0x16D00] =	vst v63  }
0xbc: {  	s10 =	simm.s32 @!p4 $0x7  }
0xbd: {  	s22 =	sadd.s32 $0xFFFFFFF7, s15;
	_ =	swait.ge @!p4 [sflag:s10], $0x50  }
0xbe: {  	p1 =	sgt.u32 s22, $0x7C;
	s13 =	simm.s32 @!p4 $0x2B00;
	[sflag:s10] =	ssyncset.done @!p4 $0x0  }
0xbf: {  	s19 =	simm.s32 @!p4 $0x0;
	[sflag:s10] =	ssyncadd.s32 @!p4 $0xFFFFFFB0;
	s10 =	simm.s32 @!p4 $0x50  }
0xc0: {  	[spmem:s2] =	stream.indirect.scatter.add.f32 @!p4 [tilespmem:s19], [sflag:$0x11], $0x80, s13, s10, $0xb8;
	[tilespmem:$0x16D00] =	vst v63  }
0xc1: {  	s10 =	simm.s32 @!p1 $0xD  }
0xc2: {  	_ =	swait.ge @!p1 [sflag:s10], $0x2800  }
0xc3: {  	[sflag:s10] =	ssyncset.done @!p1 $0x0  }
0xc4: {  	[sflag:s10] =	ssyncadd.s32 @!p1 $0xFFFFD800;
	p1 =	sne.s32 s15, $0x83  }
0xc5: {  	s10 =	sadd.s32 @p1 s1, s31;
	s13 =	simm.s32 @p1 $0x0;
	s19 =	simm.s32 @p1 $0x2900  }
0xc6: {  	[tilespmem:s19], [sflag:$0x3] =	stream.linear.gather @p1 [hbm4b:s10+s13], $0x50, $0x38;
	[tilespmem:$0x16D00] =	vst v63  }
0xc7: {  	s19 =	sadd.s32 @p1 $0xFFFFFFFC, s15  }
0xc8: {  	p5 =	sgt.u32 @p1 s19, $0x7C  }
0xc9: {  	p5 =	por p5, !p1  }
0xca: {  	s10 =	simm.s32 @!p5 $0x8  }
0xcb: {  	_ =	swait.ge @!p5 [sflag:s10], $0x50  }
0xcc: {  	s22 =	simm.s32 @!p5 $0x2B80;
	[sflag:s10] =	ssyncset.done @!p5 $0x0  }
0xcd: {  	s18 =	simm.s32 @!p5 $0x0;
	[sflag:s10] =	ssyncadd.s32 @!p5 $0xFFFFFFB0;
	s10 =	simm.s32 @!p5 $0x50  }
0xce: {  	[spmem:s2] =	stream.indirect.scatter.add.f32 @!p5 [tilespmem:s18], [sflag:$0x12], $0x80, s22, s10, $0xb8;
	[tilespmem:$0x16D00] =	vst v63  }
0xcf: {  	s10 =	sadd.s32 @p1 $0xFFFFFFF8, s15  }
0xd0: {  	p5 =	sgt.u32 @p1 s10, $0x7C  }
0xd1: {  	p5 =	por p5, !p1  }
0xd2: {  	s10 =	simm.s32 @!p5 $0xE  }
0xd3: {  	_ =	swait.ge @!p5 [sflag:s10], $0x2800  }
0xd4: {  	s18 =	simm.s32 @p1 $0x2980;
	s22 =	sadd.s32 @p1 $0xFFFFFFFD, s15;
	[sflag:s10] =	ssyncset.done @!p5 $0x0  }
0xd5: {  	[sflag:s10] =	ssyncadd.s32 @!p5 $0xFFFFD800;
	s10 =	sadd.s32 @p1 s1, s30;
	p5 =	sgt.u32 @p1 s22, $0x7C  }
0xd6: {  	[tilespmem:s18], [sflag:$0x4] =	stream.linear.gather @p1 [hbm4b:s10+s13], $0x50, $0x38;
	[tilespmem:$0x16D00] =	vst v63  }
0xd7: {  	p5 =	por p5, !p1  }
0xd8: {  	s10 =	simm.s32 @!p5 $0x9  }
0xd9: {  	_ =	swait.ge @!p5 [sflag:s10], $0x50  }
0xda: {  	s18 =	simm.s32 @!p5 $0x2C00;
	[sflag:s10] =	ssyncset.done @!p5 $0x0  }
0xdb: {  	s21 =	simm.s32 @!p5 $0x0;
	[sflag:s10] =	ssyncadd.s32 @!p5 $0xFFFFFFB0;
	s10 =	simm.s32 @!p5 $0x50  }
0xdc: {  	[spmem:s2] =	stream.indirect.scatter.add.f32 @!p5 [tilespmem:s21], [sflag:$0x13], $0x80, s18, s10, $0xb8;
	[tilespmem:$0x16D00] =	vst v63  }
0xdd: {  	s10 =	sadd.s32 @p1 $0xFFFFFFF9, s15  }
0xde: {  	p5 =	sgt.u32 @p1 s10, $0x7C  }
0xdf: {  	p5 =	por p5, !p1  }
0xe0: {  	s10 =	simm.s32 @!p5 $0xF  }
0xe1: {  	_ =	swait.ge @!p5 [sflag:s10], $0x2800  }
0xe2: {  	[sflag:s10] =	ssyncset.done @!p5 $0x0  }
0xe3: {  	s18 =	simm.s32 @p1 $0x2A00;
	[sflag:s10] =	ssyncadd.s32 @!p5 $0xFFFFD800;
	s10 =	sadd.s32 @p1 s1, s29  }
0xe4: {  	[tilespmem:s18], [sflag:$0x5] =	stream.linear.gather @p1 [hbm4b:s10+s13], $0x50, $0x38;
	[tilespmem:$0x16D00] =	vst v63  }
0xe5: {  	s10 =	sadd.s32 @p1 $0xFFFFFFFE, s15  }
0xe6: {  	p5 =	sgt.u32 @p1 s10, $0x7C  }
0xe7: {  	s10 =	simm.s32 @!p5 $0x0  }
0xe8: {  	p6 =	por p5, !p1;
	s10 =	simm.s32 @p5 $0x1  }
0xe9: {  	[smem:$0x7FD] =	sst s10;
	s10 =	simm.s32 @!p6 $0xA  }
0xea: {  	_ =	swait.ge @!p6 [sflag:s10], $0x50  }
0xeb: {  	s13 =	simm.s32 @!p6 $0x2C80;
	[sflag:s10] =	ssyncset.done @!p6 $0x0  }
0xec: {  	s18 =	simm.s32 @!p6 $0x0;
	[sflag:s10] =	ssyncadd.s32 @!p6 $0xFFFFFFB0;
	s10 =	simm.s32 @!p6 $0x50  }
0xed: {  	[spmem:s2] =	stream.indirect.scatter.add.f32 @!p6 [tilespmem:s18], [sflag:$0x14], $0x80, s13, s10, $0xb8;
	[tilespmem:$0x16D00] =	vst v63  }
0xee: {  	s10 =	simm.s32 @!p1 $0xE  }
0xef: {  	_ =	swait.ge @!p1 [sflag:s10], $0x2800  }
0xf0: {  	[sflag:s10] =	ssyncset.done @!p1 $0x0  }
0xf1: {  	[sflag:s10] =	ssyncadd.s32 @!p1 $0xFFFFD800;
	s10 =	simm.s32 @!p1 $0xF  }
0xf2: {  	p5 =	sgt.u32 s14, $0xB;
	_ =	swait.ge @!p1 [sflag:s10], $0x2800  }
.Ltmp8:
0xf3: {  	[sflag:s10] =	ssyncset.done @!p1 $0x0;
	(pc) =	sbr.rel @p5 .LBB2_11-.Ltmp8, $4  }
0xf4: {  	[sflag:s10] =	ssyncadd.s32 @!p1 $0xFFFFD800;
	s10 =	simm.s32 @p3 $0x10  }
0xf5: {  	_ =	swait.ge @p3 [sflag:s10], $0x2800  }
0xf6: {  	[sflag:s10] =	ssyncset.done @p3 $0x0  }
0xf7: {  	[sflag:s10] =	ssyncadd.s32 @p3 $0xFFFFD800  }
.Ltmp9:
0xf8: {  	(pc) =	sbr.rel .LBB2_12-.Ltmp9, $3  }
0xf9: {  	_ =	sdelay $0x1  }
0xfa: {  	s10 =	sadd.s32 s1, s28;
	s13 =	simm.s32 $0x2A80  }
0xfb: {  	[tilespmem:s13], [sflag:$0x6] =	stream.linear.gather [hbm4b:s10+s4], $0x50, $0x38;
	[tilespmem:$0x16D00] =	vst v63  }
.LBB2_11:
.Ltmp10:
0xfc: {  	(pc) =	sbr.rel @p0 .LBB2_13-.Ltmp10, $1  }
0xfd: {  	_ =	sdelay $0x3  }
.LBB2_12:
0xfe: {  	_ =	swait.ge [sflag:s16], $0x50  }
0xff: {  	[sflag:s16] =	ssyncset.done $0x0  }
0x100: {  	s10 =	simm.s32 $0x2800;
	[sflag:s16] =	ssyncadd.s32 $0xFFFFFFB0  }
0x101: {  	[spmem:s2] =	stream.indirect.scatter.add.f32 [tilespmem:s4], [sflag:$0xB], $0x80, s10, s17, $0xb8;
	[tilespmem:$0x16D00] =	vst v63  }
.LBB2_13:
0x102: {  	s10 =	simm.s32 @!p4 $0x11  }
0x103: {  	_ =	swait.ge @!p4 [sflag:s10], $0x2800  }
0x104: {  	s13 =	simm.s32 @!p5 $0x0;
	[sflag:s10] =	ssyncset.done @!p4 $0x0  }
0x105: {  	s18 =	simm.s32 @!p5 $0x2B00;
	[sflag:s10] =	ssyncadd.s32 @!p4 $0xFFFFD800;
	s10 =	sadd.s32 @!p5 s1, s26  }
0x106: {  	[tilespmem:s18], [sflag:$0x7] =	stream.linear.gather @!p5 [hbm4b:s10+s13], $0x50, $0x38;
	[tilespmem:$0x16D00] =	vst v63  }
0x107: {  	s10 =	simm.s32 @!p2 $0x2  }
0x108: {  	_ =	swait.ge @!p2 [sflag:s10], $0x50  }
0x109: {  	s13 =	simm.s32 @!p2 $0x2880;
	[sflag:s10] =	ssyncset.done @!p2 $0x0  }
0x10a: {  	s18 =	simm.s32 @!p2 $0x0;
	[sflag:s10] =	ssyncadd.s32 @!p2 $0xFFFFFFB0;
	s10 =	simm.s32 @!p2 $0x50  }
0x10b: {  	[spmem:s2] =	stream.indirect.scatter.add.f32 @!p2 [tilespmem:s18], [sflag:$0xC], $0x80, s13, s10, $0xb8;
	[tilespmem:$0x16D00] =	vst v63  }
0x10c: {  	p4 =	slt.u32 @p1 s19, $0x7D;
	p2 =	por @!p1 $0x0, $0x0  }
.Ltmp11:
0x10d: {  	p4 =	por @!p1 p2, p2;
	(pc) =	sbr.rel @p5 .LBB2_15-.Ltmp11, $4  }
0x10e: {  	s10 =	simm.s32 @p4 $0x12  }
0x10f: {  	_ =	swait.ge @p4 [sflag:s10], $0x2800  }
0x110: {  	[sflag:s10] =	ssyncset.done @p4 $0x0  }
0x111: {  	p3 =	slt.u32 @p1 s22, $0x7D;
	[sflag:s10] =	ssyncadd.s32 @p4 $0xFFFFD800  }
.Ltmp12:
0x112: {  	(pc) =	sbr.rel .LBB2_16-.Ltmp12, $3  }
0x113: {  	_ =	sdelay $0x1  }
0x114: {  	s10 =	sadd.s32 s1, s25;
	s13 =	simm.s32 $0x2B80  }
0x115: {  	[tilespmem:s13], [sflag:$0x8] =	stream.linear.gather [hbm4b:s10+s4], $0x50, $0x38;
	[tilespmem:$0x16D00] =	vst v63  }
.LBB2_15:
.Ltmp13:
0x116: {  	(pc) =	sbr.rel @p0 .LBB2_17-.Ltmp13, $1  }
0x117: {  	_ =	sdelay $0x3  }
.LBB2_16:
0x118: {  	_ =	swait.ge [sflag:s20], $0x50  }
0x119: {  	[sflag:s20] =	ssyncset.done $0x0  }
0x11a: {  	s10 =	simm.s32 $0x2900;
	[sflag:s20] =	ssyncadd.s32 $0xFFFFFFB0  }
0x11b: {  	[spmem:s2] =	stream.indirect.scatter.add.f32 [tilespmem:s4], [sflag:$0xD], $0x80, s10, s17, $0xb8;
	[tilespmem:$0x16D00] =	vst v63  }
.LBB2_17:
0x11c: {  	p3 =	por @!p1 p2, p2  }
0x11d: {  	s10 =	simm.s32 @p3 $0x13  }
0x11e: {  	_ =	swait.ge @p3 [sflag:s10], $0x2800  }
.Ltmp14:
0x11f: {  	s13 =	sld [smem:$0x7FD];
	(pc) =	sbr.rel @p5 .LBB2_19-.Ltmp14, $3  }
0x120: {  	_ =	sdelay $0x1  }
0x121: {  	p4 =	por @!p6 $0x1, $0x1;
	[sflag:s10] =	ssyncset.done @p3 $0x0;
	p6 =	seq.s32 s13, $0x1  }
0x122: {  	[sflag:s10] =	ssyncadd.s32 @p3 $0xFFFFD800;
	p6 =	por !p6, !p1  }
.Ltmp15:
0x123: {  	(pc) =	sbr.rel .LBB2_20-.Ltmp15, $3  }
0x124: {  	_ =	sdelay $0x1  }
0x125: {  	s10 =	sadd.s32 s1, s24;
	s13 =	simm.s32 $0x2C00  }
0x126: {  	[tilespmem:s13], [sflag:$0x9] =	stream.linear.gather [hbm4b:s10+s4], $0x50, $0x38;
	[tilespmem:$0x16D00] =	vst v63  }
.LBB2_19:
.Ltmp16:
0x127: {  	(pc) =	sbr.rel @p0 .LBB2_21-.Ltmp16, $1  }
0x128: {  	_ =	sdelay $0x3  }
.LBB2_20:
0x129: {  	_ =	swait.ge [sflag:s8], $0x50  }
0x12a: {  	[sflag:s8] =	ssyncset.done $0x0  }
0x12b: {  	[sflag:s8] =	ssyncadd.s32 $0xFFFFFFB0  }
0x12c: {  	[spmem:s2] =	stream.indirect.scatter.add.f32 [tilespmem:s4], [sflag:$0xE], $0x80, s9, s17, $0xb8;
	[tilespmem:$0x16D00] =	vst v63  }
.LBB2_21:
0x12d: {  	p3 =	por @p1 $0x0, $0x0  }
0x12e: {  	p4 =	por @!p6 p3, p3  }
.Ltmp17:
0x12f: {  	p4 =	por @!p1 p2, p2;
	(pc) =	sbr.rel @!p5 .LBB2_22-.Ltmp17, $4  }
0x130: {  	s10 =	simm.s32 @p4 $0x14  }
0x131: {  	_ =	swait.ge @p4 [sflag:s10], $0x2800  }
0x132: {  	[sflag:s10] =	ssyncset.done @p4 $0x0  }
0x133: {  	[sflag:s10] =	ssyncadd.s32 @p4 $0xFFFFD800  }
.Ltmp18:
0x134: {  	(pc) =	sbr.rel @!p0 .LBB2_24-.Ltmp18, $4  }
.Ltmp19:
0x135: {  	(pc) =	sbr.rel @p0 .LBB2_25-.Ltmp19, $4  }
0x136: {  	_ = 	snop  }
0x137: {  	_ = 	snop  }
0x138: {  	_ = 	snop  }
0x139: {  	_ = 	snop  }
.LBB2_26:
0x13a: {  	_ =	sfence.sel $0x180000  }
0x13b: {  	[bflag:$0x0] =	sbarrier.arrive $0xFFFF  }
0x13c: {  	_ =	strace $0x9000004A  }
0x13d: {  	s0 =	stileid.u32;
	[bflag:$0x2] =	sbarrier.arrive $0xFFFF  }
0x13e: {  	p0 =	sne.s32 s0, $0x0;
	s0 =	rddreg [dreg:$0x3]  }
0x13f: {  	s0 =	sadd.s32 @!p0 $0x100000, s0  }
0x140: {  	[sflag:s0] =	ssyncadd.tile.s32 @!p0 $0x1;
	_ =	shalt  }
.Lfunc_end2:
_tile_overlayer_lowered:
.L_overlay_start_2:
0x141: {  	(tag) =	ssettag $0x2  }
0x142: {  	s0 =	rddreg [dreg:$0x0];
	s2 =	stileid.u32  }
0x143: {  	s1 =	rddreg [dreg:$0x1];
	p0 =	sne.s32 s2, $0x0  }
0x144: {  	s3 =	rddreg [dreg:$0x2];
	[bflag:$0x3] =	sbarrier.arrive $0xFFFF;
	s2 =	simm.s32 @!p0 $0x1C15  }
0x145: {  	[timem:s3], [sflag:s2] =	dma.local @!p0 [hbm:s0], s1  }
0x146: {  	s0 =	simm.s32 @!p0 $0x15  }
0x147: {  	_ =	swait.ge @!p0 [sflag:s0], s1  }
0x148: {  	s1 =	ssub.s32 @!p0 $0x0, s1;
	[sflag:s0] =	ssyncset.done @!p0 $0x0  }
0x149: {  	[sflag:s0] =	ssyncadd.s32 @!p0 s1  }
0x14a: {  	[bflag:$0x3] =	sbarrier.arrive $0xFFFF  }
0x14b: {  	_ =	shalt  }

</sc_bundles>
